<compile_context>
chip_gen: v7x
topology: tpu7x:2x2x1
jax: 0.10.2.dev20260603
libtpu: 0.0.44.dev20260713+nightly
codegen_flags: <defaults>
</compile_context>

<pallas_src>
import jax
import jax.numpy as jnp
from jax import lax
from jax.experimental import pallas as pl
from jax.experimental.pallas import tpu as pltpu
from jax.experimental.pallas import tpu_sc as plsc

N = 1024
V = 100000
NS = 16
R = N // NS
L = 16


def _loss_body(inp_hbm, tgt_hbm, out_hbm, tgt_v, vals_v, part_v, sem):
    wid = lax.axis_index("s")
    base = wid * R

    pltpu.sync_copy(tgt_hbm.at[pl.ds(base, R)], tgt_v)

    lane = lax.iota(jnp.int32, L)
    tvs = [tgt_v[pl.ds(j * L, L)] for j in range(R // L)]

    for j in range(R // L):
        copies = []
        for l in range(L):
            t_k = jnp.sum(jnp.where(lane == l, tvs[j], 0))
            col = pl.multiple_of(jnp.bitwise_and(t_k, -128), 128)
            row8 = pl.multiple_of(jnp.bitwise_and(base + j * L + l, -8), 8)
            c = pltpu.make_async_copy(
                inp_hbm.at[pl.ds(row8, 8), pl.ds(col, 128)],
                vals_v.at[j * L + l],
                sem,
            )
            c.start()
            copies.append(c)
        for c in copies:
            c.wait()

    sub = jnp.bitwise_and(lane, 7)
    acc = jnp.zeros((L,), jnp.float32)
    for j in range(R // L):
        rows16 = lane + (j * L)
        cols16 = jnp.bitwise_and(tvs[j], 127)
        g = plsc.load_gather(vals_v, [rows16, sub, cols16])
        acc = acc + jnp.where(tvs[j] > 0, g, jnp.zeros((L,), jnp.float32))

    part_v[...] = acc
    pltpu.sync_copy(part_v, out_hbm.at[wid])


def _reduce_body(x_ref, o_ref):
    o_ref[...] = jnp.full((1, 1), -jnp.sum(x_ref[...]), jnp.float32)


@jax.jit
def kernel(input, target):
    tgt_flat = target.reshape(-1).astype(jnp.int32)

    mesh = plsc.VectorSubcoreMesh(
        core_axis_name="c", subcore_axis_name="s", num_cores=1)
    run = pl.kernel(
        _loss_body,
        out_type=jax.ShapeDtypeStruct((NS, L), jnp.float32),
        mesh=mesh,
        compiler_params=pltpu.CompilerParams(needs_layout_passes=False),
        scratch_types=[
            pltpu.VMEM((R,), jnp.int32),
            pltpu.VMEM((R, 8, 128), jnp.float32),
            pltpu.VMEM((L,), jnp.float32),
            pltpu.SemaphoreType.DMA,
        ],
    )
    partials = run(input, tgt_flat)

    total = pl.pallas_call(
        _reduce_body,
        out_shape=jax.ShapeDtypeStruct((1, 1), jnp.float32),
    )(partials)
    return total[0, 0]

# --- scband reference (transcript-rebuilt; emitter-appended) ---
"""Pipeline reference for scband-lmcriterion-1580547966489 (READ-ONLY COPY).

The authoritative reference and input builder live on the scoring server;
editing this copy changes nothing except your own understanding.
"""

import jax, jax.numpy as jnp
import numpy as np


def setup_inputs(seed: int = 0) -> dict:
    key = jax.random.key(seed)
    k1, k2 = jax.random.split(key)
    # input: log-probabilities (or scores) over vocab per row
    inp = jax.random.normal(k1, (1024, 100000), dtype=jnp.float32)
    # target: one vocab index per row, shaped [N, 1] as expected by torch.gather(input, 1, target)
    target = jax.random.randint(k2, (1024, 1), 0, 100000, dtype=jnp.int64)
    return {"input": inp, "target": target}


def reference(input, target):
    # torch.gather(input, 1, target) -> select per-row log-prob at target index
    logprob_select = jnp.take_along_axis(input, target, axis=1)  # [N, 1]
    # mask = target > 0 (ignore padding index 0)
    mask = target > 0
    # torch.masked_select(logprob_select, mask) then -sum(...)
    # masked_select + sum == sum of selected entries where mask is True
    out = jnp.where(mask, logprob_select, jnp.zeros_like(logprob_select))
    loss = -jnp.sum(out)
    return loss

if __name__ == "__main__":
    import jax
    _d = setup_inputs()
    print(jax.jit(kernel)(*tuple(_d.values())))

</pallas_src>

<mosaic_0001>
#map = affine_map<(d0, d1) -> (0, 0)>
#map1 = affine_map<(d0, d1) -> (0)>
module attributes {stable_mosaic.version = 14 : i64} {
  func.func @_loss_body(%arg0: i32, %arg1: i32, %arg2: memref<1024x100000xf32, #tpu.memory_space<hbm>>, %arg3: memref<1024xi32, #tpu.memory_space<hbm>>, %arg4: memref<16x16xf32, #tpu.memory_space<hbm>>, %arg5: memref<64xi32, #tpu.memory_space<vmem>>, %arg6: memref<64x8x128xf32, #tpu.memory_space<vmem>>, %arg7: memref<16xf32, #tpu.memory_space<vmem>>, %arg8: memref<!tpu.dma_semaphore, #tpu.memory_space<semaphore_mem>>) attributes {dimension_semantics = [#tpu.dimension_semantics<core_parallel>, #tpu.dimension_semantics<subcore_parallel>], iteration_bounds = array<i64: 1, 16>, scalar_prefetch = 0 : i64, scratch_operands = 4 : i64, tpu.core_type = #tpu.core_type<sc_vector_subcore>, window_params = [{transform_indices = #map}, {transform_indices = #map1}, {transform_indices = #map}]} {
    %mul3A = arith.constant 64 : i32
    %mul3A_0 = arith.muli %arg1, %mul3A : i32
    "tpu.region"() ({
      %run_scoped3A = tpu.sem_alloc : memref<!tpu.dma_semaphore, #tpu.memory_space<semaphore_mem>>
      %dma_start3A_2746 = tpu.memref_slice %arg3[%mul3A_0] : memref<1024xi32, #tpu.memory_space<hbm>> -> memref<64xi32, #tpu.memory_space<hbm>>
      %dma_start3A_2747 = tpu.memref_slice %arg3[%mul3A_0] : memref<1024xi32, #tpu.memory_space<hbm>> -> memref<64xi32, #tpu.memory_space<hbm>>
      tpu.enqueue_dma source(%dma_start3A_2747 : memref<64xi32, #tpu.memory_space<hbm>>) target(%arg5 : memref<64xi32, #tpu.memory_space<vmem>>) target_semaphore(%run_scoped3A : memref<!tpu.dma_semaphore, #tpu.memory_space<semaphore_mem>>)
      %dma_wait3A_2748 = tpu.memref_slice %arg3[%mul3A_0] : memref<1024xi32, #tpu.memory_space<hbm>> -> memref<64xi32, #tpu.memory_space<hbm>>
      %dma_wait3A_2749 = tpu.memref_slice %arg3[%mul3A_0] : memref<1024xi32, #tpu.memory_space<hbm>> -> memref<64xi32, #tpu.memory_space<hbm>>
      tpu.wait_dma2 semaphore(%run_scoped3A : memref<!tpu.dma_semaphore, #tpu.memory_space<semaphore_mem>>) src(%dma_wait3A_2749 : memref<64xi32, #tpu.memory_space<hbm>>) dst(%arg5 : memref<64xi32, #tpu.memory_space<vmem>>)
      tpu.yield
    }) : () -> ()
    %iota3A = tpu.iota {dimensions = array<i32: 0>} : vector<16xi32>
    %get3A = arith.constant 0 : index
    %get3A_1 = tpu.vector_load %arg5[%get3A] {strides = array<i32>} : memref<64xi32, #tpu.memory_space<vmem>>, vector<16xi32>,
    %get3A_2 = arith.constant 16 : index
    %get3A_3 = tpu.vector_load %arg5[%get3A_2] {strides = array<i32>} : memref<64xi32, #tpu.memory_space<vmem>>, vector<16xi32>,
    %get3A_4 = arith.constant 32 : index
    %get3A_5 = tpu.vector_load %arg5[%get3A_4] {strides = array<i32>} : memref<64xi32, #tpu.memory_space<vmem>>, vector<16xi32>,
    %get3A_6 = arith.constant 48 : index
    %get3A_7 = tpu.vector_load %arg5[%get3A_6] {strides = array<i32>} : memref<64xi32, #tpu.memory_space<vmem>>, vector<16xi32>,
    %eq3A = arith.constant 0 : i32
    %eq3A_8 = vector.broadcast %eq3A : i32 to vector<16xi32>
    %eq3A_9 = arith.cmpi eq, %iota3A, %eq3A_8 : vector<16xi32>
    %jit3A = arith.constant 0 : i32
    %broadcast_in_dim3A = vector.broadcast %jit3A : i32 to vector<16xi32>
    %select_n3A = arith.select %eq3A_9, %get3A_1, %broadcast_in_dim3A : vector<16xi1>, vector<16xi32>
    %reduce_sum3A = arith.constant true
    %reduce_sum3A_10 = vector.broadcast %reduce_sum3A : i1 to vector<16xi1>
    %reduce_sum3A_11 = tpu.scan <sum>, %select_n3A masked %reduce_sum3A_10 : vector<16xi32>, vector<16xi1> -> vector<16xi32>
    %reduce_sum3A_12 = vector.extract %reduce_sum3A_11[15] : i32 from vector<16xi32>
    %and3A = arith.constant -128 : i32
    %and3A_13 = arith.andi %reduce_sum3A_12, %and3A : i32
    %multiple_of3A = tpu.assume_multiple %and3A_13, 128 : i32
    %add3A = arith.constant 0 : i32
    %add3A_14 = arith.addi %mul3A_0, %add3A : i32
    %add3A_15 = arith.constant 0 : i32
    %add3A_16 = arith.addi %add3A_14, %add3A_15 : i32
    %and3A_17 = arith.constant -8 : i32
    %and3A_18 = arith.andi %add3A_16, %and3A_17 : i32
    %multiple_of3A_19 = tpu.assume_multiple %and3A_18, 8 : i32
    %dma_start3A = arith.constant 0 : i32
    %dma_start3A_20 = arith.constant 0 : i32
    %dma_start3A_21 = arith.constant 0 : i32
    %dma_start3A_22 = tpu.memref_slice %arg6[%dma_start3A, %dma_start3A_20, %dma_start3A_21] : memref<64x8x128xf32, #tpu.memory_space<vmem>> -> memref<1x8x128xf32, #tpu.memory_space<vmem>>
    %dma_start3A_23 = tpu.memref_squeeze %dma_start3A_22 : memref<1x8x128xf32, #tpu.memory_space<vmem>> -> memref<8x128xf32, #tpu.memory_space<vmem>>
    %dma_start3A_24 = tpu.memref_slice %arg2[%multiple_of3A_19, %multiple_of3A] : memref<1024x100000xf32, #tpu.memory_space<hbm>> -> memref<8x128xf32, #tpu.memory_space<hbm>>
    %dma_start3A_25 = arith.constant 0 : i32
    %dma_start3A_26 = arith.constant 0 : i32
    %dma_start3A_27 = tpu.memref_slice %arg6[%dma_start3A, %dma_start3A_25, %dma_start3A_26] : memref<64x8x128xf32, #tpu.memory_space<vmem>> -> memref<1x8x128xf32, #tpu.memory_space<vmem>>
    %dma_start3A_28 = tpu.memref_squeeze %dma_start3A_27 : memref<1x8x128xf32, #tpu.memory_space<vmem>> -> memref<8x128xf32, #tpu.memory_space<vmem>>
    %dma_start3A_29 = tpu.memref_slice %arg2[%multiple_of3A_19, %multiple_of3A] : memref<1024x100000xf32, #tpu.memory_space<hbm>> -> memref<8x128xf32, #tpu.memory_space<hbm>>
    tpu.enqueue_dma source(%dma_start3A_29 : memref<8x128xf32, #tpu.memory_space<hbm>>) target(%dma_start3A_28 : memref<8x128xf32, #tpu.memory_space<vmem>>) target_semaphore(%arg8 : memref<!tpu.dma_semaphore, #tpu.memory_space<semaphore_mem>>)
    %eq3A_30 = arith.constant 1 : i32
    %eq3A_31 = vector.broadcast %eq3A_30 : i32 to vector<16xi32>
    %eq3A_32 = arith.cmpi eq, %iota3A, %eq3A_31 : vector<16xi32>
    %jit3A_33 = arith.constant 0 : i32
    %broadcast_in_dim3A_34 = vector.broadcast %jit3A_33 : i32 to vector<16xi32>
    %select_n3A_35 = arith.select %eq3A_32, %get3A_1, %broadcast_in_dim3A_34 : vector<16xi1>, vector<16xi32>
    %reduce_sum3A_36 = arith.constant true
    %reduce_sum3A_37 = vector.broadcast %reduce_sum3A_36 : i1 to vector<16xi1>
    %reduce_sum3A_38 = tpu.scan <sum>, %select_n3A_35 masked %reduce_sum3A_37 : vector<16xi32>, vector<16xi1> -> vector<16xi32>
    %reduce_sum3A_39 = vector.extract %reduce_sum3A_38[15] : i32 from vector<16xi32>
    %and3A_40 = arith.constant -128 : i32
    %and3A_41 = arith.andi %reduce_sum3A_39, %and3A_40 : i32
    %multiple_of3A_42 = tpu.assume_multiple %and3A_41, 128 : i32
    %add3A_43 = arith.constant 0 : i32
    %add3A_44 = arith.addi %mul3A_0, %add3A_43 : i32
    %add3A_45 = arith.constant 1 : i32
    %add3A_46 = arith.addi %add3A_44, %add3A_45 : i32
    %and3A_47 = arith.constant -8 : i32
    %and3A_48 = arith.andi %add3A_46, %and3A_47 : i32
    %multiple_of3A_49 = tpu.assume_multiple %and3A_48, 8 : i32
    %dma_start3A_50 = arith.constant 1 : i32
    %dma_start3A_51 = arith.constant 0 : i32
    %dma_start3A_52 = arith.constant 0 : i32
    %dma_start3A_53 = tpu.memref_slice %arg6[%dma_start3A_50, %dma_start3A_51, %dma_start3A_52] : memref<64x8x128xf32, #tpu.memory_space<vmem>> -> memref<1x8x128xf32, #tpu.memory_space<vmem>>
    %dma_start3A_54 = tpu.memref_squeeze %dma_start3A_53 : memref<1x8x128xf32, #tpu.memory_space<vmem>> -> memref<8x128xf32, #tpu.memory_space<vmem>>
    %dma_start3A_55 = tpu.memref_slice %arg2[%multiple_of3A_49, %multiple_of3A_42] : memref<1024x100000xf32, #tpu.memory_space<hbm>> -> memref<8x128xf32, #tpu.memory_space<hbm>>
    %dma_start3A_56 = arith.constant 0 : i32
    %dma_start3A_57 = arith.constant 0 : i32
    %dma_start3A_58 = tpu.memref_slice %arg6[%dma_start3A_50, %dma_start3A_56, %dma_start3A_57] : memref<64x8x128xf32, #tpu.memory_space<vmem>> -> memref<1x8x128xf32, #tpu.memory_space<vmem>>
    %dma_start3A_59 = tpu.memref_squeeze %dma_start3A_58 : memref<1x8x128xf32, #tpu.memory_space<vmem>> -> memref<8x128xf32, #tpu.memory_space<vmem>>
    %dma_start3A_60 = tpu.memref_slice %arg2[%multiple_of3A_49, %multiple_of3A_42] : memref<1024x100000xf32, #tpu.memory_space<hbm>> -> memref<8x128xf32, #tpu.memory_space<hbm>>
    tpu.enqueue_dma source(%dma_start3A_60 : memref<8x128xf32, #tpu.memory_space<hbm>>) target(%dma_start3A_59 : memref<8x128xf32, #tpu.memory_space<vmem>>) target_semaphore(%arg8 : memref<!tpu.dma_semaphore, #tpu.memory_space<semaphore_mem>>)
    %eq3A_61 = arith.constant 2 : i32
    %eq3A_62 = vector.broadcast %eq3A_61 : i32 to vector<16xi32>
    %eq3A_63 = arith.cmpi eq, %iota3A, %eq3A_62 : vector<16xi32>
    %jit3A_64 = arith.constant 0 : i32
    %broadcast_in_dim3A_65 = vector.broadcast %jit3A_64 : i32 to vector<16xi32>
    %select_n3A_66 = arith.select %eq3A_63, %get3A_1, %broadcast_in_dim3A_65 : vector<16xi1>, vector<16xi32>
    %reduce_sum3A_67 = arith.constant true
    %reduce_sum3A_68 = vector.broadcast %reduce_sum3A_67 : i1 to vector<16xi1>
    %reduce_sum3A_69 = tpu.scan <sum>, %select_n3A_66 masked %reduce_sum3A_68 : vector<16xi32>, vector<16xi1> -> vector<16xi32>
    %reduce_sum3A_70 = vector.extract %reduce_sum3A_69[15] : i32 from vector<16xi32>
    %and3A_71 = arith.constant -128 : i32
    %and3A_72 = arith.andi %reduce_sum3A_70, %and3A_71 : i32
    %multiple_of3A_73 = tpu.assume_multiple %and3A_72, 128 : i32
    %add3A_74 = arith.constant 0 : i32
    %add3A_75 = arith.addi %mul3A_0, %add3A_74 : i32
    %add3A_76 = arith.constant 2 : i32
    %add3A_77 = arith.addi %add3A_75, %add3A_76 : i32
    %and3A_78 = arith.constant -8 : i32
    %and3A_79 = arith.andi %add3A_77, %and3A_78 : i32
    %multiple_of3A_80 = tpu.assume_multiple %and3A_79, 8 : i32
    %dma_start3A_81 = arith.constant 2 : i32
    %dma_start3A_82 = arith.constant 0 : i32
    %dma_start3A_83 = arith.constant 0 : i32
    %dma_start3A_84 = tpu.memref_slice %arg6[%dma_start3A_81, %dma_start3A_82, %dma_start3A_83] : memref<64x8x128xf32, #tpu.memory_space<vmem>> -> memref<1x8x128xf32, #tpu.memory_space<vmem>>
    %dma_start3A_85 = tpu.memref_squeeze %dma_start3A_84 : memref<1x8x128xf32, #tpu.memory_space<vmem>> -> memref<8x128xf32, #tpu.memory_space<vmem>>
    %dma_start3A_86 = tpu.memref_slice %arg2[%multiple_of3A_80, %multiple_of3A_73] : memref<1024x100000xf32, #tpu.memory_space<hbm>> -> memref<8x128xf32, #tpu.memory_space<hbm>>
    %dma_start3A_87 = arith.constant 0 : i32
    %dma_start3A_88 = arith.constant 0 : i32
    %dma_start3A_89 = tpu.memref_slice %arg6[%dma_start3A_81, %dma_start3A_87, %dma_start3A_88] : memref<64x8x128xf32, #tpu.memory_space<vmem>> -> memref<1x8x128xf32, #tpu.memory_space<vmem>>
    %dma_start3A_90 = tpu.memref_squeeze %dma_start3A_89 : memref<1x8x128xf32, #tpu.memory_space<vmem>> -> memref<8x128xf32, #tpu.memory_space<vmem>>
    %dma_start3A_91 = tpu.memref_slice %arg2[%multiple_of3A_80, %multiple_of3A_73] : memref<1024x100000xf32, #tpu.memory_space<hbm>> -> memref<8x128xf32, #tpu.memory_space<hbm>>
    tpu.enqueue_dma source(%dma_start3A_91 : memref<8x128xf32, #tpu.memory_space<hbm>>) target(%dma_start3A_90 : memref<8x128xf32, #tpu.memory_space<vmem>>) target_semaphore(%arg8 : memref<!tpu.dma_semaphore, #tpu.memory_space<semaphore_mem>>)
    %eq3A_92 = arith.constant 3 : i32
    %eq3A_93 = vector.broadcast %eq3A_92 : i32 to vector<16xi32>
    %eq3A_94 = arith.cmpi eq, %iota3A, %eq3A_93 : vector<16xi32>
    %jit3A_95 = arith.constant 0 : i32
    %broadcast_in_dim3A_96 = vector.broadcast %jit3A_95 : i32 to vector<16xi32>
    %select_n3A_97 = arith.select %eq3A_94, %get3A_1, %broadcast_in_dim3A_96 : vector<16xi1>, vector<16xi32>
    %reduce_sum3A_98 = arith.constant true
    %reduce_sum3A_99 = vector.broadcast %reduce_sum3A_98 : i1 to vector<16xi1>
    %reduce_sum3A_100 = tpu.scan <sum>, %select_n3A_97 masked %reduce_sum3A_99 : vector<16xi32>, vector<16xi1> -> vector<16xi32>
    %reduce_sum3A_101 = vector.extract %reduce_sum3A_100[15] : i32 from vector<16xi32>
    %and3A_102 = arith.constant -128 : i32
    %and3A_103 = arith.andi %reduce_sum3A_101, %and3A_102 : i32
    %multiple_of3A_104 = tpu.assume_multiple %and3A_103, 128 : i32
    %add3A_105 = arith.constant 0 : i32
    %add3A_106 = arith.addi %mul3A_0, %add3A_105 : i32
    %add3A_107 = arith.constant 3 : i32
    %add3A_108 = arith.addi %add3A_106, %add3A_107 : i32
    %and3A_109 = arith.constant -8 : i32
    %and3A_110 = arith.andi %add3A_108, %and3A_109 : i32
    %multiple_of3A_111 = tpu.assume_multiple %and3A_110, 8 : i32
    %dma_start3A_112 = arith.constant 3 : i32
    %dma_start3A_113 = arith.constant 0 : i32
    %dma_start3A_114 = arith.constant 0 : i32
    %dma_start3A_115 = tpu.memref_slice %arg6[%dma_start3A_112, %dma_start3A_113, %dma_start3A_114] : memref<64x8x128xf32, #tpu.memory_space<vmem>> -> memref<1x8x128xf32, #tpu.memory_space<vmem>>
    %dma_start3A_116 = tpu.memref_squeeze %dma_start3A_115 : memref<1x8x128xf32, #tpu.memory_space<vmem>> -> memref<8x128xf32, #tpu.memory_space<vmem>>
    %dma_start3A_117 = tpu.memref_slice %arg2[%multiple_of3A_111, %multiple_of3A_104] : memref<1024x100000xf32, #tpu.memory_space<hbm>> -> memref<8x128xf32, #tpu.memory_space<hbm>>
    %dma_start3A_118 = arith.constant 0 : i32
    %dma_start3A_119 = arith.constant 0 : i32
    %dma_start3A_120 = tpu.memref_slice %arg6[%dma_start3A_112, %dma_start3A_118, %dma_start3A_119] : memref<64x8x128xf32, #tpu.memory_space<vmem>> -> memref<1x8x128xf32, #tpu.memory_space<vmem>>
    %dma_start3A_121 = tpu.memref_squeeze %dma_start3A_120 : memref<1x8x128xf32, #tpu.memory_space<vmem>> -> memref<8x128xf32, #tpu.memory_space<vmem>>
    %dma_start3A_122 = tpu.memref_slice %arg2[%multiple_of3A_111, %multiple_of3A_104] : memref<1024x100000xf32, #tpu.memory_space<hbm>> -> memref<8x128xf32, #tpu.memory_space<hbm>>
    tpu.enqueue_dma source(%dma_start3A_122 : memref<8x128xf32, #tpu.memory_space<hbm>>) target(%dma_start3A_121 : memref<8x128xf32, #tpu.memory_space<vmem>>) target_semaphore(%arg8 : memref<!tpu.dma_semaphore, #tpu.memory_space<semaphore_mem>>)
    %eq3A_123 = arith.constant 4 : i32
    %eq3A_124 = vector.broadcast %eq3A_123 : i32 to vector<16xi32>
    %eq3A_125 = arith.cmpi eq, %iota3A, %eq3A_124 : vector<16xi32>
    %jit3A_126 = arith.constant 0 : i32
    %broadcast_in_dim3A_127 = vector.broadcast %jit3A_126 : i32 to vector<16xi32>
    %select_n3A_128 = arith.select %eq3A_125, %get3A_1, %broadcast_in_dim3A_127 : vector<16xi1>, vector<16xi32>
    %reduce_sum3A_129 = arith.constant true
    %reduce_sum3A_130 = vector.broadcast %reduce_sum3A_129 : i1 to vector<16xi1>
    %reduce_sum3A_131 = tpu.scan <sum>, %select_n3A_128 masked %reduce_sum3A_130 : vector<16xi32>, vector<16xi1> -> vector<16xi32>
    %reduce_sum3A_132 = vector.extract %reduce_sum3A_131[15] : i32 from vector<16xi32>
    %and3A_133 = arith.constant -128 : i32
    %and3A_134 = arith.andi %reduce_sum3A_132, %and3A_133 : i32
    %multiple_of3A_135 = tpu.assume_multiple %and3A_134, 128 : i32
    %add3A_136 = arith.constant 0 : i32
    %add3A_137 = arith.addi %mul3A_0, %add3A_136 : i32
    %add3A_138 = arith.constant 4 : i32
    %add3A_139 = arith.addi %add3A_137, %add3A_138 : i32
    %and3A_140 = arith.constant -8 : i32
    %and3A_141 = arith.andi %add3A_139, %and3A_140 : i32
    %multiple_of3A_142 = tpu.assume_multiple %and3A_141, 8 : i32
    %dma_start3A_143 = arith.constant 4 : i32
    %dma_start3A_144 = arith.constant 0 : i32
    %dma_start3A_145 = arith.constant 0 : i32
    %dma_start3A_146 = tpu.memref_slice %arg6[%dma_start3A_143, %dma_start3A_144, %dma_start3A_145] : memref<64x8x128xf32, #tpu.memory_space<vmem>> -> memref<1x8x128xf32, #tpu.memory_space<vmem>>
    %dma_start3A_147 = tpu.memref_squeeze %dma_start3A_146 : memref<1x8x128xf32, #tpu.memory_space<vmem>> -> memref<8x128xf32, #tpu.memory_space<vmem>>
    %dma_start3A_148 = tpu.memref_slice %arg2[%multiple_of3A_142, %multiple_of3A_135] : memref<1024x100000xf32, #tpu.memory_space<hbm>> -> memref<8x128xf32, #tpu.memory_space<hbm>>
    %dma_start3A_149 = arith.constant 0 : i32
    %dma_start3A_150 = arith.constant 0 : i32
    %dma_start3A_151 = tpu.memref_slice %arg6[%dma_start3A_143, %dma_start3A_149, %dma_start3A_150] : memref<64x8x128xf32, #tpu.memory_space<vmem>> -> memref<1x8x128xf32, #tpu.memory_space<vmem>>
    %dma_start3A_152 = tpu.memref_squeeze %dma_start3A_151 : memref<1x8x128xf32, #tpu.memory_space<vmem>> -> memref<8x128xf32, #tpu.memory_space<vmem>>
    %dma_start3A_153 = tpu.memref_slice %arg2[%multiple_of3A_142, %multiple_of3A_135] : memref<1024x100000xf32, #tpu.memory_space<hbm>> -> memref<8x128xf32, #tpu.memory_space<hbm>>
    tpu.enqueue_dma source(%dma_start3A_153 : memref<8x128xf32, #tpu.memory_space<hbm>>) target(%dma_start3A_152 : memref<8x128xf32, #tpu.memory_space<vmem>>) target_semaphore(%arg8 : memref<!tpu.dma_semaphore, #tpu.memory_space<semaphore_mem>>)
    %eq3A_154 = arith.constant 5 : i32
    %eq3A_155 = vector.broadcast %eq3A_154 : i32 to vector<16xi32>
    %eq3A_156 = arith.cmpi eq, %iota3A, %eq3A_155 : vector<16xi32>
    %jit3A_157 = arith.constant 0 : i32
    %broadcast_in_dim3A_158 = vector.broadcast %jit3A_157 : i32 to vector<16xi32>
    %select_n3A_159 = arith.select %eq3A_156, %get3A_1, %broadcast_in_dim3A_158 : vector<16xi1>, vector<16xi32>
    %reduce_sum3A_160 = arith.constant true
    %reduce_sum3A_161 = vector.broadcast %reduce_sum3A_160 : i1 to vector<16xi1>
    %reduce_sum3A_162 = tpu.scan <sum>, %select_n3A_159 masked %reduce_sum3A_161 : vector<16xi32>, vector<16xi1> -> vector<16xi32>
    %reduce_sum3A_163 = vector.extract %reduce_sum3A_162[15] : i32 from vector<16xi32>
    %and3A_164 = arith.constant -128 : i32
    %and3A_165 = arith.andi %reduce_sum3A_163, %and3A_164 : i32
    %multiple_of3A_166 = tpu.assume_multiple %and3A_165, 128 : i32
    %add3A_167 = arith.constant 0 : i32
    %add3A_168 = arith.addi %mul3A_0, %add3A_167 : i32
    %add3A_169 = arith.constant 5 : i32
    %add3A_170 = arith.addi %add3A_168, %add3A_169 : i32
    %and3A_171 = arith.constant -8 : i32
    %and3A_172 = arith.andi %add3A_170, %and3A_171 : i32
    %multiple_of3A_173 = tpu.assume_multiple %and3A_172, 8 : i32
    %dma_start3A_174 = arith.constant 5 : i32
    %dma_start3A_175 = arith.constant 0 : i32
    %dma_start3A_176 = arith.constant 0 : i32
    %dma_start3A_177 = tpu.memref_slice %arg6[%dma_start3A_174, %dma_start3A_175, %dma_start3A_176] : memref<64x8x128xf32, #tpu.memory_space<vmem>> -> memref<1x8x128xf32, #tpu.memory_space<vmem>>
    %dma_start3A_178 = tpu.memref_squeeze %dma_start3A_177 : memref<1x8x128xf32, #tpu.memory_space<vmem>> -> memref<8x128xf32, #tpu.memory_space<vmem>>
    %dma_start3A_179 = tpu.memref_slice %arg2[%multiple_of3A_173, %multiple_of3A_166] : memref<1024x100000xf32, #tpu.memory_space<hbm>> -> memref<8x128xf32, #tpu.memory_space<hbm>>
    %dma_start3A_180 = arith.constant 0 : i32
    %dma_start3A_181 = arith.constant 0 : i32
    %dma_start3A_182 = tpu.memref_slice %arg6[%dma_start3A_174, %dma_start3A_180, %dma_start3A_181] : memref<64x8x128xf32, #tpu.memory_space<vmem>> -> memref<1x8x128xf32, #tpu.memory_space<vmem>>
    %dma_start3A_183 = tpu.memref_squeeze %dma_start3A_182 : memref<1x8x128xf32, #tpu.memory_space<vmem>> -> memref<8x128xf32, #tpu.memory_space<vmem>>
    %dma_start3A_184 = tpu.memref_slice %arg2[%multiple_of3A_173, %multiple_of3A_166] : memref<1024x100000xf32, #tpu.memory_space<hbm>> -> memref<8x128xf32, #tpu.memory_space<hbm>>
    tpu.enqueue_dma source(%dma_start3A_184 : memref<8x128xf32, #tpu.memory_space<hbm>>) target(%dma_start3A_183 : memref<8x128xf32, #tpu.memory_space<vmem>>) target_semaphore(%arg8 : memref<!tpu.dma_semaphore, #tpu.memory_space<semaphore_mem>>)
    %eq3A_185 = arith.constant 6 : i32
    %eq3A_186 = vector.broadcast %eq3A_185 : i32 to vector<16xi32>
    %eq3A_187 = arith.cmpi eq, %iota3A, %eq3A_186 : vector<16xi32>
    %jit3A_188 = arith.constant 0 : i32
    %broadcast_in_dim3A_189 = vector.broadcast %jit3A_188 : i32 to vector<16xi32>
    %select_n3A_190 = arith.select %eq3A_187, %get3A_1, %broadcast_in_dim3A_189 : vector<16xi1>, vector<16xi32>
    %reduce_sum3A_191 = arith.constant true
    %reduce_sum3A_192 = vector.broadcast %reduce_sum3A_191 : i1 to vector<16xi1>
    %reduce_sum3A_193 = tpu.scan <sum>, %select_n3A_190 masked %reduce_sum3A_192 : vector<16xi32>, vector<16xi1> -> vector<16xi32>
    %reduce_sum3A_194 = vector.extract %reduce_sum3A_193[15] : i32 from vector<16xi32>
    %and3A_195 = arith.constant -128 : i32
    %and3A_196 = arith.andi %reduce_sum3A_194, %and3A_195 : i32
    %multiple_of3A_197 = tpu.assume_multiple %and3A_196, 128 : i32
    %add3A_198 = arith.constant 0 : i32
    %add3A_199 = arith.addi %mul3A_0, %add3A_198 : i32
    %add3A_200 = arith.constant 6 : i32
    %add3A_201 = arith.addi %add3A_199, %add3A_200 : i32
    %and3A_202 = arith.constant -8 : i32
    %and3A_203 = arith.andi %add3A_201, %and3A_202 : i32
    %multiple_of3A_204 = tpu.assume_multiple %and3A_203, 8 : i32
    %dma_start3A_205 = arith.constant 6 : i32
    %dma_start3A_206 = arith.constant 0 : i32
    %dma_start3A_207 = arith.constant 0 : i32
    %dma_start3A_208 = tpu.memref_slice %arg6[%dma_start3A_205, %dma_start3A_206, %dma_start3A_207] : memref<64x8x128xf32, #tpu.memory_space<vmem>> -> memref<1x8x128xf32, #tpu.memory_space<vmem>>
    %dma_start3A_209 = tpu.memref_squeeze %dma_start3A_208 : memref<1x8x128xf32, #tpu.memory_space<vmem>> -> memref<8x128xf32, #tpu.memory_space<vmem>>
    %dma_start3A_210 = tpu.memref_slice %arg2[%multiple_of3A_204, %multiple_of3A_197] : memref<1024x100000xf32, #tpu.memory_space<hbm>> -> memref<8x128xf32, #tpu.memory_space<hbm>>
    %dma_start3A_211 = arith.constant 0 : i32
    %dma_start3A_212 = arith.constant 0 : i32
    %dma_start3A_213 = tpu.memref_slice %arg6[%dma_start3A_205, %dma_start3A_211, %dma_start3A_212] : memref<64x8x128xf32, #tpu.memory_space<vmem>> -> memref<1x8x128xf32, #tpu.memory_space<vmem>>
    %dma_start3A_214 = tpu.memref_squeeze %dma_start3A_213 : memref<1x8x128xf32, #tpu.memory_space<vmem>> -> memref<8x128xf32, #tpu.memory_space<vmem>>
    %dma_start3A_215 = tpu.memref_slice %arg2[%multiple_of3A_204, %multiple_of3A_197] : memref<1024x100000xf32, #tpu.memory_space<hbm>> -> memref<8x128xf32, #tpu.memory_space<hbm>>
    tpu.enqueue_dma source(%dma_start3A_215 : memref<8x128xf32, #tpu.memory_space<hbm>>) target(%dma_start3A_214 : memref<8x128xf32, #tpu.memory_space<vmem>>) target_semaphore(%arg8 : memref<!tpu.dma_semaphore, #tpu.memory_space<semaphore_mem>>)
    %eq3A_216 = arith.constant 7 : i32
    %eq3A_217 = vector.broadcast %eq3A_216 : i32 to vector<16xi32>
    %eq3A_218 = arith.cmpi eq, %iota3A, %eq3A_217 : vector<16xi32>
    %jit3A_219 = arith.constant 0 : i32
    %broadcast_in_dim3A_220 = vector.broadcast %jit3A_219 : i32 to vector<16xi32>
    %select_n3A_221 = arith.select %eq3A_218, %get3A_1, %broadcast_in_dim3A_220 : vector<16xi1>, vector<16xi32>
    %reduce_sum3A_222 = arith.constant true
    %reduce_sum3A_223 = vector.broadcast %reduce_sum3A_222 : i1 to vector<16xi1>
    %reduce_sum3A_224 = tpu.scan <sum>, %select_n3A_221 masked %reduce_sum3A_223 : vector<16xi32>, vector<16xi1> -> vector<16xi32>
    %reduce_sum3A_225 = vector.extract %reduce_sum3A_224[15] : i32 from vector<16xi32>
    %and3A_226 = arith.constant -128 : i32
    %and3A_227 = arith.andi %reduce_sum3A_225, %and3A_226 : i32
    %multiple_of3A_228 = tpu.assume_multiple %and3A_227, 128 : i32
    %add3A_229 = arith.constant 0 : i32
    %add3A_230 = arith.addi %mul3A_0, %add3A_229 : i32
    %add3A_231 = arith.constant 7 : i32
    %add3A_232 = arith.addi %add3A_230, %add3A_231 : i32
    %and3A_233 = arith.constant -8 : i32
    %and3A_234 = arith.andi %add3A_232, %and3A_233 : i32
    %multiple_of3A_235 = tpu.assume_multiple %and3A_234, 8 : i32
    %dma_start3A_236 = arith.constant 7 : i32
    %dma_start3A_237 = arith.constant 0 : i32
    %dma_start3A_238 = arith.constant 0 : i32
    %dma_start3A_239 = tpu.memref_slice %arg6[%dma_start3A_236, %dma_start3A_237, %dma_start3A_238] : memref<64x8x128xf32, #tpu.memory_space<vmem>> -> memref<1x8x128xf32, #tpu.memory_space<vmem>>
    %dma_start3A_240 = tpu.memref_squeeze %dma_start3A_239 : memref<1x8x128xf32, #tpu.memory_space<vmem>> -> memref<8x128xf32, #tpu.memory_space<vmem>>
    %dma_start3A_241 = tpu.memref_slice %arg2[%multiple_of3A_235, %multiple_of3A_228] : memref<1024x100000xf32, #tpu.memory_space<hbm>> -> memref<8x128xf32, #tpu.memory_space<hbm>>
    %dma_start3A_242 = arith.constant 0 : i32
    %dma_start3A_243 = arith.constant 0 : i32
    %dma_start3A_244 = tpu.memref_slice %arg6[%dma_start3A_236, %dma_start3A_242, %dma_start3A_243] : memref<64x8x128xf32, #tpu.memory_space<vmem>> -> memref<1x8x128xf32, #tpu.memory_space<vmem>>
    %dma_start3A_245 = tpu.memref_squeeze %dma_start3A_244 : memref<1x8x128xf32, #tpu.memory_space<vmem>> -> memref<8x128xf32, #tpu.memory_space<vmem>>
    %dma_start3A_246 = tpu.memref_slice %arg2[%multiple_of3A_235, %multiple_of3A_228] : memref<1024x100000xf32, #tpu.memory_space<hbm>> -> memref<8x128xf32, #tpu.memory_space<hbm>>
    tpu.enqueue_dma source(%dma_start3A_246 : memref<8x128xf32, #tpu.memory_space<hbm>>) target(%dma_start3A_245 : memref<8x128xf32, #tpu.memory_space<vmem>>) target_semaphore(%arg8 : memref<!tpu.dma_semaphore, #tpu.memory_space<semaphore_mem>>)
    %eq3A_247 = arith.constant 8 : i32
    %eq3A_248 = vector.broadcast %eq3A_247 : i32 to vector<16xi32>
    %eq3A_249 = arith.cmpi eq, %iota3A, %eq3A_248 : vector<16xi32>
    %jit3A_250 = arith.constant 0 : i32
    %broadcast_in_dim3A_251 = vector.broadcast %jit3A_250 : i32 to vector<16xi32>
    %select_n3A_252 = arith.select %eq3A_249, %get3A_1, %broadcast_in_dim3A_251 : vector<16xi1>, vector<16xi32>
    %reduce_sum3A_253 = arith.constant true
    %reduce_sum3A_254 = vector.broadcast %reduce_sum3A_253 : i1 to vector<16xi1>
    %reduce_sum3A_255 = tpu.scan <sum>, %select_n3A_252 masked %reduce_sum3A_254 : vector<16xi32>, vector<16xi1> -> vector<16xi32>
    %reduce_sum3A_256 = vector.extract %reduce_sum3A_255[15] : i32 from vector<16xi32>
    %and3A_257 = arith.constant -128 : i32
    %and3A_258 = arith.andi %reduce_sum3A_256, %and3A_257 : i32
    %multiple_of3A_259 = tpu.assume_multiple %and3A_258, 128 : i32
    %add3A_260 = arith.constant 0 : i32
    %add3A_261 = arith.addi %mul3A_0, %add3A_260 : i32
    %add3A_262 = arith.constant 8 : i32
    %add3A_263 = arith.addi %add3A_261, %add3A_262 : i32
    %and3A_264 = arith.constant -8 : i32
    %and3A_265 = arith.andi %add3A_263, %and3A_264 : i32
    %multiple_of3A_266 = tpu.assume_multiple %and3A_265, 8 : i32
    %dma_start3A_267 = arith.constant 8 : i32
    %dma_start3A_268 = arith.constant 0 : i32
    %dma_start3A_269 = arith.constant 0 : i32
    %dma_start3A_270 = tpu.memref_slice %arg6[%dma_start3A_267, %dma_start3A_268, %dma_start3A_269] : memref<64x8x128xf32, #tpu.memory_space<vmem>> -> memref<1x8x128xf32, #tpu.memory_space<vmem>>
    %dma_start3A_271 = tpu.memref_squeeze %dma_start3A_270 : memref<1x8x128xf32, #tpu.memory_space<vmem>> -> memref<8x128xf32, #tpu.memory_space<vmem>>
    %dma_start3A_272 = tpu.memref_slice %arg2[%multiple_of3A_266, %multiple_of3A_259] : memref<1024x100000xf32, #tpu.memory_space<hbm>> -> memref<8x128xf32, #tpu.memory_space<hbm>>
    %dma_start3A_273 = arith.constant 0 : i32
    %dma_start3A_274 = arith.constant 0 : i32
    %dma_start3A_275 = tpu.memref_slice %arg6[%dma_start3A_267, %dma_start3A_273, %dma_start3A_274] : memref<64x8x128xf32, #tpu.memory_space<vmem>> -> memref<1x8x128xf32, #tpu.memory_space<vmem>>
    %dma_start3A_276 = tpu.memref_squeeze %dma_start3A_275 : memref<1x8x128xf32, #tpu.memory_space<vmem>> -> memref<8x128xf32, #tpu.memory_space<vmem>>
    %dma_start3A_277 = tpu.memref_slice %arg2[%multiple_of3A_266, %multiple_of3A_259] : memref<1024x100000xf32, #tpu.memory_space<hbm>> -> memref<8x128xf32, #tpu.memory_space<hbm>>
    tpu.enqueue_dma source(%dma_start3A_277 : memref<8x128xf32, #tpu.memory_space<hbm>>) target(%dma_start3A_276 : memref<8x128xf32, #tpu.memory_space<vmem>>) target_semaphore(%arg8 : memref<!tpu.dma_semaphore, #tpu.memory_space<semaphore_mem>>)
    %eq3A_278 = arith.constant 9 : i32
    %eq3A_279 = vector.broadcast %eq3A_278 : i32 to vector<16xi32>
    %eq3A_280 = arith.cmpi eq, %iota3A, %eq3A_279 : vector<16xi32>
    %jit3A_281 = arith.constant 0 : i32
    %broadcast_in_dim3A_282 = vector.broadcast %jit3A_281 : i32 to vector<16xi32>
    %select_n3A_283 = arith.select %eq3A_280, %get3A_1, %broadcast_in_dim3A_282 : vector<16xi1>, vector<16xi32>
    %reduce_sum3A_284 = arith.constant true
    %reduce_sum3A_285 = vector.broadcast %reduce_sum3A_284 : i1 to vector<16xi1>
    %reduce_sum3A_286 = tpu.scan <sum>, %select_n3A_283 masked %reduce_sum3A_285 : vector<16xi32>, vector<16xi1> -> vector<16xi32>
    %reduce_sum3A_287 = vector.extract %reduce_sum3A_286[15] : i32 from vector<16xi32>
    %and3A_288 = arith.constant -128 : i32
    %and3A_289 = arith.andi %reduce_sum3A_287, %and3A_288 : i32
    %multiple_of3A_290 = tpu.assume_multiple %and3A_289, 128 : i32
    %add3A_291 = arith.constant 0 : i32
    %add3A_292 = arith.addi %mul3A_0, %add3A_291 : i32
    %add3A_293 = arith.constant 9 : i32
    %add3A_294 = arith.addi %add3A_292, %add3A_293 : i32
    %and3A_295 = arith.constant -8 : i32
    %and3A_296 = arith.andi %add3A_294, %and3A_295 : i32
    %multiple_of3A_297 = tpu.assume_multiple %and3A_296, 8 : i32
    %dma_start3A_298 = arith.constant 9 : i32
    %dma_start3A_299 = arith.constant 0 : i32
    %dma_start3A_300 = arith.constant 0 : i32
    %dma_start3A_301 = tpu.memref_slice %arg6[%dma_start3A_298, %dma_start3A_299, %dma_start3A_300] : memref<64x8x128xf32, #tpu.memory_space<vmem>> -> memref<1x8x128xf32, #tpu.memory_space<vmem>>
    %dma_start3A_302 = tpu.memref_squeeze %dma_start3A_301 : memref<1x8x128xf32, #tpu.memory_space<vmem>> -> memref<8x128xf32, #tpu.memory_space<vmem>>
    %dma_start3A_303 = tpu.memref_slice %arg2[%multiple_of3A_297, %multiple_of3A_290] : memref<1024x100000xf32, #tpu.memory_space<hbm>> -> memref<8x128xf32, #tpu.memory_space<hbm>>
    %dma_start3A_304 = arith.constant 0 : i32
    %dma_start3A_305 = arith.constant 0 : i32
    %dma_start3A_306 = tpu.memref_slice %arg6[%dma_start3A_298, %dma_start3A_304, %dma_start3A_305] : memref<64x8x128xf32, #tpu.memory_space<vmem>> -> memref<1x8x128xf32, #tpu.memory_space<vmem>>
    %dma_start3A_307 = tpu.memref_squeeze %dma_start3A_306 : memref<1x8x128xf32, #tpu.memory_space<vmem>> -> memref<8x128xf32, #tpu.memory_space<vmem>>
    %dma_start3A_308 = tpu.memref_slice %arg2[%multiple_of3A_297, %multiple_of3A_290] : memref<1024x100000xf32, #tpu.memory_space<hbm>> -> memref<8x128xf32, #tpu.memory_space<hbm>>
    tpu.enqueue_dma source(%dma_start3A_308 : memref<8x128xf32, #tpu.memory_space<hbm>>) target(%dma_start3A_307 : memref<8x128xf32, #tpu.memory_space<vmem>>) target_semaphore(%arg8 : memref<!tpu.dma_semaphore, #tpu.memory_space<semaphore_mem>>)
    %eq3A_309 = arith.constant 10 : i32
    %eq3A_310 = vector.broadcast %eq3A_309 : i32 to vector<16xi32>
    %eq3A_311 = arith.cmpi eq, %iota3A, %eq3A_310 : vector<16xi32>
    %jit3A_312 = arith.constant 0 : i32
    %broadcast_in_dim3A_313 = vector.broadcast %jit3A_312 : i32 to vector<16xi32>
    %select_n3A_314 = arith.select %eq3A_311, %get3A_1, %broadcast_in_dim3A_313 : vector<16xi1>, vector<16xi32>
    %reduce_sum3A_315 = arith.constant true
    %reduce_sum3A_316 = vector.broadcast %reduce_sum3A_315 : i1 to vector<16xi1>
    %reduce_sum3A_317 = tpu.scan <sum>, %select_n3A_314 masked %reduce_sum3A_316 : vector<16xi32>, vector<16xi1> -> vector<16xi32>
    %reduce_sum3A_318 = vector.extract %reduce_sum3A_317[15] : i32 from vector<16xi32>
    %and3A_319 = arith.constant -128 : i32
    %and3A_320 = arith.andi %reduce_sum3A_318, %and3A_319 : i32
    %multiple_of3A_321 = tpu.assume_multiple %and3A_320, 128 : i32
    %add3A_322 = arith.constant 0 : i32
    %add3A_323 = arith.addi %mul3A_0, %add3A_322 : i32
    %add3A_324 = arith.constant 10 : i32
    %add3A_325 = arith.addi %add3A_323, %add3A_324 : i32
    %and3A_326 = arith.constant -8 : i32
    %and3A_327 = arith.andi %add3A_325, %and3A_326 : i32
    %multiple_of3A_328 = tpu.assume_multiple %and3A_327, 8 : i32
    %dma_start3A_329 = arith.constant 10 : i32
    %dma_start3A_330 = arith.constant 0 : i32
    %dma_start3A_331 = arith.constant 0 : i32
    %dma_start3A_332 = tpu.memref_slice %arg6[%dma_start3A_329, %dma_start3A_330, %dma_start3A_331] : memref<64x8x128xf32, #tpu.memory_space<vmem>> -> memref<1x8x128xf32, #tpu.memory_space<vmem>>
    %dma_start3A_333 = tpu.memref_squeeze %dma_start3A_332 : memref<1x8x128xf32, #tpu.memory_space<vmem>> -> memref<8x128xf32, #tpu.memory_space<vmem>>
    %dma_start3A_334 = tpu.memref_slice %arg2[%multiple_of3A_328, %multiple_of3A_321] : memref<1024x100000xf32, #tpu.memory_space<hbm>> -> memref<8x128xf32, #tpu.memory_space<hbm>>
    %dma_start3A_335 = arith.constant 0 : i32
    %dma_start3A_336 = arith.constant 0 : i32
    %dma_start3A_337 = tpu.memref_slice %arg6[%dma_start3A_329, %dma_start3A_335, %dma_start3A_336] : memref<64x8x128xf32, #tpu.memory_space<vmem>> -> memref<1x8x128xf32, #tpu.memory_space<vmem>>
    %dma_start3A_338 = tpu.memref_squeeze %dma_start3A_337 : memref<1x8x128xf32, #tpu.memory_space<vmem>> -> memref<8x128xf32, #tpu.memory_space<vmem>>
    %dma_start3A_339 = tpu.memref_slice %arg2[%multiple_of3A_328, %multiple_of3A_321] : memref<1024x100000xf32, #tpu.memory_space<hbm>> -> memref<8x128xf32, #tpu.memory_space<hbm>>
    tpu.enqueue_dma source(%dma_start3A_339 : memref<8x128xf32, #tpu.memory_space<hbm>>) target(%dma_start3A_338 : memref<8x128xf32, #tpu.memory_space<vmem>>) target_semaphore(%arg8 : memref<!tpu.dma_semaphore, #tpu.memory_space<semaphore_mem>>)
    %eq3A_340 = arith.constant 11 : i32
    %eq3A_341 = vector.broadcast %eq3A_340 : i32 to vector<16xi32>
    %eq3A_342 = arith.cmpi eq, %iota3A, %eq3A_341 : vector<16xi32>
    %jit3A_343 = arith.constant 0 : i32
    %broadcast_in_dim3A_344 = vector.broadcast %jit3A_343 : i32 to vector<16xi32>
    %select_n3A_345 = arith.select %eq3A_342, %get3A_1, %broadcast_in_dim3A_344 : vector<16xi1>, vector<16xi32>
    %reduce_sum3A_346 = arith.constant true
    %reduce_sum3A_347 = vector.broadcast %reduce_sum3A_346 : i1 to vector<16xi1>
    %reduce_sum3A_348 = tpu.scan <sum>, %select_n3A_345 masked %reduce_sum3A_347 : vector<16xi32>, vector<16xi1> -> vector<16xi32>
    %reduce_sum3A_349 = vector.extract %reduce_sum3A_348[15] : i32 from vector<16xi32>
    %and3A_350 = arith.constant -128 : i32
    %and3A_351 = arith.andi %reduce_sum3A_349, %and3A_350 : i32
    %multiple_of3A_352 = tpu.assume_multiple %and3A_351, 128 : i32
    %add3A_353 = arith.constant 0 : i32
    %add3A_354 = arith.addi %mul3A_0, %add3A_353 : i32
    %add3A_355 = arith.constant 11 : i32
    %add3A_356 = arith.addi %add3A_354, %add3A_355 : i32
    %and3A_357 = arith.constant -8 : i32
    %and3A_358 = arith.andi %add3A_356, %and3A_357 : i32
    %multiple_of3A_359 = tpu.assume_multiple %and3A_358, 8 : i32
    %dma_start3A_360 = arith.constant 11 : i32
    %dma_start3A_361 = arith.constant 0 : i32
    %dma_start3A_362 = arith.constant 0 : i32
    %dma_start3A_363 = tpu.memref_slice %arg6[%dma_start3A_360, %dma_start3A_361, %dma_start3A_362] : memref<64x8x128xf32, #tpu.memory_space<vmem>> -> memref<1x8x128xf32, #tpu.memory_space<vmem>>
    %dma_start3A_364 = tpu.memref_squeeze %dma_start3A_363 : memref<1x8x128xf32, #tpu.memory_space<vmem>> -> memref<8x128xf32, #tpu.memory_space<vmem>>
    %dma_start3A_365 = tpu.memref_slice %arg2[%multiple_of3A_359, %multiple_of3A_352] : memref<1024x100000xf32, #tpu.memory_space<hbm>> -> memref<8x128xf32, #tpu.memory_space<hbm>>
    %dma_start3A_366 = arith.constant 0 : i32
    %dma_start3A_367 = arith.constant 0 : i32
    %dma_start3A_368 = tpu.memref_slice %arg6[%dma_start3A_360, %dma_start3A_366, %dma_start3A_367] : memref<64x8x128xf32, #tpu.memory_space<vmem>> -> memref<1x8x128xf32, #tpu.memory_space<vmem>>
    %dma_start3A_369 = tpu.memref_squeeze %dma_start3A_368 : memref<1x8x128xf32, #tpu.memory_space<vmem>> -> memref<8x128xf32, #tpu.memory_space<vmem>>
    %dma_start3A_370 = tpu.memref_slice %arg2[%multiple_of3A_359, %multiple_of3A_352] : memref<1024x100000xf32, #tpu.memory_space<hbm>> -> memref<8x128xf32, #tpu.memory_space<hbm>>
    tpu.enqueue_dma source(%dma_start3A_370 : memref<8x128xf32, #tpu.memory_space<hbm>>) target(%dma_start3A_369 : memref<8x128xf32, #tpu.memory_space<vmem>>) target_semaphore(%arg8 : memref<!tpu.dma_semaphore, #tpu.memory_space<semaphore_mem>>)
    %eq3A_371 = arith.constant 12 : i32
    %eq3A_372 = vector.broadcast %eq3A_371 : i32 to vector<16xi32>
    %eq3A_373 = arith.cmpi eq, %iota3A, %eq3A_372 : vector<16xi32>
    %jit3A_374 = arith.constant 0 : i32
    %broadcast_in_dim3A_375 = vector.broadcast %jit3A_374 : i32 to vector<16xi32>
    %select_n3A_376 = arith.select %eq3A_373, %get3A_1, %broadcast_in_dim3A_375 : vector<16xi1>, vector<16xi32>
    %reduce_sum3A_377 = arith.constant true
    %reduce_sum3A_378 = vector.broadcast %reduce_sum3A_377 : i1 to vector<16xi1>
    %reduce_sum3A_379 = tpu.scan <sum>, %select_n3A_376 masked %reduce_sum3A_378 : vector<16xi32>, vector<16xi1> -> vector<16xi32>
    %reduce_sum3A_380 = vector.extract %reduce_sum3A_379[15] : i32 from vector<16xi32>
    %and3A_381 = arith.constant -128 : i32
    %and3A_382 = arith.andi %reduce_sum3A_380, %and3A_381 : i32
    %multiple_of3A_383 = tpu.assume_multiple %and3A_382, 128 : i32
    %add3A_384 = arith.constant 0 : i32
    %add3A_385 = arith.addi %mul3A_0, %add3A_384 : i32
    %add3A_386 = arith.constant 12 : i32
    %add3A_387 = arith.addi %add3A_385, %add3A_386 : i32
    %and3A_388 = arith.constant -8 : i32
    %and3A_389 = arith.andi %add3A_387, %and3A_388 : i32
    %multiple_of3A_390 = tpu.assume_multiple %and3A_389, 8 : i32
    %dma_start3A_391 = arith.constant 12 : i32
    %dma_start3A_392 = arith.constant 0 : i32
    %dma_start3A_393 = arith.constant 0 : i32
    %dma_start3A_394 = tpu.memref_slice %arg6[%dma_start3A_391, %dma_start3A_392, %dma_start3A_393] : memref<64x8x128xf32, #tpu.memory_space<vmem>> -> memref<1x8x128xf32, #tpu.memory_space<vmem>>
    %dma_start3A_395 = tpu.memref_squeeze %dma_start3A_394 : memref<1x8x128xf32, #tpu.memory_space<vmem>> -> memref<8x128xf32, #tpu.memory_space<vmem>>
    %dma_start3A_396 = tpu.memref_slice %arg2[%multiple_of3A_390, %multiple_of3A_383] : memref<1024x100000xf32, #tpu.memory_space<hbm>> -> memref<8x128xf32, #tpu.memory_space<hbm>>
    %dma_start3A_397 = arith.constant 0 : i32
    %dma_start3A_398 = arith.constant 0 : i32
    %dma_start3A_399 = tpu.memref_slice %arg6[%dma_start3A_391, %dma_start3A_397, %dma_start3A_398] : memref<64x8x128xf32, #tpu.memory_space<vmem>> -> memref<1x8x128xf32, #tpu.memory_space<vmem>>
    %dma_start3A_400 = tpu.memref_squeeze %dma_start3A_399 : memref<1x8x128xf32, #tpu.memory_space<vmem>> -> memref<8x128xf32, #tpu.memory_space<vmem>>
    %dma_start3A_401 = tpu.memref_slice %arg2[%multiple_of3A_390, %multiple_of3A_383] : memref<1024x100000xf32, #tpu.memory_space<hbm>> -> memref<8x128xf32, #tpu.memory_space<hbm>>
    tpu.enqueue_dma source(%dma_start3A_401 : memref<8x128xf32, #tpu.memory_space<hbm>>) target(%dma_start3A_400 : memref<8x128xf32, #tpu.memory_space<vmem>>) target_semaphore(%arg8 : memref<!tpu.dma_semaphore, #tpu.memory_space<semaphore_mem>>)
    %eq3A_402 = arith.constant 13 : i32
    %eq3A_403 = vector.broadcast %eq3A_402 : i32 to vector<16xi32>
    %eq3A_404 = arith.cmpi eq, %iota3A, %eq3A_403 : vector<16xi32>
    %jit3A_405 = arith.constant 0 : i32
    %broadcast_in_dim3A_406 = vector.broadcast %jit3A_405 : i32 to vector<16xi32>
    %select_n3A_407 = arith.select %eq3A_404, %get3A_1, %broadcast_in_dim3A_406 : vector<16xi1>, vector<16xi32>
    %reduce_sum3A_408 = arith.constant true
    %reduce_sum3A_409 = vector.broadcast %reduce_sum3A_408 : i1 to vector<16xi1>
    %reduce_sum3A_410 = tpu.scan <sum>, %select_n3A_407 masked %reduce_sum3A_409 : vector<16xi32>, vector<16xi1> -> vector<16xi32>
    %reduce_sum3A_411 = vector.extract %reduce_sum3A_410[15] : i32 from vector<16xi32>
    %and3A_412 = arith.constant -128 : i32
    %and3A_413 = arith.andi %reduce_sum3A_411, %and3A_412 : i32
    %multiple_of3A_414 = tpu.assume_multiple %and3A_413, 128 : i32
    %add3A_415 = arith.constant 0 : i32
    %add3A_416 = arith.addi %mul3A_0, %add3A_415 : i32
    %add3A_417 = arith.constant 13 : i32
    %add3A_418 = arith.addi %add3A_416, %add3A_417 : i32
    %and3A_419 = arith.constant -8 : i32
    %and3A_420 = arith.andi %add3A_418, %and3A_419 : i32
    %multiple_of3A_421 = tpu.assume_multiple %and3A_420, 8 : i32
    %dma_start3A_422 = arith.constant 13 : i32
    %dma_start3A_423 = arith.constant 0 : i32
    %dma_start3A_424 = arith.constant 0 : i32
    %dma_start3A_425 = tpu.memref_slice %arg6[%dma_start3A_422, %dma_start3A_423, %dma_start3A_424] : memref<64x8x128xf32, #tpu.memory_space<vmem>> -> memref<1x8x128xf32, #tpu.memory_space<vmem>>
    %dma_start3A_426 = tpu.memref_squeeze %dma_start3A_425 : memref<1x8x128xf32, #tpu.memory_space<vmem>> -> memref<8x128xf32, #tpu.memory_space<vmem>>
    %dma_start3A_427 = tpu.memref_slice %arg2[%multiple_of3A_421, %multiple_of3A_414] : memref<1024x100000xf32, #tpu.memory_space<hbm>> -> memref<8x128xf32, #tpu.memory_space<hbm>>
    %dma_start3A_428 = arith.constant 0 : i32
    %dma_start3A_429 = arith.constant 0 : i32
    %dma_start3A_430 = tpu.memref_slice %arg6[%dma_start3A_422, %dma_start3A_428, %dma_start3A_429] : memref<64x8x128xf32, #tpu.memory_space<vmem>> -> memref<1x8x128xf32, #tpu.memory_space<vmem>>
    %dma_start3A_431 = tpu.memref_squeeze %dma_start3A_430 : memref<1x8x128xf32, #tpu.memory_space<vmem>> -> memref<8x128xf32, #tpu.memory_space<vmem>>
    %dma_start3A_432 = tpu.memref_slice %arg2[%multiple_of3A_421, %multiple_of3A_414] : memref<1024x100000xf32, #tpu.memory_space<hbm>> -> memref<8x128xf32, #tpu.memory_space<hbm>>
    tpu.enqueue_dma source(%dma_start3A_432 : memref<8x128xf32, #tpu.memory_space<hbm>>) target(%dma_start3A_431 : memref<8x128xf32, #tpu.memory_space<vmem>>) target_semaphore(%arg8 : memref<!tpu.dma_semaphore, #tpu.memory_space<semaphore_mem>>)
    %eq3A_433 = arith.constant 14 : i32
    %eq3A_434 = vector.broadcast %eq3A_433 : i32 to vector<16xi32>
    %eq3A_435 = arith.cmpi eq, %iota3A, %eq3A_434 : vector<16xi32>
    %jit3A_436 = arith.constant 0 : i32
    %broadcast_in_dim3A_437 = vector.broadcast %jit3A_436 : i32 to vector<16xi32>
    %select_n3A_438 = arith.select %eq3A_435, %get3A_1, %broadcast_in_dim3A_437 : vector<16xi1>, vector<16xi32>
    %reduce_sum3A_439 = arith.constant true
    %reduce_sum3A_440 = vector.broadcast %reduce_sum3A_439 : i1 to vector<16xi1>
    %reduce_sum3A_441 = tpu.scan <sum>, %select_n3A_438 masked %reduce_sum3A_440 : vector<16xi32>, vector<16xi1> -> vector<16xi32>
    %reduce_sum3A_442 = vector.extract %reduce_sum3A_441[15] : i32 from vector<16xi32>
    %and3A_443 = arith.constant -128 : i32
    %and3A_444 = arith.andi %reduce_sum3A_442, %and3A_443 : i32
    %multiple_of3A_445 = tpu.assume_multiple %and3A_444, 128 : i32
    %add3A_446 = arith.constant 0 : i32
    %add3A_447 = arith.addi %mul3A_0, %add3A_446 : i32
    %add3A_448 = arith.constant 14 : i32
    %add3A_449 = arith.addi %add3A_447, %add3A_448 : i32
    %and3A_450 = arith.constant -8 : i32
    %and3A_451 = arith.andi %add3A_449, %and3A_450 : i32
    %multiple_of3A_452 = tpu.assume_multiple %and3A_451, 8 : i32
    %dma_start3A_453 = arith.constant 14 : i32
    %dma_start3A_454 = arith.constant 0 : i32
    %dma_start3A_455 = arith.constant 0 : i32
    %dma_start3A_456 = tpu.memref_slice %arg6[%dma_start3A_453, %dma_start3A_454, %dma_start3A_455] : memref<64x8x128xf32, #tpu.memory_space<vmem>> -> memref<1x8x128xf32, #tpu.memory_space<vmem>>
    %dma_start3A_457 = tpu.memref_squeeze %dma_start3A_456 : memref<1x8x128xf32, #tpu.memory_space<vmem>> -> memref<8x128xf32, #tpu.memory_space<vmem>>
    %dma_start3A_458 = tpu.memref_slice %arg2[%multiple_of3A_452, %multiple_of3A_445] : memref<1024x100000xf32, #tpu.memory_space<hbm>> -> memref<8x128xf32, #tpu.memory_space<hbm>>
    %dma_start3A_459 = arith.constant 0 : i32
    %dma_start3A_460 = arith.constant 0 : i32
    %dma_start3A_461 = tpu.memref_slice %arg6[%dma_start3A_453, %dma_start3A_459, %dma_start3A_460] : memref<64x8x128xf32, #tpu.memory_space<vmem>> -> memref<1x8x128xf32, #tpu.memory_space<vmem>>
    %dma_start3A_462 = tpu.memref_squeeze %dma_start3A_461 : memref<1x8x128xf32, #tpu.memory_space<vmem>> -> memref<8x128xf32, #tpu.memory_space<vmem>>
    %dma_start3A_463 = tpu.memref_slice %arg2[%multiple_of3A_452, %multiple_of3A_445] : memref<1024x100000xf32, #tpu.memory_space<hbm>> -> memref<8x128xf32, #tpu.memory_space<hbm>>
    tpu.enqueue_dma source(%dma_start3A_463 : memref<8x128xf32, #tpu.memory_space<hbm>>) target(%dma_start3A_462 : memref<8x128xf32, #tpu.memory_space<vmem>>) target_semaphore(%arg8 : memref<!tpu.dma_semaphore, #tpu.memory_space<semaphore_mem>>)
    %eq3A_464 = arith.constant 15 : i32
    %eq3A_465 = vector.broadcast %eq3A_464 : i32 to vector<16xi32>
    %eq3A_466 = arith.cmpi eq, %iota3A, %eq3A_465 : vector<16xi32>
    %jit3A_467 = arith.constant 0 : i32
    %broadcast_in_dim3A_468 = vector.broadcast %jit3A_467 : i32 to vector<16xi32>
    %select_n3A_469 = arith.select %eq3A_466, %get3A_1, %broadcast_in_dim3A_468 : vector<16xi1>, vector<16xi32>
    %reduce_sum3A_470 = arith.constant true
    %reduce_sum3A_471 = vector.broadcast %reduce_sum3A_470 : i1 to vector<16xi1>
    %reduce_sum3A_472 = tpu.scan <sum>, %select_n3A_469 masked %reduce_sum3A_471 : vector<16xi32>, vector<16xi1> -> vector<16xi32>
    %reduce_sum3A_473 = vector.extract %reduce_sum3A_472[15] : i32 from vector<16xi32>
    %and3A_474 = arith.constant -128 : i32
    %and3A_475 = arith.andi %reduce_sum3A_473, %and3A_474 : i32
    %multiple_of3A_476 = tpu.assume_multiple %and3A_475, 128 : i32
    %add3A_477 = arith.constant 0 : i32
    %add3A_478 = arith.addi %mul3A_0, %add3A_477 : i32
    %add3A_479 = arith.constant 15 : i32
    %add3A_480 = arith.addi %add3A_478, %add3A_479 : i32
    %and3A_481 = arith.constant -8 : i32
    %and3A_482 = arith.andi %add3A_480, %and3A_481 : i32
    %multiple_of3A_483 = tpu.assume_multiple %and3A_482, 8 : i32
    %dma_start3A_484 = arith.constant 15 : i32
    %dma_start3A_485 = arith.constant 0 : i32
    %dma_start3A_486 = arith.constant 0 : i32
    %dma_start3A_487 = tpu.memref_slice %arg6[%dma_start3A_484, %dma_start3A_485, %dma_start3A_486] : memref<64x8x128xf32, #tpu.memory_space<vmem>> -> memref<1x8x128xf32, #tpu.memory_space<vmem>>
    %dma_start3A_488 = tpu.memref_squeeze %dma_start3A_487 : memref<1x8x128xf32, #tpu.memory_space<vmem>> -> memref<8x128xf32, #tpu.memory_space<vmem>>
    %dma_start3A_489 = tpu.memref_slice %arg2[%multiple_of3A_483, %multiple_of3A_476] : memref<1024x100000xf32, #tpu.memory_space<hbm>> -> memref<8x128xf32, #tpu.memory_space<hbm>>
    %dma_start3A_490 = arith.constant 0 : i32
    %dma_start3A_491 = arith.constant 0 : i32
    %dma_start3A_492 = tpu.memref_slice %arg6[%dma_start3A_484, %dma_start3A_490, %dma_start3A_491] : memref<64x8x128xf32, #tpu.memory_space<vmem>> -> memref<1x8x128xf32, #tpu.memory_space<vmem>>
    %dma_start3A_493 = tpu.memref_squeeze %dma_start3A_492 : memref<1x8x128xf32, #tpu.memory_space<vmem>> -> memref<8x128xf32, #tpu.memory_space<vmem>>
    %dma_start3A_494 = tpu.memref_slice %arg2[%multiple_of3A_483, %multiple_of3A_476] : memref<1024x100000xf32, #tpu.memory_space<hbm>> -> memref<8x128xf32, #tpu.memory_space<hbm>>
    tpu.enqueue_dma source(%dma_start3A_494 : memref<8x128xf32, #tpu.memory_space<hbm>>) target(%dma_start3A_493 : memref<8x128xf32, #tpu.memory_space<vmem>>) target_semaphore(%arg8 : memref<!tpu.dma_semaphore, #tpu.memory_space<semaphore_mem>>)
    %dma_wait3A = arith.constant 0 : i32
    %dma_wait3A_495 = arith.constant 0 : i32
    %dma_wait3A_496 = arith.constant 0 : i32
    %dma_wait3A_497 = tpu.memref_slice %arg6[%dma_wait3A, %dma_wait3A_495, %dma_wait3A_496] : memref<64x8x128xf32, #tpu.memory_space<vmem>> -> memref<1x8x128xf32, #tpu.memory_space<vmem>>
    %dma_wait3A_498 = tpu.memref_squeeze %dma_wait3A_497 : memref<1x8x128xf32, #tpu.memory_space<vmem>> -> memref<8x128xf32, #tpu.memory_space<vmem>>
    %dma_wait3A_499 = tpu.memref_slice %arg2[%multiple_of3A_19, %multiple_of3A] : memref<1024x100000xf32, #tpu.memory_space<hbm>> -> memref<8x128xf32, #tpu.memory_space<hbm>>
    %dma_wait3A_500 = arith.constant 0 : i32
    %dma_wait3A_501 = arith.constant 0 : i32
    %dma_wait3A_502 = tpu.memref_slice %arg6[%dma_wait3A, %dma_wait3A_500, %dma_wait3A_501] : memref<64x8x128xf32, #tpu.memory_space<vmem>> -> memref<1x8x128xf32, #tpu.memory_space<vmem>>
    %dma_wait3A_503 = tpu.memref_squeeze %dma_wait3A_502 : memref<1x8x128xf32, #tpu.memory_space<vmem>> -> memref<8x128xf32, #tpu.memory_space<vmem>>
    %dma_wait3A_504 = tpu.memref_slice %arg2[%multiple_of3A_19, %multiple_of3A] : memref<1024x100000xf32, #tpu.memory_space<hbm>> -> memref<8x128xf32, #tpu.memory_space<hbm>>
    tpu.wait_dma2 semaphore(%arg8 : memref<!tpu.dma_semaphore, #tpu.memory_space<semaphore_mem>>) src(%dma_wait3A_504 : memref<8x128xf32, #tpu.memory_space<hbm>>) dst(%dma_wait3A_503 : memref<8x128xf32, #tpu.memory_space<vmem>>)
    %dma_wait3A_505 = arith.constant 1 : i32
    %dma_wait3A_506 = arith.constant 0 : i32
    %dma_wait3A_507 = arith.constant 0 : i32
    %dma_wait3A_508 = tpu.memref_slice %arg6[%dma_wait3A_505, %dma_wait3A_506, %dma_wait3A_507] : memref<64x8x128xf32, #tpu.memory_space<vmem>> -> memref<1x8x128xf32, #tpu.memory_space<vmem>>
    %dma_wait3A_509 = tpu.memref_squeeze %dma_wait3A_508 : memref<1x8x128xf32, #tpu.memory_space<vmem>> -> memref<8x128xf32, #tpu.memory_space<vmem>>
    %dma_wait3A_510 = tpu.memref_slice %arg2[%multiple_of3A_49, %multiple_of3A_42] : memref<1024x100000xf32, #tpu.memory_space<hbm>> -> memref<8x128xf32, #tpu.memory_space<hbm>>
    %dma_wait3A_511 = arith.constant 0 : i32
    %dma_wait3A_512 = arith.constant 0 : i32
    %dma_wait3A_513 = tpu.memref_slice %arg6[%dma_wait3A_505, %dma_wait3A_511, %dma_wait3A_512] : memref<64x8x128xf32, #tpu.memory_space<vmem>> -> memref<1x8x128xf32, #tpu.memory_space<vmem>>
    %dma_wait3A_514 = tpu.memref_squeeze %dma_wait3A_513 : memref<1x8x128xf32, #tpu.memory_space<vmem>> -> memref<8x128xf32, #tpu.memory_space<vmem>>
    %dma_wait3A_515 = tpu.memref_slice %arg2[%multiple_of3A_49, %multiple_of3A_42] : memref<1024x100000xf32, #tpu.memory_space<hbm>> -> memref<8x128xf32, #tpu.memory_space<hbm>>
    tpu.wait_dma2 semaphore(%arg8 : memref<!tpu.dma_semaphore, #tpu.memory_space<semaphore_mem>>) src(%dma_wait3A_515 : memref<8x128xf32, #tpu.memory_space<hbm>>) dst(%dma_wait3A_514 : memref<8x128xf32, #tpu.memory_space<vmem>>)
    %dma_wait3A_516 = arith.constant 2 : i32
    %dma_wait3A_517 = arith.constant 0 : i32
    %dma_wait3A_518 = arith.constant 0 : i32
    %dma_wait3A_519 = tpu.memref_slice %arg6[%dma_wait3A_516, %dma_wait3A_517, %dma_wait3A_518] : memref<64x8x128xf32, #tpu.memory_space<vmem>> -> memref<1x8x128xf32, #tpu.memory_space<vmem>>
    %dma_wait3A_520 = tpu.memref_squeeze %dma_wait3A_519 : memref<1x8x128xf32, #tpu.memory_space<vmem>> -> memref<8x128xf32, #tpu.memory_space<vmem>>
    %dma_wait3A_521 = tpu.memref_slice %arg2[%multiple_of3A_80, %multiple_of3A_73] : memref<1024x100000xf32, #tpu.memory_space<hbm>> -> memref<8x128xf32, #tpu.memory_space<hbm>>
    %dma_wait3A_522 = arith.constant 0 : i32
    %dma_wait3A_523 = arith.constant 0 : i32
    %dma_wait3A_524 = tpu.memref_slice %arg6[%dma_wait3A_516, %dma_wait3A_522, %dma_wait3A_523] : memref<64x8x128xf32, #tpu.memory_space<vmem>> -> memref<1x8x128xf32, #tpu.memory_space<vmem>>
    %dma_wait3A_525 = tpu.memref_squeeze %dma_wait3A_524 : memref<1x8x128xf32, #tpu.memory_space<vmem>> -> memref<8x128xf32, #tpu.memory_space<vmem>>
    %dma_wait3A_526 = tpu.memref_slice %arg2[%multiple_of3A_80, %multiple_of3A_73] : memref<1024x100000xf32, #tpu.memory_space<hbm>> -> memref<8x128xf32, #tpu.memory_space<hbm>>
    tpu.wait_dma2 semaphore(%arg8 : memref<!tpu.dma_semaphore, #tpu.memory_space<semaphore_mem>>) src(%dma_wait3A_526 : memref<8x128xf32, #tpu.memory_space<hbm>>) dst(%dma_wait3A_525 : memref<8x128xf32, #tpu.memory_space<vmem>>)
    %dma_wait3A_527 = arith.constant 3 : i32
    %dma_wait3A_528 = arith.constant 0 : i32
    %dma_wait3A_529 = arith.constant 0 : i32
    %dma_wait3A_530 = tpu.memref_slice %arg6[%dma_wait3A_527, %dma_wait3A_528, %dma_wait3A_529] : memref<64x8x128xf32, #tpu.memory_space<vmem>> -> memref<1x8x128xf32, #tpu.memory_space<vmem>>
    %dma_wait3A_531 = tpu.memref_squeeze %dma_wait3A_530 : memref<1x8x128xf32, #tpu.memory_space<vmem>> -> memref<8x128xf32, #tpu.memory_space<vmem>>
    %dma_wait3A_532 = tpu.memref_slice %arg2[%multiple_of3A_111, %multiple_of3A_104] : memref<1024x100000xf32, #tpu.memory_space<hbm>> -> memref<8x128xf32, #tpu.memory_space<hbm>>
    %dma_wait3A_533 = arith.constant 0 : i32
    %dma_wait3A_534 = arith.constant 0 : i32
    %dma_wait3A_535 = tpu.memref_slice %arg6[%dma_wait3A_527, %dma_wait3A_533, %dma_wait3A_534] : memref<64x8x128xf32, #tpu.memory_space<vmem>> -> memref<1x8x128xf32, #tpu.memory_space<vmem>>
    %dma_wait3A_536 = tpu.memref_squeeze %dma_wait3A_535 : memref<1x8x128xf32, #tpu.memory_space<vmem>> -> memref<8x128xf32, #tpu.memory_space<vmem>>
    %dma_wait3A_537 = tpu.memref_slice %arg2[%multiple_of3A_111, %multiple_of3A_104] : memref<1024x100000xf32, #tpu.memory_space<hbm>> -> memref<8x128xf32, #tpu.memory_space<hbm>>
    tpu.wait_dma2 semaphore(%arg8 : memref<!tpu.dma_semaphore, #tpu.memory_space<semaphore_mem>>) src(%dma_wait3A_537 : memref<8x128xf32, #tpu.memory_space<hbm>>) dst(%dma_wait3A_536 : memref<8x128xf32, #tpu.memory_space<vmem>>)
    %dma_wait3A_538 = arith.constant 4 : i32
    %dma_wait3A_539 = arith.constant 0 : i32
    %dma_wait3A_540 = arith.constant 0 : i32
    %dma_wait3A_541 = tpu.memref_slice %arg6[%dma_wait3A_538, %dma_wait3A_539, %dma_wait3A_540] : memref<64x8x128xf32, #tpu.memory_space<vmem>> -> memref<1x8x128xf32, #tpu.memory_space<vmem>>
    %dma_wait3A_542 = tpu.memref_squeeze %dma_wait3A_541 : memref<1x8x128xf32, #tpu.memory_space<vmem>> -> memref<8x128xf32, #tpu.memory_space<vmem>>
    %dma_wait3A_543 = tpu.memref_slice %arg2[%multiple_of3A_142, %multiple_of3A_135] : memref<1024x100000xf32, #tpu.memory_space<hbm>> -> memref<8x128xf32, #tpu.memory_space<hbm>>
    %dma_wait3A_544 = arith.constant 0 : i32
    %dma_wait3A_545 = arith.constant 0 : i32
    %dma_wait3A_546 = tpu.memref_slice %arg6[%dma_wait3A_538, %dma_wait3A_544, %dma_wait3A_545] : memref<64x8x128xf32, #tpu.memory_space<vmem>> -> memref<1x8x128xf32, #tpu.memory_space<vmem>>
    %dma_wait3A_547 = tpu.memref_squeeze %dma_wait3A_546 : memref<1x8x128xf32, #tpu.memory_space<vmem>> -> memref<8x128xf32, #tpu.memory_space<vmem>>
    %dma_wait3A_548 = tpu.memref_slice %arg2[%multiple_of3A_142, %multiple_of3A_135] : memref<1024x100000xf32, #tpu.memory_space<hbm>> -> memref<8x128xf32, #tpu.memory_space<hbm>>
    tpu.wait_dma2 semaphore(%arg8 : memref<!tpu.dma_semaphore, #tpu.memory_space<semaphore_mem>>) src(%dma_wait3A_548 : memref<8x128xf32, #tpu.memory_space<hbm>>) dst(%dma_wait3A_547 : memref<8x128xf32, #tpu.memory_space<vmem>>)
    %dma_wait3A_549 = arith.constant 5 : i32
    %dma_wait3A_550 = arith.constant 0 : i32
    %dma_wait3A_551 = arith.constant 0 : i32
    %dma_wait3A_552 = tpu.memref_slice %arg6[%dma_wait3A_549, %dma_wait3A_550, %dma_wait3A_551] : memref<64x8x128xf32, #tpu.memory_space<vmem>> -> memref<1x8x128xf32, #tpu.memory_space<vmem>>
    %dma_wait3A_553 = tpu.memref_squeeze %dma_wait3A_552 : memref<1x8x128xf32, #tpu.memory_space<vmem>> -> memref<8x128xf32, #tpu.memory_space<vmem>>
    %dma_wait3A_554 = tpu.memref_slice %arg2[%multiple_of3A_173, %multiple_of3A_166] : memref<1024x100000xf32, #tpu.memory_space<hbm>> -> memref<8x128xf32, #tpu.memory_space<hbm>>
    %dma_wait3A_555 = arith.constant 0 : i32
    %dma_wait3A_556 = arith.constant 0 : i32
    %dma_wait3A_557 = tpu.memref_slice %arg6[%dma_wait3A_549, %dma_wait3A_555, %dma_wait3A_556] : memref<64x8x128xf32, #tpu.memory_space<vmem>> -> memref<1x8x128xf32, #tpu.memory_space<vmem>>
    %dma_wait3A_558 = tpu.memref_squeeze %dma_wait3A_557 : memref<1x8x128xf32, #tpu.memory_space<vmem>> -> memref<8x128xf32, #tpu.memory_space<vmem>>
    %dma_wait3A_559 = tpu.memref_slice %arg2[%multiple_of3A_173, %multiple_of3A_166] : memref<1024x100000xf32, #tpu.memory_space<hbm>> -> memref<8x128xf32, #tpu.memory_space<hbm>>
    tpu.wait_dma2 semaphore(%arg8 : memref<!tpu.dma_semaphore, #tpu.memory_space<semaphore_mem>>) src(%dma_wait3A_559 : memref<8x128xf32, #tpu.memory_space<hbm>>) dst(%dma_wait3A_558 : memref<8x128xf32, #tpu.memory_space<vmem>>)
    %dma_wait3A_560 = arith.constant 6 : i32
    %dma_wait3A_561 = arith.constant 0 : i32
    %dma_wait3A_562 = arith.constant 0 : i32
    %dma_wait3A_563 = tpu.memref_slice %arg6[%dma_wait3A_560, %dma_wait3A_561, %dma_wait3A_562] : memref<64x8x128xf32, #tpu.memory_space<vmem>> -> memref<1x8x128xf32, #tpu.memory_space<vmem>>
    %dma_wait3A_564 = tpu.memref_squeeze %dma_wait3A_563 : memref<1x8x128xf32, #tpu.memory_space<vmem>> -> memref<8x128xf32, #tpu.memory_space<vmem>>
    %dma_wait3A_565 = tpu.memref_slice %arg2[%multiple_of3A_204, %multiple_of3A_197] : memref<1024x100000xf32, #tpu.memory_space<hbm>> -> memref<8x128xf32, #tpu.memory_space<hbm>>
    %dma_wait3A_566 = arith.constant 0 : i32
    %dma_wait3A_567 = arith.constant 0 : i32
    %dma_wait3A_568 = tpu.memref_slice %arg6[%dma_wait3A_560, %dma_wait3A_566, %dma_wait3A_567] : memref<64x8x128xf32, #tpu.memory_space<vmem>> -> memref<1x8x128xf32, #tpu.memory_space<vmem>>
    %dma_wait3A_569 = tpu.memref_squeeze %dma_wait3A_568 : memref<1x8x128xf32, #tpu.memory_space<vmem>> -> memref<8x128xf32, #tpu.memory_space<vmem>>
    %dma_wait3A_570 = tpu.memref_slice %arg2[%multiple_of3A_204, %multiple_of3A_197] : memref<1024x100000xf32, #tpu.memory_space<hbm>> -> memref<8x128xf32, #tpu.memory_space<hbm>>
    tpu.wait_dma2 semaphore(%arg8 : memref<!tpu.dma_semaphore, #tpu.memory_space<semaphore_mem>>) src(%dma_wait3A_570 : memref<8x128xf32, #tpu.memory_space<hbm>>) dst(%dma_wait3A_569 : memref<8x128xf32, #tpu.memory_space<vmem>>)
    %dma_wait3A_571 = arith.constant 7 : i32
    %dma_wait3A_572 = arith.constant 0 : i32
    %dma_wait3A_573 = arith.constant 0 : i32
    %dma_wait3A_574 = tpu.memref_slice %arg6[%dma_wait3A_571, %dma_wait3A_572, %dma_wait3A_573] : memref<64x8x128xf32, #tpu.memory_space<vmem>> -> memref<1x8x128xf32, #tpu.memory_space<vmem>>
    %dma_wait3A_575 = tpu.memref_squeeze %dma_wait3A_574 : memref<1x8x128xf32, #tpu.memory_space<vmem>> -> memref<8x128xf32, #tpu.memory_space<vmem>>
    %dma_wait3A_576 = tpu.memref_slice %arg2[%multiple_of3A_235, %multiple_of3A_228] : memref<1024x100000xf32, #tpu.memory_space<hbm>> -> memref<8x128xf32, #tpu.memory_space<hbm>>
    %dma_wait3A_577 = arith.constant 0 : i32
    %dma_wait3A_578 = arith.constant 0 : i32
    %dma_wait3A_579 = tpu.memref_slice %arg6[%dma_wait3A_571, %dma_wait3A_577, %dma_wait3A_578] : memref<64x8x128xf32, #tpu.memory_space<vmem>> -> memref<1x8x128xf32, #tpu.memory_space<vmem>>
    %dma_wait3A_580 = tpu.memref_squeeze %dma_wait3A_579 : memref<1x8x128xf32, #tpu.memory_space<vmem>> -> memref<8x128xf32, #tpu.memory_space<vmem>>
    %dma_wait3A_581 = tpu.memref_slice %arg2[%multiple_of3A_235, %multiple_of3A_228] : memref<1024x100000xf32, #tpu.memory_space<hbm>> -> memref<8x128xf32, #tpu.memory_space<hbm>>
    tpu.wait_dma2 semaphore(%arg8 : memref<!tpu.dma_semaphore, #tpu.memory_space<semaphore_mem>>) src(%dma_wait3A_581 : memref<8x128xf32, #tpu.memory_space<hbm>>) dst(%dma_wait3A_580 : memref<8x128xf32, #tpu.memory_space<vmem>>)
    %dma_wait3A_582 = arith.constant 8 : i32
    %dma_wait3A_583 = arith.constant 0 : i32
    %dma_wait3A_584 = arith.constant 0 : i32
    %dma_wait3A_585 = tpu.memref_slice %arg6[%dma_wait3A_582, %dma_wait3A_583, %dma_wait3A_584] : memref<64x8x128xf32, #tpu.memory_space<vmem>> -> memref<1x8x128xf32, #tpu.memory_space<vmem>>
    %dma_wait3A_586 = tpu.memref_squeeze %dma_wait3A_585 : memref<1x8x128xf32, #tpu.memory_space<vmem>> -> memref<8x128xf32, #tpu.memory_space<vmem>>
    %dma_wait3A_587 = tpu.memref_slice %arg2[%multiple_of3A_266, %multiple_of3A_259] : memref<1024x100000xf32, #tpu.memory_space<hbm>> -> memref<8x128xf32, #tpu.memory_space<hbm>>
    %dma_wait3A_588 = arith.constant 0 : i32
    %dma_wait3A_589 = arith.constant 0 : i32
    %dma_wait3A_590 = tpu.memref_slice %arg6[%dma_wait3A_582, %dma_wait3A_588, %dma_wait3A_589] : memref<64x8x128xf32, #tpu.memory_space<vmem>> -> memref<1x8x128xf32, #tpu.memory_space<vmem>>
    %dma_wait3A_591 = tpu.memref_squeeze %dma_wait3A_590 : memref<1x8x128xf32, #tpu.memory_space<vmem>> -> memref<8x128xf32, #tpu.memory_space<vmem>>
    %dma_wait3A_592 = tpu.memref_slice %arg2[%multiple_of3A_266, %multiple_of3A_259] : memref<1024x100000xf32, #tpu.memory_space<hbm>> -> memref<8x128xf32, #tpu.memory_space<hbm>>
    tpu.wait_dma2 semaphore(%arg8 : memref<!tpu.dma_semaphore, #tpu.memory_space<semaphore_mem>>) src(%dma_wait3A_592 : memref<8x128xf32, #tpu.memory_space<hbm>>) dst(%dma_wait3A_591 : memref<8x128xf32, #tpu.memory_space<vmem>>)
    %dma_wait3A_593 = arith.constant 9 : i32
    %dma_wait3A_594 = arith.constant 0 : i32
    %dma_wait3A_595 = arith.constant 0 : i32
    %dma_wait3A_596 = tpu.memref_slice %arg6[%dma_wait3A_593, %dma_wait3A_594, %dma_wait3A_595] : memref<64x8x128xf32, #tpu.memory_space<vmem>> -> memref<1x8x128xf32, #tpu.memory_space<vmem>>
    %dma_wait3A_597 = tpu.memref_squeeze %dma_wait3A_596 : memref<1x8x128xf32, #tpu.memory_space<vmem>> -> memref<8x128xf32, #tpu.memory_space<vmem>>
    %dma_wait3A_598 = tpu.memref_slice %arg2[%multiple_of3A_297, %multiple_of3A_290] : memref<1024x100000xf32, #tpu.memory_space<hbm>> -> memref<8x128xf32, #tpu.memory_space<hbm>>
    %dma_wait3A_599 = arith.constant 0 : i32
    %dma_wait3A_600 = arith.constant 0 : i32
    %dma_wait3A_601 = tpu.memref_slice %arg6[%dma_wait3A_593, %dma_wait3A_599, %dma_wait3A_600] : memref<64x8x128xf32, #tpu.memory_space<vmem>> -> memref<1x8x128xf32, #tpu.memory_space<vmem>>
    %dma_wait3A_602 = tpu.memref_squeeze %dma_wait3A_601 : memref<1x8x128xf32, #tpu.memory_space<vmem>> -> memref<8x128xf32, #tpu.memory_space<vmem>>
    %dma_wait3A_603 = tpu.memref_slice %arg2[%multiple_of3A_297, %multiple_of3A_290] : memref<1024x100000xf32, #tpu.memory_space<hbm>> -> memref<8x128xf32, #tpu.memory_space<hbm>>
    tpu.wait_dma2 semaphore(%arg8 : memref<!tpu.dma_semaphore, #tpu.memory_space<semaphore_mem>>) src(%dma_wait3A_603 : memref<8x128xf32, #tpu.memory_space<hbm>>) dst(%dma_wait3A_602 : memref<8x128xf32, #tpu.memory_space<vmem>>)
    %dma_wait3A_604 = arith.constant 10 : i32
    %dma_wait3A_605 = arith.constant 0 : i32
    %dma_wait3A_606 = arith.constant 0 : i32
    %dma_wait3A_607 = tpu.memref_slice %arg6[%dma_wait3A_604, %dma_wait3A_605, %dma_wait3A_606] : memref<64x8x128xf32, #tpu.memory_space<vmem>> -> memref<1x8x128xf32, #tpu.memory_space<vmem>>
    %dma_wait3A_608 = tpu.memref_squeeze %dma_wait3A_607 : memref<1x8x128xf32, #tpu.memory_space<vmem>> -> memref<8x128xf32, #tpu.memory_space<vmem>>
    %dma_wait3A_609 = tpu.memref_slice %arg2[%multiple_of3A_328, %multiple_of3A_321] : memref<1024x100000xf32, #tpu.memory_space<hbm>> -> memref<8x128xf32, #tpu.memory_space<hbm>>
    %dma_wait3A_610 = arith.constant 0 : i32
    %dma_wait3A_611 = arith.constant 0 : i32
    %dma_wait3A_612 = tpu.memref_slice %arg6[%dma_wait3A_604, %dma_wait3A_610, %dma_wait3A_611] : memref<64x8x128xf32, #tpu.memory_space<vmem>> -> memref<1x8x128xf32, #tpu.memory_space<vmem>>
    %dma_wait3A_613 = tpu.memref_squeeze %dma_wait3A_612 : memref<1x8x128xf32, #tpu.memory_space<vmem>> -> memref<8x128xf32, #tpu.memory_space<vmem>>
    %dma_wait3A_614 = tpu.memref_slice %arg2[%multiple_of3A_328, %multiple_of3A_321] : memref<1024x100000xf32, #tpu.memory_space<hbm>> -> memref<8x128xf32, #tpu.memory_space<hbm>>
    tpu.wait_dma2 semaphore(%arg8 : memref<!tpu.dma_semaphore, #tpu.memory_space<semaphore_mem>>) src(%dma_wait3A_614 : memref<8x128xf32, #tpu.memory_space<hbm>>) dst(%dma_wait3A_613 : memref<8x128xf32, #tpu.memory_space<vmem>>)
    %dma_wait3A_615 = arith.constant 11 : i32
    %dma_wait3A_616 = arith.constant 0 : i32
    %dma_wait3A_617 = arith.constant 0 : i32
    %dma_wait3A_618 = tpu.memref_slice %arg6[%dma_wait3A_615, %dma_wait3A_616, %dma_wait3A_617] : memref<64x8x128xf32, #tpu.memory_space<vmem>> -> memref<1x8x128xf32, #tpu.memory_space<vmem>>
    %dma_wait3A_619 = tpu.memref_squeeze %dma_wait3A_618 : memref<1x8x128xf32, #tpu.memory_space<vmem>> -> memref<8x128xf32, #tpu.memory_space<vmem>>
    %dma_wait3A_620 = tpu.memref_slice %arg2[%multiple_of3A_359, %multiple_of3A_352] : memref<1024x100000xf32, #tpu.memory_space<hbm>> -> memref<8x128xf32, #tpu.memory_space<hbm>>
    %dma_wait3A_621 = arith.constant 0 : i32
    %dma_wait3A_622 = arith.constant 0 : i32
    %dma_wait3A_623 = tpu.memref_slice %arg6[%dma_wait3A_615, %dma_wait3A_621, %dma_wait3A_622] : memref<64x8x128xf32, #tpu.memory_space<vmem>> -> memref<1x8x128xf32, #tpu.memory_space<vmem>>
    %dma_wait3A_624 = tpu.memref_squeeze %dma_wait3A_623 : memref<1x8x128xf32, #tpu.memory_space<vmem>> -> memref<8x128xf32, #tpu.memory_space<vmem>>
    %dma_wait3A_625 = tpu.memref_slice %arg2[%multiple_of3A_359, %multiple_of3A_352] : memref<1024x100000xf32, #tpu.memory_space<hbm>> -> memref<8x128xf32, #tpu.memory_space<hbm>>
    tpu.wait_dma2 semaphore(%arg8 : memref<!tpu.dma_semaphore, #tpu.memory_space<semaphore_mem>>) src(%dma_wait3A_625 : memref<8x128xf32, #tpu.memory_space<hbm>>) dst(%dma_wait3A_624 : memref<8x128xf32, #tpu.memory_space<vmem>>)
    %dma_wait3A_626 = arith.constant 12 : i32
    %dma_wait3A_627 = arith.constant 0 : i32
    %dma_wait3A_628 = arith.constant 0 : i32
    %dma_wait3A_629 = tpu.memref_slice %arg6[%dma_wait3A_626, %dma_wait3A_627, %dma_wait3A_628] : memref<64x8x128xf32, #tpu.memory_space<vmem>> -> memref<1x8x128xf32, #tpu.memory_space<vmem>>
    %dma_wait3A_630 = tpu.memref_squeeze %dma_wait3A_629 : memref<1x8x128xf32, #tpu.memory_space<vmem>> -> memref<8x128xf32, #tpu.memory_space<vmem>>
    %dma_wait3A_631 = tpu.memref_slice %arg2[%multiple_of3A_390, %multiple_of3A_383] : memref<1024x100000xf32, #tpu.memory_space<hbm>> -> memref<8x128xf32, #tpu.memory_space<hbm>>
    %dma_wait3A_632 = arith.constant 0 : i32
    %dma_wait3A_633 = arith.constant 0 : i32
    %dma_wait3A_634 = tpu.memref_slice %arg6[%dma_wait3A_626, %dma_wait3A_632, %dma_wait3A_633] : memref<64x8x128xf32, #tpu.memory_space<vmem>> -> memref<1x8x128xf32, #tpu.memory_space<vmem>>
    %dma_wait3A_635 = tpu.memref_squeeze %dma_wait3A_634 : memref<1x8x128xf32, #tpu.memory_space<vmem>> -> memref<8x128xf32, #tpu.memory_space<vmem>>
    %dma_wait3A_636 = tpu.memref_slice %arg2[%multiple_of3A_390, %multiple_of3A_383] : memref<1024x100000xf32, #tpu.memory_space<hbm>> -> memref<8x128xf32, #tpu.memory_space<hbm>>
    tpu.wait_dma2 semaphore(%arg8 : memref<!tpu.dma_semaphore, #tpu.memory_space<semaphore_mem>>) src(%dma_wait3A_636 : memref<8x128xf32, #tpu.memory_space<hbm>>) dst(%dma_wait3A_635 : memref<8x128xf32, #tpu.memory_space<vmem>>)
    %dma_wait3A_637 = arith.constant 13 : i32
    %dma_wait3A_638 = arith.constant 0 : i32
    %dma_wait3A_639 = arith.constant 0 : i32
    %dma_wait3A_640 = tpu.memref_slice %arg6[%dma_wait3A_637, %dma_wait3A_638, %dma_wait3A_639] : memref<64x8x128xf32, #tpu.memory_space<vmem>> -> memref<1x8x128xf32, #tpu.memory_space<vmem>>
    %dma_wait3A_641 = tpu.memref_squeeze %dma_wait3A_640 : memref<1x8x128xf32, #tpu.memory_space<vmem>> -> memref<8x128xf32, #tpu.memory_space<vmem>>
    %dma_wait3A_642 = tpu.memref_slice %arg2[%multiple_of3A_421, %multiple_of3A_414] : memref<1024x100000xf32, #tpu.memory_space<hbm>> -> memref<8x128xf32, #tpu.memory_space<hbm>>
    %dma_wait3A_643 = arith.constant 0 : i32
    %dma_wait3A_644 = arith.constant 0 : i32
    %dma_wait3A_645 = tpu.memref_slice %arg6[%dma_wait3A_637, %dma_wait3A_643, %dma_wait3A_644] : memref<64x8x128xf32, #tpu.memory_space<vmem>> -> memref<1x8x128xf32, #tpu.memory_space<vmem>>
    %dma_wait3A_646 = tpu.memref_squeeze %dma_wait3A_645 : memref<1x8x128xf32, #tpu.memory_space<vmem>> -> memref<8x128xf32, #tpu.memory_space<vmem>>
    %dma_wait3A_647 = tpu.memref_slice %arg2[%multiple_of3A_421, %multiple_of3A_414] : memref<1024x100000xf32, #tpu.memory_space<hbm>> -> memref<8x128xf32, #tpu.memory_space<hbm>>
    tpu.wait_dma2 semaphore(%arg8 : memref<!tpu.dma_semaphore, #tpu.memory_space<semaphore_mem>>) src(%dma_wait3A_647 : memref<8x128xf32, #tpu.memory_space<hbm>>) dst(%dma_wait3A_646 : memref<8x128xf32, #tpu.memory_space<vmem>>)
    %dma_wait3A_648 = arith.constant 14 : i32
    %dma_wait3A_649 = arith.constant 0 : i32
    %dma_wait3A_650 = arith.constant 0 : i32
    %dma_wait3A_651 = tpu.memref_slice %arg6[%dma_wait3A_648, %dma_wait3A_649, %dma_wait3A_650] : memref<64x8x128xf32, #tpu.memory_space<vmem>> -> memref<1x8x128xf32, #tpu.memory_space<vmem>>
    %dma_wait3A_652 = tpu.memref_squeeze %dma_wait3A_651 : memref<1x8x128xf32, #tpu.memory_space<vmem>> -> memref<8x128xf32, #tpu.memory_space<vmem>>
    %dma_wait3A_653 = tpu.memref_slice %arg2[%multiple_of3A_452, %multiple_of3A_445] : memref<1024x100000xf32, #tpu.memory_space<hbm>> -> memref<8x128xf32, #tpu.memory_space<hbm>>
    %dma_wait3A_654 = arith.constant 0 : i32
    %dma_wait3A_655 = arith.constant 0 : i32
    %dma_wait3A_656 = tpu.memref_slice %arg6[%dma_wait3A_648, %dma_wait3A_654, %dma_wait3A_655] : memref<64x8x128xf32, #tpu.memory_space<vmem>> -> memref<1x8x128xf32, #tpu.memory_space<vmem>>
    %dma_wait3A_657 = tpu.memref_squeeze %dma_wait3A_656 : memref<1x8x128xf32, #tpu.memory_space<vmem>> -> memref<8x128xf32, #tpu.memory_space<vmem>>
    %dma_wait3A_658 = tpu.memref_slice %arg2[%multiple_of3A_452, %multiple_of3A_445] : memref<1024x100000xf32, #tpu.memory_space<hbm>> -> memref<8x128xf32, #tpu.memory_space<hbm>>
    tpu.wait_dma2 semaphore(%arg8 : memref<!tpu.dma_semaphore, #tpu.memory_space<semaphore_mem>>) src(%dma_wait3A_658 : memref<8x128xf32, #tpu.memory_space<hbm>>) dst(%dma_wait3A_657 : memref<8x128xf32, #tpu.memory_space<vmem>>)
    %dma_wait3A_659 = arith.constant 15 : i32
    %dma_wait3A_660 = arith.constant 0 : i32
    %dma_wait3A_661 = arith.constant 0 : i32
    %dma_wait3A_662 = tpu.memref_slice %arg6[%dma_wait3A_659, %dma_wait3A_660, %dma_wait3A_661] : memref<64x8x128xf32, #tpu.memory_space<vmem>> -> memref<1x8x128xf32, #tpu.memory_space<vmem>>
    %dma_wait3A_663 = tpu.memref_squeeze %dma_wait3A_662 : memref<1x8x128xf32, #tpu.memory_space<vmem>> -> memref<8x128xf32, #tpu.memory_space<vmem>>
    %dma_wait3A_664 = tpu.memref_slice %arg2[%multiple_of3A_483, %multiple_of3A_476] : memref<1024x100000xf32, #tpu.memory_space<hbm>> -> memref<8x128xf32, #tpu.memory_space<hbm>>
    %dma_wait3A_665 = arith.constant 0 : i32
    %dma_wait3A_666 = arith.constant 0 : i32
    %dma_wait3A_667 = tpu.memref_slice %arg6[%dma_wait3A_659, %dma_wait3A_665, %dma_wait3A_666] : memref<64x8x128xf32, #tpu.memory_space<vmem>> -> memref<1x8x128xf32, #tpu.memory_space<vmem>>
    %dma_wait3A_668 = tpu.memref_squeeze %dma_wait3A_667 : memref<1x8x128xf32, #tpu.memory_space<vmem>> -> memref<8x128xf32, #tpu.memory_space<vmem>>
    %dma_wait3A_669 = tpu.memref_slice %arg2[%multiple_of3A_483, %multiple_of3A_476] : memref<1024x100000xf32, #tpu.memory_space<hbm>> -> memref<8x128xf32, #tpu.memory_space<hbm>>
    tpu.wait_dma2 semaphore(%arg8 : memref<!tpu.dma_semaphore, #tpu.memory_space<semaphore_mem>>) src(%dma_wait3A_669 : memref<8x128xf32, #tpu.memory_space<hbm>>) dst(%dma_wait3A_668 : memref<8x128xf32, #tpu.memory_space<vmem>>)
    %eq3A_670 = arith.constant 0 : i32
    %eq3A_671 = vector.broadcast %eq3A_670 : i32 to vector<16xi32>
    %eq3A_672 = arith.cmpi eq, %iota3A, %eq3A_671 : vector<16xi32>
    %jit3A_673 = arith.constant 0 : i32
    %broadcast_in_dim3A_674 = vector.broadcast %jit3A_673 : i32 to vector<16xi32>
    %select_n3A_675 = arith.select %eq3A_672, %get3A_3, %broadcast_in_dim3A_674 : vector<16xi1>, vector<16xi32>
    %reduce_sum3A_676 = arith.constant true
    %reduce_sum3A_677 = vector.broadcast %reduce_sum3A_676 : i1 to vector<16xi1>
    %reduce_sum3A_678 = tpu.scan <sum>, %select_n3A_675 masked %reduce_sum3A_677 : vector<16xi32>, vector<16xi1> -> vector<16xi32>
    %reduce_sum3A_679 = vector.extract %reduce_sum3A_678[15] : i32 from vector<16xi32>
    %and3A_680 = arith.constant -128 : i32
    %and3A_681 = arith.andi %reduce_sum3A_679, %and3A_680 : i32
    %multiple_of3A_682 = tpu.assume_multiple %and3A_681, 128 : i32
    %add3A_683 = arith.constant 16 : i32
    %add3A_684 = arith.addi %mul3A_0, %add3A_683 : i32
    %add3A_685 = arith.constant 0 : i32
    %add3A_686 = arith.addi %add3A_684, %add3A_685 : i32
    %and3A_687 = arith.constant -8 : i32
    %and3A_688 = arith.andi %add3A_686, %and3A_687 : i32
    %multiple_of3A_689 = tpu.assume_multiple %and3A_688, 8 : i32
    %dma_start3A_690 = arith.constant 16 : i32
    %dma_start3A_691 = arith.constant 0 : i32
    %dma_start3A_692 = arith.constant 0 : i32
    %dma_start3A_693 = tpu.memref_slice %arg6[%dma_start3A_690, %dma_start3A_691, %dma_start3A_692] : memref<64x8x128xf32, #tpu.memory_space<vmem>> -> memref<1x8x128xf32, #tpu.memory_space<vmem>>
    %dma_start3A_694 = tpu.memref_squeeze %dma_start3A_693 : memref<1x8x128xf32, #tpu.memory_space<vmem>> -> memref<8x128xf32, #tpu.memory_space<vmem>>
    %dma_start3A_695 = tpu.memref_slice %arg2[%multiple_of3A_689, %multiple_of3A_682] : memref<1024x100000xf32, #tpu.memory_space<hbm>> -> memref<8x128xf32, #tpu.memory_space<hbm>>
    %dma_start3A_696 = arith.constant 0 : i32
    %dma_start3A_697 = arith.constant 0 : i32
    %dma_start3A_698 = tpu.memref_slice %arg6[%dma_start3A_690, %dma_start3A_696, %dma_start3A_697] : memref<64x8x128xf32, #tpu.memory_space<vmem>> -> memref<1x8x128xf32, #tpu.memory_space<vmem>>
    %dma_start3A_699 = tpu.memref_squeeze %dma_start3A_698 : memref<1x8x128xf32, #tpu.memory_space<vmem>> -> memref<8x128xf32, #tpu.memory_space<vmem>>
    %dma_start3A_700 = tpu.memref_slice %arg2[%multiple_of3A_689, %multiple_of3A_682] : memref<1024x100000xf32, #tpu.memory_space<hbm>> -> memref<8x128xf32, #tpu.memory_space<hbm>>
    tpu.enqueue_dma source(%dma_start3A_700 : memref<8x128xf32, #tpu.memory_space<hbm>>) target(%dma_start3A_699 : memref<8x128xf32, #tpu.memory_space<vmem>>) target_semaphore(%arg8 : memref<!tpu.dma_semaphore, #tpu.memory_space<semaphore_mem>>)
    %eq3A_701 = arith.constant 1 : i32
    %eq3A_702 = vector.broadcast %eq3A_701 : i32 to vector<16xi32>
    %eq3A_703 = arith.cmpi eq, %iota3A, %eq3A_702 : vector<16xi32>
    %jit3A_704 = arith.constant 0 : i32
    %broadcast_in_dim3A_705 = vector.broadcast %jit3A_704 : i32 to vector<16xi32>
    %select_n3A_706 = arith.select %eq3A_703, %get3A_3, %broadcast_in_dim3A_705 : vector<16xi1>, vector<16xi32>
    %reduce_sum3A_707 = arith.constant true
    %reduce_sum3A_708 = vector.broadcast %reduce_sum3A_707 : i1 to vector<16xi1>
    %reduce_sum3A_709 = tpu.scan <sum>, %select_n3A_706 masked %reduce_sum3A_708 : vector<16xi32>, vector<16xi1> -> vector<16xi32>
    %reduce_sum3A_710 = vector.extract %reduce_sum3A_709[15] : i32 from vector<16xi32>
    %and3A_711 = arith.constant -128 : i32
    %and3A_712 = arith.andi %reduce_sum3A_710, %and3A_711 : i32
    %multiple_of3A_713 = tpu.assume_multiple %and3A_712, 128 : i32
    %add3A_714 = arith.constant 16 : i32
    %add3A_715 = arith.addi %mul3A_0, %add3A_714 : i32
    %add3A_716 = arith.constant 1 : i32
    %add3A_717 = arith.addi %add3A_715, %add3A_716 : i32
    %and3A_718 = arith.constant -8 : i32
    %and3A_719 = arith.andi %add3A_717, %and3A_718 : i32
    %multiple_of3A_720 = tpu.assume_multiple %and3A_719, 8 : i32
    %dma_start3A_721 = arith.constant 17 : i32
    %dma_start3A_722 = arith.constant 0 : i32
    %dma_start3A_723 = arith.constant 0 : i32
    %dma_start3A_724 = tpu.memref_slice %arg6[%dma_start3A_721, %dma_start3A_722, %dma_start3A_723] : memref<64x8x128xf32, #tpu.memory_space<vmem>> -> memref<1x8x128xf32, #tpu.memory_space<vmem>>
    %dma_start3A_725 = tpu.memref_squeeze %dma_start3A_724 : memref<1x8x128xf32, #tpu.memory_space<vmem>> -> memref<8x128xf32, #tpu.memory_space<vmem>>
    %dma_start3A_726 = tpu.memref_slice %arg2[%multiple_of3A_720, %multiple_of3A_713] : memref<1024x100000xf32, #tpu.memory_space<hbm>> -> memref<8x128xf32, #tpu.memory_space<hbm>>
    %dma_start3A_727 = arith.constant 0 : i32
    %dma_start3A_728 = arith.constant 0 : i32
    %dma_start3A_729 = tpu.memref_slice %arg6[%dma_start3A_721, %dma_start3A_727, %dma_start3A_728] : memref<64x8x128xf32, #tpu.memory_space<vmem>> -> memref<1x8x128xf32, #tpu.memory_space<vmem>>
    %dma_start3A_730 = tpu.memref_squeeze %dma_start3A_729 : memref<1x8x128xf32, #tpu.memory_space<vmem>> -> memref<8x128xf32, #tpu.memory_space<vmem>>
    %dma_start3A_731 = tpu.memref_slice %arg2[%multiple_of3A_720, %multiple_of3A_713] : memref<1024x100000xf32, #tpu.memory_space<hbm>> -> memref<8x128xf32, #tpu.memory_space<hbm>>
    tpu.enqueue_dma source(%dma_start3A_731 : memref<8x128xf32, #tpu.memory_space<hbm>>) target(%dma_start3A_730 : memref<8x128xf32, #tpu.memory_space<vmem>>) target_semaphore(%arg8 : memref<!tpu.dma_semaphore, #tpu.memory_space<semaphore_mem>>)
    %eq3A_732 = arith.constant 2 : i32
    %eq3A_733 = vector.broadcast %eq3A_732 : i32 to vector<16xi32>
    %eq3A_734 = arith.cmpi eq, %iota3A, %eq3A_733 : vector<16xi32>
    %jit3A_735 = arith.constant 0 : i32
    %broadcast_in_dim3A_736 = vector.broadcast %jit3A_735 : i32 to vector<16xi32>
    %select_n3A_737 = arith.select %eq3A_734, %get3A_3, %broadcast_in_dim3A_736 : vector<16xi1>, vector<16xi32>
    %reduce_sum3A_738 = arith.constant true
    %reduce_sum3A_739 = vector.broadcast %reduce_sum3A_738 : i1 to vector<16xi1>
    %reduce_sum3A_740 = tpu.scan <sum>, %select_n3A_737 masked %reduce_sum3A_739 : vector<16xi32>, vector<16xi1> -> vector<16xi32>
    %reduce_sum3A_741 = vector.extract %reduce_sum3A_740[15] : i32 from vector<16xi32>
    %and3A_742 = arith.constant -128 : i32
    %and3A_743 = arith.andi %reduce_sum3A_741, %and3A_742 : i32
    %multiple_of3A_744 = tpu.assume_multiple %and3A_743, 128 : i32
    %add3A_745 = arith.constant 16 : i32
    %add3A_746 = arith.addi %mul3A_0, %add3A_745 : i32
    %add3A_747 = arith.constant 2 : i32
    %add3A_748 = arith.addi %add3A_746, %add3A_747 : i32
    %and3A_749 = arith.constant -8 : i32
    %and3A_750 = arith.andi %add3A_748, %and3A_749 : i32
    %multiple_of3A_751 = tpu.assume_multiple %and3A_750, 8 : i32
    %dma_start3A_752 = arith.constant 18 : i32
    %dma_start3A_753 = arith.constant 0 : i32
    %dma_start3A_754 = arith.constant 0 : i32
    %dma_start3A_755 = tpu.memref_slice %arg6[%dma_start3A_752, %dma_start3A_753, %dma_start3A_754] : memref<64x8x128xf32, #tpu.memory_space<vmem>> -> memref<1x8x128xf32, #tpu.memory_space<vmem>>
    %dma_start3A_756 = tpu.memref_squeeze %dma_start3A_755 : memref<1x8x128xf32, #tpu.memory_space<vmem>> -> memref<8x128xf32, #tpu.memory_space<vmem>>
    %dma_start3A_757 = tpu.memref_slice %arg2[%multiple_of3A_751, %multiple_of3A_744] : memref<1024x100000xf32, #tpu.memory_space<hbm>> -> memref<8x128xf32, #tpu.memory_space<hbm>>
    %dma_start3A_758 = arith.constant 0 : i32
    %dma_start3A_759 = arith.constant 0 : i32
    %dma_start3A_760 = tpu.memref_slice %arg6[%dma_start3A_752, %dma_start3A_758, %dma_start3A_759] : memref<64x8x128xf32, #tpu.memory_space<vmem>> -> memref<1x8x128xf32, #tpu.memory_space<vmem>>
    %dma_start3A_761 = tpu.memref_squeeze %dma_start3A_760 : memref<1x8x128xf32, #tpu.memory_space<vmem>> -> memref<8x128xf32, #tpu.memory_space<vmem>>
    %dma_start3A_762 = tpu.memref_slice %arg2[%multiple_of3A_751, %multiple_of3A_744] : memref<1024x100000xf32, #tpu.memory_space<hbm>> -> memref<8x128xf32, #tpu.memory_space<hbm>>
    tpu.enqueue_dma source(%dma_start3A_762 : memref<8x128xf32, #tpu.memory_space<hbm>>) target(%dma_start3A_761 : memref<8x128xf32, #tpu.memory_space<vmem>>) target_semaphore(%arg8 : memref<!tpu.dma_semaphore, #tpu.memory_space<semaphore_mem>>)
    %eq3A_763 = arith.constant 3 : i32
    %eq3A_764 = vector.broadcast %eq3A_763 : i32 to vector<16xi32>
    %eq3A_765 = arith.cmpi eq, %iota3A, %eq3A_764 : vector<16xi32>
    %jit3A_766 = arith.constant 0 : i32
    %broadcast_in_dim3A_767 = vector.broadcast %jit3A_766 : i32 to vector<16xi32>
    %select_n3A_768 = arith.select %eq3A_765, %get3A_3, %broadcast_in_dim3A_767 : vector<16xi1>, vector<16xi32>
    %reduce_sum3A_769 = arith.constant true
    %reduce_sum3A_770 = vector.broadcast %reduce_sum3A_769 : i1 to vector<16xi1>
    %reduce_sum3A_771 = tpu.scan <sum>, %select_n3A_768 masked %reduce_sum3A_770 : vector<16xi32>, vector<16xi1> -> vector<16xi32>
    %reduce_sum3A_772 = vector.extract %reduce_sum3A_771[15] : i32 from vector<16xi32>
    %and3A_773 = arith.constant -128 : i32
    %and3A_774 = arith.andi %reduce_sum3A_772, %and3A_773 : i32
    %multiple_of3A_775 = tpu.assume_multiple %and3A_774, 128 : i32
    %add3A_776 = arith.constant 16 : i32
    %add3A_777 = arith.addi %mul3A_0, %add3A_776 : i32
    %add3A_778 = arith.constant 3 : i32
    %add3A_779 = arith.addi %add3A_777, %add3A_778 : i32
    %and3A_780 = arith.constant -8 : i32
    %and3A_781 = arith.andi %add3A_779, %and3A_780 : i32
    %multiple_of3A_782 = tpu.assume_multiple %and3A_781, 8 : i32
    %dma_start3A_783 = arith.constant 19 : i32
    %dma_start3A_784 = arith.constant 0 : i32
    %dma_start3A_785 = arith.constant 0 : i32
    %dma_start3A_786 = tpu.memref_slice %arg6[%dma_start3A_783, %dma_start3A_784, %dma_start3A_785] : memref<64x8x128xf32, #tpu.memory_space<vmem>> -> memref<1x8x128xf32, #tpu.memory_space<vmem>>
    %dma_start3A_787 = tpu.memref_squeeze %dma_start3A_786 : memref<1x8x128xf32, #tpu.memory_space<vmem>> -> memref<8x128xf32, #tpu.memory_space<vmem>>
    %dma_start3A_788 = tpu.memref_slice %arg2[%multiple_of3A_782, %multiple_of3A_775] : memref<1024x100000xf32, #tpu.memory_space<hbm>> -> memref<8x128xf32, #tpu.memory_space<hbm>>
    %dma_start3A_789 = arith.constant 0 : i32
    %dma_start3A_790 = arith.constant 0 : i32
    %dma_start3A_791 = tpu.memref_slice %arg6[%dma_start3A_783, %dma_start3A_789, %dma_start3A_790] : memref<64x8x128xf32, #tpu.memory_space<vmem>> -> memref<1x8x128xf32, #tpu.memory_space<vmem>>
    %dma_start3A_792 = tpu.memref_squeeze %dma_start3A_791 : memref<1x8x128xf32, #tpu.memory_space<vmem>> -> memref<8x128xf32, #tpu.memory_space<vmem>>
    %dma_start3A_793 = tpu.memref_slice %arg2[%multiple_of3A_782, %multiple_of3A_775] : memref<1024x100000xf32, #tpu.memory_space<hbm>> -> memref<8x128xf32, #tpu.memory_space<hbm>>
    tpu.enqueue_dma source(%dma_start3A_793 : memref<8x128xf32, #tpu.memory_space<hbm>>) target(%dma_start3A_792 : memref<8x128xf32, #tpu.memory_space<vmem>>) target_semaphore(%arg8 : memref<!tpu.dma_semaphore, #tpu.memory_space<semaphore_mem>>)
    %eq3A_794 = arith.constant 4 : i32
    %eq3A_795 = vector.broadcast %eq3A_794 : i32 to vector<16xi32>
    %eq3A_796 = arith.cmpi eq, %iota3A, %eq3A_795 : vector<16xi32>
    %jit3A_797 = arith.constant 0 : i32
    %broadcast_in_dim3A_798 = vector.broadcast %jit3A_797 : i32 to vector<16xi32>
    %select_n3A_799 = arith.select %eq3A_796, %get3A_3, %broadcast_in_dim3A_798 : vector<16xi1>, vector<16xi32>
    %reduce_sum3A_800 = arith.constant true
    %reduce_sum3A_801 = vector.broadcast %reduce_sum3A_800 : i1 to vector<16xi1>
    %reduce_sum3A_802 = tpu.scan <sum>, %select_n3A_799 masked %reduce_sum3A_801 : vector<16xi32>, vector<16xi1> -> vector<16xi32>
    %reduce_sum3A_803 = vector.extract %reduce_sum3A_802[15] : i32 from vector<16xi32>
    %and3A_804 = arith.constant -128 : i32
    %and3A_805 = arith.andi %reduce_sum3A_803, %and3A_804 : i32
    %multiple_of3A_806 = tpu.assume_multiple %and3A_805, 128 : i32
    %add3A_807 = arith.constant 16 : i32
    %add3A_808 = arith.addi %mul3A_0, %add3A_807 : i32
    %add3A_809 = arith.constant 4 : i32
    %add3A_810 = arith.addi %add3A_808, %add3A_809 : i32
    %and3A_811 = arith.constant -8 : i32
    %and3A_812 = arith.andi %add3A_810, %and3A_811 : i32
    %multiple_of3A_813 = tpu.assume_multiple %and3A_812, 8 : i32
    %dma_start3A_814 = arith.constant 20 : i32
    %dma_start3A_815 = arith.constant 0 : i32
    %dma_start3A_816 = arith.constant 0 : i32
    %dma_start3A_817 = tpu.memref_slice %arg6[%dma_start3A_814, %dma_start3A_815, %dma_start3A_816] : memref<64x8x128xf32, #tpu.memory_space<vmem>> -> memref<1x8x128xf32, #tpu.memory_space<vmem>>
    %dma_start3A_818 = tpu.memref_squeeze %dma_start3A_817 : memref<1x8x128xf32, #tpu.memory_space<vmem>> -> memref<8x128xf32, #tpu.memory_space<vmem>>
    %dma_start3A_819 = tpu.memref_slice %arg2[%multiple_of3A_813, %multiple_of3A_806] : memref<1024x100000xf32, #tpu.memory_space<hbm>> -> memref<8x128xf32, #tpu.memory_space<hbm>>
    %dma_start3A_820 = arith.constant 0 : i32
    %dma_start3A_821 = arith.constant 0 : i32
    %dma_start3A_822 = tpu.memref_slice %arg6[%dma_start3A_814, %dma_start3A_820, %dma_start3A_821] : memref<64x8x128xf32, #tpu.memory_space<vmem>> -> memref<1x8x128xf32, #tpu.memory_space<vmem>>
    %dma_start3A_823 = tpu.memref_squeeze %dma_start3A_822 : memref<1x8x128xf32, #tpu.memory_space<vmem>> -> memref<8x128xf32, #tpu.memory_space<vmem>>
    %dma_start3A_824 = tpu.memref_slice %arg2[%multiple_of3A_813, %multiple_of3A_806] : memref<1024x100000xf32, #tpu.memory_space<hbm>> -> memref<8x128xf32, #tpu.memory_space<hbm>>
    tpu.enqueue_dma source(%dma_start3A_824 : memref<8x128xf32, #tpu.memory_space<hbm>>) target(%dma_start3A_823 : memref<8x128xf32, #tpu.memory_space<vmem>>) target_semaphore(%arg8 : memref<!tpu.dma_semaphore, #tpu.memory_space<semaphore_mem>>)
    %eq3A_825 = arith.constant 5 : i32
    %eq3A_826 = vector.broadcast %eq3A_825 : i32 to vector<16xi32>
    %eq3A_827 = arith.cmpi eq, %iota3A, %eq3A_826 : vector<16xi32>
    %jit3A_828 = arith.constant 0 : i32
    %broadcast_in_dim3A_829 = vector.broadcast %jit3A_828 : i32 to vector<16xi32>
    %select_n3A_830 = arith.select %eq3A_827, %get3A_3, %broadcast_in_dim3A_829 : vector<16xi1>, vector<16xi32>
    %reduce_sum3A_831 = arith.constant true
    %reduce_sum3A_832 = vector.broadcast %reduce_sum3A_831 : i1 to vector<16xi1>
    %reduce_sum3A_833 = tpu.scan <sum>, %select_n3A_830 masked %reduce_sum3A_832 : vector<16xi32>, vector<16xi1> -> vector<16xi32>
    %reduce_sum3A_834 = vector.extract %reduce_sum3A_833[15] : i32 from vector<16xi32>
    %and3A_835 = arith.constant -128 : i32
    %and3A_836 = arith.andi %reduce_sum3A_834, %and3A_835 : i32
    %multiple_of3A_837 = tpu.assume_multiple %and3A_836, 128 : i32
    %add3A_838 = arith.constant 16 : i32
    %add3A_839 = arith.addi %mul3A_0, %add3A_838 : i32
    %add3A_840 = arith.constant 5 : i32
    %add3A_841 = arith.addi %add3A_839, %add3A_840 : i32
    %and3A_842 = arith.constant -8 : i32
    %and3A_843 = arith.andi %add3A_841, %and3A_842 : i32
    %multiple_of3A_844 = tpu.assume_multiple %and3A_843, 8 : i32
    %dma_start3A_845 = arith.constant 21 : i32
    %dma_start3A_846 = arith.constant 0 : i32
    %dma_start3A_847 = arith.constant 0 : i32
    %dma_start3A_848 = tpu.memref_slice %arg6[%dma_start3A_845, %dma_start3A_846, %dma_start3A_847] : memref<64x8x128xf32, #tpu.memory_space<vmem>> -> memref<1x8x128xf32, #tpu.memory_space<vmem>>
    %dma_start3A_849 = tpu.memref_squeeze %dma_start3A_848 : memref<1x8x128xf32, #tpu.memory_space<vmem>> -> memref<8x128xf32, #tpu.memory_space<vmem>>
    %dma_start3A_850 = tpu.memref_slice %arg2[%multiple_of3A_844, %multiple_of3A_837] : memref<1024x100000xf32, #tpu.memory_space<hbm>> -> memref<8x128xf32, #tpu.memory_space<hbm>>
    %dma_start3A_851 = arith.constant 0 : i32
    %dma_start3A_852 = arith.constant 0 : i32
    %dma_start3A_853 = tpu.memref_slice %arg6[%dma_start3A_845, %dma_start3A_851, %dma_start3A_852] : memref<64x8x128xf32, #tpu.memory_space<vmem>> -> memref<1x8x128xf32, #tpu.memory_space<vmem>>
    %dma_start3A_854 = tpu.memref_squeeze %dma_start3A_853 : memref<1x8x128xf32, #tpu.memory_space<vmem>> -> memref<8x128xf32, #tpu.memory_space<vmem>>
    %dma_start3A_855 = tpu.memref_slice %arg2[%multiple_of3A_844, %multiple_of3A_837] : memref<1024x100000xf32, #tpu.memory_space<hbm>> -> memref<8x128xf32, #tpu.memory_space<hbm>>
    tpu.enqueue_dma source(%dma_start3A_855 : memref<8x128xf32, #tpu.memory_space<hbm>>) target(%dma_start3A_854 : memref<8x128xf32, #tpu.memory_space<vmem>>) target_semaphore(%arg8 : memref<!tpu.dma_semaphore, #tpu.memory_space<semaphore_mem>>)
    %eq3A_856 = arith.constant 6 : i32
    %eq3A_857 = vector.broadcast %eq3A_856 : i32 to vector<16xi32>
    %eq3A_858 = arith.cmpi eq, %iota3A, %eq3A_857 : vector<16xi32>
    %jit3A_859 = arith.constant 0 : i32
    %broadcast_in_dim3A_860 = vector.broadcast %jit3A_859 : i32 to vector<16xi32>
    %select_n3A_861 = arith.select %eq3A_858, %get3A_3, %broadcast_in_dim3A_860 : vector<16xi1>, vector<16xi32>
    %reduce_sum3A_862 = arith.constant true
    %reduce_sum3A_863 = vector.broadcast %reduce_sum3A_862 : i1 to vector<16xi1>
    %reduce_sum3A_864 = tpu.scan <sum>, %select_n3A_861 masked %reduce_sum3A_863 : vector<16xi32>, vector<16xi1> -> vector<16xi32>
    %reduce_sum3A_865 = vector.extract %reduce_sum3A_864[15] : i32 from vector<16xi32>
    %and3A_866 = arith.constant -128 : i32
    %and3A_867 = arith.andi %reduce_sum3A_865, %and3A_866 : i32
    %multiple_of3A_868 = tpu.assume_multiple %and3A_867, 128 : i32
    %add3A_869 = arith.constant 16 : i32
    %add3A_870 = arith.addi %mul3A_0, %add3A_869 : i32
    %add3A_871 = arith.constant 6 : i32
    %add3A_872 = arith.addi %add3A_870, %add3A_871 : i32
    %and3A_873 = arith.constant -8 : i32
    %and3A_874 = arith.andi %add3A_872, %and3A_873 : i32
    %multiple_of3A_875 = tpu.assume_multiple %and3A_874, 8 : i32
    %dma_start3A_876 = arith.constant 22 : i32
    %dma_start3A_877 = arith.constant 0 : i32
    %dma_start3A_878 = arith.constant 0 : i32
    %dma_start3A_879 = tpu.memref_slice %arg6[%dma_start3A_876, %dma_start3A_877, %dma_start3A_878] : memref<64x8x128xf32, #tpu.memory_space<vmem>> -> memref<1x8x128xf32, #tpu.memory_space<vmem>>
    %dma_start3A_880 = tpu.memref_squeeze %dma_start3A_879 : memref<1x8x128xf32, #tpu.memory_space<vmem>> -> memref<8x128xf32, #tpu.memory_space<vmem>>
    %dma_start3A_881 = tpu.memref_slice %arg2[%multiple_of3A_875, %multiple_of3A_868] : memref<1024x100000xf32, #tpu.memory_space<hbm>> -> memref<8x128xf32, #tpu.memory_space<hbm>>
    %dma_start3A_882 = arith.constant 0 : i32
    %dma_start3A_883 = arith.constant 0 : i32
    %dma_start3A_884 = tpu.memref_slice %arg6[%dma_start3A_876, %dma_start3A_882, %dma_start3A_883] : memref<64x8x128xf32, #tpu.memory_space<vmem>> -> memref<1x8x128xf32, #tpu.memory_space<vmem>>
    %dma_start3A_885 = tpu.memref_squeeze %dma_start3A_884 : memref<1x8x128xf32, #tpu.memory_space<vmem>> -> memref<8x128xf32, #tpu.memory_space<vmem>>
    %dma_start3A_886 = tpu.memref_slice %arg2[%multiple_of3A_875, %multiple_of3A_868] : memref<1024x100000xf32, #tpu.memory_space<hbm>> -> memref<8x128xf32, #tpu.memory_space<hbm>>
    tpu.enqueue_dma source(%dma_start3A_886 : memref<8x128xf32, #tpu.memory_space<hbm>>) target(%dma_start3A_885 : memref<8x128xf32, #tpu.memory_space<vmem>>) target_semaphore(%arg8 : memref<!tpu.dma_semaphore, #tpu.memory_space<semaphore_mem>>)
    %eq3A_887 = arith.constant 7 : i32
    %eq3A_888 = vector.broadcast %eq3A_887 : i32 to vector<16xi32>
    %eq3A_889 = arith.cmpi eq, %iota3A, %eq3A_888 : vector<16xi32>
    %jit3A_890 = arith.constant 0 : i32
    %broadcast_in_dim3A_891 = vector.broadcast %jit3A_890 : i32 to vector<16xi32>
    %select_n3A_892 = arith.select %eq3A_889, %get3A_3, %broadcast_in_dim3A_891 : vector<16xi1>, vector<16xi32>
    %reduce_sum3A_893 = arith.constant true
    %reduce_sum3A_894 = vector.broadcast %reduce_sum3A_893 : i1 to vector<16xi1>
    %reduce_sum3A_895 = tpu.scan <sum>, %select_n3A_892 masked %reduce_sum3A_894 : vector<16xi32>, vector<16xi1> -> vector<16xi32>
    %reduce_sum3A_896 = vector.extract %reduce_sum3A_895[15] : i32 from vector<16xi32>
    %and3A_897 = arith.constant -128 : i32
    %and3A_898 = arith.andi %reduce_sum3A_896, %and3A_897 : i32
    %multiple_of3A_899 = tpu.assume_multiple %and3A_898, 128 : i32
    %add3A_900 = arith.constant 16 : i32
    %add3A_901 = arith.addi %mul3A_0, %add3A_900 : i32
    %add3A_902 = arith.constant 7 : i32
    %add3A_903 = arith.addi %add3A_901, %add3A_902 : i32
    %and3A_904 = arith.constant -8 : i32
    %and3A_905 = arith.andi %add3A_903, %and3A_904 : i32
    %multiple_of3A_906 = tpu.assume_multiple %and3A_905, 8 : i32
    %dma_start3A_907 = arith.constant 23 : i32
    %dma_start3A_908 = arith.constant 0 : i32
    %dma_start3A_909 = arith.constant 0 : i32
    %dma_start3A_910 = tpu.memref_slice %arg6[%dma_start3A_907, %dma_start3A_908, %dma_start3A_909] : memref<64x8x128xf32, #tpu.memory_space<vmem>> -> memref<1x8x128xf32, #tpu.memory_space<vmem>>
    %dma_start3A_911 = tpu.memref_squeeze %dma_start3A_910 : memref<1x8x128xf32, #tpu.memory_space<vmem>> -> memref<8x128xf32, #tpu.memory_space<vmem>>
    %dma_start3A_912 = tpu.memref_slice %arg2[%multiple_of3A_906, %multiple_of3A_899] : memref<1024x100000xf32, #tpu.memory_space<hbm>> -> memref<8x128xf32, #tpu.memory_space<hbm>>
    %dma_start3A_913 = arith.constant 0 : i32
    %dma_start3A_914 = arith.constant 0 : i32
    %dma_start3A_915 = tpu.memref_slice %arg6[%dma_start3A_907, %dma_start3A_913, %dma_start3A_914] : memref<64x8x128xf32, #tpu.memory_space<vmem>> -> memref<1x8x128xf32, #tpu.memory_space<vmem>>
    %dma_start3A_916 = tpu.memref_squeeze %dma_start3A_915 : memref<1x8x128xf32, #tpu.memory_space<vmem>> -> memref<8x128xf32, #tpu.memory_space<vmem>>
    %dma_start3A_917 = tpu.memref_slice %arg2[%multiple_of3A_906, %multiple_of3A_899] : memref<1024x100000xf32, #tpu.memory_space<hbm>> -> memref<8x128xf32, #tpu.memory_space<hbm>>
    tpu.enqueue_dma source(%dma_start3A_917 : memref<8x128xf32, #tpu.memory_space<hbm>>) target(%dma_start3A_916 : memref<8x128xf32, #tpu.memory_space<vmem>>) target_semaphore(%arg8 : memref<!tpu.dma_semaphore, #tpu.memory_space<semaphore_mem>>)
    %eq3A_918 = arith.constant 8 : i32
    %eq3A_919 = vector.broadcast %eq3A_918 : i32 to vector<16xi32>
    %eq3A_920 = arith.cmpi eq, %iota3A, %eq3A_919 : vector<16xi32>
    %jit3A_921 = arith.constant 0 : i32
    %broadcast_in_dim3A_922 = vector.broadcast %jit3A_921 : i32 to vector<16xi32>
    %select_n3A_923 = arith.select %eq3A_920, %get3A_3, %broadcast_in_dim3A_922 : vector<16xi1>, vector<16xi32>
    %reduce_sum3A_924 = arith.constant true
    %reduce_sum3A_925 = vector.broadcast %reduce_sum3A_924 : i1 to vector<16xi1>
    %reduce_sum3A_926 = tpu.scan <sum>, %select_n3A_923 masked %reduce_sum3A_925 : vector<16xi32>, vector<16xi1> -> vector<16xi32>
    %reduce_sum3A_927 = vector.extract %reduce_sum3A_926[15] : i32 from vector<16xi32>
    %and3A_928 = arith.constant -128 : i32
    %and3A_929 = arith.andi %reduce_sum3A_927, %and3A_928 : i32
    %multiple_of3A_930 = tpu.assume_multiple %and3A_929, 128 : i32
    %add3A_931 = arith.constant 16 : i32
    %add3A_932 = arith.addi %mul3A_0, %add3A_931 : i32
    %add3A_933 = arith.constant 8 : i32
    %add3A_934 = arith.addi %add3A_932, %add3A_933 : i32
    %and3A_935 = arith.constant -8 : i32
    %and3A_936 = arith.andi %add3A_934, %and3A_935 : i32
    %multiple_of3A_937 = tpu.assume_multiple %and3A_936, 8 : i32
    %dma_start3A_938 = arith.constant 24 : i32
    %dma_start3A_939 = arith.constant 0 : i32
    %dma_start3A_940 = arith.constant 0 : i32
    %dma_start3A_941 = tpu.memref_slice %arg6[%dma_start3A_938, %dma_start3A_939, %dma_start3A_940] : memref<64x8x128xf32, #tpu.memory_space<vmem>> -> memref<1x8x128xf32, #tpu.memory_space<vmem>>
    %dma_start3A_942 = tpu.memref_squeeze %dma_start3A_941 : memref<1x8x128xf32, #tpu.memory_space<vmem>> -> memref<8x128xf32, #tpu.memory_space<vmem>>
    %dma_start3A_943 = tpu.memref_slice %arg2[%multiple_of3A_937, %multiple_of3A_930] : memref<1024x100000xf32, #tpu.memory_space<hbm>> -> memref<8x128xf32, #tpu.memory_space<hbm>>
    %dma_start3A_944 = arith.constant 0 : i32
    %dma_start3A_945 = arith.constant 0 : i32
    %dma_start3A_946 = tpu.memref_slice %arg6[%dma_start3A_938, %dma_start3A_944, %dma_start3A_945] : memref<64x8x128xf32, #tpu.memory_space<vmem>> -> memref<1x8x128xf32, #tpu.memory_space<vmem>>
    %dma_start3A_947 = tpu.memref_squeeze %dma_start3A_946 : memref<1x8x128xf32, #tpu.memory_space<vmem>> -> memref<8x128xf32, #tpu.memory_space<vmem>>
    %dma_start3A_948 = tpu.memref_slice %arg2[%multiple_of3A_937, %multiple_of3A_930] : memref<1024x100000xf32, #tpu.memory_space<hbm>> -> memref<8x128xf32, #tpu.memory_space<hbm>>
    tpu.enqueue_dma source(%dma_start3A_948 : memref<8x128xf32, #tpu.memory_space<hbm>>) target(%dma_start3A_947 : memref<8x128xf32, #tpu.memory_space<vmem>>) target_semaphore(%arg8 : memref<!tpu.dma_semaphore, #tpu.memory_space<semaphore_mem>>)
    %eq3A_949 = arith.constant 9 : i32
    %eq3A_950 = vector.broadcast %eq3A_949 : i32 to vector<16xi32>
    %eq3A_951 = arith.cmpi eq, %iota3A, %eq3A_950 : vector<16xi32>
    %jit3A_952 = arith.constant 0 : i32
    %broadcast_in_dim3A_953 = vector.broadcast %jit3A_952 : i32 to vector<16xi32>
    %select_n3A_954 = arith.select %eq3A_951, %get3A_3, %broadcast_in_dim3A_953 : vector<16xi1>, vector<16xi32>
    %reduce_sum3A_955 = arith.constant true
    %reduce_sum3A_956 = vector.broadcast %reduce_sum3A_955 : i1 to vector<16xi1>
    %reduce_sum3A_957 = tpu.scan <sum>, %select_n3A_954 masked %reduce_sum3A_956 : vector<16xi32>, vector<16xi1> -> vector<16xi32>
    %reduce_sum3A_958 = vector.extract %reduce_sum3A_957[15] : i32 from vector<16xi32>
    %and3A_959 = arith.constant -128 : i32
    %and3A_960 = arith.andi %reduce_sum3A_958, %and3A_959 : i32
    %multiple_of3A_961 = tpu.assume_multiple %and3A_960, 128 : i32
    %add3A_962 = arith.constant 16 : i32
    %add3A_963 = arith.addi %mul3A_0, %add3A_962 : i32
    %add3A_964 = arith.constant 9 : i32
    %add3A_965 = arith.addi %add3A_963, %add3A_964 : i32
    %and3A_966 = arith.constant -8 : i32
    %and3A_967 = arith.andi %add3A_965, %and3A_966 : i32
    %multiple_of3A_968 = tpu.assume_multiple %and3A_967, 8 : i32
    %dma_start3A_969 = arith.constant 25 : i32
    %dma_start3A_970 = arith.constant 0 : i32
    %dma_start3A_971 = arith.constant 0 : i32
    %dma_start3A_972 = tpu.memref_slice %arg6[%dma_start3A_969, %dma_start3A_970, %dma_start3A_971] : memref<64x8x128xf32, #tpu.memory_space<vmem>> -> memref<1x8x128xf32, #tpu.memory_space<vmem>>
    %dma_start3A_973 = tpu.memref_squeeze %dma_start3A_972 : memref<1x8x128xf32, #tpu.memory_space<vmem>> -> memref<8x128xf32, #tpu.memory_space<vmem>>
    %dma_start3A_974 = tpu.memref_slice %arg2[%multiple_of3A_968, %multiple_of3A_961] : memref<1024x100000xf32, #tpu.memory_space<hbm>> -> memref<8x128xf32, #tpu.memory_space<hbm>>
    %dma_start3A_975 = arith.constant 0 : i32
    %dma_start3A_976 = arith.constant 0 : i32
    %dma_start3A_977 = tpu.memref_slice %arg6[%dma_start3A_969, %dma_start3A_975, %dma_start3A_976] : memref<64x8x128xf32, #tpu.memory_space<vmem>> -> memref<1x8x128xf32, #tpu.memory_space<vmem>>
    %dma_start3A_978 = tpu.memref_squeeze %dma_start3A_977 : memref<1x8x128xf32, #tpu.memory_space<vmem>> -> memref<8x128xf32, #tpu.memory_space<vmem>>
    %dma_start3A_979 = tpu.memref_slice %arg2[%multiple_of3A_968, %multiple_of3A_961] : memref<1024x100000xf32, #tpu.memory_space<hbm>> -> memref<8x128xf32, #tpu.memory_space<hbm>>
    tpu.enqueue_dma source(%dma_start3A_979 : memref<8x128xf32, #tpu.memory_space<hbm>>) target(%dma_start3A_978 : memref<8x128xf32, #tpu.memory_space<vmem>>) target_semaphore(%arg8 : memref<!tpu.dma_semaphore, #tpu.memory_space<semaphore_mem>>)
    %eq3A_980 = arith.constant 10 : i32
    %eq3A_981 = vector.broadcast %eq3A_980 : i32 to vector<16xi32>
    %eq3A_982 = arith.cmpi eq, %iota3A, %eq3A_981 : vector<16xi32>
    %jit3A_983 = arith.constant 0 : i32
    %broadcast_in_dim3A_984 = vector.broadcast %jit3A_983 : i32 to vector<16xi32>
    %select_n3A_985 = arith.select %eq3A_982, %get3A_3, %broadcast_in_dim3A_984 : vector<16xi1>, vector<16xi32>
    %reduce_sum3A_986 = arith.constant true
    %reduce_sum3A_987 = vector.broadcast %reduce_sum3A_986 : i1 to vector<16xi1>
    %reduce_sum3A_988 = tpu.scan <sum>, %select_n3A_985 masked %reduce_sum3A_987 : vector<16xi32>, vector<16xi1> -> vector<16xi32>
    %reduce_sum3A_989 = vector.extract %reduce_sum3A_988[15] : i32 from vector<16xi32>
    %and3A_990 = arith.constant -128 : i32
    %and3A_991 = arith.andi %reduce_sum3A_989, %and3A_990 : i32
    %multiple_of3A_992 = tpu.assume_multiple %and3A_991, 128 : i32
    %add3A_993 = arith.constant 16 : i32
    %add3A_994 = arith.addi %mul3A_0, %add3A_993 : i32
    %add3A_995 = arith.constant 10 : i32
    %add3A_996 = arith.addi %add3A_994, %add3A_995 : i32
    %and3A_997 = arith.constant -8 : i32
    %and3A_998 = arith.andi %add3A_996, %and3A_997 : i32
    %multiple_of3A_999 = tpu.assume_multiple %and3A_998, 8 : i32
    %dma_start3A_1000 = arith.constant 26 : i32
    %dma_start3A_1001 = arith.constant 0 : i32
    %dma_start3A_1002 = arith.constant 0 : i32
    %dma_start3A_1003 = tpu.memref_slice %arg6[%dma_start3A_1000, %dma_start3A_1001, %dma_start3A_1002] : memref<64x8x128xf32, #tpu.memory_space<vmem>> -> memref<1x8x128xf32, #tpu.memory_space<vmem>>
    %dma_start3A_1004 = tpu.memref_squeeze %dma_start3A_1003 : memref<1x8x128xf32, #tpu.memory_space<vmem>> -> memref<8x128xf32, #tpu.memory_space<vmem>>
    %dma_start3A_1005 = tpu.memref_slice %arg2[%multiple_of3A_999, %multiple_of3A_992] : memref<1024x100000xf32, #tpu.memory_space<hbm>> -> memref<8x128xf32, #tpu.memory_space<hbm>>
    %dma_start3A_1006 = arith.constant 0 : i32
    %dma_start3A_1007 = arith.constant 0 : i32
    %dma_start3A_1008 = tpu.memref_slice %arg6[%dma_start3A_1000, %dma_start3A_1006, %dma_start3A_1007] : memref<64x8x128xf32, #tpu.memory_space<vmem>> -> memref<1x8x128xf32, #tpu.memory_space<vmem>>
    %dma_start3A_1009 = tpu.memref_squeeze %dma_start3A_1008 : memref<1x8x128xf32, #tpu.memory_space<vmem>> -> memref<8x128xf32, #tpu.memory_space<vmem>>
    %dma_start3A_1010 = tpu.memref_slice %arg2[%multiple_of3A_999, %multiple_of3A_992] : memref<1024x100000xf32, #tpu.memory_space<hbm>> -> memref<8x128xf32, #tpu.memory_space<hbm>>
    tpu.enqueue_dma source(%dma_start3A_1010 : memref<8x128xf32, #tpu.memory_space<hbm>>) target(%dma_start3A_1009 : memref<8x128xf32, #tpu.memory_space<vmem>>) target_semaphore(%arg8 : memref<!tpu.dma_semaphore, #tpu.memory_space<semaphore_mem>>)
    %eq3A_1011 = arith.constant 11 : i32
    %eq3A_1012 = vector.broadcast %eq3A_1011 : i32 to vector<16xi32>
    %eq3A_1013 = arith.cmpi eq, %iota3A, %eq3A_1012 : vector<16xi32>
    %jit3A_1014 = arith.constant 0 : i32
    %broadcast_in_dim3A_1015 = vector.broadcast %jit3A_1014 : i32 to vector<16xi32>
    %select_n3A_1016 = arith.select %eq3A_1013, %get3A_3, %broadcast_in_dim3A_1015 : vector<16xi1>, vector<16xi32>
    %reduce_sum3A_1017 = arith.constant true
    %reduce_sum3A_1018 = vector.broadcast %reduce_sum3A_1017 : i1 to vector<16xi1>
    %reduce_sum3A_1019 = tpu.scan <sum>, %select_n3A_1016 masked %reduce_sum3A_1018 : vector<16xi32>, vector<16xi1> -> vector<16xi32>
    %reduce_sum3A_1020 = vector.extract %reduce_sum3A_1019[15] : i32 from vector<16xi32>
    %and3A_1021 = arith.constant -128 : i32
    %and3A_1022 = arith.andi %reduce_sum3A_1020, %and3A_1021 : i32
    %multiple_of3A_1023 = tpu.assume_multiple %and3A_1022, 128 : i32
    %add3A_1024 = arith.constant 16 : i32
    %add3A_1025 = arith.addi %mul3A_0, %add3A_1024 : i32
    %add3A_1026 = arith.constant 11 : i32
    %add3A_1027 = arith.addi %add3A_1025, %add3A_1026 : i32
    %and3A_1028 = arith.constant -8 : i32
    %and3A_1029 = arith.andi %add3A_1027, %and3A_1028 : i32
    %multiple_of3A_1030 = tpu.assume_multiple %and3A_1029, 8 : i32
    %dma_start3A_1031 = arith.constant 27 : i32
    %dma_start3A_1032 = arith.constant 0 : i32
    %dma_start3A_1033 = arith.constant 0 : i32
    %dma_start3A_1034 = tpu.memref_slice %arg6[%dma_start3A_1031, %dma_start3A_1032, %dma_start3A_1033] : memref<64x8x128xf32, #tpu.memory_space<vmem>> -> memref<1x8x128xf32, #tpu.memory_space<vmem>>
    %dma_start3A_1035 = tpu.memref_squeeze %dma_start3A_1034 : memref<1x8x128xf32, #tpu.memory_space<vmem>> -> memref<8x128xf32, #tpu.memory_space<vmem>>
    %dma_start3A_1036 = tpu.memref_slice %arg2[%multiple_of3A_1030, %multiple_of3A_1023] : memref<1024x100000xf32, #tpu.memory_space<hbm>> -> memref<8x128xf32, #tpu.memory_space<hbm>>
    %dma_start3A_1037 = arith.constant 0 : i32
    %dma_start3A_1038 = arith.constant 0 : i32
    %dma_start3A_1039 = tpu.memref_slice %arg6[%dma_start3A_1031, %dma_start3A_1037, %dma_start3A_1038] : memref<64x8x128xf32, #tpu.memory_space<vmem>> -> memref<1x8x128xf32, #tpu.memory_space<vmem>>
    %dma_start3A_1040 = tpu.memref_squeeze %dma_start3A_1039 : memref<1x8x128xf32, #tpu.memory_space<vmem>> -> memref<8x128xf32, #tpu.memory_space<vmem>>
    %dma_start3A_1041 = tpu.memref_slice %arg2[%multiple_of3A_1030, %multiple_of3A_1023] : memref<1024x100000xf32, #tpu.memory_space<hbm>> -> memref<8x128xf32, #tpu.memory_space<hbm>>
    tpu.enqueue_dma source(%dma_start3A_1041 : memref<8x128xf32, #tpu.memory_space<hbm>>) target(%dma_start3A_1040 : memref<8x128xf32, #tpu.memory_space<vmem>>) target_semaphore(%arg8 : memref<!tpu.dma_semaphore, #tpu.memory_space<semaphore_mem>>)
    %eq3A_1042 = arith.constant 12 : i32
    %eq3A_1043 = vector.broadcast %eq3A_1042 : i32 to vector<16xi32>
    %eq3A_1044 = arith.cmpi eq, %iota3A, %eq3A_1043 : vector<16xi32>
    %jit3A_1045 = arith.constant 0 : i32
    %broadcast_in_dim3A_1046 = vector.broadcast %jit3A_1045 : i32 to vector<16xi32>
    %select_n3A_1047 = arith.select %eq3A_1044, %get3A_3, %broadcast_in_dim3A_1046 : vector<16xi1>, vector<16xi32>
    %reduce_sum3A_1048 = arith.constant true
    %reduce_sum3A_1049 = vector.broadcast %reduce_sum3A_1048 : i1 to vector<16xi1>
    %reduce_sum3A_1050 = tpu.scan <sum>, %select_n3A_1047 masked %reduce_sum3A_1049 : vector<16xi32>, vector<16xi1> -> vector<16xi32>
    %reduce_sum3A_1051 = vector.extract %reduce_sum3A_1050[15] : i32 from vector<16xi32>
    %and3A_1052 = arith.constant -128 : i32
    %and3A_1053 = arith.andi %reduce_sum3A_1051, %and3A_1052 : i32
    %multiple_of3A_1054 = tpu.assume_multiple %and3A_1053, 128 : i32
    %add3A_1055 = arith.constant 16 : i32
    %add3A_1056 = arith.addi %mul3A_0, %add3A_1055 : i32
    %add3A_1057 = arith.constant 12 : i32
    %add3A_1058 = arith.addi %add3A_1056, %add3A_1057 : i32
    %and3A_1059 = arith.constant -8 : i32
    %and3A_1060 = arith.andi %add3A_1058, %and3A_1059 : i32
    %multiple_of3A_1061 = tpu.assume_multiple %and3A_1060, 8 : i32
    %dma_start3A_1062 = arith.constant 28 : i32
    %dma_start3A_1063 = arith.constant 0 : i32
    %dma_start3A_1064 = arith.constant 0 : i32
    %dma_start3A_1065 = tpu.memref_slice %arg6[%dma_start3A_1062, %dma_start3A_1063, %dma_start3A_1064] : memref<64x8x128xf32, #tpu.memory_space<vmem>> -> memref<1x8x128xf32, #tpu.memory_space<vmem>>
    %dma_start3A_1066 = tpu.memref_squeeze %dma_start3A_1065 : memref<1x8x128xf32, #tpu.memory_space<vmem>> -> memref<8x128xf32, #tpu.memory_space<vmem>>
    %dma_start3A_1067 = tpu.memref_slice %arg2[%multiple_of3A_1061, %multiple_of3A_1054] : memref<1024x100000xf32, #tpu.memory_space<hbm>> -> memref<8x128xf32, #tpu.memory_space<hbm>>
    %dma_start3A_1068 = arith.constant 0 : i32
    %dma_start3A_1069 = arith.constant 0 : i32
    %dma_start3A_1070 = tpu.memref_slice %arg6[%dma_start3A_1062, %dma_start3A_1068, %dma_start3A_1069] : memref<64x8x128xf32, #tpu.memory_space<vmem>> -> memref<1x8x128xf32, #tpu.memory_space<vmem>>
    %dma_start3A_1071 = tpu.memref_squeeze %dma_start3A_1070 : memref<1x8x128xf32, #tpu.memory_space<vmem>> -> memref<8x128xf32, #tpu.memory_space<vmem>>
    %dma_start3A_1072 = tpu.memref_slice %arg2[%multiple_of3A_1061, %multiple_of3A_1054] : memref<1024x100000xf32, #tpu.memory_space<hbm>> -> memref<8x128xf32, #tpu.memory_space<hbm>>
    tpu.enqueue_dma source(%dma_start3A_1072 : memref<8x128xf32, #tpu.memory_space<hbm>>) target(%dma_start3A_1071 : memref<8x128xf32, #tpu.memory_space<vmem>>) target_semaphore(%arg8 : memref<!tpu.dma_semaphore, #tpu.memory_space<semaphore_mem>>)
    %eq3A_1073 = arith.constant 13 : i32
    %eq3A_1074 = vector.broadcast %eq3A_1073 : i32 to vector<16xi32>
    %eq3A_1075 = arith.cmpi eq, %iota3A, %eq3A_1074 : vector<16xi32>
    %jit3A_1076 = arith.constant 0 : i32
    %broadcast_in_dim3A_1077 = vector.broadcast %jit3A_1076 : i32 to vector<16xi32>
    %select_n3A_1078 = arith.select %eq3A_1075, %get3A_3, %broadcast_in_dim3A_1077 : vector<16xi1>, vector<16xi32>
    %reduce_sum3A_1079 = arith.constant true
    %reduce_sum3A_1080 = vector.broadcast %reduce_sum3A_1079 : i1 to vector<16xi1>
    %reduce_sum3A_1081 = tpu.scan <sum>, %select_n3A_1078 masked %reduce_sum3A_1080 : vector<16xi32>, vector<16xi1> -> vector<16xi32>
    %reduce_sum3A_1082 = vector.extract %reduce_sum3A_1081[15] : i32 from vector<16xi32>
    %and3A_1083 = arith.constant -128 : i32
    %and3A_1084 = arith.andi %reduce_sum3A_1082, %and3A_1083 : i32
    %multiple_of3A_1085 = tpu.assume_multiple %and3A_1084, 128 : i32
    %add3A_1086 = arith.constant 16 : i32
    %add3A_1087 = arith.addi %mul3A_0, %add3A_1086 : i32
    %add3A_1088 = arith.constant 13 : i32
    %add3A_1089 = arith.addi %add3A_1087, %add3A_1088 : i32
    %and3A_1090 = arith.constant -8 : i32
    %and3A_1091 = arith.andi %add3A_1089, %and3A_1090 : i32
    %multiple_of3A_1092 = tpu.assume_multiple %and3A_1091, 8 : i32
    %dma_start3A_1093 = arith.constant 29 : i32
    %dma_start3A_1094 = arith.constant 0 : i32
    %dma_start3A_1095 = arith.constant 0 : i32
    %dma_start3A_1096 = tpu.memref_slice %arg6[%dma_start3A_1093, %dma_start3A_1094, %dma_start3A_1095] : memref<64x8x128xf32, #tpu.memory_space<vmem>> -> memref<1x8x128xf32, #tpu.memory_space<vmem>>
    %dma_start3A_1097 = tpu.memref_squeeze %dma_start3A_1096 : memref<1x8x128xf32, #tpu.memory_space<vmem>> -> memref<8x128xf32, #tpu.memory_space<vmem>>
    %dma_start3A_1098 = tpu.memref_slice %arg2[%multiple_of3A_1092, %multiple_of3A_1085] : memref<1024x100000xf32, #tpu.memory_space<hbm>> -> memref<8x128xf32, #tpu.memory_space<hbm>>
    %dma_start3A_1099 = arith.constant 0 : i32
    %dma_start3A_1100 = arith.constant 0 : i32
    %dma_start3A_1101 = tpu.memref_slice %arg6[%dma_start3A_1093, %dma_start3A_1099, %dma_start3A_1100] : memref<64x8x128xf32, #tpu.memory_space<vmem>> -> memref<1x8x128xf32, #tpu.memory_space<vmem>>
    %dma_start3A_1102 = tpu.memref_squeeze %dma_start3A_1101 : memref<1x8x128xf32, #tpu.memory_space<vmem>> -> memref<8x128xf32, #tpu.memory_space<vmem>>
    %dma_start3A_1103 = tpu.memref_slice %arg2[%multiple_of3A_1092, %multiple_of3A_1085] : memref<1024x100000xf32, #tpu.memory_space<hbm>> -> memref<8x128xf32, #tpu.memory_space<hbm>>
    tpu.enqueue_dma source(%dma_start3A_1103 : memref<8x128xf32, #tpu.memory_space<hbm>>) target(%dma_start3A_1102 : memref<8x128xf32, #tpu.memory_space<vmem>>) target_semaphore(%arg8 : memref<!tpu.dma_semaphore, #tpu.memory_space<semaphore_mem>>)
    %eq3A_1104 = arith.constant 14 : i32
    %eq3A_1105 = vector.broadcast %eq3A_1104 : i32 to vector<16xi32>
    %eq3A_1106 = arith.cmpi eq, %iota3A, %eq3A_1105 : vector<16xi32>
    %jit3A_1107 = arith.constant 0 : i32
    %broadcast_in_dim3A_1108 = vector.broadcast %jit3A_1107 : i32 to vector<16xi32>
    %select_n3A_1109 = arith.select %eq3A_1106, %get3A_3, %broadcast_in_dim3A_1108 : vector<16xi1>, vector<16xi32>
    %reduce_sum3A_1110 = arith.constant true
    %reduce_sum3A_1111 = vector.broadcast %reduce_sum3A_1110 : i1 to vector<16xi1>
    %reduce_sum3A_1112 = tpu.scan <sum>, %select_n3A_1109 masked %reduce_sum3A_1111 : vector<16xi32>, vector<16xi1> -> vector<16xi32>
    %reduce_sum3A_1113 = vector.extract %reduce_sum3A_1112[15] : i32 from vector<16xi32>
    %and3A_1114 = arith.constant -128 : i32
    %and3A_1115 = arith.andi %reduce_sum3A_1113, %and3A_1114 : i32
    %multiple_of3A_1116 = tpu.assume_multiple %and3A_1115, 128 : i32
    %add3A_1117 = arith.constant 16 : i32
    %add3A_1118 = arith.addi %mul3A_0, %add3A_1117 : i32
    %add3A_1119 = arith.constant 14 : i32
    %add3A_1120 = arith.addi %add3A_1118, %add3A_1119 : i32
    %and3A_1121 = arith.constant -8 : i32
    %and3A_1122 = arith.andi %add3A_1120, %and3A_1121 : i32
    %multiple_of3A_1123 = tpu.assume_multiple %and3A_1122, 8 : i32
    %dma_start3A_1124 = arith.constant 30 : i32
    %dma_start3A_1125 = arith.constant 0 : i32
    %dma_start3A_1126 = arith.constant 0 : i32
    %dma_start3A_1127 = tpu.memref_slice %arg6[%dma_start3A_1124, %dma_start3A_1125, %dma_start3A_1126] : memref<64x8x128xf32, #tpu.memory_space<vmem>> -> memref<1x8x128xf32, #tpu.memory_space<vmem>>
    %dma_start3A_1128 = tpu.memref_squeeze %dma_start3A_1127 : memref<1x8x128xf32, #tpu.memory_space<vmem>> -> memref<8x128xf32, #tpu.memory_space<vmem>>
    %dma_start3A_1129 = tpu.memref_slice %arg2[%multiple_of3A_1123, %multiple_of3A_1116] : memref<1024x100000xf32, #tpu.memory_space<hbm>> -> memref<8x128xf32, #tpu.memory_space<hbm>>
    %dma_start3A_1130 = arith.constant 0 : i32
    %dma_start3A_1131 = arith.constant 0 : i32
    %dma_start3A_1132 = tpu.memref_slice %arg6[%dma_start3A_1124, %dma_start3A_1130, %dma_start3A_1131] : memref<64x8x128xf32, #tpu.memory_space<vmem>> -> memref<1x8x128xf32, #tpu.memory_space<vmem>>
    %dma_start3A_1133 = tpu.memref_squeeze %dma_start3A_1132 : memref<1x8x128xf32, #tpu.memory_space<vmem>> -> memref<8x128xf32, #tpu.memory_space<vmem>>
    %dma_start3A_1134 = tpu.memref_slice %arg2[%multiple_of3A_1123, %multiple_of3A_1116] : memref<1024x100000xf32, #tpu.memory_space<hbm>> -> memref<8x128xf32, #tpu.memory_space<hbm>>
    tpu.enqueue_dma source(%dma_start3A_1134 : memref<8x128xf32, #tpu.memory_space<hbm>>) target(%dma_start3A_1133 : memref<8x128xf32, #tpu.memory_space<vmem>>) target_semaphore(%arg8 : memref<!tpu.dma_semaphore, #tpu.memory_space<semaphore_mem>>)
    %eq3A_1135 = arith.constant 15 : i32
    %eq3A_1136 = vector.broadcast %eq3A_1135 : i32 to vector<16xi32>
    %eq3A_1137 = arith.cmpi eq, %iota3A, %eq3A_1136 : vector<16xi32>
    %jit3A_1138 = arith.constant 0 : i32
    %broadcast_in_dim3A_1139 = vector.broadcast %jit3A_1138 : i32 to vector<16xi32>
    %select_n3A_1140 = arith.select %eq3A_1137, %get3A_3, %broadcast_in_dim3A_1139 : vector<16xi1>, vector<16xi32>
    %reduce_sum3A_1141 = arith.constant true
    %reduce_sum3A_1142 = vector.broadcast %reduce_sum3A_1141 : i1 to vector<16xi1>
    %reduce_sum3A_1143 = tpu.scan <sum>, %select_n3A_1140 masked %reduce_sum3A_1142 : vector<16xi32>, vector<16xi1> -> vector<16xi32>
    %reduce_sum3A_1144 = vector.extract %reduce_sum3A_1143[15] : i32 from vector<16xi32>
    %and3A_1145 = arith.constant -128 : i32
    %and3A_1146 = arith.andi %reduce_sum3A_1144, %and3A_1145 : i32
    %multiple_of3A_1147 = tpu.assume_multiple %and3A_1146, 128 : i32
    %add3A_1148 = arith.constant 16 : i32
    %add3A_1149 = arith.addi %mul3A_0, %add3A_1148 : i32
    %add3A_1150 = arith.constant 15 : i32
    %add3A_1151 = arith.addi %add3A_1149, %add3A_1150 : i32
    %and3A_1152 = arith.constant -8 : i32
    %and3A_1153 = arith.andi %add3A_1151, %and3A_1152 : i32
    %multiple_of3A_1154 = tpu.assume_multiple %and3A_1153, 8 : i32
    %dma_start3A_1155 = arith.constant 31 : i32
    %dma_start3A_1156 = arith.constant 0 : i32
    %dma_start3A_1157 = arith.constant 0 : i32
    %dma_start3A_1158 = tpu.memref_slice %arg6[%dma_start3A_1155, %dma_start3A_1156, %dma_start3A_1157] : memref<64x8x128xf32, #tpu.memory_space<vmem>> -> memref<1x8x128xf32, #tpu.memory_space<vmem>>
    %dma_start3A_1159 = tpu.memref_squeeze %dma_start3A_1158 : memref<1x8x128xf32, #tpu.memory_space<vmem>> -> memref<8x128xf32, #tpu.memory_space<vmem>>
    %dma_start3A_1160 = tpu.memref_slice %arg2[%multiple_of3A_1154, %multiple_of3A_1147] : memref<1024x100000xf32, #tpu.memory_space<hbm>> -> memref<8x128xf32, #tpu.memory_space<hbm>>
    %dma_start3A_1161 = arith.constant 0 : i32
    %dma_start3A_1162 = arith.constant 0 : i32
    %dma_start3A_1163 = tpu.memref_slice %arg6[%dma_start3A_1155, %dma_start3A_1161, %dma_start3A_1162] : memref<64x8x128xf32, #tpu.memory_space<vmem>> -> memref<1x8x128xf32, #tpu.memory_space<vmem>>
    %dma_start3A_1164 = tpu.memref_squeeze %dma_start3A_1163 : memref<1x8x128xf32, #tpu.memory_space<vmem>> -> memref<8x128xf32, #tpu.memory_space<vmem>>
    %dma_start3A_1165 = tpu.memref_slice %arg2[%multiple_of3A_1154, %multiple_of3A_1147] : memref<1024x100000xf32, #tpu.memory_space<hbm>> -> memref<8x128xf32, #tpu.memory_space<hbm>>
    tpu.enqueue_dma source(%dma_start3A_1165 : memref<8x128xf32, #tpu.memory_space<hbm>>) target(%dma_start3A_1164 : memref<8x128xf32, #tpu.memory_space<vmem>>) target_semaphore(%arg8 : memref<!tpu.dma_semaphore, #tpu.memory_space<semaphore_mem>>)
    %dma_wait3A_1166 = arith.constant 16 : i32
    %dma_wait3A_1167 = arith.constant 0 : i32
    %dma_wait3A_1168 = arith.constant 0 : i32
    %dma_wait3A_1169 = tpu.memref_slice %arg6[%dma_wait3A_1166, %dma_wait3A_1167, %dma_wait3A_1168] : memref<64x8x128xf32, #tpu.memory_space<vmem>> -> memref<1x8x128xf32, #tpu.memory_space<vmem>>
    %dma_wait3A_1170 = tpu.memref_squeeze %dma_wait3A_1169 : memref<1x8x128xf32, #tpu.memory_space<vmem>> -> memref<8x128xf32, #tpu.memory_space<vmem>>
    %dma_wait3A_1171 = tpu.memref_slice %arg2[%multiple_of3A_689, %multiple_of3A_682] : memref<1024x100000xf32, #tpu.memory_space<hbm>> -> memref<8x128xf32, #tpu.memory_space<hbm>>
    %dma_wait3A_1172 = arith.constant 0 : i32
    %dma_wait3A_1173 = arith.constant 0 : i32
    %dma_wait3A_1174 = tpu.memref_slice %arg6[%dma_wait3A_1166, %dma_wait3A_1172, %dma_wait3A_1173] : memref<64x8x128xf32, #tpu.memory_space<vmem>> -> memref<1x8x128xf32, #tpu.memory_space<vmem>>
    %dma_wait3A_1175 = tpu.memref_squeeze %dma_wait3A_1174 : memref<1x8x128xf32, #tpu.memory_space<vmem>> -> memref<8x128xf32, #tpu.memory_space<vmem>>
    %dma_wait3A_1176 = tpu.memref_slice %arg2[%multiple_of3A_689, %multiple_of3A_682] : memref<1024x100000xf32, #tpu.memory_space<hbm>> -> memref<8x128xf32, #tpu.memory_space<hbm>>
    tpu.wait_dma2 semaphore(%arg8 : memref<!tpu.dma_semaphore, #tpu.memory_space<semaphore_mem>>) src(%dma_wait3A_1176 : memref<8x128xf32, #tpu.memory_space<hbm>>) dst(%dma_wait3A_1175 : memref<8x128xf32, #tpu.memory_space<vmem>>)
    %dma_wait3A_1177 = arith.constant 17 : i32
    %dma_wait3A_1178 = arith.constant 0 : i32
    %dma_wait3A_1179 = arith.constant 0 : i32
    %dma_wait3A_1180 = tpu.memref_slice %arg6[%dma_wait3A_1177, %dma_wait3A_1178, %dma_wait3A_1179] : memref<64x8x128xf32, #tpu.memory_space<vmem>> -> memref<1x8x128xf32, #tpu.memory_space<vmem>>
    %dma_wait3A_1181 = tpu.memref_squeeze %dma_wait3A_1180 : memref<1x8x128xf32, #tpu.memory_space<vmem>> -> memref<8x128xf32, #tpu.memory_space<vmem>>
    %dma_wait3A_1182 = tpu.memref_slice %arg2[%multiple_of3A_720, %multiple_of3A_713] : memref<1024x100000xf32, #tpu.memory_space<hbm>> -> memref<8x128xf32, #tpu.memory_space<hbm>>
    %dma_wait3A_1183 = arith.constant 0 : i32
    %dma_wait3A_1184 = arith.constant 0 : i32
    %dma_wait3A_1185 = tpu.memref_slice %arg6[%dma_wait3A_1177, %dma_wait3A_1183, %dma_wait3A_1184] : memref<64x8x128xf32, #tpu.memory_space<vmem>> -> memref<1x8x128xf32, #tpu.memory_space<vmem>>
    %dma_wait3A_1186 = tpu.memref_squeeze %dma_wait3A_1185 : memref<1x8x128xf32, #tpu.memory_space<vmem>> -> memref<8x128xf32, #tpu.memory_space<vmem>>
    %dma_wait3A_1187 = tpu.memref_slice %arg2[%multiple_of3A_720, %multiple_of3A_713] : memref<1024x100000xf32, #tpu.memory_space<hbm>> -> memref<8x128xf32, #tpu.memory_space<hbm>>
    tpu.wait_dma2 semaphore(%arg8 : memref<!tpu.dma_semaphore, #tpu.memory_space<semaphore_mem>>) src(%dma_wait3A_1187 : memref<8x128xf32, #tpu.memory_space<hbm>>) dst(%dma_wait3A_1186 : memref<8x128xf32, #tpu.memory_space<vmem>>)
    %dma_wait3A_1188 = arith.constant 18 : i32
    %dma_wait3A_1189 = arith.constant 0 : i32
    %dma_wait3A_1190 = arith.constant 0 : i32
    %dma_wait3A_1191 = tpu.memref_slice %arg6[%dma_wait3A_1188, %dma_wait3A_1189, %dma_wait3A_1190] : memref<64x8x128xf32, #tpu.memory_space<vmem>> -> memref<1x8x128xf32, #tpu.memory_space<vmem>>
    %dma_wait3A_1192 = tpu.memref_squeeze %dma_wait3A_1191 : memref<1x8x128xf32, #tpu.memory_space<vmem>> -> memref<8x128xf32, #tpu.memory_space<vmem>>
    %dma_wait3A_1193 = tpu.memref_slice %arg2[%multiple_of3A_751, %multiple_of3A_744] : memref<1024x100000xf32, #tpu.memory_space<hbm>> -> memref<8x128xf32, #tpu.memory_space<hbm>>
    %dma_wait3A_1194 = arith.constant 0 : i32
    %dma_wait3A_1195 = arith.constant 0 : i32
    %dma_wait3A_1196 = tpu.memref_slice %arg6[%dma_wait3A_1188, %dma_wait3A_1194, %dma_wait3A_1195] : memref<64x8x128xf32, #tpu.memory_space<vmem>> -> memref<1x8x128xf32, #tpu.memory_space<vmem>>
    %dma_wait3A_1197 = tpu.memref_squeeze %dma_wait3A_1196 : memref<1x8x128xf32, #tpu.memory_space<vmem>> -> memref<8x128xf32, #tpu.memory_space<vmem>>
    %dma_wait3A_1198 = tpu.memref_slice %arg2[%multiple_of3A_751, %multiple_of3A_744] : memref<1024x100000xf32, #tpu.memory_space<hbm>> -> memref<8x128xf32, #tpu.memory_space<hbm>>
    tpu.wait_dma2 semaphore(%arg8 : memref<!tpu.dma_semaphore, #tpu.memory_space<semaphore_mem>>) src(%dma_wait3A_1198 : memref<8x128xf32, #tpu.memory_space<hbm>>) dst(%dma_wait3A_1197 : memref<8x128xf32, #tpu.memory_space<vmem>>)
    %dma_wait3A_1199 = arith.constant 19 : i32
    %dma_wait3A_1200 = arith.constant 0 : i32
    %dma_wait3A_1201 = arith.constant 0 : i32
    %dma_wait3A_1202 = tpu.memref_slice %arg6[%dma_wait3A_1199, %dma_wait3A_1200, %dma_wait3A_1201] : memref<64x8x128xf32, #tpu.memory_space<vmem>> -> memref<1x8x128xf32, #tpu.memory_space<vmem>>
    %dma_wait3A_1203 = tpu.memref_squeeze %dma_wait3A_1202 : memref<1x8x128xf32, #tpu.memory_space<vmem>> -> memref<8x128xf32, #tpu.memory_space<vmem>>
    %dma_wait3A_1204 = tpu.memref_slice %arg2[%multiple_of3A_782, %multiple_of3A_775] : memref<1024x100000xf32, #tpu.memory_space<hbm>> -> memref<8x128xf32, #tpu.memory_space<hbm>>
    %dma_wait3A_1205 = arith.constant 0 : i32
    %dma_wait3A_1206 = arith.constant 0 : i32
    %dma_wait3A_1207 = tpu.memref_slice %arg6[%dma_wait3A_1199, %dma_wait3A_1205, %dma_wait3A_1206] : memref<64x8x128xf32, #tpu.memory_space<vmem>> -> memref<1x8x128xf32, #tpu.memory_space<vmem>>
    %dma_wait3A_1208 = tpu.memref_squeeze %dma_wait3A_1207 : memref<1x8x128xf32, #tpu.memory_space<vmem>> -> memref<8x128xf32, #tpu.memory_space<vmem>>
    %dma_wait3A_1209 = tpu.memref_slice %arg2[%multiple_of3A_782, %multiple_of3A_775] : memref<1024x100000xf32, #tpu.memory_space<hbm>> -> memref<8x128xf32, #tpu.memory_space<hbm>>
    tpu.wait_dma2 semaphore(%arg8 : memref<!tpu.dma_semaphore, #tpu.memory_space<semaphore_mem>>) src(%dma_wait3A_1209 : memref<8x128xf32, #tpu.memory_space<hbm>>) dst(%dma_wait3A_1208 : memref<8x128xf32, #tpu.memory_space<vmem>>)
    %dma_wait3A_1210 = arith.constant 20 : i32
    %dma_wait3A_1211 = arith.constant 0 : i32
    %dma_wait3A_1212 = arith.constant 0 : i32
    %dma_wait3A_1213 = tpu.memref_slice %arg6[%dma_wait3A_1210, %dma_wait3A_1211, %dma_wait3A_1212] : memref<64x8x128xf32, #tpu.memory_space<vmem>> -> memref<1x8x128xf32, #tpu.memory_space<vmem>>
    %dma_wait3A_1214 = tpu.memref_squeeze %dma_wait3A_1213 : memref<1x8x128xf32, #tpu.memory_space<vmem>> -> memref<8x128xf32, #tpu.memory_space<vmem>>
    %dma_wait3A_1215 = tpu.memref_slice %arg2[%multiple_of3A_813, %multiple_of3A_806] : memref<1024x100000xf32, #tpu.memory_space<hbm>> -> memref<8x128xf32, #tpu.memory_space<hbm>>
    %dma_wait3A_1216 = arith.constant 0 : i32
    %dma_wait3A_1217 = arith.constant 0 : i32
    %dma_wait3A_1218 = tpu.memref_slice %arg6[%dma_wait3A_1210, %dma_wait3A_1216, %dma_wait3A_1217] : memref<64x8x128xf32, #tpu.memory_space<vmem>> -> memref<1x8x128xf32, #tpu.memory_space<vmem>>
    %dma_wait3A_1219 = tpu.memref_squeeze %dma_wait3A_1218 : memref<1x8x128xf32, #tpu.memory_space<vmem>> -> memref<8x128xf32, #tpu.memory_space<vmem>>
    %dma_wait3A_1220 = tpu.memref_slice %arg2[%multiple_of3A_813, %multiple_of3A_806] : memref<1024x100000xf32, #tpu.memory_space<hbm>> -> memref<8x128xf32, #tpu.memory_space<hbm>>
    tpu.wait_dma2 semaphore(%arg8 : memref<!tpu.dma_semaphore, #tpu.memory_space<semaphore_mem>>) src(%dma_wait3A_1220 : memref<8x128xf32, #tpu.memory_space<hbm>>) dst(%dma_wait3A_1219 : memref<8x128xf32, #tpu.memory_space<vmem>>)
    %dma_wait3A_1221 = arith.constant 21 : i32
    %dma_wait3A_1222 = arith.constant 0 : i32
    %dma_wait3A_1223 = arith.constant 0 : i32
    %dma_wait3A_1224 = tpu.memref_slice %arg6[%dma_wait3A_1221, %dma_wait3A_1222, %dma_wait3A_1223] : memref<64x8x128xf32, #tpu.memory_space<vmem>> -> memref<1x8x128xf32, #tpu.memory_space<vmem>>
    %dma_wait3A_1225 = tpu.memref_squeeze %dma_wait3A_1224 : memref<1x8x128xf32, #tpu.memory_space<vmem>> -> memref<8x128xf32, #tpu.memory_space<vmem>>
    %dma_wait3A_1226 = tpu.memref_slice %arg2[%multiple_of3A_844, %multiple_of3A_837] : memref<1024x100000xf32, #tpu.memory_space<hbm>> -> memref<8x128xf32, #tpu.memory_space<hbm>>
    %dma_wait3A_1227 = arith.constant 0 : i32
    %dma_wait3A_1228 = arith.constant 0 : i32
    %dma_wait3A_1229 = tpu.memref_slice %arg6[%dma_wait3A_1221, %dma_wait3A_1227, %dma_wait3A_1228] : memref<64x8x128xf32, #tpu.memory_space<vmem>> -> memref<1x8x128xf32, #tpu.memory_space<vmem>>
    %dma_wait3A_1230 = tpu.memref_squeeze %dma_wait3A_1229 : memref<1x8x128xf32, #tpu.memory_space<vmem>> -> memref<8x128xf32, #tpu.memory_space<vmem>>
    %dma_wait3A_1231 = tpu.memref_slice %arg2[%multiple_of3A_844, %multiple_of3A_837] : memref<1024x100000xf32, #tpu.memory_space<hbm>> -> memref<8x128xf32, #tpu.memory_space<hbm>>
    tpu.wait_dma2 semaphore(%arg8 : memref<!tpu.dma_semaphore, #tpu.memory_space<semaphore_mem>>) src(%dma_wait3A_1231 : memref<8x128xf32, #tpu.memory_space<hbm>>) dst(%dma_wait3A_1230 : memref<8x128xf32, #tpu.memory_space<vmem>>)
    %dma_wait3A_1232 = arith.constant 22 : i32
    %dma_wait3A_1233 = arith.constant 0 : i32
    %dma_wait3A_1234 = arith.constant 0 : i32
    %dma_wait3A_1235 = tpu.memref_slice %arg6[%dma_wait3A_1232, %dma_wait3A_1233, %dma_wait3A_1234] : memref<64x8x128xf32, #tpu.memory_space<vmem>> -> memref<1x8x128xf32, #tpu.memory_space<vmem>>
    %dma_wait3A_1236 = tpu.memref_squeeze %dma_wait3A_1235 : memref<1x8x128xf32, #tpu.memory_space<vmem>> -> memref<8x128xf32, #tpu.memory_space<vmem>>
    %dma_wait3A_1237 = tpu.memref_slice %arg2[%multiple_of3A_875, %multiple_of3A_868] : memref<1024x100000xf32, #tpu.memory_space<hbm>> -> memref<8x128xf32, #tpu.memory_space<hbm>>
    %dma_wait3A_1238 = arith.constant 0 : i32
    %dma_wait3A_1239 = arith.constant 0 : i32
    %dma_wait3A_1240 = tpu.memref_slice %arg6[%dma_wait3A_1232, %dma_wait3A_1238, %dma_wait3A_1239] : memref<64x8x128xf32, #tpu.memory_space<vmem>> -> memref<1x8x128xf32, #tpu.memory_space<vmem>>
    %dma_wait3A_1241 = tpu.memref_squeeze %dma_wait3A_1240 : memref<1x8x128xf32, #tpu.memory_space<vmem>> -> memref<8x128xf32, #tpu.memory_space<vmem>>
    %dma_wait3A_1242 = tpu.memref_slice %arg2[%multiple_of3A_875, %multiple_of3A_868] : memref<1024x100000xf32, #tpu.memory_space<hbm>> -> memref<8x128xf32, #tpu.memory_space<hbm>>
    tpu.wait_dma2 semaphore(%arg8 : memref<!tpu.dma_semaphore, #tpu.memory_space<semaphore_mem>>) src(%dma_wait3A_1242 : memref<8x128xf32, #tpu.memory_space<hbm>>) dst(%dma_wait3A_1241 : memref<8x128xf32, #tpu.memory_space<vmem>>)
    %dma_wait3A_1243 = arith.constant 23 : i32
    %dma_wait3A_1244 = arith.constant 0 : i32
    %dma_wait3A_1245 = arith.constant 0 : i32
    %dma_wait3A_1246 = tpu.memref_slice %arg6[%dma_wait3A_1243, %dma_wait3A_1244, %dma_wait3A_1245] : memref<64x8x128xf32, #tpu.memory_space<vmem>> -> memref<1x8x128xf32, #tpu.memory_space<vmem>>
    %dma_wait3A_1247 = tpu.memref_squeeze %dma_wait3A_1246 : memref<1x8x128xf32, #tpu.memory_space<vmem>> -> memref<8x128xf32, #tpu.memory_space<vmem>>
    %dma_wait3A_1248 = tpu.memref_slice %arg2[%multiple_of3A_906, %multiple_of3A_899] : memref<1024x100000xf32, #tpu.memory_space<hbm>> -> memref<8x128xf32, #tpu.memory_space<hbm>>
    %dma_wait3A_1249 = arith.constant 0 : i32
    %dma_wait3A_1250 = arith.constant 0 : i32
    %dma_wait3A_1251 = tpu.memref_slice %arg6[%dma_wait3A_1243, %dma_wait3A_1249, %dma_wait3A_1250] : memref<64x8x128xf32, #tpu.memory_space<vmem>> -> memref<1x8x128xf32, #tpu.memory_space<vmem>>
    %dma_wait3A_1252 = tpu.memref_squeeze %dma_wait3A_1251 : memref<1x8x128xf32, #tpu.memory_space<vmem>> -> memref<8x128xf32, #tpu.memory_space<vmem>>
    %dma_wait3A_1253 = tpu.memref_slice %arg2[%multiple_of3A_906, %multiple_of3A_899] : memref<1024x100000xf32, #tpu.memory_space<hbm>> -> memref<8x128xf32, #tpu.memory_space<hbm>>
    tpu.wait_dma2 semaphore(%arg8 : memref<!tpu.dma_semaphore, #tpu.memory_space<semaphore_mem>>) src(%dma_wait3A_1253 : memref<8x128xf32, #tpu.memory_space<hbm>>) dst(%dma_wait3A_1252 : memref<8x128xf32, #tpu.memory_space<vmem>>)
    %dma_wait3A_1254 = arith.constant 24 : i32
    %dma_wait3A_1255 = arith.constant 0 : i32
    %dma_wait3A_1256 = arith.constant 0 : i32
    %dma_wait3A_1257 = tpu.memref_slice %arg6[%dma_wait3A_1254, %dma_wait3A_1255, %dma_wait3A_1256] : memref<64x8x128xf32, #tpu.memory_space<vmem>> -> memref<1x8x128xf32, #tpu.memory_space<vmem>>
    %dma_wait3A_1258 = tpu.memref_squeeze %dma_wait3A_1257 : memref<1x8x128xf32, #tpu.memory_space<vmem>> -> memref<8x128xf32, #tpu.memory_space<vmem>>
    %dma_wait3A_1259 = tpu.memref_slice %arg2[%multiple_of3A_937, %multiple_of3A_930] : memref<1024x100000xf32, #tpu.memory_space<hbm>> -> memref<8x128xf32, #tpu.memory_space<hbm>>
    %dma_wait3A_1260 = arith.constant 0 : i32
    %dma_wait3A_1261 = arith.constant 0 : i32
    %dma_wait3A_1262 = tpu.memref_slice %arg6[%dma_wait3A_1254, %dma_wait3A_1260, %dma_wait3A_1261] : memref<64x8x128xf32, #tpu.memory_space<vmem>> -> memref<1x8x128xf32, #tpu.memory_space<vmem>>
    %dma_wait3A_1263 = tpu.memref_squeeze %dma_wait3A_1262 : memref<1x8x128xf32, #tpu.memory_space<vmem>> -> memref<8x128xf32, #tpu.memory_space<vmem>>
    %dma_wait3A_1264 = tpu.memref_slice %arg2[%multiple_of3A_937, %multiple_of3A_930] : memref<1024x100000xf32, #tpu.memory_space<hbm>> -> memref<8x128xf32, #tpu.memory_space<hbm>>
    tpu.wait_dma2 semaphore(%arg8 : memref<!tpu.dma_semaphore, #tpu.memory_space<semaphore_mem>>) src(%dma_wait3A_1264 : memref<8x128xf32, #tpu.memory_space<hbm>>) dst(%dma_wait3A_1263 : memref<8x128xf32, #tpu.memory_space<vmem>>)
    %dma_wait3A_1265 = arith.constant 25 : i32
    %dma_wait3A_1266 = arith.constant 0 : i32
    %dma_wait3A_1267 = arith.constant 0 : i32
    %dma_wait3A_1268 = tpu.memref_slice %arg6[%dma_wait3A_1265, %dma_wait3A_1266, %dma_wait3A_1267] : memref<64x8x128xf32, #tpu.memory_space<vmem>> -> memref<1x8x128xf32, #tpu.memory_space<vmem>>
    %dma_wait3A_1269 = tpu.memref_squeeze %dma_wait3A_1268 : memref<1x8x128xf32, #tpu.memory_space<vmem>> -> memref<8x128xf32, #tpu.memory_space<vmem>>
    %dma_wait3A_1270 = tpu.memref_slice %arg2[%multiple_of3A_968, %multiple_of3A_961] : memref<1024x100000xf32, #tpu.memory_space<hbm>> -> memref<8x128xf32, #tpu.memory_space<hbm>>
    %dma_wait3A_1271 = arith.constant 0 : i32
    %dma_wait3A_1272 = arith.constant 0 : i32
    %dma_wait3A_1273 = tpu.memref_slice %arg6[%dma_wait3A_1265, %dma_wait3A_1271, %dma_wait3A_1272] : memref<64x8x128xf32, #tpu.memory_space<vmem>> -> memref<1x8x128xf32, #tpu.memory_space<vmem>>
    %dma_wait3A_1274 = tpu.memref_squeeze %dma_wait3A_1273 : memref<1x8x128xf32, #tpu.memory_space<vmem>> -> memref<8x128xf32, #tpu.memory_space<vmem>>
    %dma_wait3A_1275 = tpu.memref_slice %arg2[%multiple_of3A_968, %multiple_of3A_961] : memref<1024x100000xf32, #tpu.memory_space<hbm>> -> memref<8x128xf32, #tpu.memory_space<hbm>>
    tpu.wait_dma2 semaphore(%arg8 : memref<!tpu.dma_semaphore, #tpu.memory_space<semaphore_mem>>) src(%dma_wait3A_1275 : memref<8x128xf32, #tpu.memory_space<hbm>>) dst(%dma_wait3A_1274 : memref<8x128xf32, #tpu.memory_space<vmem>>)
    %dma_wait3A_1276 = arith.constant 26 : i32
    %dma_wait3A_1277 = arith.constant 0 : i32
    %dma_wait3A_1278 = arith.constant 0 : i32
    %dma_wait3A_1279 = tpu.memref_slice %arg6[%dma_wait3A_1276, %dma_wait3A_1277, %dma_wait3A_1278] : memref<64x8x128xf32, #tpu.memory_space<vmem>> -> memref<1x8x128xf32, #tpu.memory_space<vmem>>
    %dma_wait3A_1280 = tpu.memref_squeeze %dma_wait3A_1279 : memref<1x8x128xf32, #tpu.memory_space<vmem>> -> memref<8x128xf32, #tpu.memory_space<vmem>>
    %dma_wait3A_1281 = tpu.memref_slice %arg2[%multiple_of3A_999, %multiple_of3A_992] : memref<1024x100000xf32, #tpu.memory_space<hbm>> -> memref<8x128xf32, #tpu.memory_space<hbm>>
    %dma_wait3A_1282 = arith.constant 0 : i32
    %dma_wait3A_1283 = arith.constant 0 : i32
    %dma_wait3A_1284 = tpu.memref_slice %arg6[%dma_wait3A_1276, %dma_wait3A_1282, %dma_wait3A_1283] : memref<64x8x128xf32, #tpu.memory_space<vmem>> -> memref<1x8x128xf32, #tpu.memory_space<vmem>>
    %dma_wait3A_1285 = tpu.memref_squeeze %dma_wait3A_1284 : memref<1x8x128xf32, #tpu.memory_space<vmem>> -> memref<8x128xf32, #tpu.memory_space<vmem>>
    %dma_wait3A_1286 = tpu.memref_slice %arg2[%multiple_of3A_999, %multiple_of3A_992] : memref<1024x100000xf32, #tpu.memory_space<hbm>> -> memref<8x128xf32, #tpu.memory_space<hbm>>
    tpu.wait_dma2 semaphore(%arg8 : memref<!tpu.dma_semaphore, #tpu.memory_space<semaphore_mem>>) src(%dma_wait3A_1286 : memref<8x128xf32, #tpu.memory_space<hbm>>) dst(%dma_wait3A_1285 : memref<8x128xf32, #tpu.memory_space<vmem>>)
    %dma_wait3A_1287 = arith.constant 27 : i32
    %dma_wait3A_1288 = arith.constant 0 : i32
    %dma_wait3A_1289 = arith.constant 0 : i32
    %dma_wait3A_1290 = tpu.memref_slice %arg6[%dma_wait3A_1287, %dma_wait3A_1288, %dma_wait3A_1289] : memref<64x8x128xf32, #tpu.memory_space<vmem>> -> memref<1x8x128xf32, #tpu.memory_space<vmem>>
    %dma_wait3A_1291 = tpu.memref_squeeze %dma_wait3A_1290 : memref<1x8x128xf32, #tpu.memory_space<vmem>> -> memref<8x128xf32, #tpu.memory_space<vmem>>
    %dma_wait3A_1292 = tpu.memref_slice %arg2[%multiple_of3A_1030, %multiple_of3A_1023] : memref<1024x100000xf32, #tpu.memory_space<hbm>> -> memref<8x128xf32, #tpu.memory_space<hbm>>
    %dma_wait3A_1293 = arith.constant 0 : i32
    %dma_wait3A_1294 = arith.constant 0 : i32
    %dma_wait3A_1295 = tpu.memref_slice %arg6[%dma_wait3A_1287, %dma_wait3A_1293, %dma_wait3A_1294] : memref<64x8x128xf32, #tpu.memory_space<vmem>> -> memref<1x8x128xf32, #tpu.memory_space<vmem>>
    %dma_wait3A_1296 = tpu.memref_squeeze %dma_wait3A_1295 : memref<1x8x128xf32, #tpu.memory_space<vmem>> -> memref<8x128xf32, #tpu.memory_space<vmem>>
    %dma_wait3A_1297 = tpu.memref_slice %arg2[%multiple_of3A_1030, %multiple_of3A_1023] : memref<1024x100000xf32, #tpu.memory_space<hbm>> -> memref<8x128xf32, #tpu.memory_space<hbm>>
    tpu.wait_dma2 semaphore(%arg8 : memref<!tpu.dma_semaphore, #tpu.memory_space<semaphore_mem>>) src(%dma_wait3A_1297 : memref<8x128xf32, #tpu.memory_space<hbm>>) dst(%dma_wait3A_1296 : memref<8x128xf32, #tpu.memory_space<vmem>>)
    %dma_wait3A_1298 = arith.constant 28 : i32
    %dma_wait3A_1299 = arith.constant 0 : i32
    %dma_wait3A_1300 = arith.constant 0 : i32
    %dma_wait3A_1301 = tpu.memref_slice %arg6[%dma_wait3A_1298, %dma_wait3A_1299, %dma_wait3A_1300] : memref<64x8x128xf32, #tpu.memory_space<vmem>> -> memref<1x8x128xf32, #tpu.memory_space<vmem>>
    %dma_wait3A_1302 = tpu.memref_squeeze %dma_wait3A_1301 : memref<1x8x128xf32, #tpu.memory_space<vmem>> -> memref<8x128xf32, #tpu.memory_space<vmem>>
    %dma_wait3A_1303 = tpu.memref_slice %arg2[%multiple_of3A_1061, %multiple_of3A_1054] : memref<1024x100000xf32, #tpu.memory_space<hbm>> -> memref<8x128xf32, #tpu.memory_space<hbm>>
    %dma_wait3A_1304 = arith.constant 0 : i32
    %dma_wait3A_1305 = arith.constant 0 : i32
    %dma_wait3A_1306 = tpu.memref_slice %arg6[%dma_wait3A_1298, %dma_wait3A_1304, %dma_wait3A_1305] : memref<64x8x128xf32, #tpu.memory_space<vmem>> -> memref<1x8x128xf32, #tpu.memory_space<vmem>>
    %dma_wait3A_1307 = tpu.memref_squeeze %dma_wait3A_1306 : memref<1x8x128xf32, #tpu.memory_space<vmem>> -> memref<8x128xf32, #tpu.memory_space<vmem>>
    %dma_wait3A_1308 = tpu.memref_slice %arg2[%multiple_of3A_1061, %multiple_of3A_1054] : memref<1024x100000xf32, #tpu.memory_space<hbm>> -> memref<8x128xf32, #tpu.memory_space<hbm>>
    tpu.wait_dma2 semaphore(%arg8 : memref<!tpu.dma_semaphore, #tpu.memory_space<semaphore_mem>>) src(%dma_wait3A_1308 : memref<8x128xf32, #tpu.memory_space<hbm>>) dst(%dma_wait3A_1307 : memref<8x128xf32, #tpu.memory_space<vmem>>)
    %dma_wait3A_1309 = arith.constant 29 : i32
    %dma_wait3A_1310 = arith.constant 0 : i32
    %dma_wait3A_1311 = arith.constant 0 : i32
    %dma_wait3A_1312 = tpu.memref_slice %arg6[%dma_wait3A_1309, %dma_wait3A_1310, %dma_wait3A_1311] : memref<64x8x128xf32, #tpu.memory_space<vmem>> -> memref<1x8x128xf32, #tpu.memory_space<vmem>>
    %dma_wait3A_1313 = tpu.memref_squeeze %dma_wait3A_1312 : memref<1x8x128xf32, #tpu.memory_space<vmem>> -> memref<8x128xf32, #tpu.memory_space<vmem>>
    %dma_wait3A_1314 = tpu.memref_slice %arg2[%multiple_of3A_1092, %multiple_of3A_1085] : memref<1024x100000xf32, #tpu.memory_space<hbm>> -> memref<8x128xf32, #tpu.memory_space<hbm>>
    %dma_wait3A_1315 = arith.constant 0 : i32
    %dma_wait3A_1316 = arith.constant 0 : i32
    %dma_wait3A_1317 = tpu.memref_slice %arg6[%dma_wait3A_1309, %dma_wait3A_1315, %dma_wait3A_1316] : memref<64x8x128xf32, #tpu.memory_space<vmem>> -> memref<1x8x128xf32, #tpu.memory_space<vmem>>
    %dma_wait3A_1318 = tpu.memref_squeeze %dma_wait3A_1317 : memref<1x8x128xf32, #tpu.memory_space<vmem>> -> memref<8x128xf32, #tpu.memory_space<vmem>>
    %dma_wait3A_1319 = tpu.memref_slice %arg2[%multiple_of3A_1092, %multiple_of3A_1085] : memref<1024x100000xf32, #tpu.memory_space<hbm>> -> memref<8x128xf32, #tpu.memory_space<hbm>>
    tpu.wait_dma2 semaphore(%arg8 : memref<!tpu.dma_semaphore, #tpu.memory_space<semaphore_mem>>) src(%dma_wait3A_1319 : memref<8x128xf32, #tpu.memory_space<hbm>>) dst(%dma_wait3A_1318 : memref<8x128xf32, #tpu.memory_space<vmem>>)
    %dma_wait3A_1320 = arith.constant 30 : i32
    %dma_wait3A_1321 = arith.constant 0 : i32
    %dma_wait3A_1322 = arith.constant 0 : i32
    %dma_wait3A_1323 = tpu.memref_slice %arg6[%dma_wait3A_1320, %dma_wait3A_1321, %dma_wait3A_1322] : memref<64x8x128xf32, #tpu.memory_space<vmem>> -> memref<1x8x128xf32, #tpu.memory_space<vmem>>
    %dma_wait3A_1324 = tpu.memref_squeeze %dma_wait3A_1323 : memref<1x8x128xf32, #tpu.memory_space<vmem>> -> memref<8x128xf32, #tpu.memory_space<vmem>>
    %dma_wait3A_1325 = tpu.memref_slice %arg2[%multiple_of3A_1123, %multiple_of3A_1116] : memref<1024x100000xf32, #tpu.memory_space<hbm>> -> memref<8x128xf32, #tpu.memory_space<hbm>>
    %dma_wait3A_1326 = arith.constant 0 : i32
    %dma_wait3A_1327 = arith.constant 0 : i32
    %dma_wait3A_1328 = tpu.memref_slice %arg6[%dma_wait3A_1320, %dma_wait3A_1326, %dma_wait3A_1327] : memref<64x8x128xf32, #tpu.memory_space<vmem>> -> memref<1x8x128xf32, #tpu.memory_space<vmem>>
    %dma_wait3A_1329 = tpu.memref_squeeze %dma_wait3A_1328 : memref<1x8x128xf32, #tpu.memory_space<vmem>> -> memref<8x128xf32, #tpu.memory_space<vmem>>
    %dma_wait3A_1330 = tpu.memref_slice %arg2[%multiple_of3A_1123, %multiple_of3A_1116] : memref<1024x100000xf32, #tpu.memory_space<hbm>> -> memref<8x128xf32, #tpu.memory_space<hbm>>
    tpu.wait_dma2 semaphore(%arg8 : memref<!tpu.dma_semaphore, #tpu.memory_space<semaphore_mem>>) src(%dma_wait3A_1330 : memref<8x128xf32, #tpu.memory_space<hbm>>) dst(%dma_wait3A_1329 : memref<8x128xf32, #tpu.memory_space<vmem>>)
    %dma_wait3A_1331 = arith.constant 31 : i32
    %dma_wait3A_1332 = arith.constant 0 : i32
    %dma_wait3A_1333 = arith.constant 0 : i32
    %dma_wait3A_1334 = tpu.memref_slice %arg6[%dma_wait3A_1331, %dma_wait3A_1332, %dma_wait3A_1333] : memref<64x8x128xf32, #tpu.memory_space<vmem>> -> memref<1x8x128xf32, #tpu.memory_space<vmem>>
    %dma_wait3A_1335 = tpu.memref_squeeze %dma_wait3A_1334 : memref<1x8x128xf32, #tpu.memory_space<vmem>> -> memref<8x128xf32, #tpu.memory_space<vmem>>
    %dma_wait3A_1336 = tpu.memref_slice %arg2[%multiple_of3A_1154, %multiple_of3A_1147] : memref<1024x100000xf32, #tpu.memory_space<hbm>> -> memref<8x128xf32, #tpu.memory_space<hbm>>
    %dma_wait3A_1337 = arith.constant 0 : i32
    %dma_wait3A_1338 = arith.constant 0 : i32
    %dma_wait3A_1339 = tpu.memref_slice %arg6[%dma_wait3A_1331, %dma_wait3A_1337, %dma_wait3A_1338] : memref<64x8x128xf32, #tpu.memory_space<vmem>> -> memref<1x8x128xf32, #tpu.memory_space<vmem>>
    %dma_wait3A_1340 = tpu.memref_squeeze %dma_wait3A_1339 : memref<1x8x128xf32, #tpu.memory_space<vmem>> -> memref<8x128xf32, #tpu.memory_space<vmem>>
    %dma_wait3A_1341 = tpu.memref_slice %arg2[%multiple_of3A_1154, %multiple_of3A_1147] : memref<1024x100000xf32, #tpu.memory_space<hbm>> -> memref<8x128xf32, #tpu.memory_space<hbm>>
    tpu.wait_dma2 semaphore(%arg8 : memref<!tpu.dma_semaphore, #tpu.memory_space<semaphore_mem>>) src(%dma_wait3A_1341 : memref<8x128xf32, #tpu.memory_space<hbm>>) dst(%dma_wait3A_1340 : memref<8x128xf32, #tpu.memory_space<vmem>>)
    %eq3A_1342 = arith.constant 0 : i32
    %eq3A_1343 = vector.broadcast %eq3A_1342 : i32 to vector<16xi32>
    %eq3A_1344 = arith.cmpi eq, %iota3A, %eq3A_1343 : vector<16xi32>
    %jit3A_1345 = arith.constant 0 : i32
    %broadcast_in_dim3A_1346 = vector.broadcast %jit3A_1345 : i32 to vector<16xi32>
    %select_n3A_1347 = arith.select %eq3A_1344, %get3A_5, %broadcast_in_dim3A_1346 : vector<16xi1>, vector<16xi32>
    %reduce_sum3A_1348 = arith.constant true
    %reduce_sum3A_1349 = vector.broadcast %reduce_sum3A_1348 : i1 to vector<16xi1>
    %reduce_sum3A_1350 = tpu.scan <sum>, %select_n3A_1347 masked %reduce_sum3A_1349 : vector<16xi32>, vector<16xi1> -> vector<16xi32>
    %reduce_sum3A_1351 = vector.extract %reduce_sum3A_1350[15] : i32 from vector<16xi32>
    %and3A_1352 = arith.constant -128 : i32
    %and3A_1353 = arith.andi %reduce_sum3A_1351, %and3A_1352 : i32
    %multiple_of3A_1354 = tpu.assume_multiple %and3A_1353, 128 : i32
    %add3A_1355 = arith.constant 32 : i32
    %add3A_1356 = arith.addi %mul3A_0, %add3A_1355 : i32
    %add3A_1357 = arith.constant 0 : i32
    %add3A_1358 = arith.addi %add3A_1356, %add3A_1357 : i32
    %and3A_1359 = arith.constant -8 : i32
    %and3A_1360 = arith.andi %add3A_1358, %and3A_1359 : i32
    %multiple_of3A_1361 = tpu.assume_multiple %and3A_1360, 8 : i32
    %dma_start3A_1362 = arith.constant 32 : i32
    %dma_start3A_1363 = arith.constant 0 : i32
    %dma_start3A_1364 = arith.constant 0 : i32
    %dma_start3A_1365 = tpu.memref_slice %arg6[%dma_start3A_1362, %dma_start3A_1363, %dma_start3A_1364] : memref<64x8x128xf32, #tpu.memory_space<vmem>> -> memref<1x8x128xf32, #tpu.memory_space<vmem>>
    %dma_start3A_1366 = tpu.memref_squeeze %dma_start3A_1365 : memref<1x8x128xf32, #tpu.memory_space<vmem>> -> memref<8x128xf32, #tpu.memory_space<vmem>>
    %dma_start3A_1367 = tpu.memref_slice %arg2[%multiple_of3A_1361, %multiple_of3A_1354] : memref<1024x100000xf32, #tpu.memory_space<hbm>> -> memref<8x128xf32, #tpu.memory_space<hbm>>
    %dma_start3A_1368 = arith.constant 0 : i32
    %dma_start3A_1369 = arith.constant 0 : i32
    %dma_start3A_1370 = tpu.memref_slice %arg6[%dma_start3A_1362, %dma_start3A_1368, %dma_start3A_1369] : memref<64x8x128xf32, #tpu.memory_space<vmem>> -> memref<1x8x128xf32, #tpu.memory_space<vmem>>
    %dma_start3A_1371 = tpu.memref_squeeze %dma_start3A_1370 : memref<1x8x128xf32, #tpu.memory_space<vmem>> -> memref<8x128xf32, #tpu.memory_space<vmem>>
    %dma_start3A_1372 = tpu.memref_slice %arg2[%multiple_of3A_1361, %multiple_of3A_1354] : memref<1024x100000xf32, #tpu.memory_space<hbm>> -> memref<8x128xf32, #tpu.memory_space<hbm>>
    tpu.enqueue_dma source(%dma_start3A_1372 : memref<8x128xf32, #tpu.memory_space<hbm>>) target(%dma_start3A_1371 : memref<8x128xf32, #tpu.memory_space<vmem>>) target_semaphore(%arg8 : memref<!tpu.dma_semaphore, #tpu.memory_space<semaphore_mem>>)
    %eq3A_1373 = arith.constant 1 : i32
    %eq3A_1374 = vector.broadcast %eq3A_1373 : i32 to vector<16xi32>
    %eq3A_1375 = arith.cmpi eq, %iota3A, %eq3A_1374 : vector<16xi32>
    %jit3A_1376 = arith.constant 0 : i32
    %broadcast_in_dim3A_1377 = vector.broadcast %jit3A_1376 : i32 to vector<16xi32>
    %select_n3A_1378 = arith.select %eq3A_1375, %get3A_5, %broadcast_in_dim3A_1377 : vector<16xi1>, vector<16xi32>
    %reduce_sum3A_1379 = arith.constant true
    %reduce_sum3A_1380 = vector.broadcast %reduce_sum3A_1379 : i1 to vector<16xi1>
    %reduce_sum3A_1381 = tpu.scan <sum>, %select_n3A_1378 masked %reduce_sum3A_1380 : vector<16xi32>, vector<16xi1> -> vector<16xi32>
    %reduce_sum3A_1382 = vector.extract %reduce_sum3A_1381[15] : i32 from vector<16xi32>
    %and3A_1383 = arith.constant -128 : i32
    %and3A_1384 = arith.andi %reduce_sum3A_1382, %and3A_1383 : i32
    %multiple_of3A_1385 = tpu.assume_multiple %and3A_1384, 128 : i32
    %add3A_1386 = arith.constant 32 : i32
    %add3A_1387 = arith.addi %mul3A_0, %add3A_1386 : i32
    %add3A_1388 = arith.constant 1 : i32
    %add3A_1389 = arith.addi %add3A_1387, %add3A_1388 : i32
    %and3A_1390 = arith.constant -8 : i32
    %and3A_1391 = arith.andi %add3A_1389, %and3A_1390 : i32
    %multiple_of3A_1392 = tpu.assume_multiple %and3A_1391, 8 : i32
    %dma_start3A_1393 = arith.constant 33 : i32
    %dma_start3A_1394 = arith.constant 0 : i32
    %dma_start3A_1395 = arith.constant 0 : i32
    %dma_start3A_1396 = tpu.memref_slice %arg6[%dma_start3A_1393, %dma_start3A_1394, %dma_start3A_1395] : memref<64x8x128xf32, #tpu.memory_space<vmem>> -> memref<1x8x128xf32, #tpu.memory_space<vmem>>
    %dma_start3A_1397 = tpu.memref_squeeze %dma_start3A_1396 : memref<1x8x128xf32, #tpu.memory_space<vmem>> -> memref<8x128xf32, #tpu.memory_space<vmem>>
    %dma_start3A_1398 = tpu.memref_slice %arg2[%multiple_of3A_1392, %multiple_of3A_1385] : memref<1024x100000xf32, #tpu.memory_space<hbm>> -> memref<8x128xf32, #tpu.memory_space<hbm>>
    %dma_start3A_1399 = arith.constant 0 : i32
    %dma_start3A_1400 = arith.constant 0 : i32
    %dma_start3A_1401 = tpu.memref_slice %arg6[%dma_start3A_1393, %dma_start3A_1399, %dma_start3A_1400] : memref<64x8x128xf32, #tpu.memory_space<vmem>> -> memref<1x8x128xf32, #tpu.memory_space<vmem>>
    %dma_start3A_1402 = tpu.memref_squeeze %dma_start3A_1401 : memref<1x8x128xf32, #tpu.memory_space<vmem>> -> memref<8x128xf32, #tpu.memory_space<vmem>>
    %dma_start3A_1403 = tpu.memref_slice %arg2[%multiple_of3A_1392, %multiple_of3A_1385] : memref<1024x100000xf32, #tpu.memory_space<hbm>> -> memref<8x128xf32, #tpu.memory_space<hbm>>
    tpu.enqueue_dma source(%dma_start3A_1403 : memref<8x128xf32, #tpu.memory_space<hbm>>) target(%dma_start3A_1402 : memref<8x128xf32, #tpu.memory_space<vmem>>) target_semaphore(%arg8 : memref<!tpu.dma_semaphore, #tpu.memory_space<semaphore_mem>>)
    %eq3A_1404 = arith.constant 2 : i32
    %eq3A_1405 = vector.broadcast %eq3A_1404 : i32 to vector<16xi32>
    %eq3A_1406 = arith.cmpi eq, %iota3A, %eq3A_1405 : vector<16xi32>
    %jit3A_1407 = arith.constant 0 : i32
    %broadcast_in_dim3A_1408 = vector.broadcast %jit3A_1407 : i32 to vector<16xi32>
    %select_n3A_1409 = arith.select %eq3A_1406, %get3A_5, %broadcast_in_dim3A_1408 : vector<16xi1>, vector<16xi32>
    %reduce_sum3A_1410 = arith.constant true
    %reduce_sum3A_1411 = vector.broadcast %reduce_sum3A_1410 : i1 to vector<16xi1>
    %reduce_sum3A_1412 = tpu.scan <sum>, %select_n3A_1409 masked %reduce_sum3A_1411 : vector<16xi32>, vector<16xi1> -> vector<16xi32>
    %reduce_sum3A_1413 = vector.extract %reduce_sum3A_1412[15] : i32 from vector<16xi32>
    %and3A_1414 = arith.constant -128 : i32
    %and3A_1415 = arith.andi %reduce_sum3A_1413, %and3A_1414 : i32
    %multiple_of3A_1416 = tpu.assume_multiple %and3A_1415, 128 : i32
    %add3A_1417 = arith.constant 32 : i32
    %add3A_1418 = arith.addi %mul3A_0, %add3A_1417 : i32
    %add3A_1419 = arith.constant 2 : i32
    %add3A_1420 = arith.addi %add3A_1418, %add3A_1419 : i32
    %and3A_1421 = arith.constant -8 : i32
    %and3A_1422 = arith.andi %add3A_1420, %and3A_1421 : i32
    %multiple_of3A_1423 = tpu.assume_multiple %and3A_1422, 8 : i32
    %dma_start3A_1424 = arith.constant 34 : i32
    %dma_start3A_1425 = arith.constant 0 : i32
    %dma_start3A_1426 = arith.constant 0 : i32
    %dma_start3A_1427 = tpu.memref_slice %arg6[%dma_start3A_1424, %dma_start3A_1425, %dma_start3A_1426] : memref<64x8x128xf32, #tpu.memory_space<vmem>> -> memref<1x8x128xf32, #tpu.memory_space<vmem>>
    %dma_start3A_1428 = tpu.memref_squeeze %dma_start3A_1427 : memref<1x8x128xf32, #tpu.memory_space<vmem>> -> memref<8x128xf32, #tpu.memory_space<vmem>>
    %dma_start3A_1429 = tpu.memref_slice %arg2[%multiple_of3A_1423, %multiple_of3A_1416] : memref<1024x100000xf32, #tpu.memory_space<hbm>> -> memref<8x128xf32, #tpu.memory_space<hbm>>
    %dma_start3A_1430 = arith.constant 0 : i32
    %dma_start3A_1431 = arith.constant 0 : i32
    %dma_start3A_1432 = tpu.memref_slice %arg6[%dma_start3A_1424, %dma_start3A_1430, %dma_start3A_1431] : memref<64x8x128xf32, #tpu.memory_space<vmem>> -> memref<1x8x128xf32, #tpu.memory_space<vmem>>
    %dma_start3A_1433 = tpu.memref_squeeze %dma_start3A_1432 : memref<1x8x128xf32, #tpu.memory_space<vmem>> -> memref<8x128xf32, #tpu.memory_space<vmem>>
    %dma_start3A_1434 = tpu.memref_slice %arg2[%multiple_of3A_1423, %multiple_of3A_1416] : memref<1024x100000xf32, #tpu.memory_space<hbm>> -> memref<8x128xf32, #tpu.memory_space<hbm>>
    tpu.enqueue_dma source(%dma_start3A_1434 : memref<8x128xf32, #tpu.memory_space<hbm>>) target(%dma_start3A_1433 : memref<8x128xf32, #tpu.memory_space<vmem>>) target_semaphore(%arg8 : memref<!tpu.dma_semaphore, #tpu.memory_space<semaphore_mem>>)
    %eq3A_1435 = arith.constant 3 : i32
    %eq3A_1436 = vector.broadcast %eq3A_1435 : i32 to vector<16xi32>
    %eq3A_1437 = arith.cmpi eq, %iota3A, %eq3A_1436 : vector<16xi32>
    %jit3A_1438 = arith.constant 0 : i32
    %broadcast_in_dim3A_1439 = vector.broadcast %jit3A_1438 : i32 to vector<16xi32>
    %select_n3A_1440 = arith.select %eq3A_1437, %get3A_5, %broadcast_in_dim3A_1439 : vector<16xi1>, vector<16xi32>
    %reduce_sum3A_1441 = arith.constant true
    %reduce_sum3A_1442 = vector.broadcast %reduce_sum3A_1441 : i1 to vector<16xi1>
    %reduce_sum3A_1443 = tpu.scan <sum>, %select_n3A_1440 masked %reduce_sum3A_1442 : vector<16xi32>, vector<16xi1> -> vector<16xi32>
    %reduce_sum3A_1444 = vector.extract %reduce_sum3A_1443[15] : i32 from vector<16xi32>
    %and3A_1445 = arith.constant -128 : i32
    %and3A_1446 = arith.andi %reduce_sum3A_1444, %and3A_1445 : i32
    %multiple_of3A_1447 = tpu.assume_multiple %and3A_1446, 128 : i32
    %add3A_1448 = arith.constant 32 : i32
    %add3A_1449 = arith.addi %mul3A_0, %add3A_1448 : i32
    %add3A_1450 = arith.constant 3 : i32
    %add3A_1451 = arith.addi %add3A_1449, %add3A_1450 : i32
    %and3A_1452 = arith.constant -8 : i32
    %and3A_1453 = arith.andi %add3A_1451, %and3A_1452 : i32
    %multiple_of3A_1454 = tpu.assume_multiple %and3A_1453, 8 : i32
    %dma_start3A_1455 = arith.constant 35 : i32
    %dma_start3A_1456 = arith.constant 0 : i32
    %dma_start3A_1457 = arith.constant 0 : i32
    %dma_start3A_1458 = tpu.memref_slice %arg6[%dma_start3A_1455, %dma_start3A_1456, %dma_start3A_1457] : memref<64x8x128xf32, #tpu.memory_space<vmem>> -> memref<1x8x128xf32, #tpu.memory_space<vmem>>
    %dma_start3A_1459 = tpu.memref_squeeze %dma_start3A_1458 : memref<1x8x128xf32, #tpu.memory_space<vmem>> -> memref<8x128xf32, #tpu.memory_space<vmem>>
    %dma_start3A_1460 = tpu.memref_slice %arg2[%multiple_of3A_1454, %multiple_of3A_1447] : memref<1024x100000xf32, #tpu.memory_space<hbm>> -> memref<8x128xf32, #tpu.memory_space<hbm>>
    %dma_start3A_1461 = arith.constant 0 : i32
    %dma_start3A_1462 = arith.constant 0 : i32
    %dma_start3A_1463 = tpu.memref_slice %arg6[%dma_start3A_1455, %dma_start3A_1461, %dma_start3A_1462] : memref<64x8x128xf32, #tpu.memory_space<vmem>> -> memref<1x8x128xf32, #tpu.memory_space<vmem>>
    %dma_start3A_1464 = tpu.memref_squeeze %dma_start3A_1463 : memref<1x8x128xf32, #tpu.memory_space<vmem>> -> memref<8x128xf32, #tpu.memory_space<vmem>>
    %dma_start3A_1465 = tpu.memref_slice %arg2[%multiple_of3A_1454, %multiple_of3A_1447] : memref<1024x100000xf32, #tpu.memory_space<hbm>> -> memref<8x128xf32, #tpu.memory_space<hbm>>
    tpu.enqueue_dma source(%dma_start3A_1465 : memref<8x128xf32, #tpu.memory_space<hbm>>) target(%dma_start3A_1464 : memref<8x128xf32, #tpu.memory_space<vmem>>) target_semaphore(%arg8 : memref<!tpu.dma_semaphore, #tpu.memory_space<semaphore_mem>>)
    %eq3A_1466 = arith.constant 4 : i32
    %eq3A_1467 = vector.broadcast %eq3A_1466 : i32 to vector<16xi32>
    %eq3A_1468 = arith.cmpi eq, %iota3A, %eq3A_1467 : vector<16xi32>
    %jit3A_1469 = arith.constant 0 : i32
    %broadcast_in_dim3A_1470 = vector.broadcast %jit3A_1469 : i32 to vector<16xi32>
    %select_n3A_1471 = arith.select %eq3A_1468, %get3A_5, %broadcast_in_dim3A_1470 : vector<16xi1>, vector<16xi32>
    %reduce_sum3A_1472 = arith.constant true
    %reduce_sum3A_1473 = vector.broadcast %reduce_sum3A_1472 : i1 to vector<16xi1>
    %reduce_sum3A_1474 = tpu.scan <sum>, %select_n3A_1471 masked %reduce_sum3A_1473 : vector<16xi32>, vector<16xi1> -> vector<16xi32>
    %reduce_sum3A_1475 = vector.extract %reduce_sum3A_1474[15] : i32 from vector<16xi32>
    %and3A_1476 = arith.constant -128 : i32
    %and3A_1477 = arith.andi %reduce_sum3A_1475, %and3A_1476 : i32
    %multiple_of3A_1478 = tpu.assume_multiple %and3A_1477, 128 : i32
    %add3A_1479 = arith.constant 32 : i32
    %add3A_1480 = arith.addi %mul3A_0, %add3A_1479 : i32
    %add3A_1481 = arith.constant 4 : i32
    %add3A_1482 = arith.addi %add3A_1480, %add3A_1481 : i32
    %and3A_1483 = arith.constant -8 : i32
    %and3A_1484 = arith.andi %add3A_1482, %and3A_1483 : i32
    %multiple_of3A_1485 = tpu.assume_multiple %and3A_1484, 8 : i32
    %dma_start3A_1486 = arith.constant 36 : i32
    %dma_start3A_1487 = arith.constant 0 : i32
    %dma_start3A_1488 = arith.constant 0 : i32
    %dma_start3A_1489 = tpu.memref_slice %arg6[%dma_start3A_1486, %dma_start3A_1487, %dma_start3A_1488] : memref<64x8x128xf32, #tpu.memory_space<vmem>> -> memref<1x8x128xf32, #tpu.memory_space<vmem>>
    %dma_start3A_1490 = tpu.memref_squeeze %dma_start3A_1489 : memref<1x8x128xf32, #tpu.memory_space<vmem>> -> memref<8x128xf32, #tpu.memory_space<vmem>>
    %dma_start3A_1491 = tpu.memref_slice %arg2[%multiple_of3A_1485, %multiple_of3A_1478] : memref<1024x100000xf32, #tpu.memory_space<hbm>> -> memref<8x128xf32, #tpu.memory_space<hbm>>
    %dma_start3A_1492 = arith.constant 0 : i32
    %dma_start3A_1493 = arith.constant 0 : i32
    %dma_start3A_1494 = tpu.memref_slice %arg6[%dma_start3A_1486, %dma_start3A_1492, %dma_start3A_1493] : memref<64x8x128xf32, #tpu.memory_space<vmem>> -> memref<1x8x128xf32, #tpu.memory_space<vmem>>
    %dma_start3A_1495 = tpu.memref_squeeze %dma_start3A_1494 : memref<1x8x128xf32, #tpu.memory_space<vmem>> -> memref<8x128xf32, #tpu.memory_space<vmem>>
    %dma_start3A_1496 = tpu.memref_slice %arg2[%multiple_of3A_1485, %multiple_of3A_1478] : memref<1024x100000xf32, #tpu.memory_space<hbm>> -> memref<8x128xf32, #tpu.memory_space<hbm>>
    tpu.enqueue_dma source(%dma_start3A_1496 : memref<8x128xf32, #tpu.memory_space<hbm>>) target(%dma_start3A_1495 : memref<8x128xf32, #tpu.memory_space<vmem>>) target_semaphore(%arg8 : memref<!tpu.dma_semaphore, #tpu.memory_space<semaphore_mem>>)
    %eq3A_1497 = arith.constant 5 : i32
    %eq3A_1498 = vector.broadcast %eq3A_1497 : i32 to vector<16xi32>
    %eq3A_1499 = arith.cmpi eq, %iota3A, %eq3A_1498 : vector<16xi32>
    %jit3A_1500 = arith.constant 0 : i32
    %broadcast_in_dim3A_1501 = vector.broadcast %jit3A_1500 : i32 to vector<16xi32>
    %select_n3A_1502 = arith.select %eq3A_1499, %get3A_5, %broadcast_in_dim3A_1501 : vector<16xi1>, vector<16xi32>
    %reduce_sum3A_1503 = arith.constant true
    %reduce_sum3A_1504 = vector.broadcast %reduce_sum3A_1503 : i1 to vector<16xi1>
    %reduce_sum3A_1505 = tpu.scan <sum>, %select_n3A_1502 masked %reduce_sum3A_1504 : vector<16xi32>, vector<16xi1> -> vector<16xi32>
    %reduce_sum3A_1506 = vector.extract %reduce_sum3A_1505[15] : i32 from vector<16xi32>
    %and3A_1507 = arith.constant -128 : i32
    %and3A_1508 = arith.andi %reduce_sum3A_1506, %and3A_1507 : i32
    %multiple_of3A_1509 = tpu.assume_multiple %and3A_1508, 128 : i32
    %add3A_1510 = arith.constant 32 : i32
    %add3A_1511 = arith.addi %mul3A_0, %add3A_1510 : i32
    %add3A_1512 = arith.constant 5 : i32
    %add3A_1513 = arith.addi %add3A_1511, %add3A_1512 : i32
    %and3A_1514 = arith.constant -8 : i32
    %and3A_1515 = arith.andi %add3A_1513, %and3A_1514 : i32
    %multiple_of3A_1516 = tpu.assume_multiple %and3A_1515, 8 : i32
    %dma_start3A_1517 = arith.constant 37 : i32
    %dma_start3A_1518 = arith.constant 0 : i32
    %dma_start3A_1519 = arith.constant 0 : i32
    %dma_start3A_1520 = tpu.memref_slice %arg6[%dma_start3A_1517, %dma_start3A_1518, %dma_start3A_1519] : memref<64x8x128xf32, #tpu.memory_space<vmem>> -> memref<1x8x128xf32, #tpu.memory_space<vmem>>
    %dma_start3A_1521 = tpu.memref_squeeze %dma_start3A_1520 : memref<1x8x128xf32, #tpu.memory_space<vmem>> -> memref<8x128xf32, #tpu.memory_space<vmem>>
    %dma_start3A_1522 = tpu.memref_slice %arg2[%multiple_of3A_1516, %multiple_of3A_1509] : memref<1024x100000xf32, #tpu.memory_space<hbm>> -> memref<8x128xf32, #tpu.memory_space<hbm>>
    %dma_start3A_1523 = arith.constant 0 : i32
    %dma_start3A_1524 = arith.constant 0 : i32
    %dma_start3A_1525 = tpu.memref_slice %arg6[%dma_start3A_1517, %dma_start3A_1523, %dma_start3A_1524] : memref<64x8x128xf32, #tpu.memory_space<vmem>> -> memref<1x8x128xf32, #tpu.memory_space<vmem>>
    %dma_start3A_1526 = tpu.memref_squeeze %dma_start3A_1525 : memref<1x8x128xf32, #tpu.memory_space<vmem>> -> memref<8x128xf32, #tpu.memory_space<vmem>>
    %dma_start3A_1527 = tpu.memref_slice %arg2[%multiple_of3A_1516, %multiple_of3A_1509] : memref<1024x100000xf32, #tpu.memory_space<hbm>> -> memref<8x128xf32, #tpu.memory_space<hbm>>
    tpu.enqueue_dma source(%dma_start3A_1527 : memref<8x128xf32, #tpu.memory_space<hbm>>) target(%dma_start3A_1526 : memref<8x128xf32, #tpu.memory_space<vmem>>) target_semaphore(%arg8 : memref<!tpu.dma_semaphore, #tpu.memory_space<semaphore_mem>>)
    %eq3A_1528 = arith.constant 6 : i32
    %eq3A_1529 = vector.broadcast %eq3A_1528 : i32 to vector<16xi32>
    %eq3A_1530 = arith.cmpi eq, %iota3A, %eq3A_1529 : vector<16xi32>
    %jit3A_1531 = arith.constant 0 : i32
    %broadcast_in_dim3A_1532 = vector.broadcast %jit3A_1531 : i32 to vector<16xi32>
    %select_n3A_1533 = arith.select %eq3A_1530, %get3A_5, %broadcast_in_dim3A_1532 : vector<16xi1>, vector<16xi32>
    %reduce_sum3A_1534 = arith.constant true
    %reduce_sum3A_1535 = vector.broadcast %reduce_sum3A_1534 : i1 to vector<16xi1>
    %reduce_sum3A_1536 = tpu.scan <sum>, %select_n3A_1533 masked %reduce_sum3A_1535 : vector<16xi32>, vector<16xi1> -> vector<16xi32>
    %reduce_sum3A_1537 = vector.extract %reduce_sum3A_1536[15] : i32 from vector<16xi32>
    %and3A_1538 = arith.constant -128 : i32
    %and3A_1539 = arith.andi %reduce_sum3A_1537, %and3A_1538 : i32
    %multiple_of3A_1540 = tpu.assume_multiple %and3A_1539, 128 : i32
    %add3A_1541 = arith.constant 32 : i32
    %add3A_1542 = arith.addi %mul3A_0, %add3A_1541 : i32
    %add3A_1543 = arith.constant 6 : i32
    %add3A_1544 = arith.addi %add3A_1542, %add3A_1543 : i32
    %and3A_1545 = arith.constant -8 : i32
    %and3A_1546 = arith.andi %add3A_1544, %and3A_1545 : i32
    %multiple_of3A_1547 = tpu.assume_multiple %and3A_1546, 8 : i32
    %dma_start3A_1548 = arith.constant 38 : i32
    %dma_start3A_1549 = arith.constant 0 : i32
    %dma_start3A_1550 = arith.constant 0 : i32
    %dma_start3A_1551 = tpu.memref_slice %arg6[%dma_start3A_1548, %dma_start3A_1549, %dma_start3A_1550] : memref<64x8x128xf32, #tpu.memory_space<vmem>> -> memref<1x8x128xf32, #tpu.memory_space<vmem>>
    %dma_start3A_1552 = tpu.memref_squeeze %dma_start3A_1551 : memref<1x8x128xf32, #tpu.memory_space<vmem>> -> memref<8x128xf32, #tpu.memory_space<vmem>>
    %dma_start3A_1553 = tpu.memref_slice %arg2[%multiple_of3A_1547, %multiple_of3A_1540] : memref<1024x100000xf32, #tpu.memory_space<hbm>> -> memref<8x128xf32, #tpu.memory_space<hbm>>
    %dma_start3A_1554 = arith.constant 0 : i32
    %dma_start3A_1555 = arith.constant 0 : i32
    %dma_start3A_1556 = tpu.memref_slice %arg6[%dma_start3A_1548, %dma_start3A_1554, %dma_start3A_1555] : memref<64x8x128xf32, #tpu.memory_space<vmem>> -> memref<1x8x128xf32, #tpu.memory_space<vmem>>
    %dma_start3A_1557 = tpu.memref_squeeze %dma_start3A_1556 : memref<1x8x128xf32, #tpu.memory_space<vmem>> -> memref<8x128xf32, #tpu.memory_space<vmem>>
    %dma_start3A_1558 = tpu.memref_slice %arg2[%multiple_of3A_1547, %multiple_of3A_1540] : memref<1024x100000xf32, #tpu.memory_space<hbm>> -> memref<8x128xf32, #tpu.memory_space<hbm>>
    tpu.enqueue_dma source(%dma_start3A_1558 : memref<8x128xf32, #tpu.memory_space<hbm>>) target(%dma_start3A_1557 : memref<8x128xf32, #tpu.memory_space<vmem>>) target_semaphore(%arg8 : memref<!tpu.dma_semaphore, #tpu.memory_space<semaphore_mem>>)
    %eq3A_1559 = arith.constant 7 : i32
    %eq3A_1560 = vector.broadcast %eq3A_1559 : i32 to vector<16xi32>
    %eq3A_1561 = arith.cmpi eq, %iota3A, %eq3A_1560 : vector<16xi32>
    %jit3A_1562 = arith.constant 0 : i32
    %broadcast_in_dim3A_1563 = vector.broadcast %jit3A_1562 : i32 to vector<16xi32>
    %select_n3A_1564 = arith.select %eq3A_1561, %get3A_5, %broadcast_in_dim3A_1563 : vector<16xi1>, vector<16xi32>
    %reduce_sum3A_1565 = arith.constant true
    %reduce_sum3A_1566 = vector.broadcast %reduce_sum3A_1565 : i1 to vector<16xi1>
    %reduce_sum3A_1567 = tpu.scan <sum>, %select_n3A_1564 masked %reduce_sum3A_1566 : vector<16xi32>, vector<16xi1> -> vector<16xi32>
    %reduce_sum3A_1568 = vector.extract %reduce_sum3A_1567[15] : i32 from vector<16xi32>
    %and3A_1569 = arith.constant -128 : i32
    %and3A_1570 = arith.andi %reduce_sum3A_1568, %and3A_1569 : i32
    %multiple_of3A_1571 = tpu.assume_multiple %and3A_1570, 128 : i32
    %add3A_1572 = arith.constant 32 : i32
    %add3A_1573 = arith.addi %mul3A_0, %add3A_1572 : i32
    %add3A_1574 = arith.constant 7 : i32
    %add3A_1575 = arith.addi %add3A_1573, %add3A_1574 : i32
    %and3A_1576 = arith.constant -8 : i32
    %and3A_1577 = arith.andi %add3A_1575, %and3A_1576 : i32
    %multiple_of3A_1578 = tpu.assume_multiple %and3A_1577, 8 : i32
    %dma_start3A_1579 = arith.constant 39 : i32
    %dma_start3A_1580 = arith.constant 0 : i32
    %dma_start3A_1581 = arith.constant 0 : i32
    %dma_start3A_1582 = tpu.memref_slice %arg6[%dma_start3A_1579, %dma_start3A_1580, %dma_start3A_1581] : memref<64x8x128xf32, #tpu.memory_space<vmem>> -> memref<1x8x128xf32, #tpu.memory_space<vmem>>
    %dma_start3A_1583 = tpu.memref_squeeze %dma_start3A_1582 : memref<1x8x128xf32, #tpu.memory_space<vmem>> -> memref<8x128xf32, #tpu.memory_space<vmem>>
    %dma_start3A_1584 = tpu.memref_slice %arg2[%multiple_of3A_1578, %multiple_of3A_1571] : memref<1024x100000xf32, #tpu.memory_space<hbm>> -> memref<8x128xf32, #tpu.memory_space<hbm>>
    %dma_start3A_1585 = arith.constant 0 : i32
    %dma_start3A_1586 = arith.constant 0 : i32
    %dma_start3A_1587 = tpu.memref_slice %arg6[%dma_start3A_1579, %dma_start3A_1585, %dma_start3A_1586] : memref<64x8x128xf32, #tpu.memory_space<vmem>> -> memref<1x8x128xf32, #tpu.memory_space<vmem>>
    %dma_start3A_1588 = tpu.memref_squeeze %dma_start3A_1587 : memref<1x8x128xf32, #tpu.memory_space<vmem>> -> memref<8x128xf32, #tpu.memory_space<vmem>>
    %dma_start3A_1589 = tpu.memref_slice %arg2[%multiple_of3A_1578, %multiple_of3A_1571] : memref<1024x100000xf32, #tpu.memory_space<hbm>> -> memref<8x128xf32, #tpu.memory_space<hbm>>
    tpu.enqueue_dma source(%dma_start3A_1589 : memref<8x128xf32, #tpu.memory_space<hbm>>) target(%dma_start3A_1588 : memref<8x128xf32, #tpu.memory_space<vmem>>) target_semaphore(%arg8 : memref<!tpu.dma_semaphore, #tpu.memory_space<semaphore_mem>>)
    %eq3A_1590 = arith.constant 8 : i32
    %eq3A_1591 = vector.broadcast %eq3A_1590 : i32 to vector<16xi32>
    %eq3A_1592 = arith.cmpi eq, %iota3A, %eq3A_1591 : vector<16xi32>
    %jit3A_1593 = arith.constant 0 : i32
    %broadcast_in_dim3A_1594 = vector.broadcast %jit3A_1593 : i32 to vector<16xi32>
    %select_n3A_1595 = arith.select %eq3A_1592, %get3A_5, %broadcast_in_dim3A_1594 : vector<16xi1>, vector<16xi32>
    %reduce_sum3A_1596 = arith.constant true
    %reduce_sum3A_1597 = vector.broadcast %reduce_sum3A_1596 : i1 to vector<16xi1>
    %reduce_sum3A_1598 = tpu.scan <sum>, %select_n3A_1595 masked %reduce_sum3A_1597 : vector<16xi32>, vector<16xi1> -> vector<16xi32>
    %reduce_sum3A_1599 = vector.extract %reduce_sum3A_1598[15] : i32 from vector<16xi32>
    %and3A_1600 = arith.constant -128 : i32
    %and3A_1601 = arith.andi %reduce_sum3A_1599, %and3A_1600 : i32
    %multiple_of3A_1602 = tpu.assume_multiple %and3A_1601, 128 : i32
    %add3A_1603 = arith.constant 32 : i32
    %add3A_1604 = arith.addi %mul3A_0, %add3A_1603 : i32
    %add3A_1605 = arith.constant 8 : i32
    %add3A_1606 = arith.addi %add3A_1604, %add3A_1605 : i32
    %and3A_1607 = arith.constant -8 : i32
    %and3A_1608 = arith.andi %add3A_1606, %and3A_1607 : i32
    %multiple_of3A_1609 = tpu.assume_multiple %and3A_1608, 8 : i32
    %dma_start3A_1610 = arith.constant 40 : i32
    %dma_start3A_1611 = arith.constant 0 : i32
    %dma_start3A_1612 = arith.constant 0 : i32
    %dma_start3A_1613 = tpu.memref_slice %arg6[%dma_start3A_1610, %dma_start3A_1611, %dma_start3A_1612] : memref<64x8x128xf32, #tpu.memory_space<vmem>> -> memref<1x8x128xf32, #tpu.memory_space<vmem>>
    %dma_start3A_1614 = tpu.memref_squeeze %dma_start3A_1613 : memref<1x8x128xf32, #tpu.memory_space<vmem>> -> memref<8x128xf32, #tpu.memory_space<vmem>>
    %dma_start3A_1615 = tpu.memref_slice %arg2[%multiple_of3A_1609, %multiple_of3A_1602] : memref<1024x100000xf32, #tpu.memory_space<hbm>> -> memref<8x128xf32, #tpu.memory_space<hbm>>
    %dma_start3A_1616 = arith.constant 0 : i32
    %dma_start3A_1617 = arith.constant 0 : i32
    %dma_start3A_1618 = tpu.memref_slice %arg6[%dma_start3A_1610, %dma_start3A_1616, %dma_start3A_1617] : memref<64x8x128xf32, #tpu.memory_space<vmem>> -> memref<1x8x128xf32, #tpu.memory_space<vmem>>
    %dma_start3A_1619 = tpu.memref_squeeze %dma_start3A_1618 : memref<1x8x128xf32, #tpu.memory_space<vmem>> -> memref<8x128xf32, #tpu.memory_space<vmem>>
    %dma_start3A_1620 = tpu.memref_slice %arg2[%multiple_of3A_1609, %multiple_of3A_1602] : memref<1024x100000xf32, #tpu.memory_space<hbm>> -> memref<8x128xf32, #tpu.memory_space<hbm>>
    tpu.enqueue_dma source(%dma_start3A_1620 : memref<8x128xf32, #tpu.memory_space<hbm>>) target(%dma_start3A_1619 : memref<8x128xf32, #tpu.memory_space<vmem>>) target_semaphore(%arg8 : memref<!tpu.dma_semaphore, #tpu.memory_space<semaphore_mem>>)
    %eq3A_1621 = arith.constant 9 : i32
    %eq3A_1622 = vector.broadcast %eq3A_1621 : i32 to vector<16xi32>
    %eq3A_1623 = arith.cmpi eq, %iota3A, %eq3A_1622 : vector<16xi32>
    %jit3A_1624 = arith.constant 0 : i32
    %broadcast_in_dim3A_1625 = vector.broadcast %jit3A_1624 : i32 to vector<16xi32>
    %select_n3A_1626 = arith.select %eq3A_1623, %get3A_5, %broadcast_in_dim3A_1625 : vector<16xi1>, vector<16xi32>
    %reduce_sum3A_1627 = arith.constant true
    %reduce_sum3A_1628 = vector.broadcast %reduce_sum3A_1627 : i1 to vector<16xi1>
    %reduce_sum3A_1629 = tpu.scan <sum>, %select_n3A_1626 masked %reduce_sum3A_1628 : vector<16xi32>, vector<16xi1> -> vector<16xi32>
    %reduce_sum3A_1630 = vector.extract %reduce_sum3A_1629[15] : i32 from vector<16xi32>
    %and3A_1631 = arith.constant -128 : i32
    %and3A_1632 = arith.andi %reduce_sum3A_1630, %and3A_1631 : i32
    %multiple_of3A_1633 = tpu.assume_multiple %and3A_1632, 128 : i32
    %add3A_1634 = arith.constant 32 : i32
    %add3A_1635 = arith.addi %mul3A_0, %add3A_1634 : i32
    %add3A_1636 = arith.constant 9 : i32
    %add3A_1637 = arith.addi %add3A_1635, %add3A_1636 : i32
    %and3A_1638 = arith.constant -8 : i32
    %and3A_1639 = arith.andi %add3A_1637, %and3A_1638 : i32
    %multiple_of3A_1640 = tpu.assume_multiple %and3A_1639, 8 : i32
    %dma_start3A_1641 = arith.constant 41 : i32
    %dma_start3A_1642 = arith.constant 0 : i32
    %dma_start3A_1643 = arith.constant 0 : i32
    %dma_start3A_1644 = tpu.memref_slice %arg6[%dma_start3A_1641, %dma_start3A_1642, %dma_start3A_1643] : memref<64x8x128xf32, #tpu.memory_space<vmem>> -> memref<1x8x128xf32, #tpu.memory_space<vmem>>
    %dma_start3A_1645 = tpu.memref_squeeze %dma_start3A_1644 : memref<1x8x128xf32, #tpu.memory_space<vmem>> -> memref<8x128xf32, #tpu.memory_space<vmem>>
    %dma_start3A_1646 = tpu.memref_slice %arg2[%multiple_of3A_1640, %multiple_of3A_1633] : memref<1024x100000xf32, #tpu.memory_space<hbm>> -> memref<8x128xf32, #tpu.memory_space<hbm>>
    %dma_start3A_1647 = arith.constant 0 : i32
    %dma_start3A_1648 = arith.constant 0 : i32
    %dma_start3A_1649 = tpu.memref_slice %arg6[%dma_start3A_1641, %dma_start3A_1647, %dma_start3A_1648] : memref<64x8x128xf32, #tpu.memory_space<vmem>> -> memref<1x8x128xf32, #tpu.memory_space<vmem>>
    %dma_start3A_1650 = tpu.memref_squeeze %dma_start3A_1649 : memref<1x8x128xf32, #tpu.memory_space<vmem>> -> memref<8x128xf32, #tpu.memory_space<vmem>>
    %dma_start3A_1651 = tpu.memref_slice %arg2[%multiple_of3A_1640, %multiple_of3A_1633] : memref<1024x100000xf32, #tpu.memory_space<hbm>> -> memref<8x128xf32, #tpu.memory_space<hbm>>
    tpu.enqueue_dma source(%dma_start3A_1651 : memref<8x128xf32, #tpu.memory_space<hbm>>) target(%dma_start3A_1650 : memref<8x128xf32, #tpu.memory_space<vmem>>) target_semaphore(%arg8 : memref<!tpu.dma_semaphore, #tpu.memory_space<semaphore_mem>>)
    %eq3A_1652 = arith.constant 10 : i32
    %eq3A_1653 = vector.broadcast %eq3A_1652 : i32 to vector<16xi32>
    %eq3A_1654 = arith.cmpi eq, %iota3A, %eq3A_1653 : vector<16xi32>
    %jit3A_1655 = arith.constant 0 : i32
    %broadcast_in_dim3A_1656 = vector.broadcast %jit3A_1655 : i32 to vector<16xi32>
    %select_n3A_1657 = arith.select %eq3A_1654, %get3A_5, %broadcast_in_dim3A_1656 : vector<16xi1>, vector<16xi32>
    %reduce_sum3A_1658 = arith.constant true
    %reduce_sum3A_1659 = vector.broadcast %reduce_sum3A_1658 : i1 to vector<16xi1>
    %reduce_sum3A_1660 = tpu.scan <sum>, %select_n3A_1657 masked %reduce_sum3A_1659 : vector<16xi32>, vector<16xi1> -> vector<16xi32>
    %reduce_sum3A_1661 = vector.extract %reduce_sum3A_1660[15] : i32 from vector<16xi32>
    %and3A_1662 = arith.constant -128 : i32
    %and3A_1663 = arith.andi %reduce_sum3A_1661, %and3A_1662 : i32
    %multiple_of3A_1664 = tpu.assume_multiple %and3A_1663, 128 : i32
    %add3A_1665 = arith.constant 32 : i32
    %add3A_1666 = arith.addi %mul3A_0, %add3A_1665 : i32
    %add3A_1667 = arith.constant 10 : i32
    %add3A_1668 = arith.addi %add3A_1666, %add3A_1667 : i32
    %and3A_1669 = arith.constant -8 : i32
    %and3A_1670 = arith.andi %add3A_1668, %and3A_1669 : i32
    %multiple_of3A_1671 = tpu.assume_multiple %and3A_1670, 8 : i32
    %dma_start3A_1672 = arith.constant 42 : i32
    %dma_start3A_1673 = arith.constant 0 : i32
    %dma_start3A_1674 = arith.constant 0 : i32
    %dma_start3A_1675 = tpu.memref_slice %arg6[%dma_start3A_1672, %dma_start3A_1673, %dma_start3A_1674] : memref<64x8x128xf32, #tpu.memory_space<vmem>> -> memref<1x8x128xf32, #tpu.memory_space<vmem>>
    %dma_start3A_1676 = tpu.memref_squeeze %dma_start3A_1675 : memref<1x8x128xf32, #tpu.memory_space<vmem>> -> memref<8x128xf32, #tpu.memory_space<vmem>>
    %dma_start3A_1677 = tpu.memref_slice %arg2[%multiple_of3A_1671, %multiple_of3A_1664] : memref<1024x100000xf32, #tpu.memory_space<hbm>> -> memref<8x128xf32, #tpu.memory_space<hbm>>
    %dma_start3A_1678 = arith.constant 0 : i32
    %dma_start3A_1679 = arith.constant 0 : i32
    %dma_start3A_1680 = tpu.memref_slice %arg6[%dma_start3A_1672, %dma_start3A_1678, %dma_start3A_1679] : memref<64x8x128xf32, #tpu.memory_space<vmem>> -> memref<1x8x128xf32, #tpu.memory_space<vmem>>
    %dma_start3A_1681 = tpu.memref_squeeze %dma_start3A_1680 : memref<1x8x128xf32, #tpu.memory_space<vmem>> -> memref<8x128xf32, #tpu.memory_space<vmem>>
    %dma_start3A_1682 = tpu.memref_slice %arg2[%multiple_of3A_1671, %multiple_of3A_1664] : memref<1024x100000xf32, #tpu.memory_space<hbm>> -> memref<8x128xf32, #tpu.memory_space<hbm>>
    tpu.enqueue_dma source(%dma_start3A_1682 : memref<8x128xf32, #tpu.memory_space<hbm>>) target(%dma_start3A_1681 : memref<8x128xf32, #tpu.memory_space<vmem>>) target_semaphore(%arg8 : memref<!tpu.dma_semaphore, #tpu.memory_space<semaphore_mem>>)
    %eq3A_1683 = arith.constant 11 : i32
    %eq3A_1684 = vector.broadcast %eq3A_1683 : i32 to vector<16xi32>
    %eq3A_1685 = arith.cmpi eq, %iota3A, %eq3A_1684 : vector<16xi32>
    %jit3A_1686 = arith.constant 0 : i32
    %broadcast_in_dim3A_1687 = vector.broadcast %jit3A_1686 : i32 to vector<16xi32>
    %select_n3A_1688 = arith.select %eq3A_1685, %get3A_5, %broadcast_in_dim3A_1687 : vector<16xi1>, vector<16xi32>
    %reduce_sum3A_1689 = arith.constant true
    %reduce_sum3A_1690 = vector.broadcast %reduce_sum3A_1689 : i1 to vector<16xi1>
    %reduce_sum3A_1691 = tpu.scan <sum>, %select_n3A_1688 masked %reduce_sum3A_1690 : vector<16xi32>, vector<16xi1> -> vector<16xi32>
    %reduce_sum3A_1692 = vector.extract %reduce_sum3A_1691[15] : i32 from vector<16xi32>
    %and3A_1693 = arith.constant -128 : i32
    %and3A_1694 = arith.andi %reduce_sum3A_1692, %and3A_1693 : i32
    %multiple_of3A_1695 = tpu.assume_multiple %and3A_1694, 128 : i32
    %add3A_1696 = arith.constant 32 : i32
    %add3A_1697 = arith.addi %mul3A_0, %add3A_1696 : i32
    %add3A_1698 = arith.constant 11 : i32
    %add3A_1699 = arith.addi %add3A_1697, %add3A_1698 : i32
    %and3A_1700 = arith.constant -8 : i32
    %and3A_1701 = arith.andi %add3A_1699, %and3A_1700 : i32
    %multiple_of3A_1702 = tpu.assume_multiple %and3A_1701, 8 : i32
    %dma_start3A_1703 = arith.constant 43 : i32
    %dma_start3A_1704 = arith.constant 0 : i32
    %dma_start3A_1705 = arith.constant 0 : i32
    %dma_start3A_1706 = tpu.memref_slice %arg6[%dma_start3A_1703, %dma_start3A_1704, %dma_start3A_1705] : memref<64x8x128xf32, #tpu.memory_space<vmem>> -> memref<1x8x128xf32, #tpu.memory_space<vmem>>
    %dma_start3A_1707 = tpu.memref_squeeze %dma_start3A_1706 : memref<1x8x128xf32, #tpu.memory_space<vmem>> -> memref<8x128xf32, #tpu.memory_space<vmem>>
    %dma_start3A_1708 = tpu.memref_slice %arg2[%multiple_of3A_1702, %multiple_of3A_1695] : memref<1024x100000xf32, #tpu.memory_space<hbm>> -> memref<8x128xf32, #tpu.memory_space<hbm>>
    %dma_start3A_1709 = arith.constant 0 : i32
    %dma_start3A_1710 = arith.constant 0 : i32
    %dma_start3A_1711 = tpu.memref_slice %arg6[%dma_start3A_1703, %dma_start3A_1709, %dma_start3A_1710] : memref<64x8x128xf32, #tpu.memory_space<vmem>> -> memref<1x8x128xf32, #tpu.memory_space<vmem>>
    %dma_start3A_1712 = tpu.memref_squeeze %dma_start3A_1711 : memref<1x8x128xf32, #tpu.memory_space<vmem>> -> memref<8x128xf32, #tpu.memory_space<vmem>>
    %dma_start3A_1713 = tpu.memref_slice %arg2[%multiple_of3A_1702, %multiple_of3A_1695] : memref<1024x100000xf32, #tpu.memory_space<hbm>> -> memref<8x128xf32, #tpu.memory_space<hbm>>
    tpu.enqueue_dma source(%dma_start3A_1713 : memref<8x128xf32, #tpu.memory_space<hbm>>) target(%dma_start3A_1712 : memref<8x128xf32, #tpu.memory_space<vmem>>) target_semaphore(%arg8 : memref<!tpu.dma_semaphore, #tpu.memory_space<semaphore_mem>>)
    %eq3A_1714 = arith.constant 12 : i32
    %eq3A_1715 = vector.broadcast %eq3A_1714 : i32 to vector<16xi32>
    %eq3A_1716 = arith.cmpi eq, %iota3A, %eq3A_1715 : vector<16xi32>
    %jit3A_1717 = arith.constant 0 : i32
    %broadcast_in_dim3A_1718 = vector.broadcast %jit3A_1717 : i32 to vector<16xi32>
    %select_n3A_1719 = arith.select %eq3A_1716, %get3A_5, %broadcast_in_dim3A_1718 : vector<16xi1>, vector<16xi32>
    %reduce_sum3A_1720 = arith.constant true
    %reduce_sum3A_1721 = vector.broadcast %reduce_sum3A_1720 : i1 to vector<16xi1>
    %reduce_sum3A_1722 = tpu.scan <sum>, %select_n3A_1719 masked %reduce_sum3A_1721 : vector<16xi32>, vector<16xi1> -> vector<16xi32>
    %reduce_sum3A_1723 = vector.extract %reduce_sum3A_1722[15] : i32 from vector<16xi32>
    %and3A_1724 = arith.constant -128 : i32
    %and3A_1725 = arith.andi %reduce_sum3A_1723, %and3A_1724 : i32
    %multiple_of3A_1726 = tpu.assume_multiple %and3A_1725, 128 : i32
    %add3A_1727 = arith.constant 32 : i32
    %add3A_1728 = arith.addi %mul3A_0, %add3A_1727 : i32
    %add3A_1729 = arith.constant 12 : i32
    %add3A_1730 = arith.addi %add3A_1728, %add3A_1729 : i32
    %and3A_1731 = arith.constant -8 : i32
    %and3A_1732 = arith.andi %add3A_1730, %and3A_1731 : i32
    %multiple_of3A_1733 = tpu.assume_multiple %and3A_1732, 8 : i32
    %dma_start3A_1734 = arith.constant 44 : i32
    %dma_start3A_1735 = arith.constant 0 : i32
    %dma_start3A_1736 = arith.constant 0 : i32
    %dma_start3A_1737 = tpu.memref_slice %arg6[%dma_start3A_1734, %dma_start3A_1735, %dma_start3A_1736] : memref<64x8x128xf32, #tpu.memory_space<vmem>> -> memref<1x8x128xf32, #tpu.memory_space<vmem>>
    %dma_start3A_1738 = tpu.memref_squeeze %dma_start3A_1737 : memref<1x8x128xf32, #tpu.memory_space<vmem>> -> memref<8x128xf32, #tpu.memory_space<vmem>>
    %dma_start3A_1739 = tpu.memref_slice %arg2[%multiple_of3A_1733, %multiple_of3A_1726] : memref<1024x100000xf32, #tpu.memory_space<hbm>> -> memref<8x128xf32, #tpu.memory_space<hbm>>
    %dma_start3A_1740 = arith.constant 0 : i32
    %dma_start3A_1741 = arith.constant 0 : i32
    %dma_start3A_1742 = tpu.memref_slice %arg6[%dma_start3A_1734, %dma_start3A_1740, %dma_start3A_1741] : memref<64x8x128xf32, #tpu.memory_space<vmem>> -> memref<1x8x128xf32, #tpu.memory_space<vmem>>
    %dma_start3A_1743 = tpu.memref_squeeze %dma_start3A_1742 : memref<1x8x128xf32, #tpu.memory_space<vmem>> -> memref<8x128xf32, #tpu.memory_space<vmem>>
    %dma_start3A_1744 = tpu.memref_slice %arg2[%multiple_of3A_1733, %multiple_of3A_1726] : memref<1024x100000xf32, #tpu.memory_space<hbm>> -> memref<8x128xf32, #tpu.memory_space<hbm>>
    tpu.enqueue_dma source(%dma_start3A_1744 : memref<8x128xf32, #tpu.memory_space<hbm>>) target(%dma_start3A_1743 : memref<8x128xf32, #tpu.memory_space<vmem>>) target_semaphore(%arg8 : memref<!tpu.dma_semaphore, #tpu.memory_space<semaphore_mem>>)
    %eq3A_1745 = arith.constant 13 : i32
    %eq3A_1746 = vector.broadcast %eq3A_1745 : i32 to vector<16xi32>
    %eq3A_1747 = arith.cmpi eq, %iota3A, %eq3A_1746 : vector<16xi32>
    %jit3A_1748 = arith.constant 0 : i32
    %broadcast_in_dim3A_1749 = vector.broadcast %jit3A_1748 : i32 to vector<16xi32>
    %select_n3A_1750 = arith.select %eq3A_1747, %get3A_5, %broadcast_in_dim3A_1749 : vector<16xi1>, vector<16xi32>
    %reduce_sum3A_1751 = arith.constant true
    %reduce_sum3A_1752 = vector.broadcast %reduce_sum3A_1751 : i1 to vector<16xi1>
    %reduce_sum3A_1753 = tpu.scan <sum>, %select_n3A_1750 masked %reduce_sum3A_1752 : vector<16xi32>, vector<16xi1> -> vector<16xi32>
    %reduce_sum3A_1754 = vector.extract %reduce_sum3A_1753[15] : i32 from vector<16xi32>
    %and3A_1755 = arith.constant -128 : i32
    %and3A_1756 = arith.andi %reduce_sum3A_1754, %and3A_1755 : i32
    %multiple_of3A_1757 = tpu.assume_multiple %and3A_1756, 128 : i32
    %add3A_1758 = arith.constant 32 : i32
    %add3A_1759 = arith.addi %mul3A_0, %add3A_1758 : i32
    %add3A_1760 = arith.constant 13 : i32
    %add3A_1761 = arith.addi %add3A_1759, %add3A_1760 : i32
    %and3A_1762 = arith.constant -8 : i32
    %and3A_1763 = arith.andi %add3A_1761, %and3A_1762 : i32
    %multiple_of3A_1764 = tpu.assume_multiple %and3A_1763, 8 : i32
    %dma_start3A_1765 = arith.constant 45 : i32
    %dma_start3A_1766 = arith.constant 0 : i32
    %dma_start3A_1767 = arith.constant 0 : i32
    %dma_start3A_1768 = tpu.memref_slice %arg6[%dma_start3A_1765, %dma_start3A_1766, %dma_start3A_1767] : memref<64x8x128xf32, #tpu.memory_space<vmem>> -> memref<1x8x128xf32, #tpu.memory_space<vmem>>
    %dma_start3A_1769 = tpu.memref_squeeze %dma_start3A_1768 : memref<1x8x128xf32, #tpu.memory_space<vmem>> -> memref<8x128xf32, #tpu.memory_space<vmem>>
    %dma_start3A_1770 = tpu.memref_slice %arg2[%multiple_of3A_1764, %multiple_of3A_1757] : memref<1024x100000xf32, #tpu.memory_space<hbm>> -> memref<8x128xf32, #tpu.memory_space<hbm>>
    %dma_start3A_1771 = arith.constant 0 : i32
    %dma_start3A_1772 = arith.constant 0 : i32
    %dma_start3A_1773 = tpu.memref_slice %arg6[%dma_start3A_1765, %dma_start3A_1771, %dma_start3A_1772] : memref<64x8x128xf32, #tpu.memory_space<vmem>> -> memref<1x8x128xf32, #tpu.memory_space<vmem>>
    %dma_start3A_1774 = tpu.memref_squeeze %dma_start3A_1773 : memref<1x8x128xf32, #tpu.memory_space<vmem>> -> memref<8x128xf32, #tpu.memory_space<vmem>>
    %dma_start3A_1775 = tpu.memref_slice %arg2[%multiple_of3A_1764, %multiple_of3A_1757] : memref<1024x100000xf32, #tpu.memory_space<hbm>> -> memref<8x128xf32, #tpu.memory_space<hbm>>
    tpu.enqueue_dma source(%dma_start3A_1775 : memref<8x128xf32, #tpu.memory_space<hbm>>) target(%dma_start3A_1774 : memref<8x128xf32, #tpu.memory_space<vmem>>) target_semaphore(%arg8 : memref<!tpu.dma_semaphore, #tpu.memory_space<semaphore_mem>>)
    %eq3A_1776 = arith.constant 14 : i32
    %eq3A_1777 = vector.broadcast %eq3A_1776 : i32 to vector<16xi32>
    %eq3A_1778 = arith.cmpi eq, %iota3A, %eq3A_1777 : vector<16xi32>
    %jit3A_1779 = arith.constant 0 : i32
    %broadcast_in_dim3A_1780 = vector.broadcast %jit3A_1779 : i32 to vector<16xi32>
    %select_n3A_1781 = arith.select %eq3A_1778, %get3A_5, %broadcast_in_dim3A_1780 : vector<16xi1>, vector<16xi32>
    %reduce_sum3A_1782 = arith.constant true
    %reduce_sum3A_1783 = vector.broadcast %reduce_sum3A_1782 : i1 to vector<16xi1>
    %reduce_sum3A_1784 = tpu.scan <sum>, %select_n3A_1781 masked %reduce_sum3A_1783 : vector<16xi32>, vector<16xi1> -> vector<16xi32>
    %reduce_sum3A_1785 = vector.extract %reduce_sum3A_1784[15] : i32 from vector<16xi32>
    %and3A_1786 = arith.constant -128 : i32
    %and3A_1787 = arith.andi %reduce_sum3A_1785, %and3A_1786 : i32
    %multiple_of3A_1788 = tpu.assume_multiple %and3A_1787, 128 : i32
    %add3A_1789 = arith.constant 32 : i32
    %add3A_1790 = arith.addi %mul3A_0, %add3A_1789 : i32
    %add3A_1791 = arith.constant 14 : i32
    %add3A_1792 = arith.addi %add3A_1790, %add3A_1791 : i32
    %and3A_1793 = arith.constant -8 : i32
    %and3A_1794 = arith.andi %add3A_1792, %and3A_1793 : i32
    %multiple_of3A_1795 = tpu.assume_multiple %and3A_1794, 8 : i32
    %dma_start3A_1796 = arith.constant 46 : i32
    %dma_start3A_1797 = arith.constant 0 : i32
    %dma_start3A_1798 = arith.constant 0 : i32
    %dma_start3A_1799 = tpu.memref_slice %arg6[%dma_start3A_1796, %dma_start3A_1797, %dma_start3A_1798] : memref<64x8x128xf32, #tpu.memory_space<vmem>> -> memref<1x8x128xf32, #tpu.memory_space<vmem>>
    %dma_start3A_1800 = tpu.memref_squeeze %dma_start3A_1799 : memref<1x8x128xf32, #tpu.memory_space<vmem>> -> memref<8x128xf32, #tpu.memory_space<vmem>>
    %dma_start3A_1801 = tpu.memref_slice %arg2[%multiple_of3A_1795, %multiple_of3A_1788] : memref<1024x100000xf32, #tpu.memory_space<hbm>> -> memref<8x128xf32, #tpu.memory_space<hbm>>
    %dma_start3A_1802 = arith.constant 0 : i32
    %dma_start3A_1803 = arith.constant 0 : i32
    %dma_start3A_1804 = tpu.memref_slice %arg6[%dma_start3A_1796, %dma_start3A_1802, %dma_start3A_1803] : memref<64x8x128xf32, #tpu.memory_space<vmem>> -> memref<1x8x128xf32, #tpu.memory_space<vmem>>
    %dma_start3A_1805 = tpu.memref_squeeze %dma_start3A_1804 : memref<1x8x128xf32, #tpu.memory_space<vmem>> -> memref<8x128xf32, #tpu.memory_space<vmem>>
    %dma_start3A_1806 = tpu.memref_slice %arg2[%multiple_of3A_1795, %multiple_of3A_1788] : memref<1024x100000xf32, #tpu.memory_space<hbm>> -> memref<8x128xf32, #tpu.memory_space<hbm>>
    tpu.enqueue_dma source(%dma_start3A_1806 : memref<8x128xf32, #tpu.memory_space<hbm>>) target(%dma_start3A_1805 : memref<8x128xf32, #tpu.memory_space<vmem>>) target_semaphore(%arg8 : memref<!tpu.dma_semaphore, #tpu.memory_space<semaphore_mem>>)
    %eq3A_1807 = arith.constant 15 : i32
    %eq3A_1808 = vector.broadcast %eq3A_1807 : i32 to vector<16xi32>
    %eq3A_1809 = arith.cmpi eq, %iota3A, %eq3A_1808 : vector<16xi32>
    %jit3A_1810 = arith.constant 0 : i32
    %broadcast_in_dim3A_1811 = vector.broadcast %jit3A_1810 : i32 to vector<16xi32>
    %select_n3A_1812 = arith.select %eq3A_1809, %get3A_5, %broadcast_in_dim3A_1811 : vector<16xi1>, vector<16xi32>
    %reduce_sum3A_1813 = arith.constant true
    %reduce_sum3A_1814 = vector.broadcast %reduce_sum3A_1813 : i1 to vector<16xi1>
    %reduce_sum3A_1815 = tpu.scan <sum>, %select_n3A_1812 masked %reduce_sum3A_1814 : vector<16xi32>, vector<16xi1> -> vector<16xi32>
    %reduce_sum3A_1816 = vector.extract %reduce_sum3A_1815[15] : i32 from vector<16xi32>
    %and3A_1817 = arith.constant -128 : i32
    %and3A_1818 = arith.andi %reduce_sum3A_1816, %and3A_1817 : i32
    %multiple_of3A_1819 = tpu.assume_multiple %and3A_1818, 128 : i32
    %add3A_1820 = arith.constant 32 : i32
    %add3A_1821 = arith.addi %mul3A_0, %add3A_1820 : i32
    %add3A_1822 = arith.constant 15 : i32
    %add3A_1823 = arith.addi %add3A_1821, %add3A_1822 : i32
    %and3A_1824 = arith.constant -8 : i32
    %and3A_1825 = arith.andi %add3A_1823, %and3A_1824 : i32
    %multiple_of3A_1826 = tpu.assume_multiple %and3A_1825, 8 : i32
    %dma_start3A_1827 = arith.constant 47 : i32
    %dma_start3A_1828 = arith.constant 0 : i32
    %dma_start3A_1829 = arith.constant 0 : i32
    %dma_start3A_1830 = tpu.memref_slice %arg6[%dma_start3A_1827, %dma_start3A_1828, %dma_start3A_1829] : memref<64x8x128xf32, #tpu.memory_space<vmem>> -> memref<1x8x128xf32, #tpu.memory_space<vmem>>
    %dma_start3A_1831 = tpu.memref_squeeze %dma_start3A_1830 : memref<1x8x128xf32, #tpu.memory_space<vmem>> -> memref<8x128xf32, #tpu.memory_space<vmem>>
    %dma_start3A_1832 = tpu.memref_slice %arg2[%multiple_of3A_1826, %multiple_of3A_1819] : memref<1024x100000xf32, #tpu.memory_space<hbm>> -> memref<8x128xf32, #tpu.memory_space<hbm>>
    %dma_start3A_1833 = arith.constant 0 : i32
    %dma_start3A_1834 = arith.constant 0 : i32
    %dma_start3A_1835 = tpu.memref_slice %arg6[%dma_start3A_1827, %dma_start3A_1833, %dma_start3A_1834] : memref<64x8x128xf32, #tpu.memory_space<vmem>> -> memref<1x8x128xf32, #tpu.memory_space<vmem>>
    %dma_start3A_1836 = tpu.memref_squeeze %dma_start3A_1835 : memref<1x8x128xf32, #tpu.memory_space<vmem>> -> memref<8x128xf32, #tpu.memory_space<vmem>>
    %dma_start3A_1837 = tpu.memref_slice %arg2[%multiple_of3A_1826, %multiple_of3A_1819] : memref<1024x100000xf32, #tpu.memory_space<hbm>> -> memref<8x128xf32, #tpu.memory_space<hbm>>
    tpu.enqueue_dma source(%dma_start3A_1837 : memref<8x128xf32, #tpu.memory_space<hbm>>) target(%dma_start3A_1836 : memref<8x128xf32, #tpu.memory_space<vmem>>) target_semaphore(%arg8 : memref<!tpu.dma_semaphore, #tpu.memory_space<semaphore_mem>>)
    %dma_wait3A_1838 = arith.constant 32 : i32
    %dma_wait3A_1839 = arith.constant 0 : i32
    %dma_wait3A_1840 = arith.constant 0 : i32
    %dma_wait3A_1841 = tpu.memref_slice %arg6[%dma_wait3A_1838, %dma_wait3A_1839, %dma_wait3A_1840] : memref<64x8x128xf32, #tpu.memory_space<vmem>> -> memref<1x8x128xf32, #tpu.memory_space<vmem>>
    %dma_wait3A_1842 = tpu.memref_squeeze %dma_wait3A_1841 : memref<1x8x128xf32, #tpu.memory_space<vmem>> -> memref<8x128xf32, #tpu.memory_space<vmem>>
    %dma_wait3A_1843 = tpu.memref_slice %arg2[%multiple_of3A_1361, %multiple_of3A_1354] : memref<1024x100000xf32, #tpu.memory_space<hbm>> -> memref<8x128xf32, #tpu.memory_space<hbm>>
    %dma_wait3A_1844 = arith.constant 0 : i32
    %dma_wait3A_1845 = arith.constant 0 : i32
    %dma_wait3A_1846 = tpu.memref_slice %arg6[%dma_wait3A_1838, %dma_wait3A_1844, %dma_wait3A_1845] : memref<64x8x128xf32, #tpu.memory_space<vmem>> -> memref<1x8x128xf32, #tpu.memory_space<vmem>>
    %dma_wait3A_1847 = tpu.memref_squeeze %dma_wait3A_1846 : memref<1x8x128xf32, #tpu.memory_space<vmem>> -> memref<8x128xf32, #tpu.memory_space<vmem>>
    %dma_wait3A_1848 = tpu.memref_slice %arg2[%multiple_of3A_1361, %multiple_of3A_1354] : memref<1024x100000xf32, #tpu.memory_space<hbm>> -> memref<8x128xf32, #tpu.memory_space<hbm>>
    tpu.wait_dma2 semaphore(%arg8 : memref<!tpu.dma_semaphore, #tpu.memory_space<semaphore_mem>>) src(%dma_wait3A_1848 : memref<8x128xf32, #tpu.memory_space<hbm>>) dst(%dma_wait3A_1847 : memref<8x128xf32, #tpu.memory_space<vmem>>)
    %dma_wait3A_1849 = arith.constant 33 : i32
    %dma_wait3A_1850 = arith.constant 0 : i32
    %dma_wait3A_1851 = arith.constant 0 : i32
    %dma_wait3A_1852 = tpu.memref_slice %arg6[%dma_wait3A_1849, %dma_wait3A_1850, %dma_wait3A_1851] : memref<64x8x128xf32, #tpu.memory_space<vmem>> -> memref<1x8x128xf32, #tpu.memory_space<vmem>>
    %dma_wait3A_1853 = tpu.memref_squeeze %dma_wait3A_1852 : memref<1x8x128xf32, #tpu.memory_space<vmem>> -> memref<8x128xf32, #tpu.memory_space<vmem>>
    %dma_wait3A_1854 = tpu.memref_slice %arg2[%multiple_of3A_1392, %multiple_of3A_1385] : memref<1024x100000xf32, #tpu.memory_space<hbm>> -> memref<8x128xf32, #tpu.memory_space<hbm>>
    %dma_wait3A_1855 = arith.constant 0 : i32
    %dma_wait3A_1856 = arith.constant 0 : i32
    %dma_wait3A_1857 = tpu.memref_slice %arg6[%dma_wait3A_1849, %dma_wait3A_1855, %dma_wait3A_1856] : memref<64x8x128xf32, #tpu.memory_space<vmem>> -> memref<1x8x128xf32, #tpu.memory_space<vmem>>
    %dma_wait3A_1858 = tpu.memref_squeeze %dma_wait3A_1857 : memref<1x8x128xf32, #tpu.memory_space<vmem>> -> memref<8x128xf32, #tpu.memory_space<vmem>>
    %dma_wait3A_1859 = tpu.memref_slice %arg2[%multiple_of3A_1392, %multiple_of3A_1385] : memref<1024x100000xf32, #tpu.memory_space<hbm>> -> memref<8x128xf32, #tpu.memory_space<hbm>>
    tpu.wait_dma2 semaphore(%arg8 : memref<!tpu.dma_semaphore, #tpu.memory_space<semaphore_mem>>) src(%dma_wait3A_1859 : memref<8x128xf32, #tpu.memory_space<hbm>>) dst(%dma_wait3A_1858 : memref<8x128xf32, #tpu.memory_space<vmem>>)
    %dma_wait3A_1860 = arith.constant 34 : i32
    %dma_wait3A_1861 = arith.constant 0 : i32
    %dma_wait3A_1862 = arith.constant 0 : i32
    %dma_wait3A_1863 = tpu.memref_slice %arg6[%dma_wait3A_1860, %dma_wait3A_1861, %dma_wait3A_1862] : memref<64x8x128xf32, #tpu.memory_space<vmem>> -> memref<1x8x128xf32, #tpu.memory_space<vmem>>
    %dma_wait3A_1864 = tpu.memref_squeeze %dma_wait3A_1863 : memref<1x8x128xf32, #tpu.memory_space<vmem>> -> memref<8x128xf32, #tpu.memory_space<vmem>>
    %dma_wait3A_1865 = tpu.memref_slice %arg2[%multiple_of3A_1423, %multiple_of3A_1416] : memref<1024x100000xf32, #tpu.memory_space<hbm>> -> memref<8x128xf32, #tpu.memory_space<hbm>>
    %dma_wait3A_1866 = arith.constant 0 : i32
    %dma_wait3A_1867 = arith.constant 0 : i32
    %dma_wait3A_1868 = tpu.memref_slice %arg6[%dma_wait3A_1860, %dma_wait3A_1866, %dma_wait3A_1867] : memref<64x8x128xf32, #tpu.memory_space<vmem>> -> memref<1x8x128xf32, #tpu.memory_space<vmem>>
    %dma_wait3A_1869 = tpu.memref_squeeze %dma_wait3A_1868 : memref<1x8x128xf32, #tpu.memory_space<vmem>> -> memref<8x128xf32, #tpu.memory_space<vmem>>
    %dma_wait3A_1870 = tpu.memref_slice %arg2[%multiple_of3A_1423, %multiple_of3A_1416] : memref<1024x100000xf32, #tpu.memory_space<hbm>> -> memref<8x128xf32, #tpu.memory_space<hbm>>
    tpu.wait_dma2 semaphore(%arg8 : memref<!tpu.dma_semaphore, #tpu.memory_space<semaphore_mem>>) src(%dma_wait3A_1870 : memref<8x128xf32, #tpu.memory_space<hbm>>) dst(%dma_wait3A_1869 : memref<8x128xf32, #tpu.memory_space<vmem>>)
    %dma_wait3A_1871 = arith.constant 35 : i32
    %dma_wait3A_1872 = arith.constant 0 : i32
    %dma_wait3A_1873 = arith.constant 0 : i32
    %dma_wait3A_1874 = tpu.memref_slice %arg6[%dma_wait3A_1871, %dma_wait3A_1872, %dma_wait3A_1873] : memref<64x8x128xf32, #tpu.memory_space<vmem>> -> memref<1x8x128xf32, #tpu.memory_space<vmem>>
    %dma_wait3A_1875 = tpu.memref_squeeze %dma_wait3A_1874 : memref<1x8x128xf32, #tpu.memory_space<vmem>> -> memref<8x128xf32, #tpu.memory_space<vmem>>
    %dma_wait3A_1876 = tpu.memref_slice %arg2[%multiple_of3A_1454, %multiple_of3A_1447] : memref<1024x100000xf32, #tpu.memory_space<hbm>> -> memref<8x128xf32, #tpu.memory_space<hbm>>
    %dma_wait3A_1877 = arith.constant 0 : i32
    %dma_wait3A_1878 = arith.constant 0 : i32
    %dma_wait3A_1879 = tpu.memref_slice %arg6[%dma_wait3A_1871, %dma_wait3A_1877, %dma_wait3A_1878] : memref<64x8x128xf32, #tpu.memory_space<vmem>> -> memref<1x8x128xf32, #tpu.memory_space<vmem>>
    %dma_wait3A_1880 = tpu.memref_squeeze %dma_wait3A_1879 : memref<1x8x128xf32, #tpu.memory_space<vmem>> -> memref<8x128xf32, #tpu.memory_space<vmem>>
    %dma_wait3A_1881 = tpu.memref_slice %arg2[%multiple_of3A_1454, %multiple_of3A_1447] : memref<1024x100000xf32, #tpu.memory_space<hbm>> -> memref<8x128xf32, #tpu.memory_space<hbm>>
    tpu.wait_dma2 semaphore(%arg8 : memref<!tpu.dma_semaphore, #tpu.memory_space<semaphore_mem>>) src(%dma_wait3A_1881 : memref<8x128xf32, #tpu.memory_space<hbm>>) dst(%dma_wait3A_1880 : memref<8x128xf32, #tpu.memory_space<vmem>>)
    %dma_wait3A_1882 = arith.constant 36 : i32
    %dma_wait3A_1883 = arith.constant 0 : i32
    %dma_wait3A_1884 = arith.constant 0 : i32
    %dma_wait3A_1885 = tpu.memref_slice %arg6[%dma_wait3A_1882, %dma_wait3A_1883, %dma_wait3A_1884] : memref<64x8x128xf32, #tpu.memory_space<vmem>> -> memref<1x8x128xf32, #tpu.memory_space<vmem>>
    %dma_wait3A_1886 = tpu.memref_squeeze %dma_wait3A_1885 : memref<1x8x128xf32, #tpu.memory_space<vmem>> -> memref<8x128xf32, #tpu.memory_space<vmem>>
    %dma_wait3A_1887 = tpu.memref_slice %arg2[%multiple_of3A_1485, %multiple_of3A_1478] : memref<1024x100000xf32, #tpu.memory_space<hbm>> -> memref<8x128xf32, #tpu.memory_space<hbm>>
    %dma_wait3A_1888 = arith.constant 0 : i32
    %dma_wait3A_1889 = arith.constant 0 : i32
    %dma_wait3A_1890 = tpu.memref_slice %arg6[%dma_wait3A_1882, %dma_wait3A_1888, %dma_wait3A_1889] : memref<64x8x128xf32, #tpu.memory_space<vmem>> -> memref<1x8x128xf32, #tpu.memory_space<vmem>>
    %dma_wait3A_1891 = tpu.memref_squeeze %dma_wait3A_1890 : memref<1x8x128xf32, #tpu.memory_space<vmem>> -> memref<8x128xf32, #tpu.memory_space<vmem>>
    %dma_wait3A_1892 = tpu.memref_slice %arg2[%multiple_of3A_1485, %multiple_of3A_1478] : memref<1024x100000xf32, #tpu.memory_space<hbm>> -> memref<8x128xf32, #tpu.memory_space<hbm>>
    tpu.wait_dma2 semaphore(%arg8 : memref<!tpu.dma_semaphore, #tpu.memory_space<semaphore_mem>>) src(%dma_wait3A_1892 : memref<8x128xf32, #tpu.memory_space<hbm>>) dst(%dma_wait3A_1891 : memref<8x128xf32, #tpu.memory_space<vmem>>)
    %dma_wait3A_1893 = arith.constant 37 : i32
    %dma_wait3A_1894 = arith.constant 0 : i32
    %dma_wait3A_1895 = arith.constant 0 : i32
    %dma_wait3A_1896 = tpu.memref_slice %arg6[%dma_wait3A_1893, %dma_wait3A_1894, %dma_wait3A_1895] : memref<64x8x128xf32, #tpu.memory_space<vmem>> -> memref<1x8x128xf32, #tpu.memory_space<vmem>>
    %dma_wait3A_1897 = tpu.memref_squeeze %dma_wait3A_1896 : memref<1x8x128xf32, #tpu.memory_space<vmem>> -> memref<8x128xf32, #tpu.memory_space<vmem>>
    %dma_wait3A_1898 = tpu.memref_slice %arg2[%multiple_of3A_1516, %multiple_of3A_1509] : memref<1024x100000xf32, #tpu.memory_space<hbm>> -> memref<8x128xf32, #tpu.memory_space<hbm>>
    %dma_wait3A_1899 = arith.constant 0 : i32
    %dma_wait3A_1900 = arith.constant 0 : i32
    %dma_wait3A_1901 = tpu.memref_slice %arg6[%dma_wait3A_1893, %dma_wait3A_1899, %dma_wait3A_1900] : memref<64x8x128xf32, #tpu.memory_space<vmem>> -> memref<1x8x128xf32, #tpu.memory_space<vmem>>
    %dma_wait3A_1902 = tpu.memref_squeeze %dma_wait3A_1901 : memref<1x8x128xf32, #tpu.memory_space<vmem>> -> memref<8x128xf32, #tpu.memory_space<vmem>>
    %dma_wait3A_1903 = tpu.memref_slice %arg2[%multiple_of3A_1516, %multiple_of3A_1509] : memref<1024x100000xf32, #tpu.memory_space<hbm>> -> memref<8x128xf32, #tpu.memory_space<hbm>>
    tpu.wait_dma2 semaphore(%arg8 : memref<!tpu.dma_semaphore, #tpu.memory_space<semaphore_mem>>) src(%dma_wait3A_1903 : memref<8x128xf32, #tpu.memory_space<hbm>>) dst(%dma_wait3A_1902 : memref<8x128xf32, #tpu.memory_space<vmem>>)
    %dma_wait3A_1904 = arith.constant 38 : i32
    %dma_wait3A_1905 = arith.constant 0 : i32
    %dma_wait3A_1906 = arith.constant 0 : i32
    %dma_wait3A_1907 = tpu.memref_slice %arg6[%dma_wait3A_1904, %dma_wait3A_1905, %dma_wait3A_1906] : memref<64x8x128xf32, #tpu.memory_space<vmem>> -> memref<1x8x128xf32, #tpu.memory_space<vmem>>
    %dma_wait3A_1908 = tpu.memref_squeeze %dma_wait3A_1907 : memref<1x8x128xf32, #tpu.memory_space<vmem>> -> memref<8x128xf32, #tpu.memory_space<vmem>>
    %dma_wait3A_1909 = tpu.memref_slice %arg2[%multiple_of3A_1547, %multiple_of3A_1540] : memref<1024x100000xf32, #tpu.memory_space<hbm>> -> memref<8x128xf32, #tpu.memory_space<hbm>>
    %dma_wait3A_1910 = arith.constant 0 : i32
    %dma_wait3A_1911 = arith.constant 0 : i32
    %dma_wait3A_1912 = tpu.memref_slice %arg6[%dma_wait3A_1904, %dma_wait3A_1910, %dma_wait3A_1911] : memref<64x8x128xf32, #tpu.memory_space<vmem>> -> memref<1x8x128xf32, #tpu.memory_space<vmem>>
    %dma_wait3A_1913 = tpu.memref_squeeze %dma_wait3A_1912 : memref<1x8x128xf32, #tpu.memory_space<vmem>> -> memref<8x128xf32, #tpu.memory_space<vmem>>
    %dma_wait3A_1914 = tpu.memref_slice %arg2[%multiple_of3A_1547, %multiple_of3A_1540] : memref<1024x100000xf32, #tpu.memory_space<hbm>> -> memref<8x128xf32, #tpu.memory_space<hbm>>
    tpu.wait_dma2 semaphore(%arg8 : memref<!tpu.dma_semaphore, #tpu.memory_space<semaphore_mem>>) src(%dma_wait3A_1914 : memref<8x128xf32, #tpu.memory_space<hbm>>) dst(%dma_wait3A_1913 : memref<8x128xf32, #tpu.memory_space<vmem>>)
    %dma_wait3A_1915 = arith.constant 39 : i32
    %dma_wait3A_1916 = arith.constant 0 : i32
    %dma_wait3A_1917 = arith.constant 0 : i32
    %dma_wait3A_1918 = tpu.memref_slice %arg6[%dma_wait3A_1915, %dma_wait3A_1916, %dma_wait3A_1917] : memref<64x8x128xf32, #tpu.memory_space<vmem>> -> memref<1x8x128xf32, #tpu.memory_space<vmem>>
    %dma_wait3A_1919 = tpu.memref_squeeze %dma_wait3A_1918 : memref<1x8x128xf32, #tpu.memory_space<vmem>> -> memref<8x128xf32, #tpu.memory_space<vmem>>
    %dma_wait3A_1920 = tpu.memref_slice %arg2[%multiple_of3A_1578, %multiple_of3A_1571] : memref<1024x100000xf32, #tpu.memory_space<hbm>> -> memref<8x128xf32, #tpu.memory_space<hbm>>
    %dma_wait3A_1921 = arith.constant 0 : i32
    %dma_wait3A_1922 = arith.constant 0 : i32
    %dma_wait3A_1923 = tpu.memref_slice %arg6[%dma_wait3A_1915, %dma_wait3A_1921, %dma_wait3A_1922] : memref<64x8x128xf32, #tpu.memory_space<vmem>> -> memref<1x8x128xf32, #tpu.memory_space<vmem>>
    %dma_wait3A_1924 = tpu.memref_squeeze %dma_wait3A_1923 : memref<1x8x128xf32, #tpu.memory_space<vmem>> -> memref<8x128xf32, #tpu.memory_space<vmem>>
    %dma_wait3A_1925 = tpu.memref_slice %arg2[%multiple_of3A_1578, %multiple_of3A_1571] : memref<1024x100000xf32, #tpu.memory_space<hbm>> -> memref<8x128xf32, #tpu.memory_space<hbm>>
    tpu.wait_dma2 semaphore(%arg8 : memref<!tpu.dma_semaphore, #tpu.memory_space<semaphore_mem>>) src(%dma_wait3A_1925 : memref<8x128xf32, #tpu.memory_space<hbm>>) dst(%dma_wait3A_1924 : memref<8x128xf32, #tpu.memory_space<vmem>>)
    %dma_wait3A_1926 = arith.constant 40 : i32
    %dma_wait3A_1927 = arith.constant 0 : i32
    %dma_wait3A_1928 = arith.constant 0 : i32
    %dma_wait3A_1929 = tpu.memref_slice %arg6[%dma_wait3A_1926, %dma_wait3A_1927, %dma_wait3A_1928] : memref<64x8x128xf32, #tpu.memory_space<vmem>> -> memref<1x8x128xf32, #tpu.memory_space<vmem>>
    %dma_wait3A_1930 = tpu.memref_squeeze %dma_wait3A_1929 : memref<1x8x128xf32, #tpu.memory_space<vmem>> -> memref<8x128xf32, #tpu.memory_space<vmem>>
    %dma_wait3A_1931 = tpu.memref_slice %arg2[%multiple_of3A_1609, %multiple_of3A_1602] : memref<1024x100000xf32, #tpu.memory_space<hbm>> -> memref<8x128xf32, #tpu.memory_space<hbm>>
    %dma_wait3A_1932 = arith.constant 0 : i32
    %dma_wait3A_1933 = arith.constant 0 : i32
    %dma_wait3A_1934 = tpu.memref_slice %arg6[%dma_wait3A_1926, %dma_wait3A_1932, %dma_wait3A_1933] : memref<64x8x128xf32, #tpu.memory_space<vmem>> -> memref<1x8x128xf32, #tpu.memory_space<vmem>>
    %dma_wait3A_1935 = tpu.memref_squeeze %dma_wait3A_1934 : memref<1x8x128xf32, #tpu.memory_space<vmem>> -> memref<8x128xf32, #tpu.memory_space<vmem>>
    %dma_wait3A_1936 = tpu.memref_slice %arg2[%multiple_of3A_1609, %multiple_of3A_1602] : memref<1024x100000xf32, #tpu.memory_space<hbm>> -> memref<8x128xf32, #tpu.memory_space<hbm>>
    tpu.wait_dma2 semaphore(%arg8 : memref<!tpu.dma_semaphore, #tpu.memory_space<semaphore_mem>>) src(%dma_wait3A_1936 : memref<8x128xf32, #tpu.memory_space<hbm>>) dst(%dma_wait3A_1935 : memref<8x128xf32, #tpu.memory_space<vmem>>)
    %dma_wait3A_1937 = arith.constant 41 : i32
    %dma_wait3A_1938 = arith.constant 0 : i32
    %dma_wait3A_1939 = arith.constant 0 : i32
    %dma_wait3A_1940 = tpu.memref_slice %arg6[%dma_wait3A_1937, %dma_wait3A_1938, %dma_wait3A_1939] : memref<64x8x128xf32, #tpu.memory_space<vmem>> -> memref<1x8x128xf32, #tpu.memory_space<vmem>>
    %dma_wait3A_1941 = tpu.memref_squeeze %dma_wait3A_1940 : memref<1x8x128xf32, #tpu.memory_space<vmem>> -> memref<8x128xf32, #tpu.memory_space<vmem>>
    %dma_wait3A_1942 = tpu.memref_slice %arg2[%multiple_of3A_1640, %multiple_of3A_1633] : memref<1024x100000xf32, #tpu.memory_space<hbm>> -> memref<8x128xf32, #tpu.memory_space<hbm>>
    %dma_wait3A_1943 = arith.constant 0 : i32
    %dma_wait3A_1944 = arith.constant 0 : i32
    %dma_wait3A_1945 = tpu.memref_slice %arg6[%dma_wait3A_1937, %dma_wait3A_1943, %dma_wait3A_1944] : memref<64x8x128xf32, #tpu.memory_space<vmem>> -> memref<1x8x128xf32, #tpu.memory_space<vmem>>
    %dma_wait3A_1946 = tpu.memref_squeeze %dma_wait3A_1945 : memref<1x8x128xf32, #tpu.memory_space<vmem>> -> memref<8x128xf32, #tpu.memory_space<vmem>>
    %dma_wait3A_1947 = tpu.memref_slice %arg2[%multiple_of3A_1640, %multiple_of3A_1633] : memref<1024x100000xf32, #tpu.memory_space<hbm>> -> memref<8x128xf32, #tpu.memory_space<hbm>>
    tpu.wait_dma2 semaphore(%arg8 : memref<!tpu.dma_semaphore, #tpu.memory_space<semaphore_mem>>) src(%dma_wait3A_1947 : memref<8x128xf32, #tpu.memory_space<hbm>>) dst(%dma_wait3A_1946 : memref<8x128xf32, #tpu.memory_space<vmem>>)
    %dma_wait3A_1948 = arith.constant 42 : i32
    %dma_wait3A_1949 = arith.constant 0 : i32
    %dma_wait3A_1950 = arith.constant 0 : i32
    %dma_wait3A_1951 = tpu.memref_slice %arg6[%dma_wait3A_1948, %dma_wait3A_1949, %dma_wait3A_1950] : memref<64x8x128xf32, #tpu.memory_space<vmem>> -> memref<1x8x128xf32, #tpu.memory_space<vmem>>
    %dma_wait3A_1952 = tpu.memref_squeeze %dma_wait3A_1951 : memref<1x8x128xf32, #tpu.memory_space<vmem>> -> memref<8x128xf32, #tpu.memory_space<vmem>>
    %dma_wait3A_1953 = tpu.memref_slice %arg2[%multiple_of3A_1671, %multiple_of3A_1664] : memref<1024x100000xf32, #tpu.memory_space<hbm>> -> memref<8x128xf32, #tpu.memory_space<hbm>>
    %dma_wait3A_1954 = arith.constant 0 : i32
    %dma_wait3A_1955 = arith.constant 0 : i32
    %dma_wait3A_1956 = tpu.memref_slice %arg6[%dma_wait3A_1948, %dma_wait3A_1954, %dma_wait3A_1955] : memref<64x8x128xf32, #tpu.memory_space<vmem>> -> memref<1x8x128xf32, #tpu.memory_space<vmem>>
    %dma_wait3A_1957 = tpu.memref_squeeze %dma_wait3A_1956 : memref<1x8x128xf32, #tpu.memory_space<vmem>> -> memref<8x128xf32, #tpu.memory_space<vmem>>
    %dma_wait3A_1958 = tpu.memref_slice %arg2[%multiple_of3A_1671, %multiple_of3A_1664] : memref<1024x100000xf32, #tpu.memory_space<hbm>> -> memref<8x128xf32, #tpu.memory_space<hbm>>
    tpu.wait_dma2 semaphore(%arg8 : memref<!tpu.dma_semaphore, #tpu.memory_space<semaphore_mem>>) src(%dma_wait3A_1958 : memref<8x128xf32, #tpu.memory_space<hbm>>) dst(%dma_wait3A_1957 : memref<8x128xf32, #tpu.memory_space<vmem>>)
    %dma_wait3A_1959 = arith.constant 43 : i32
    %dma_wait3A_1960 = arith.constant 0 : i32
    %dma_wait3A_1961 = arith.constant 0 : i32
    %dma_wait3A_1962 = tpu.memref_slice %arg6[%dma_wait3A_1959, %dma_wait3A_1960, %dma_wait3A_1961] : memref<64x8x128xf32, #tpu.memory_space<vmem>> -> memref<1x8x128xf32, #tpu.memory_space<vmem>>
    %dma_wait3A_1963 = tpu.memref_squeeze %dma_wait3A_1962 : memref<1x8x128xf32, #tpu.memory_space<vmem>> -> memref<8x128xf32, #tpu.memory_space<vmem>>
    %dma_wait3A_1964 = tpu.memref_slice %arg2[%multiple_of3A_1702, %multiple_of3A_1695] : memref<1024x100000xf32, #tpu.memory_space<hbm>> -> memref<8x128xf32, #tpu.memory_space<hbm>>
    %dma_wait3A_1965 = arith.constant 0 : i32
    %dma_wait3A_1966 = arith.constant 0 : i32
    %dma_wait3A_1967 = tpu.memref_slice %arg6[%dma_wait3A_1959, %dma_wait3A_1965, %dma_wait3A_1966] : memref<64x8x128xf32, #tpu.memory_space<vmem>> -> memref<1x8x128xf32, #tpu.memory_space<vmem>>
    %dma_wait3A_1968 = tpu.memref_squeeze %dma_wait3A_1967 : memref<1x8x128xf32, #tpu.memory_space<vmem>> -> memref<8x128xf32, #tpu.memory_space<vmem>>
    %dma_wait3A_1969 = tpu.memref_slice %arg2[%multiple_of3A_1702, %multiple_of3A_1695] : memref<1024x100000xf32, #tpu.memory_space<hbm>> -> memref<8x128xf32, #tpu.memory_space<hbm>>
    tpu.wait_dma2 semaphore(%arg8 : memref<!tpu.dma_semaphore, #tpu.memory_space<semaphore_mem>>) src(%dma_wait3A_1969 : memref<8x128xf32, #tpu.memory_space<hbm>>) dst(%dma_wait3A_1968 : memref<8x128xf32, #tpu.memory_space<vmem>>)
    %dma_wait3A_1970 = arith.constant 44 : i32
    %dma_wait3A_1971 = arith.constant 0 : i32
    %dma_wait3A_1972 = arith.constant 0 : i32
    %dma_wait3A_1973 = tpu.memref_slice %arg6[%dma_wait3A_1970, %dma_wait3A_1971, %dma_wait3A_1972] : memref<64x8x128xf32, #tpu.memory_space<vmem>> -> memref<1x8x128xf32, #tpu.memory_space<vmem>>
    %dma_wait3A_1974 = tpu.memref_squeeze %dma_wait3A_1973 : memref<1x8x128xf32, #tpu.memory_space<vmem>> -> memref<8x128xf32, #tpu.memory_space<vmem>>
    %dma_wait3A_1975 = tpu.memref_slice %arg2[%multiple_of3A_1733, %multiple_of3A_1726] : memref<1024x100000xf32, #tpu.memory_space<hbm>> -> memref<8x128xf32, #tpu.memory_space<hbm>>
    %dma_wait3A_1976 = arith.constant 0 : i32
    %dma_wait3A_1977 = arith.constant 0 : i32
    %dma_wait3A_1978 = tpu.memref_slice %arg6[%dma_wait3A_1970, %dma_wait3A_1976, %dma_wait3A_1977] : memref<64x8x128xf32, #tpu.memory_space<vmem>> -> memref<1x8x128xf32, #tpu.memory_space<vmem>>
    %dma_wait3A_1979 = tpu.memref_squeeze %dma_wait3A_1978 : memref<1x8x128xf32, #tpu.memory_space<vmem>> -> memref<8x128xf32, #tpu.memory_space<vmem>>
    %dma_wait3A_1980 = tpu.memref_slice %arg2[%multiple_of3A_1733, %multiple_of3A_1726] : memref<1024x100000xf32, #tpu.memory_space<hbm>> -> memref<8x128xf32, #tpu.memory_space<hbm>>
    tpu.wait_dma2 semaphore(%arg8 : memref<!tpu.dma_semaphore, #tpu.memory_space<semaphore_mem>>) src(%dma_wait3A_1980 : memref<8x128xf32, #tpu.memory_space<hbm>>) dst(%dma_wait3A_1979 : memref<8x128xf32, #tpu.memory_space<vmem>>)
    %dma_wait3A_1981 = arith.constant 45 : i32
    %dma_wait3A_1982 = arith.constant 0 : i32
    %dma_wait3A_1983 = arith.constant 0 : i32
    %dma_wait3A_1984 = tpu.memref_slice %arg6[%dma_wait3A_1981, %dma_wait3A_1982, %dma_wait3A_1983] : memref<64x8x128xf32, #tpu.memory_space<vmem>> -> memref<1x8x128xf32, #tpu.memory_space<vmem>>
    %dma_wait3A_1985 = tpu.memref_squeeze %dma_wait3A_1984 : memref<1x8x128xf32, #tpu.memory_space<vmem>> -> memref<8x128xf32, #tpu.memory_space<vmem>>
    %dma_wait3A_1986 = tpu.memref_slice %arg2[%multiple_of3A_1764, %multiple_of3A_1757] : memref<1024x100000xf32, #tpu.memory_space<hbm>> -> memref<8x128xf32, #tpu.memory_space<hbm>>
    %dma_wait3A_1987 = arith.constant 0 : i32
    %dma_wait3A_1988 = arith.constant 0 : i32
    %dma_wait3A_1989 = tpu.memref_slice %arg6[%dma_wait3A_1981, %dma_wait3A_1987, %dma_wait3A_1988] : memref<64x8x128xf32, #tpu.memory_space<vmem>> -> memref<1x8x128xf32, #tpu.memory_space<vmem>>
    %dma_wait3A_1990 = tpu.memref_squeeze %dma_wait3A_1989 : memref<1x8x128xf32, #tpu.memory_space<vmem>> -> memref<8x128xf32, #tpu.memory_space<vmem>>
    %dma_wait3A_1991 = tpu.memref_slice %arg2[%multiple_of3A_1764, %multiple_of3A_1757] : memref<1024x100000xf32, #tpu.memory_space<hbm>> -> memref<8x128xf32, #tpu.memory_space<hbm>>
    tpu.wait_dma2 semaphore(%arg8 : memref<!tpu.dma_semaphore, #tpu.memory_space<semaphore_mem>>) src(%dma_wait3A_1991 : memref<8x128xf32, #tpu.memory_space<hbm>>) dst(%dma_wait3A_1990 : memref<8x128xf32, #tpu.memory_space<vmem>>)
    %dma_wait3A_1992 = arith.constant 46 : i32
    %dma_wait3A_1993 = arith.constant 0 : i32
    %dma_wait3A_1994 = arith.constant 0 : i32
    %dma_wait3A_1995 = tpu.memref_slice %arg6[%dma_wait3A_1992, %dma_wait3A_1993, %dma_wait3A_1994] : memref<64x8x128xf32, #tpu.memory_space<vmem>> -> memref<1x8x128xf32, #tpu.memory_space<vmem>>
    %dma_wait3A_1996 = tpu.memref_squeeze %dma_wait3A_1995 : memref<1x8x128xf32, #tpu.memory_space<vmem>> -> memref<8x128xf32, #tpu.memory_space<vmem>>
    %dma_wait3A_1997 = tpu.memref_slice %arg2[%multiple_of3A_1795, %multiple_of3A_1788] : memref<1024x100000xf32, #tpu.memory_space<hbm>> -> memref<8x128xf32, #tpu.memory_space<hbm>>
    %dma_wait3A_1998 = arith.constant 0 : i32
    %dma_wait3A_1999 = arith.constant 0 : i32
    %dma_wait3A_2000 = tpu.memref_slice %arg6[%dma_wait3A_1992, %dma_wait3A_1998, %dma_wait3A_1999] : memref<64x8x128xf32, #tpu.memory_space<vmem>> -> memref<1x8x128xf32, #tpu.memory_space<vmem>>
    %dma_wait3A_2001 = tpu.memref_squeeze %dma_wait3A_2000 : memref<1x8x128xf32, #tpu.memory_space<vmem>> -> memref<8x128xf32, #tpu.memory_space<vmem>>
    %dma_wait3A_2002 = tpu.memref_slice %arg2[%multiple_of3A_1795, %multiple_of3A_1788] : memref<1024x100000xf32, #tpu.memory_space<hbm>> -> memref<8x128xf32, #tpu.memory_space<hbm>>
    tpu.wait_dma2 semaphore(%arg8 : memref<!tpu.dma_semaphore, #tpu.memory_space<semaphore_mem>>) src(%dma_wait3A_2002 : memref<8x128xf32, #tpu.memory_space<hbm>>) dst(%dma_wait3A_2001 : memref<8x128xf32, #tpu.memory_space<vmem>>)
    %dma_wait3A_2003 = arith.constant 47 : i32
    %dma_wait3A_2004 = arith.constant 0 : i32
    %dma_wait3A_2005 = arith.constant 0 : i32
    %dma_wait3A_2006 = tpu.memref_slice %arg6[%dma_wait3A_2003, %dma_wait3A_2004, %dma_wait3A_2005] : memref<64x8x128xf32, #tpu.memory_space<vmem>> -> memref<1x8x128xf32, #tpu.memory_space<vmem>>
    %dma_wait3A_2007 = tpu.memref_squeeze %dma_wait3A_2006 : memref<1x8x128xf32, #tpu.memory_space<vmem>> -> memref<8x128xf32, #tpu.memory_space<vmem>>
    %dma_wait3A_2008 = tpu.memref_slice %arg2[%multiple_of3A_1826, %multiple_of3A_1819] : memref<1024x100000xf32, #tpu.memory_space<hbm>> -> memref<8x128xf32, #tpu.memory_space<hbm>>
    %dma_wait3A_2009 = arith.constant 0 : i32
    %dma_wait3A_2010 = arith.constant 0 : i32
    %dma_wait3A_2011 = tpu.memref_slice %arg6[%dma_wait3A_2003, %dma_wait3A_2009, %dma_wait3A_2010] : memref<64x8x128xf32, #tpu.memory_space<vmem>> -> memref<1x8x128xf32, #tpu.memory_space<vmem>>
    %dma_wait3A_2012 = tpu.memref_squeeze %dma_wait3A_2011 : memref<1x8x128xf32, #tpu.memory_space<vmem>> -> memref<8x128xf32, #tpu.memory_space<vmem>>
    %dma_wait3A_2013 = tpu.memref_slice %arg2[%multiple_of3A_1826, %multiple_of3A_1819] : memref<1024x100000xf32, #tpu.memory_space<hbm>> -> memref<8x128xf32, #tpu.memory_space<hbm>>
    tpu.wait_dma2 semaphore(%arg8 : memref<!tpu.dma_semaphore, #tpu.memory_space<semaphore_mem>>) src(%dma_wait3A_2013 : memref<8x128xf32, #tpu.memory_space<hbm>>) dst(%dma_wait3A_2012 : memref<8x128xf32, #tpu.memory_space<vmem>>)
    %eq3A_2014 = arith.constant 0 : i32
    %eq3A_2015 = vector.broadcast %eq3A_2014 : i32 to vector<16xi32>
    %eq3A_2016 = arith.cmpi eq, %iota3A, %eq3A_2015 : vector<16xi32>
    %jit3A_2017 = arith.constant 0 : i32
    %broadcast_in_dim3A_2018 = vector.broadcast %jit3A_2017 : i32 to vector<16xi32>
    %select_n3A_2019 = arith.select %eq3A_2016, %get3A_7, %broadcast_in_dim3A_2018 : vector<16xi1>, vector<16xi32>
    %reduce_sum3A_2020 = arith.constant true
    %reduce_sum3A_2021 = vector.broadcast %reduce_sum3A_2020 : i1 to vector<16xi1>
    %reduce_sum3A_2022 = tpu.scan <sum>, %select_n3A_2019 masked %reduce_sum3A_2021 : vector<16xi32>, vector<16xi1> -> vector<16xi32>
    %reduce_sum3A_2023 = vector.extract %reduce_sum3A_2022[15] : i32 from vector<16xi32>
    %and3A_2024 = arith.constant -128 : i32
    %and3A_2025 = arith.andi %reduce_sum3A_2023, %and3A_2024 : i32
    %multiple_of3A_2026 = tpu.assume_multiple %and3A_2025, 128 : i32
    %add3A_2027 = arith.constant 48 : i32
    %add3A_2028 = arith.addi %mul3A_0, %add3A_2027 : i32
    %add3A_2029 = arith.constant 0 : i32
    %add3A_2030 = arith.addi %add3A_2028, %add3A_2029 : i32
    %and3A_2031 = arith.constant -8 : i32
    %and3A_2032 = arith.andi %add3A_2030, %and3A_2031 : i32
    %multiple_of3A_2033 = tpu.assume_multiple %and3A_2032, 8 : i32
    %dma_start3A_2034 = arith.constant 48 : i32
    %dma_start3A_2035 = arith.constant 0 : i32
    %dma_start3A_2036 = arith.constant 0 : i32
    %dma_start3A_2037 = tpu.memref_slice %arg6[%dma_start3A_2034, %dma_start3A_2035, %dma_start3A_2036] : memref<64x8x128xf32, #tpu.memory_space<vmem>> -> memref<1x8x128xf32, #tpu.memory_space<vmem>>
    %dma_start3A_2038 = tpu.memref_squeeze %dma_start3A_2037 : memref<1x8x128xf32, #tpu.memory_space<vmem>> -> memref<8x128xf32, #tpu.memory_space<vmem>>
    %dma_start3A_2039 = tpu.memref_slice %arg2[%multiple_of3A_2033, %multiple_of3A_2026] : memref<1024x100000xf32, #tpu.memory_space<hbm>> -> memref<8x128xf32, #tpu.memory_space<hbm>>
    %dma_start3A_2040 = arith.constant 0 : i32
    %dma_start3A_2041 = arith.constant 0 : i32
    %dma_start3A_2042 = tpu.memref_slice %arg6[%dma_start3A_2034, %dma_start3A_2040, %dma_start3A_2041] : memref<64x8x128xf32, #tpu.memory_space<vmem>> -> memref<1x8x128xf32, #tpu.memory_space<vmem>>
    %dma_start3A_2043 = tpu.memref_squeeze %dma_start3A_2042 : memref<1x8x128xf32, #tpu.memory_space<vmem>> -> memref<8x128xf32, #tpu.memory_space<vmem>>
    %dma_start3A_2044 = tpu.memref_slice %arg2[%multiple_of3A_2033, %multiple_of3A_2026] : memref<1024x100000xf32, #tpu.memory_space<hbm>> -> memref<8x128xf32, #tpu.memory_space<hbm>>
    tpu.enqueue_dma source(%dma_start3A_2044 : memref<8x128xf32, #tpu.memory_space<hbm>>) target(%dma_start3A_2043 : memref<8x128xf32, #tpu.memory_space<vmem>>) target_semaphore(%arg8 : memref<!tpu.dma_semaphore, #tpu.memory_space<semaphore_mem>>)
    %eq3A_2045 = arith.constant 1 : i32
    %eq3A_2046 = vector.broadcast %eq3A_2045 : i32 to vector<16xi32>
    %eq3A_2047 = arith.cmpi eq, %iota3A, %eq3A_2046 : vector<16xi32>
    %jit3A_2048 = arith.constant 0 : i32
    %broadcast_in_dim3A_2049 = vector.broadcast %jit3A_2048 : i32 to vector<16xi32>
    %select_n3A_2050 = arith.select %eq3A_2047, %get3A_7, %broadcast_in_dim3A_2049 : vector<16xi1>, vector<16xi32>
    %reduce_sum3A_2051 = arith.constant true
    %reduce_sum3A_2052 = vector.broadcast %reduce_sum3A_2051 : i1 to vector<16xi1>
    %reduce_sum3A_2053 = tpu.scan <sum>, %select_n3A_2050 masked %reduce_sum3A_2052 : vector<16xi32>, vector<16xi1> -> vector<16xi32>
    %reduce_sum3A_2054 = vector.extract %reduce_sum3A_2053[15] : i32 from vector<16xi32>
    %and3A_2055 = arith.constant -128 : i32
    %and3A_2056 = arith.andi %reduce_sum3A_2054, %and3A_2055 : i32
    %multiple_of3A_2057 = tpu.assume_multiple %and3A_2056, 128 : i32
    %add3A_2058 = arith.constant 48 : i32
    %add3A_2059 = arith.addi %mul3A_0, %add3A_2058 : i32
    %add3A_2060 = arith.constant 1 : i32
    %add3A_2061 = arith.addi %add3A_2059, %add3A_2060 : i32
    %and3A_2062 = arith.constant -8 : i32
    %and3A_2063 = arith.andi %add3A_2061, %and3A_2062 : i32
    %multiple_of3A_2064 = tpu.assume_multiple %and3A_2063, 8 : i32
    %dma_start3A_2065 = arith.constant 49 : i32
    %dma_start3A_2066 = arith.constant 0 : i32
    %dma_start3A_2067 = arith.constant 0 : i32
    %dma_start3A_2068 = tpu.memref_slice %arg6[%dma_start3A_2065, %dma_start3A_2066, %dma_start3A_2067] : memref<64x8x128xf32, #tpu.memory_space<vmem>> -> memref<1x8x128xf32, #tpu.memory_space<vmem>>
    %dma_start3A_2069 = tpu.memref_squeeze %dma_start3A_2068 : memref<1x8x128xf32, #tpu.memory_space<vmem>> -> memref<8x128xf32, #tpu.memory_space<vmem>>
    %dma_start3A_2070 = tpu.memref_slice %arg2[%multiple_of3A_2064, %multiple_of3A_2057] : memref<1024x100000xf32, #tpu.memory_space<hbm>> -> memref<8x128xf32, #tpu.memory_space<hbm>>
    %dma_start3A_2071 = arith.constant 0 : i32
    %dma_start3A_2072 = arith.constant 0 : i32
    %dma_start3A_2073 = tpu.memref_slice %arg6[%dma_start3A_2065, %dma_start3A_2071, %dma_start3A_2072] : memref<64x8x128xf32, #tpu.memory_space<vmem>> -> memref<1x8x128xf32, #tpu.memory_space<vmem>>
    %dma_start3A_2074 = tpu.memref_squeeze %dma_start3A_2073 : memref<1x8x128xf32, #tpu.memory_space<vmem>> -> memref<8x128xf32, #tpu.memory_space<vmem>>
    %dma_start3A_2075 = tpu.memref_slice %arg2[%multiple_of3A_2064, %multiple_of3A_2057] : memref<1024x100000xf32, #tpu.memory_space<hbm>> -> memref<8x128xf32, #tpu.memory_space<hbm>>
    tpu.enqueue_dma source(%dma_start3A_2075 : memref<8x128xf32, #tpu.memory_space<hbm>>) target(%dma_start3A_2074 : memref<8x128xf32, #tpu.memory_space<vmem>>) target_semaphore(%arg8 : memref<!tpu.dma_semaphore, #tpu.memory_space<semaphore_mem>>)
    %eq3A_2076 = arith.constant 2 : i32
    %eq3A_2077 = vector.broadcast %eq3A_2076 : i32 to vector<16xi32>
    %eq3A_2078 = arith.cmpi eq, %iota3A, %eq3A_2077 : vector<16xi32>
    %jit3A_2079 = arith.constant 0 : i32
    %broadcast_in_dim3A_2080 = vector.broadcast %jit3A_2079 : i32 to vector<16xi32>
    %select_n3A_2081 = arith.select %eq3A_2078, %get3A_7, %broadcast_in_dim3A_2080 : vector<16xi1>, vector<16xi32>
    %reduce_sum3A_2082 = arith.constant true
    %reduce_sum3A_2083 = vector.broadcast %reduce_sum3A_2082 : i1 to vector<16xi1>
    %reduce_sum3A_2084 = tpu.scan <sum>, %select_n3A_2081 masked %reduce_sum3A_2083 : vector<16xi32>, vector<16xi1> -> vector<16xi32>
    %reduce_sum3A_2085 = vector.extract %reduce_sum3A_2084[15] : i32 from vector<16xi32>
    %and3A_2086 = arith.constant -128 : i32
    %and3A_2087 = arith.andi %reduce_sum3A_2085, %and3A_2086 : i32
    %multiple_of3A_2088 = tpu.assume_multiple %and3A_2087, 128 : i32
    %add3A_2089 = arith.constant 48 : i32
    %add3A_2090 = arith.addi %mul3A_0, %add3A_2089 : i32
    %add3A_2091 = arith.constant 2 : i32
    %add3A_2092 = arith.addi %add3A_2090, %add3A_2091 : i32
    %and3A_2093 = arith.constant -8 : i32
    %and3A_2094 = arith.andi %add3A_2092, %and3A_2093 : i32
    %multiple_of3A_2095 = tpu.assume_multiple %and3A_2094, 8 : i32
    %dma_start3A_2096 = arith.constant 50 : i32
    %dma_start3A_2097 = arith.constant 0 : i32
    %dma_start3A_2098 = arith.constant 0 : i32
    %dma_start3A_2099 = tpu.memref_slice %arg6[%dma_start3A_2096, %dma_start3A_2097, %dma_start3A_2098] : memref<64x8x128xf32, #tpu.memory_space<vmem>> -> memref<1x8x128xf32, #tpu.memory_space<vmem>>
    %dma_start3A_2100 = tpu.memref_squeeze %dma_start3A_2099 : memref<1x8x128xf32, #tpu.memory_space<vmem>> -> memref<8x128xf32, #tpu.memory_space<vmem>>
    %dma_start3A_2101 = tpu.memref_slice %arg2[%multiple_of3A_2095, %multiple_of3A_2088] : memref<1024x100000xf32, #tpu.memory_space<hbm>> -> memref<8x128xf32, #tpu.memory_space<hbm>>
    %dma_start3A_2102 = arith.constant 0 : i32
    %dma_start3A_2103 = arith.constant 0 : i32
    %dma_start3A_2104 = tpu.memref_slice %arg6[%dma_start3A_2096, %dma_start3A_2102, %dma_start3A_2103] : memref<64x8x128xf32, #tpu.memory_space<vmem>> -> memref<1x8x128xf32, #tpu.memory_space<vmem>>
    %dma_start3A_2105 = tpu.memref_squeeze %dma_start3A_2104 : memref<1x8x128xf32, #tpu.memory_space<vmem>> -> memref<8x128xf32, #tpu.memory_space<vmem>>
    %dma_start3A_2106 = tpu.memref_slice %arg2[%multiple_of3A_2095, %multiple_of3A_2088] : memref<1024x100000xf32, #tpu.memory_space<hbm>> -> memref<8x128xf32, #tpu.memory_space<hbm>>
    tpu.enqueue_dma source(%dma_start3A_2106 : memref<8x128xf32, #tpu.memory_space<hbm>>) target(%dma_start3A_2105 : memref<8x128xf32, #tpu.memory_space<vmem>>) target_semaphore(%arg8 : memref<!tpu.dma_semaphore, #tpu.memory_space<semaphore_mem>>)
    %eq3A_2107 = arith.constant 3 : i32
    %eq3A_2108 = vector.broadcast %eq3A_2107 : i32 to vector<16xi32>
    %eq3A_2109 = arith.cmpi eq, %iota3A, %eq3A_2108 : vector<16xi32>
    %jit3A_2110 = arith.constant 0 : i32
    %broadcast_in_dim3A_2111 = vector.broadcast %jit3A_2110 : i32 to vector<16xi32>
    %select_n3A_2112 = arith.select %eq3A_2109, %get3A_7, %broadcast_in_dim3A_2111 : vector<16xi1>, vector<16xi32>
    %reduce_sum3A_2113 = arith.constant true
    %reduce_sum3A_2114 = vector.broadcast %reduce_sum3A_2113 : i1 to vector<16xi1>
    %reduce_sum3A_2115 = tpu.scan <sum>, %select_n3A_2112 masked %reduce_sum3A_2114 : vector<16xi32>, vector<16xi1> -> vector<16xi32>
    %reduce_sum3A_2116 = vector.extract %reduce_sum3A_2115[15] : i32 from vector<16xi32>
    %and3A_2117 = arith.constant -128 : i32
    %and3A_2118 = arith.andi %reduce_sum3A_2116, %and3A_2117 : i32
    %multiple_of3A_2119 = tpu.assume_multiple %and3A_2118, 128 : i32
    %add3A_2120 = arith.constant 48 : i32
    %add3A_2121 = arith.addi %mul3A_0, %add3A_2120 : i32
    %add3A_2122 = arith.constant 3 : i32
    %add3A_2123 = arith.addi %add3A_2121, %add3A_2122 : i32
    %and3A_2124 = arith.constant -8 : i32
    %and3A_2125 = arith.andi %add3A_2123, %and3A_2124 : i32
    %multiple_of3A_2126 = tpu.assume_multiple %and3A_2125, 8 : i32
    %dma_start3A_2127 = arith.constant 51 : i32
    %dma_start3A_2128 = arith.constant 0 : i32
    %dma_start3A_2129 = arith.constant 0 : i32
    %dma_start3A_2130 = tpu.memref_slice %arg6[%dma_start3A_2127, %dma_start3A_2128, %dma_start3A_2129] : memref<64x8x128xf32, #tpu.memory_space<vmem>> -> memref<1x8x128xf32, #tpu.memory_space<vmem>>
    %dma_start3A_2131 = tpu.memref_squeeze %dma_start3A_2130 : memref<1x8x128xf32, #tpu.memory_space<vmem>> -> memref<8x128xf32, #tpu.memory_space<vmem>>
    %dma_start3A_2132 = tpu.memref_slice %arg2[%multiple_of3A_2126, %multiple_of3A_2119] : memref<1024x100000xf32, #tpu.memory_space<hbm>> -> memref<8x128xf32, #tpu.memory_space<hbm>>
    %dma_start3A_2133 = arith.constant 0 : i32
    %dma_start3A_2134 = arith.constant 0 : i32
    %dma_start3A_2135 = tpu.memref_slice %arg6[%dma_start3A_2127, %dma_start3A_2133, %dma_start3A_2134] : memref<64x8x128xf32, #tpu.memory_space<vmem>> -> memref<1x8x128xf32, #tpu.memory_space<vmem>>
    %dma_start3A_2136 = tpu.memref_squeeze %dma_start3A_2135 : memref<1x8x128xf32, #tpu.memory_space<vmem>> -> memref<8x128xf32, #tpu.memory_space<vmem>>
    %dma_start3A_2137 = tpu.memref_slice %arg2[%multiple_of3A_2126, %multiple_of3A_2119] : memref<1024x100000xf32, #tpu.memory_space<hbm>> -> memref<8x128xf32, #tpu.memory_space<hbm>>
    tpu.enqueue_dma source(%dma_start3A_2137 : memref<8x128xf32, #tpu.memory_space<hbm>>) target(%dma_start3A_2136 : memref<8x128xf32, #tpu.memory_space<vmem>>) target_semaphore(%arg8 : memref<!tpu.dma_semaphore, #tpu.memory_space<semaphore_mem>>)
    %eq3A_2138 = arith.constant 4 : i32
    %eq3A_2139 = vector.broadcast %eq3A_2138 : i32 to vector<16xi32>
    %eq3A_2140 = arith.cmpi eq, %iota3A, %eq3A_2139 : vector<16xi32>
    %jit3A_2141 = arith.constant 0 : i32
    %broadcast_in_dim3A_2142 = vector.broadcast %jit3A_2141 : i32 to vector<16xi32>
    %select_n3A_2143 = arith.select %eq3A_2140, %get3A_7, %broadcast_in_dim3A_2142 : vector<16xi1>, vector<16xi32>
    %reduce_sum3A_2144 = arith.constant true
    %reduce_sum3A_2145 = vector.broadcast %reduce_sum3A_2144 : i1 to vector<16xi1>
    %reduce_sum3A_2146 = tpu.scan <sum>, %select_n3A_2143 masked %reduce_sum3A_2145 : vector<16xi32>, vector<16xi1> -> vector<16xi32>
    %reduce_sum3A_2147 = vector.extract %reduce_sum3A_2146[15] : i32 from vector<16xi32>
    %and3A_2148 = arith.constant -128 : i32
    %and3A_2149 = arith.andi %reduce_sum3A_2147, %and3A_2148 : i32
    %multiple_of3A_2150 = tpu.assume_multiple %and3A_2149, 128 : i32
    %add3A_2151 = arith.constant 48 : i32
    %add3A_2152 = arith.addi %mul3A_0, %add3A_2151 : i32
    %add3A_2153 = arith.constant 4 : i32
    %add3A_2154 = arith.addi %add3A_2152, %add3A_2153 : i32
    %and3A_2155 = arith.constant -8 : i32
    %and3A_2156 = arith.andi %add3A_2154, %and3A_2155 : i32
    %multiple_of3A_2157 = tpu.assume_multiple %and3A_2156, 8 : i32
    %dma_start3A_2158 = arith.constant 52 : i32
    %dma_start3A_2159 = arith.constant 0 : i32
    %dma_start3A_2160 = arith.constant 0 : i32
    %dma_start3A_2161 = tpu.memref_slice %arg6[%dma_start3A_2158, %dma_start3A_2159, %dma_start3A_2160] : memref<64x8x128xf32, #tpu.memory_space<vmem>> -> memref<1x8x128xf32, #tpu.memory_space<vmem>>
    %dma_start3A_2162 = tpu.memref_squeeze %dma_start3A_2161 : memref<1x8x128xf32, #tpu.memory_space<vmem>> -> memref<8x128xf32, #tpu.memory_space<vmem>>
    %dma_start3A_2163 = tpu.memref_slice %arg2[%multiple_of3A_2157, %multiple_of3A_2150] : memref<1024x100000xf32, #tpu.memory_space<hbm>> -> memref<8x128xf32, #tpu.memory_space<hbm>>
    %dma_start3A_2164 = arith.constant 0 : i32
    %dma_start3A_2165 = arith.constant 0 : i32
    %dma_start3A_2166 = tpu.memref_slice %arg6[%dma_start3A_2158, %dma_start3A_2164, %dma_start3A_2165] : memref<64x8x128xf32, #tpu.memory_space<vmem>> -> memref<1x8x128xf32, #tpu.memory_space<vmem>>
    %dma_start3A_2167 = tpu.memref_squeeze %dma_start3A_2166 : memref<1x8x128xf32, #tpu.memory_space<vmem>> -> memref<8x128xf32, #tpu.memory_space<vmem>>
    %dma_start3A_2168 = tpu.memref_slice %arg2[%multiple_of3A_2157, %multiple_of3A_2150] : memref<1024x100000xf32, #tpu.memory_space<hbm>> -> memref<8x128xf32, #tpu.memory_space<hbm>>
    tpu.enqueue_dma source(%dma_start3A_2168 : memref<8x128xf32, #tpu.memory_space<hbm>>) target(%dma_start3A_2167 : memref<8x128xf32, #tpu.memory_space<vmem>>) target_semaphore(%arg8 : memref<!tpu.dma_semaphore, #tpu.memory_space<semaphore_mem>>)
    %eq3A_2169 = arith.constant 5 : i32
    %eq3A_2170 = vector.broadcast %eq3A_2169 : i32 to vector<16xi32>
    %eq3A_2171 = arith.cmpi eq, %iota3A, %eq3A_2170 : vector<16xi32>
    %jit3A_2172 = arith.constant 0 : i32
    %broadcast_in_dim3A_2173 = vector.broadcast %jit3A_2172 : i32 to vector<16xi32>
    %select_n3A_2174 = arith.select %eq3A_2171, %get3A_7, %broadcast_in_dim3A_2173 : vector<16xi1>, vector<16xi32>
    %reduce_sum3A_2175 = arith.constant true
    %reduce_sum3A_2176 = vector.broadcast %reduce_sum3A_2175 : i1 to vector<16xi1>
    %reduce_sum3A_2177 = tpu.scan <sum>, %select_n3A_2174 masked %reduce_sum3A_2176 : vector<16xi32>, vector<16xi1> -> vector<16xi32>
    %reduce_sum3A_2178 = vector.extract %reduce_sum3A_2177[15] : i32 from vector<16xi32>
    %and3A_2179 = arith.constant -128 : i32
    %and3A_2180 = arith.andi %reduce_sum3A_2178, %and3A_2179 : i32
    %multiple_of3A_2181 = tpu.assume_multiple %and3A_2180, 128 : i32
    %add3A_2182 = arith.constant 48 : i32
    %add3A_2183 = arith.addi %mul3A_0, %add3A_2182 : i32
    %add3A_2184 = arith.constant 5 : i32
    %add3A_2185 = arith.addi %add3A_2183, %add3A_2184 : i32
    %and3A_2186 = arith.constant -8 : i32
    %and3A_2187 = arith.andi %add3A_2185, %and3A_2186 : i32
    %multiple_of3A_2188 = tpu.assume_multiple %and3A_2187, 8 : i32
    %dma_start3A_2189 = arith.constant 53 : i32
    %dma_start3A_2190 = arith.constant 0 : i32
    %dma_start3A_2191 = arith.constant 0 : i32
    %dma_start3A_2192 = tpu.memref_slice %arg6[%dma_start3A_2189, %dma_start3A_2190, %dma_start3A_2191] : memref<64x8x128xf32, #tpu.memory_space<vmem>> -> memref<1x8x128xf32, #tpu.memory_space<vmem>>
    %dma_start3A_2193 = tpu.memref_squeeze %dma_start3A_2192 : memref<1x8x128xf32, #tpu.memory_space<vmem>> -> memref<8x128xf32, #tpu.memory_space<vmem>>
    %dma_start3A_2194 = tpu.memref_slice %arg2[%multiple_of3A_2188, %multiple_of3A_2181] : memref<1024x100000xf32, #tpu.memory_space<hbm>> -> memref<8x128xf32, #tpu.memory_space<hbm>>
    %dma_start3A_2195 = arith.constant 0 : i32
    %dma_start3A_2196 = arith.constant 0 : i32
    %dma_start3A_2197 = tpu.memref_slice %arg6[%dma_start3A_2189, %dma_start3A_2195, %dma_start3A_2196] : memref<64x8x128xf32, #tpu.memory_space<vmem>> -> memref<1x8x128xf32, #tpu.memory_space<vmem>>
    %dma_start3A_2198 = tpu.memref_squeeze %dma_start3A_2197 : memref<1x8x128xf32, #tpu.memory_space<vmem>> -> memref<8x128xf32, #tpu.memory_space<vmem>>
    %dma_start3A_2199 = tpu.memref_slice %arg2[%multiple_of3A_2188, %multiple_of3A_2181] : memref<1024x100000xf32, #tpu.memory_space<hbm>> -> memref<8x128xf32, #tpu.memory_space<hbm>>
    tpu.enqueue_dma source(%dma_start3A_2199 : memref<8x128xf32, #tpu.memory_space<hbm>>) target(%dma_start3A_2198 : memref<8x128xf32, #tpu.memory_space<vmem>>) target_semaphore(%arg8 : memref<!tpu.dma_semaphore, #tpu.memory_space<semaphore_mem>>)
    %eq3A_2200 = arith.constant 6 : i32
    %eq3A_2201 = vector.broadcast %eq3A_2200 : i32 to vector<16xi32>
    %eq3A_2202 = arith.cmpi eq, %iota3A, %eq3A_2201 : vector<16xi32>
    %jit3A_2203 = arith.constant 0 : i32
    %broadcast_in_dim3A_2204 = vector.broadcast %jit3A_2203 : i32 to vector<16xi32>
    %select_n3A_2205 = arith.select %eq3A_2202, %get3A_7, %broadcast_in_dim3A_2204 : vector<16xi1>, vector<16xi32>
    %reduce_sum3A_2206 = arith.constant true
    %reduce_sum3A_2207 = vector.broadcast %reduce_sum3A_2206 : i1 to vector<16xi1>
    %reduce_sum3A_2208 = tpu.scan <sum>, %select_n3A_2205 masked %reduce_sum3A_2207 : vector<16xi32>, vector<16xi1> -> vector<16xi32>
    %reduce_sum3A_2209 = vector.extract %reduce_sum3A_2208[15] : i32 from vector<16xi32>
    %and3A_2210 = arith.constant -128 : i32
    %and3A_2211 = arith.andi %reduce_sum3A_2209, %and3A_2210 : i32
    %multiple_of3A_2212 = tpu.assume_multiple %and3A_2211, 128 : i32
    %add3A_2213 = arith.constant 48 : i32
    %add3A_2214 = arith.addi %mul3A_0, %add3A_2213 : i32
    %add3A_2215 = arith.constant 6 : i32
    %add3A_2216 = arith.addi %add3A_2214, %add3A_2215 : i32
    %and3A_2217 = arith.constant -8 : i32
    %and3A_2218 = arith.andi %add3A_2216, %and3A_2217 : i32
    %multiple_of3A_2219 = tpu.assume_multiple %and3A_2218, 8 : i32
    %dma_start3A_2220 = arith.constant 54 : i32
    %dma_start3A_2221 = arith.constant 0 : i32
    %dma_start3A_2222 = arith.constant 0 : i32
    %dma_start3A_2223 = tpu.memref_slice %arg6[%dma_start3A_2220, %dma_start3A_2221, %dma_start3A_2222] : memref<64x8x128xf32, #tpu.memory_space<vmem>> -> memref<1x8x128xf32, #tpu.memory_space<vmem>>
    %dma_start3A_2224 = tpu.memref_squeeze %dma_start3A_2223 : memref<1x8x128xf32, #tpu.memory_space<vmem>> -> memref<8x128xf32, #tpu.memory_space<vmem>>
    %dma_start3A_2225 = tpu.memref_slice %arg2[%multiple_of3A_2219, %multiple_of3A_2212] : memref<1024x100000xf32, #tpu.memory_space<hbm>> -> memref<8x128xf32, #tpu.memory_space<hbm>>
    %dma_start3A_2226 = arith.constant 0 : i32
    %dma_start3A_2227 = arith.constant 0 : i32
    %dma_start3A_2228 = tpu.memref_slice %arg6[%dma_start3A_2220, %dma_start3A_2226, %dma_start3A_2227] : memref<64x8x128xf32, #tpu.memory_space<vmem>> -> memref<1x8x128xf32, #tpu.memory_space<vmem>>
    %dma_start3A_2229 = tpu.memref_squeeze %dma_start3A_2228 : memref<1x8x128xf32, #tpu.memory_space<vmem>> -> memref<8x128xf32, #tpu.memory_space<vmem>>
    %dma_start3A_2230 = tpu.memref_slice %arg2[%multiple_of3A_2219, %multiple_of3A_2212] : memref<1024x100000xf32, #tpu.memory_space<hbm>> -> memref<8x128xf32, #tpu.memory_space<hbm>>
    tpu.enqueue_dma source(%dma_start3A_2230 : memref<8x128xf32, #tpu.memory_space<hbm>>) target(%dma_start3A_2229 : memref<8x128xf32, #tpu.memory_space<vmem>>) target_semaphore(%arg8 : memref<!tpu.dma_semaphore, #tpu.memory_space<semaphore_mem>>)
    %eq3A_2231 = arith.constant 7 : i32
    %eq3A_2232 = vector.broadcast %eq3A_2231 : i32 to vector<16xi32>
    %eq3A_2233 = arith.cmpi eq, %iota3A, %eq3A_2232 : vector<16xi32>
    %jit3A_2234 = arith.constant 0 : i32
    %broadcast_in_dim3A_2235 = vector.broadcast %jit3A_2234 : i32 to vector<16xi32>
    %select_n3A_2236 = arith.select %eq3A_2233, %get3A_7, %broadcast_in_dim3A_2235 : vector<16xi1>, vector<16xi32>
    %reduce_sum3A_2237 = arith.constant true
    %reduce_sum3A_2238 = vector.broadcast %reduce_sum3A_2237 : i1 to vector<16xi1>
    %reduce_sum3A_2239 = tpu.scan <sum>, %select_n3A_2236 masked %reduce_sum3A_2238 : vector<16xi32>, vector<16xi1> -> vector<16xi32>
    %reduce_sum3A_2240 = vector.extract %reduce_sum3A_2239[15] : i32 from vector<16xi32>
    %and3A_2241 = arith.constant -128 : i32
    %and3A_2242 = arith.andi %reduce_sum3A_2240, %and3A_2241 : i32
    %multiple_of3A_2243 = tpu.assume_multiple %and3A_2242, 128 : i32
    %add3A_2244 = arith.constant 48 : i32
    %add3A_2245 = arith.addi %mul3A_0, %add3A_2244 : i32
    %add3A_2246 = arith.constant 7 : i32
    %add3A_2247 = arith.addi %add3A_2245, %add3A_2246 : i32
    %and3A_2248 = arith.constant -8 : i32
    %and3A_2249 = arith.andi %add3A_2247, %and3A_2248 : i32
    %multiple_of3A_2250 = tpu.assume_multiple %and3A_2249, 8 : i32
    %dma_start3A_2251 = arith.constant 55 : i32
    %dma_start3A_2252 = arith.constant 0 : i32
    %dma_start3A_2253 = arith.constant 0 : i32
    %dma_start3A_2254 = tpu.memref_slice %arg6[%dma_start3A_2251, %dma_start3A_2252, %dma_start3A_2253] : memref<64x8x128xf32, #tpu.memory_space<vmem>> -> memref<1x8x128xf32, #tpu.memory_space<vmem>>
    %dma_start3A_2255 = tpu.memref_squeeze %dma_start3A_2254 : memref<1x8x128xf32, #tpu.memory_space<vmem>> -> memref<8x128xf32, #tpu.memory_space<vmem>>
    %dma_start3A_2256 = tpu.memref_slice %arg2[%multiple_of3A_2250, %multiple_of3A_2243] : memref<1024x100000xf32, #tpu.memory_space<hbm>> -> memref<8x128xf32, #tpu.memory_space<hbm>>
    %dma_start3A_2257 = arith.constant 0 : i32
    %dma_start3A_2258 = arith.constant 0 : i32
    %dma_start3A_2259 = tpu.memref_slice %arg6[%dma_start3A_2251, %dma_start3A_2257, %dma_start3A_2258] : memref<64x8x128xf32, #tpu.memory_space<vmem>> -> memref<1x8x128xf32, #tpu.memory_space<vmem>>
    %dma_start3A_2260 = tpu.memref_squeeze %dma_start3A_2259 : memref<1x8x128xf32, #tpu.memory_space<vmem>> -> memref<8x128xf32, #tpu.memory_space<vmem>>
    %dma_start3A_2261 = tpu.memref_slice %arg2[%multiple_of3A_2250, %multiple_of3A_2243] : memref<1024x100000xf32, #tpu.memory_space<hbm>> -> memref<8x128xf32, #tpu.memory_space<hbm>>
    tpu.enqueue_dma source(%dma_start3A_2261 : memref<8x128xf32, #tpu.memory_space<hbm>>) target(%dma_start3A_2260 : memref<8x128xf32, #tpu.memory_space<vmem>>) target_semaphore(%arg8 : memref<!tpu.dma_semaphore, #tpu.memory_space<semaphore_mem>>)
    %eq3A_2262 = arith.constant 8 : i32
    %eq3A_2263 = vector.broadcast %eq3A_2262 : i32 to vector<16xi32>
    %eq3A_2264 = arith.cmpi eq, %iota3A, %eq3A_2263 : vector<16xi32>
    %jit3A_2265 = arith.constant 0 : i32
    %broadcast_in_dim3A_2266 = vector.broadcast %jit3A_2265 : i32 to vector<16xi32>
    %select_n3A_2267 = arith.select %eq3A_2264, %get3A_7, %broadcast_in_dim3A_2266 : vector<16xi1>, vector<16xi32>
    %reduce_sum3A_2268 = arith.constant true
    %reduce_sum3A_2269 = vector.broadcast %reduce_sum3A_2268 : i1 to vector<16xi1>
    %reduce_sum3A_2270 = tpu.scan <sum>, %select_n3A_2267 masked %reduce_sum3A_2269 : vector<16xi32>, vector<16xi1> -> vector<16xi32>
    %reduce_sum3A_2271 = vector.extract %reduce_sum3A_2270[15] : i32 from vector<16xi32>
    %and3A_2272 = arith.constant -128 : i32
    %and3A_2273 = arith.andi %reduce_sum3A_2271, %and3A_2272 : i32
    %multiple_of3A_2274 = tpu.assume_multiple %and3A_2273, 128 : i32
    %add3A_2275 = arith.constant 48 : i32
    %add3A_2276 = arith.addi %mul3A_0, %add3A_2275 : i32
    %add3A_2277 = arith.constant 8 : i32
    %add3A_2278 = arith.addi %add3A_2276, %add3A_2277 : i32
    %and3A_2279 = arith.constant -8 : i32
    %and3A_2280 = arith.andi %add3A_2278, %and3A_2279 : i32
    %multiple_of3A_2281 = tpu.assume_multiple %and3A_2280, 8 : i32
    %dma_start3A_2282 = arith.constant 56 : i32
    %dma_start3A_2283 = arith.constant 0 : i32
    %dma_start3A_2284 = arith.constant 0 : i32
    %dma_start3A_2285 = tpu.memref_slice %arg6[%dma_start3A_2282, %dma_start3A_2283, %dma_start3A_2284] : memref<64x8x128xf32, #tpu.memory_space<vmem>> -> memref<1x8x128xf32, #tpu.memory_space<vmem>>
    %dma_start3A_2286 = tpu.memref_squeeze %dma_start3A_2285 : memref<1x8x128xf32, #tpu.memory_space<vmem>> -> memref<8x128xf32, #tpu.memory_space<vmem>>
    %dma_start3A_2287 = tpu.memref_slice %arg2[%multiple_of3A_2281, %multiple_of3A_2274] : memref<1024x100000xf32, #tpu.memory_space<hbm>> -> memref<8x128xf32, #tpu.memory_space<hbm>>
    %dma_start3A_2288 = arith.constant 0 : i32
    %dma_start3A_2289 = arith.constant 0 : i32
    %dma_start3A_2290 = tpu.memref_slice %arg6[%dma_start3A_2282, %dma_start3A_2288, %dma_start3A_2289] : memref<64x8x128xf32, #tpu.memory_space<vmem>> -> memref<1x8x128xf32, #tpu.memory_space<vmem>>
    %dma_start3A_2291 = tpu.memref_squeeze %dma_start3A_2290 : memref<1x8x128xf32, #tpu.memory_space<vmem>> -> memref<8x128xf32, #tpu.memory_space<vmem>>
    %dma_start3A_2292 = tpu.memref_slice %arg2[%multiple_of3A_2281, %multiple_of3A_2274] : memref<1024x100000xf32, #tpu.memory_space<hbm>> -> memref<8x128xf32, #tpu.memory_space<hbm>>
    tpu.enqueue_dma source(%dma_start3A_2292 : memref<8x128xf32, #tpu.memory_space<hbm>>) target(%dma_start3A_2291 : memref<8x128xf32, #tpu.memory_space<vmem>>) target_semaphore(%arg8 : memref<!tpu.dma_semaphore, #tpu.memory_space<semaphore_mem>>)
    %eq3A_2293 = arith.constant 9 : i32
    %eq3A_2294 = vector.broadcast %eq3A_2293 : i32 to vector<16xi32>
    %eq3A_2295 = arith.cmpi eq, %iota3A, %eq3A_2294 : vector<16xi32>
    %jit3A_2296 = arith.constant 0 : i32
    %broadcast_in_dim3A_2297 = vector.broadcast %jit3A_2296 : i32 to vector<16xi32>
    %select_n3A_2298 = arith.select %eq3A_2295, %get3A_7, %broadcast_in_dim3A_2297 : vector<16xi1>, vector<16xi32>
    %reduce_sum3A_2299 = arith.constant true
    %reduce_sum3A_2300 = vector.broadcast %reduce_sum3A_2299 : i1 to vector<16xi1>
    %reduce_sum3A_2301 = tpu.scan <sum>, %select_n3A_2298 masked %reduce_sum3A_2300 : vector<16xi32>, vector<16xi1> -> vector<16xi32>
    %reduce_sum3A_2302 = vector.extract %reduce_sum3A_2301[15] : i32 from vector<16xi32>
    %and3A_2303 = arith.constant -128 : i32
    %and3A_2304 = arith.andi %reduce_sum3A_2302, %and3A_2303 : i32
    %multiple_of3A_2305 = tpu.assume_multiple %and3A_2304, 128 : i32
    %add3A_2306 = arith.constant 48 : i32
    %add3A_2307 = arith.addi %mul3A_0, %add3A_2306 : i32
    %add3A_2308 = arith.constant 9 : i32
    %add3A_2309 = arith.addi %add3A_2307, %add3A_2308 : i32
    %and3A_2310 = arith.constant -8 : i32
    %and3A_2311 = arith.andi %add3A_2309, %and3A_2310 : i32
    %multiple_of3A_2312 = tpu.assume_multiple %and3A_2311, 8 : i32
    %dma_start3A_2313 = arith.constant 57 : i32
    %dma_start3A_2314 = arith.constant 0 : i32
    %dma_start3A_2315 = arith.constant 0 : i32
    %dma_start3A_2316 = tpu.memref_slice %arg6[%dma_start3A_2313, %dma_start3A_2314, %dma_start3A_2315] : memref<64x8x128xf32, #tpu.memory_space<vmem>> -> memref<1x8x128xf32, #tpu.memory_space<vmem>>
    %dma_start3A_2317 = tpu.memref_squeeze %dma_start3A_2316 : memref<1x8x128xf32, #tpu.memory_space<vmem>> -> memref<8x128xf32, #tpu.memory_space<vmem>>
    %dma_start3A_2318 = tpu.memref_slice %arg2[%multiple_of3A_2312, %multiple_of3A_2305] : memref<1024x100000xf32, #tpu.memory_space<hbm>> -> memref<8x128xf32, #tpu.memory_space<hbm>>
    %dma_start3A_2319 = arith.constant 0 : i32
    %dma_start3A_2320 = arith.constant 0 : i32
    %dma_start3A_2321 = tpu.memref_slice %arg6[%dma_start3A_2313, %dma_start3A_2319, %dma_start3A_2320] : memref<64x8x128xf32, #tpu.memory_space<vmem>> -> memref<1x8x128xf32, #tpu.memory_space<vmem>>
    %dma_start3A_2322 = tpu.memref_squeeze %dma_start3A_2321 : memref<1x8x128xf32, #tpu.memory_space<vmem>> -> memref<8x128xf32, #tpu.memory_space<vmem>>
    %dma_start3A_2323 = tpu.memref_slice %arg2[%multiple_of3A_2312, %multiple_of3A_2305] : memref<1024x100000xf32, #tpu.memory_space<hbm>> -> memref<8x128xf32, #tpu.memory_space<hbm>>
    tpu.enqueue_dma source(%dma_start3A_2323 : memref<8x128xf32, #tpu.memory_space<hbm>>) target(%dma_start3A_2322 : memref<8x128xf32, #tpu.memory_space<vmem>>) target_semaphore(%arg8 : memref<!tpu.dma_semaphore, #tpu.memory_space<semaphore_mem>>)
    %eq3A_2324 = arith.constant 10 : i32
    %eq3A_2325 = vector.broadcast %eq3A_2324 : i32 to vector<16xi32>
    %eq3A_2326 = arith.cmpi eq, %iota3A, %eq3A_2325 : vector<16xi32>
    %jit3A_2327 = arith.constant 0 : i32
    %broadcast_in_dim3A_2328 = vector.broadcast %jit3A_2327 : i32 to vector<16xi32>
    %select_n3A_2329 = arith.select %eq3A_2326, %get3A_7, %broadcast_in_dim3A_2328 : vector<16xi1>, vector<16xi32>
    %reduce_sum3A_2330 = arith.constant true
    %reduce_sum3A_2331 = vector.broadcast %reduce_sum3A_2330 : i1 to vector<16xi1>
    %reduce_sum3A_2332 = tpu.scan <sum>, %select_n3A_2329 masked %reduce_sum3A_2331 : vector<16xi32>, vector<16xi1> -> vector<16xi32>
    %reduce_sum3A_2333 = vector.extract %reduce_sum3A_2332[15] : i32 from vector<16xi32>
    %and3A_2334 = arith.constant -128 : i32
    %and3A_2335 = arith.andi %reduce_sum3A_2333, %and3A_2334 : i32
    %multiple_of3A_2336 = tpu.assume_multiple %and3A_2335, 128 : i32
    %add3A_2337 = arith.constant 48 : i32
    %add3A_2338 = arith.addi %mul3A_0, %add3A_2337 : i32
    %add3A_2339 = arith.constant 10 : i32
    %add3A_2340 = arith.addi %add3A_2338, %add3A_2339 : i32
    %and3A_2341 = arith.constant -8 : i32
    %and3A_2342 = arith.andi %add3A_2340, %and3A_2341 : i32
    %multiple_of3A_2343 = tpu.assume_multiple %and3A_2342, 8 : i32
    %dma_start3A_2344 = arith.constant 58 : i32
    %dma_start3A_2345 = arith.constant 0 : i32
    %dma_start3A_2346 = arith.constant 0 : i32
    %dma_start3A_2347 = tpu.memref_slice %arg6[%dma_start3A_2344, %dma_start3A_2345, %dma_start3A_2346] : memref<64x8x128xf32, #tpu.memory_space<vmem>> -> memref<1x8x128xf32, #tpu.memory_space<vmem>>
    %dma_start3A_2348 = tpu.memref_squeeze %dma_start3A_2347 : memref<1x8x128xf32, #tpu.memory_space<vmem>> -> memref<8x128xf32, #tpu.memory_space<vmem>>
    %dma_start3A_2349 = tpu.memref_slice %arg2[%multiple_of3A_2343, %multiple_of3A_2336] : memref<1024x100000xf32, #tpu.memory_space<hbm>> -> memref<8x128xf32, #tpu.memory_space<hbm>>
    %dma_start3A_2350 = arith.constant 0 : i32
    %dma_start3A_2351 = arith.constant 0 : i32
    %dma_start3A_2352 = tpu.memref_slice %arg6[%dma_start3A_2344, %dma_start3A_2350, %dma_start3A_2351] : memref<64x8x128xf32, #tpu.memory_space<vmem>> -> memref<1x8x128xf32, #tpu.memory_space<vmem>>
    %dma_start3A_2353 = tpu.memref_squeeze %dma_start3A_2352 : memref<1x8x128xf32, #tpu.memory_space<vmem>> -> memref<8x128xf32, #tpu.memory_space<vmem>>
    %dma_start3A_2354 = tpu.memref_slice %arg2[%multiple_of3A_2343, %multiple_of3A_2336] : memref<1024x100000xf32, #tpu.memory_space<hbm>> -> memref<8x128xf32, #tpu.memory_space<hbm>>
    tpu.enqueue_dma source(%dma_start3A_2354 : memref<8x128xf32, #tpu.memory_space<hbm>>) target(%dma_start3A_2353 : memref<8x128xf32, #tpu.memory_space<vmem>>) target_semaphore(%arg8 : memref<!tpu.dma_semaphore, #tpu.memory_space<semaphore_mem>>)
    %eq3A_2355 = arith.constant 11 : i32
    %eq3A_2356 = vector.broadcast %eq3A_2355 : i32 to vector<16xi32>
    %eq3A_2357 = arith.cmpi eq, %iota3A, %eq3A_2356 : vector<16xi32>
    %jit3A_2358 = arith.constant 0 : i32
    %broadcast_in_dim3A_2359 = vector.broadcast %jit3A_2358 : i32 to vector<16xi32>
    %select_n3A_2360 = arith.select %eq3A_2357, %get3A_7, %broadcast_in_dim3A_2359 : vector<16xi1>, vector<16xi32>
    %reduce_sum3A_2361 = arith.constant true
    %reduce_sum3A_2362 = vector.broadcast %reduce_sum3A_2361 : i1 to vector<16xi1>
    %reduce_sum3A_2363 = tpu.scan <sum>, %select_n3A_2360 masked %reduce_sum3A_2362 : vector<16xi32>, vector<16xi1> -> vector<16xi32>
    %reduce_sum3A_2364 = vector.extract %reduce_sum3A_2363[15] : i32 from vector<16xi32>
    %and3A_2365 = arith.constant -128 : i32
    %and3A_2366 = arith.andi %reduce_sum3A_2364, %and3A_2365 : i32
    %multiple_of3A_2367 = tpu.assume_multiple %and3A_2366, 128 : i32
    %add3A_2368 = arith.constant 48 : i32
    %add3A_2369 = arith.addi %mul3A_0, %add3A_2368 : i32
    %add3A_2370 = arith.constant 11 : i32
    %add3A_2371 = arith.addi %add3A_2369, %add3A_2370 : i32
    %and3A_2372 = arith.constant -8 : i32
    %and3A_2373 = arith.andi %add3A_2371, %and3A_2372 : i32
    %multiple_of3A_2374 = tpu.assume_multiple %and3A_2373, 8 : i32
    %dma_start3A_2375 = arith.constant 59 : i32
    %dma_start3A_2376 = arith.constant 0 : i32
    %dma_start3A_2377 = arith.constant 0 : i32
    %dma_start3A_2378 = tpu.memref_slice %arg6[%dma_start3A_2375, %dma_start3A_2376, %dma_start3A_2377] : memref<64x8x128xf32, #tpu.memory_space<vmem>> -> memref<1x8x128xf32, #tpu.memory_space<vmem>>
    %dma_start3A_2379 = tpu.memref_squeeze %dma_start3A_2378 : memref<1x8x128xf32, #tpu.memory_space<vmem>> -> memref<8x128xf32, #tpu.memory_space<vmem>>
    %dma_start3A_2380 = tpu.memref_slice %arg2[%multiple_of3A_2374, %multiple_of3A_2367] : memref<1024x100000xf32, #tpu.memory_space<hbm>> -> memref<8x128xf32, #tpu.memory_space<hbm>>
    %dma_start3A_2381 = arith.constant 0 : i32
    %dma_start3A_2382 = arith.constant 0 : i32
    %dma_start3A_2383 = tpu.memref_slice %arg6[%dma_start3A_2375, %dma_start3A_2381, %dma_start3A_2382] : memref<64x8x128xf32, #tpu.memory_space<vmem>> -> memref<1x8x128xf32, #tpu.memory_space<vmem>>
    %dma_start3A_2384 = tpu.memref_squeeze %dma_start3A_2383 : memref<1x8x128xf32, #tpu.memory_space<vmem>> -> memref<8x128xf32, #tpu.memory_space<vmem>>
    %dma_start3A_2385 = tpu.memref_slice %arg2[%multiple_of3A_2374, %multiple_of3A_2367] : memref<1024x100000xf32, #tpu.memory_space<hbm>> -> memref<8x128xf32, #tpu.memory_space<hbm>>
    tpu.enqueue_dma source(%dma_start3A_2385 : memref<8x128xf32, #tpu.memory_space<hbm>>) target(%dma_start3A_2384 : memref<8x128xf32, #tpu.memory_space<vmem>>) target_semaphore(%arg8 : memref<!tpu.dma_semaphore, #tpu.memory_space<semaphore_mem>>)
    %eq3A_2386 = arith.constant 12 : i32
    %eq3A_2387 = vector.broadcast %eq3A_2386 : i32 to vector<16xi32>
    %eq3A_2388 = arith.cmpi eq, %iota3A, %eq3A_2387 : vector<16xi32>
    %jit3A_2389 = arith.constant 0 : i32
    %broadcast_in_dim3A_2390 = vector.broadcast %jit3A_2389 : i32 to vector<16xi32>
    %select_n3A_2391 = arith.select %eq3A_2388, %get3A_7, %broadcast_in_dim3A_2390 : vector<16xi1>, vector<16xi32>
    %reduce_sum3A_2392 = arith.constant true
    %reduce_sum3A_2393 = vector.broadcast %reduce_sum3A_2392 : i1 to vector<16xi1>
    %reduce_sum3A_2394 = tpu.scan <sum>, %select_n3A_2391 masked %reduce_sum3A_2393 : vector<16xi32>, vector<16xi1> -> vector<16xi32>
    %reduce_sum3A_2395 = vector.extract %reduce_sum3A_2394[15] : i32 from vector<16xi32>
    %and3A_2396 = arith.constant -128 : i32
    %and3A_2397 = arith.andi %reduce_sum3A_2395, %and3A_2396 : i32
    %multiple_of3A_2398 = tpu.assume_multiple %and3A_2397, 128 : i32
    %add3A_2399 = arith.constant 48 : i32
    %add3A_2400 = arith.addi %mul3A_0, %add3A_2399 : i32
    %add3A_2401 = arith.constant 12 : i32
    %add3A_2402 = arith.addi %add3A_2400, %add3A_2401 : i32
    %and3A_2403 = arith.constant -8 : i32
    %and3A_2404 = arith.andi %add3A_2402, %and3A_2403 : i32
    %multiple_of3A_2405 = tpu.assume_multiple %and3A_2404, 8 : i32
    %dma_start3A_2406 = arith.constant 60 : i32
    %dma_start3A_2407 = arith.constant 0 : i32
    %dma_start3A_2408 = arith.constant 0 : i32
    %dma_start3A_2409 = tpu.memref_slice %arg6[%dma_start3A_2406, %dma_start3A_2407, %dma_start3A_2408] : memref<64x8x128xf32, #tpu.memory_space<vmem>> -> memref<1x8x128xf32, #tpu.memory_space<vmem>>
    %dma_start3A_2410 = tpu.memref_squeeze %dma_start3A_2409 : memref<1x8x128xf32, #tpu.memory_space<vmem>> -> memref<8x128xf32, #tpu.memory_space<vmem>>
    %dma_start3A_2411 = tpu.memref_slice %arg2[%multiple_of3A_2405, %multiple_of3A_2398] : memref<1024x100000xf32, #tpu.memory_space<hbm>> -> memref<8x128xf32, #tpu.memory_space<hbm>>
    %dma_start3A_2412 = arith.constant 0 : i32
    %dma_start3A_2413 = arith.constant 0 : i32
    %dma_start3A_2414 = tpu.memref_slice %arg6[%dma_start3A_2406, %dma_start3A_2412, %dma_start3A_2413] : memref<64x8x128xf32, #tpu.memory_space<vmem>> -> memref<1x8x128xf32, #tpu.memory_space<vmem>>
    %dma_start3A_2415 = tpu.memref_squeeze %dma_start3A_2414 : memref<1x8x128xf32, #tpu.memory_space<vmem>> -> memref<8x128xf32, #tpu.memory_space<vmem>>
    %dma_start3A_2416 = tpu.memref_slice %arg2[%multiple_of3A_2405, %multiple_of3A_2398] : memref<1024x100000xf32, #tpu.memory_space<hbm>> -> memref<8x128xf32, #tpu.memory_space<hbm>>
    tpu.enqueue_dma source(%dma_start3A_2416 : memref<8x128xf32, #tpu.memory_space<hbm>>) target(%dma_start3A_2415 : memref<8x128xf32, #tpu.memory_space<vmem>>) target_semaphore(%arg8 : memref<!tpu.dma_semaphore, #tpu.memory_space<semaphore_mem>>)
    %eq3A_2417 = arith.constant 13 : i32
    %eq3A_2418 = vector.broadcast %eq3A_2417 : i32 to vector<16xi32>
    %eq3A_2419 = arith.cmpi eq, %iota3A, %eq3A_2418 : vector<16xi32>
    %jit3A_2420 = arith.constant 0 : i32
    %broadcast_in_dim3A_2421 = vector.broadcast %jit3A_2420 : i32 to vector<16xi32>
    %select_n3A_2422 = arith.select %eq3A_2419, %get3A_7, %broadcast_in_dim3A_2421 : vector<16xi1>, vector<16xi32>
    %reduce_sum3A_2423 = arith.constant true
    %reduce_sum3A_2424 = vector.broadcast %reduce_sum3A_2423 : i1 to vector<16xi1>
    %reduce_sum3A_2425 = tpu.scan <sum>, %select_n3A_2422 masked %reduce_sum3A_2424 : vector<16xi32>, vector<16xi1> -> vector<16xi32>
    %reduce_sum3A_2426 = vector.extract %reduce_sum3A_2425[15] : i32 from vector<16xi32>
    %and3A_2427 = arith.constant -128 : i32
    %and3A_2428 = arith.andi %reduce_sum3A_2426, %and3A_2427 : i32
    %multiple_of3A_2429 = tpu.assume_multiple %and3A_2428, 128 : i32
    %add3A_2430 = arith.constant 48 : i32
    %add3A_2431 = arith.addi %mul3A_0, %add3A_2430 : i32
    %add3A_2432 = arith.constant 13 : i32
    %add3A_2433 = arith.addi %add3A_2431, %add3A_2432 : i32
    %and3A_2434 = arith.constant -8 : i32
    %and3A_2435 = arith.andi %add3A_2433, %and3A_2434 : i32
    %multiple_of3A_2436 = tpu.assume_multiple %and3A_2435, 8 : i32
    %dma_start3A_2437 = arith.constant 61 : i32
    %dma_start3A_2438 = arith.constant 0 : i32
    %dma_start3A_2439 = arith.constant 0 : i32
    %dma_start3A_2440 = tpu.memref_slice %arg6[%dma_start3A_2437, %dma_start3A_2438, %dma_start3A_2439] : memref<64x8x128xf32, #tpu.memory_space<vmem>> -> memref<1x8x128xf32, #tpu.memory_space<vmem>>
    %dma_start3A_2441 = tpu.memref_squeeze %dma_start3A_2440 : memref<1x8x128xf32, #tpu.memory_space<vmem>> -> memref<8x128xf32, #tpu.memory_space<vmem>>
    %dma_start3A_2442 = tpu.memref_slice %arg2[%multiple_of3A_2436, %multiple_of3A_2429] : memref<1024x100000xf32, #tpu.memory_space<hbm>> -> memref<8x128xf32, #tpu.memory_space<hbm>>
    %dma_start3A_2443 = arith.constant 0 : i32
    %dma_start3A_2444 = arith.constant 0 : i32
    %dma_start3A_2445 = tpu.memref_slice %arg6[%dma_start3A_2437, %dma_start3A_2443, %dma_start3A_2444] : memref<64x8x128xf32, #tpu.memory_space<vmem>> -> memref<1x8x128xf32, #tpu.memory_space<vmem>>
    %dma_start3A_2446 = tpu.memref_squeeze %dma_start3A_2445 : memref<1x8x128xf32, #tpu.memory_space<vmem>> -> memref<8x128xf32, #tpu.memory_space<vmem>>
    %dma_start3A_2447 = tpu.memref_slice %arg2[%multiple_of3A_2436, %multiple_of3A_2429] : memref<1024x100000xf32, #tpu.memory_space<hbm>> -> memref<8x128xf32, #tpu.memory_space<hbm>>
    tpu.enqueue_dma source(%dma_start3A_2447 : memref<8x128xf32, #tpu.memory_space<hbm>>) target(%dma_start3A_2446 : memref<8x128xf32, #tpu.memory_space<vmem>>) target_semaphore(%arg8 : memref<!tpu.dma_semaphore, #tpu.memory_space<semaphore_mem>>)
    %eq3A_2448 = arith.constant 14 : i32
    %eq3A_2449 = vector.broadcast %eq3A_2448 : i32 to vector<16xi32>
    %eq3A_2450 = arith.cmpi eq, %iota3A, %eq3A_2449 : vector<16xi32>
    %jit3A_2451 = arith.constant 0 : i32
    %broadcast_in_dim3A_2452 = vector.broadcast %jit3A_2451 : i32 to vector<16xi32>
    %select_n3A_2453 = arith.select %eq3A_2450, %get3A_7, %broadcast_in_dim3A_2452 : vector<16xi1>, vector<16xi32>
    %reduce_sum3A_2454 = arith.constant true
    %reduce_sum3A_2455 = vector.broadcast %reduce_sum3A_2454 : i1 to vector<16xi1>
    %reduce_sum3A_2456 = tpu.scan <sum>, %select_n3A_2453 masked %reduce_sum3A_2455 : vector<16xi32>, vector<16xi1> -> vector<16xi32>
    %reduce_sum3A_2457 = vector.extract %reduce_sum3A_2456[15] : i32 from vector<16xi32>
    %and3A_2458 = arith.constant -128 : i32
    %and3A_2459 = arith.andi %reduce_sum3A_2457, %and3A_2458 : i32
    %multiple_of3A_2460 = tpu.assume_multiple %and3A_2459, 128 : i32
    %add3A_2461 = arith.constant 48 : i32
    %add3A_2462 = arith.addi %mul3A_0, %add3A_2461 : i32
    %add3A_2463 = arith.constant 14 : i32
    %add3A_2464 = arith.addi %add3A_2462, %add3A_2463 : i32
    %and3A_2465 = arith.constant -8 : i32
    %and3A_2466 = arith.andi %add3A_2464, %and3A_2465 : i32
    %multiple_of3A_2467 = tpu.assume_multiple %and3A_2466, 8 : i32
    %dma_start3A_2468 = arith.constant 62 : i32
    %dma_start3A_2469 = arith.constant 0 : i32
    %dma_start3A_2470 = arith.constant 0 : i32
    %dma_start3A_2471 = tpu.memref_slice %arg6[%dma_start3A_2468, %dma_start3A_2469, %dma_start3A_2470] : memref<64x8x128xf32, #tpu.memory_space<vmem>> -> memref<1x8x128xf32, #tpu.memory_space<vmem>>
    %dma_start3A_2472 = tpu.memref_squeeze %dma_start3A_2471 : memref<1x8x128xf32, #tpu.memory_space<vmem>> -> memref<8x128xf32, #tpu.memory_space<vmem>>
    %dma_start3A_2473 = tpu.memref_slice %arg2[%multiple_of3A_2467, %multiple_of3A_2460] : memref<1024x100000xf32, #tpu.memory_space<hbm>> -> memref<8x128xf32, #tpu.memory_space<hbm>>
    %dma_start3A_2474 = arith.constant 0 : i32
    %dma_start3A_2475 = arith.constant 0 : i32
    %dma_start3A_2476 = tpu.memref_slice %arg6[%dma_start3A_2468, %dma_start3A_2474, %dma_start3A_2475] : memref<64x8x128xf32, #tpu.memory_space<vmem>> -> memref<1x8x128xf32, #tpu.memory_space<vmem>>
    %dma_start3A_2477 = tpu.memref_squeeze %dma_start3A_2476 : memref<1x8x128xf32, #tpu.memory_space<vmem>> -> memref<8x128xf32, #tpu.memory_space<vmem>>
    %dma_start3A_2478 = tpu.memref_slice %arg2[%multiple_of3A_2467, %multiple_of3A_2460] : memref<1024x100000xf32, #tpu.memory_space<hbm>> -> memref<8x128xf32, #tpu.memory_space<hbm>>
    tpu.enqueue_dma source(%dma_start3A_2478 : memref<8x128xf32, #tpu.memory_space<hbm>>) target(%dma_start3A_2477 : memref<8x128xf32, #tpu.memory_space<vmem>>) target_semaphore(%arg8 : memref<!tpu.dma_semaphore, #tpu.memory_space<semaphore_mem>>)
    %eq3A_2479 = arith.constant 15 : i32
    %eq3A_2480 = vector.broadcast %eq3A_2479 : i32 to vector<16xi32>
    %eq3A_2481 = arith.cmpi eq, %iota3A, %eq3A_2480 : vector<16xi32>
    %jit3A_2482 = arith.constant 0 : i32
    %broadcast_in_dim3A_2483 = vector.broadcast %jit3A_2482 : i32 to vector<16xi32>
    %select_n3A_2484 = arith.select %eq3A_2481, %get3A_7, %broadcast_in_dim3A_2483 : vector<16xi1>, vector<16xi32>
    %reduce_sum3A_2485 = arith.constant true
    %reduce_sum3A_2486 = vector.broadcast %reduce_sum3A_2485 : i1 to vector<16xi1>
    %reduce_sum3A_2487 = tpu.scan <sum>, %select_n3A_2484 masked %reduce_sum3A_2486 : vector<16xi32>, vector<16xi1> -> vector<16xi32>
    %reduce_sum3A_2488 = vector.extract %reduce_sum3A_2487[15] : i32 from vector<16xi32>
    %and3A_2489 = arith.constant -128 : i32
    %and3A_2490 = arith.andi %reduce_sum3A_2488, %and3A_2489 : i32
    %multiple_of3A_2491 = tpu.assume_multiple %and3A_2490, 128 : i32
    %add3A_2492 = arith.constant 48 : i32
    %add3A_2493 = arith.addi %mul3A_0, %add3A_2492 : i32
    %add3A_2494 = arith.constant 15 : i32
    %add3A_2495 = arith.addi %add3A_2493, %add3A_2494 : i32
    %and3A_2496 = arith.constant -8 : i32
    %and3A_2497 = arith.andi %add3A_2495, %and3A_2496 : i32
    %multiple_of3A_2498 = tpu.assume_multiple %and3A_2497, 8 : i32
    %dma_start3A_2499 = arith.constant 63 : i32
    %dma_start3A_2500 = arith.constant 0 : i32
    %dma_start3A_2501 = arith.constant 0 : i32
    %dma_start3A_2502 = tpu.memref_slice %arg6[%dma_start3A_2499, %dma_start3A_2500, %dma_start3A_2501] : memref<64x8x128xf32, #tpu.memory_space<vmem>> -> memref<1x8x128xf32, #tpu.memory_space<vmem>>
    %dma_start3A_2503 = tpu.memref_squeeze %dma_start3A_2502 : memref<1x8x128xf32, #tpu.memory_space<vmem>> -> memref<8x128xf32, #tpu.memory_space<vmem>>
    %dma_start3A_2504 = tpu.memref_slice %arg2[%multiple_of3A_2498, %multiple_of3A_2491] : memref<1024x100000xf32, #tpu.memory_space<hbm>> -> memref<8x128xf32, #tpu.memory_space<hbm>>
    %dma_start3A_2505 = arith.constant 0 : i32
    %dma_start3A_2506 = arith.constant 0 : i32
    %dma_start3A_2507 = tpu.memref_slice %arg6[%dma_start3A_2499, %dma_start3A_2505, %dma_start3A_2506] : memref<64x8x128xf32, #tpu.memory_space<vmem>> -> memref<1x8x128xf32, #tpu.memory_space<vmem>>
    %dma_start3A_2508 = tpu.memref_squeeze %dma_start3A_2507 : memref<1x8x128xf32, #tpu.memory_space<vmem>> -> memref<8x128xf32, #tpu.memory_space<vmem>>
    %dma_start3A_2509 = tpu.memref_slice %arg2[%multiple_of3A_2498, %multiple_of3A_2491] : memref<1024x100000xf32, #tpu.memory_space<hbm>> -> memref<8x128xf32, #tpu.memory_space<hbm>>
    tpu.enqueue_dma source(%dma_start3A_2509 : memref<8x128xf32, #tpu.memory_space<hbm>>) target(%dma_start3A_2508 : memref<8x128xf32, #tpu.memory_space<vmem>>) target_semaphore(%arg8 : memref<!tpu.dma_semaphore, #tpu.memory_space<semaphore_mem>>)
    %dma_wait3A_2510 = arith.constant 48 : i32
    %dma_wait3A_2511 = arith.constant 0 : i32
    %dma_wait3A_2512 = arith.constant 0 : i32
    %dma_wait3A_2513 = tpu.memref_slice %arg6[%dma_wait3A_2510, %dma_wait3A_2511, %dma_wait3A_2512] : memref<64x8x128xf32, #tpu.memory_space<vmem>> -> memref<1x8x128xf32, #tpu.memory_space<vmem>>
    %dma_wait3A_2514 = tpu.memref_squeeze %dma_wait3A_2513 : memref<1x8x128xf32, #tpu.memory_space<vmem>> -> memref<8x128xf32, #tpu.memory_space<vmem>>
    %dma_wait3A_2515 = tpu.memref_slice %arg2[%multiple_of3A_2033, %multiple_of3A_2026] : memref<1024x100000xf32, #tpu.memory_space<hbm>> -> memref<8x128xf32, #tpu.memory_space<hbm>>
    %dma_wait3A_2516 = arith.constant 0 : i32
    %dma_wait3A_2517 = arith.constant 0 : i32
    %dma_wait3A_2518 = tpu.memref_slice %arg6[%dma_wait3A_2510, %dma_wait3A_2516, %dma_wait3A_2517] : memref<64x8x128xf32, #tpu.memory_space<vmem>> -> memref<1x8x128xf32, #tpu.memory_space<vmem>>
    %dma_wait3A_2519 = tpu.memref_squeeze %dma_wait3A_2518 : memref<1x8x128xf32, #tpu.memory_space<vmem>> -> memref<8x128xf32, #tpu.memory_space<vmem>>
    %dma_wait3A_2520 = tpu.memref_slice %arg2[%multiple_of3A_2033, %multiple_of3A_2026] : memref<1024x100000xf32, #tpu.memory_space<hbm>> -> memref<8x128xf32, #tpu.memory_space<hbm>>
    tpu.wait_dma2 semaphore(%arg8 : memref<!tpu.dma_semaphore, #tpu.memory_space<semaphore_mem>>) src(%dma_wait3A_2520 : memref<8x128xf32, #tpu.memory_space<hbm>>) dst(%dma_wait3A_2519 : memref<8x128xf32, #tpu.memory_space<vmem>>)
    %dma_wait3A_2521 = arith.constant 49 : i32
    %dma_wait3A_2522 = arith.constant 0 : i32
    %dma_wait3A_2523 = arith.constant 0 : i32
    %dma_wait3A_2524 = tpu.memref_slice %arg6[%dma_wait3A_2521, %dma_wait3A_2522, %dma_wait3A_2523] : memref<64x8x128xf32, #tpu.memory_space<vmem>> -> memref<1x8x128xf32, #tpu.memory_space<vmem>>
    %dma_wait3A_2525 = tpu.memref_squeeze %dma_wait3A_2524 : memref<1x8x128xf32, #tpu.memory_space<vmem>> -> memref<8x128xf32, #tpu.memory_space<vmem>>
    %dma_wait3A_2526 = tpu.memref_slice %arg2[%multiple_of3A_2064, %multiple_of3A_2057] : memref<1024x100000xf32, #tpu.memory_space<hbm>> -> memref<8x128xf32, #tpu.memory_space<hbm>>
    %dma_wait3A_2527 = arith.constant 0 : i32
    %dma_wait3A_2528 = arith.constant 0 : i32
    %dma_wait3A_2529 = tpu.memref_slice %arg6[%dma_wait3A_2521, %dma_wait3A_2527, %dma_wait3A_2528] : memref<64x8x128xf32, #tpu.memory_space<vmem>> -> memref<1x8x128xf32, #tpu.memory_space<vmem>>
    %dma_wait3A_2530 = tpu.memref_squeeze %dma_wait3A_2529 : memref<1x8x128xf32, #tpu.memory_space<vmem>> -> memref<8x128xf32, #tpu.memory_space<vmem>>
    %dma_wait3A_2531 = tpu.memref_slice %arg2[%multiple_of3A_2064, %multiple_of3A_2057] : memref<1024x100000xf32, #tpu.memory_space<hbm>> -> memref<8x128xf32, #tpu.memory_space<hbm>>
    tpu.wait_dma2 semaphore(%arg8 : memref<!tpu.dma_semaphore, #tpu.memory_space<semaphore_mem>>) src(%dma_wait3A_2531 : memref<8x128xf32, #tpu.memory_space<hbm>>) dst(%dma_wait3A_2530 : memref<8x128xf32, #tpu.memory_space<vmem>>)
    %dma_wait3A_2532 = arith.constant 50 : i32
    %dma_wait3A_2533 = arith.constant 0 : i32
    %dma_wait3A_2534 = arith.constant 0 : i32
    %dma_wait3A_2535 = tpu.memref_slice %arg6[%dma_wait3A_2532, %dma_wait3A_2533, %dma_wait3A_2534] : memref<64x8x128xf32, #tpu.memory_space<vmem>> -> memref<1x8x128xf32, #tpu.memory_space<vmem>>
    %dma_wait3A_2536 = tpu.memref_squeeze %dma_wait3A_2535 : memref<1x8x128xf32, #tpu.memory_space<vmem>> -> memref<8x128xf32, #tpu.memory_space<vmem>>
    %dma_wait3A_2537 = tpu.memref_slice %arg2[%multiple_of3A_2095, %multiple_of3A_2088] : memref<1024x100000xf32, #tpu.memory_space<hbm>> -> memref<8x128xf32, #tpu.memory_space<hbm>>
    %dma_wait3A_2538 = arith.constant 0 : i32
    %dma_wait3A_2539 = arith.constant 0 : i32
    %dma_wait3A_2540 = tpu.memref_slice %arg6[%dma_wait3A_2532, %dma_wait3A_2538, %dma_wait3A_2539] : memref<64x8x128xf32, #tpu.memory_space<vmem>> -> memref<1x8x128xf32, #tpu.memory_space<vmem>>
    %dma_wait3A_2541 = tpu.memref_squeeze %dma_wait3A_2540 : memref<1x8x128xf32, #tpu.memory_space<vmem>> -> memref<8x128xf32, #tpu.memory_space<vmem>>
    %dma_wait3A_2542 = tpu.memref_slice %arg2[%multiple_of3A_2095, %multiple_of3A_2088] : memref<1024x100000xf32, #tpu.memory_space<hbm>> -> memref<8x128xf32, #tpu.memory_space<hbm>>
    tpu.wait_dma2 semaphore(%arg8 : memref<!tpu.dma_semaphore, #tpu.memory_space<semaphore_mem>>) src(%dma_wait3A_2542 : memref<8x128xf32, #tpu.memory_space<hbm>>) dst(%dma_wait3A_2541 : memref<8x128xf32, #tpu.memory_space<vmem>>)
    %dma_wait3A_2543 = arith.constant 51 : i32
    %dma_wait3A_2544 = arith.constant 0 : i32
    %dma_wait3A_2545 = arith.constant 0 : i32
    %dma_wait3A_2546 = tpu.memref_slice %arg6[%dma_wait3A_2543, %dma_wait3A_2544, %dma_wait3A_2545] : memref<64x8x128xf32, #tpu.memory_space<vmem>> -> memref<1x8x128xf32, #tpu.memory_space<vmem>>
    %dma_wait3A_2547 = tpu.memref_squeeze %dma_wait3A_2546 : memref<1x8x128xf32, #tpu.memory_space<vmem>> -> memref<8x128xf32, #tpu.memory_space<vmem>>
    %dma_wait3A_2548 = tpu.memref_slice %arg2[%multiple_of3A_2126, %multiple_of3A_2119] : memref<1024x100000xf32, #tpu.memory_space<hbm>> -> memref<8x128xf32, #tpu.memory_space<hbm>>
    %dma_wait3A_2549 = arith.constant 0 : i32
    %dma_wait3A_2550 = arith.constant 0 : i32
    %dma_wait3A_2551 = tpu.memref_slice %arg6[%dma_wait3A_2543, %dma_wait3A_2549, %dma_wait3A_2550] : memref<64x8x128xf32, #tpu.memory_space<vmem>> -> memref<1x8x128xf32, #tpu.memory_space<vmem>>
    %dma_wait3A_2552 = tpu.memref_squeeze %dma_wait3A_2551 : memref<1x8x128xf32, #tpu.memory_space<vmem>> -> memref<8x128xf32, #tpu.memory_space<vmem>>
    %dma_wait3A_2553 = tpu.memref_slice %arg2[%multiple_of3A_2126, %multiple_of3A_2119] : memref<1024x100000xf32, #tpu.memory_space<hbm>> -> memref<8x128xf32, #tpu.memory_space<hbm>>
    tpu.wait_dma2 semaphore(%arg8 : memref<!tpu.dma_semaphore, #tpu.memory_space<semaphore_mem>>) src(%dma_wait3A_2553 : memref<8x128xf32, #tpu.memory_space<hbm>>) dst(%dma_wait3A_2552 : memref<8x128xf32, #tpu.memory_space<vmem>>)
    %dma_wait3A_2554 = arith.constant 52 : i32
    %dma_wait3A_2555 = arith.constant 0 : i32
    %dma_wait3A_2556 = arith.constant 0 : i32
    %dma_wait3A_2557 = tpu.memref_slice %arg6[%dma_wait3A_2554, %dma_wait3A_2555, %dma_wait3A_2556] : memref<64x8x128xf32, #tpu.memory_space<vmem>> -> memref<1x8x128xf32, #tpu.memory_space<vmem>>
    %dma_wait3A_2558 = tpu.memref_squeeze %dma_wait3A_2557 : memref<1x8x128xf32, #tpu.memory_space<vmem>> -> memref<8x128xf32, #tpu.memory_space<vmem>>
    %dma_wait3A_2559 = tpu.memref_slice %arg2[%multiple_of3A_2157, %multiple_of3A_2150] : memref<1024x100000xf32, #tpu.memory_space<hbm>> -> memref<8x128xf32, #tpu.memory_space<hbm>>
    %dma_wait3A_2560 = arith.constant 0 : i32
    %dma_wait3A_2561 = arith.constant 0 : i32
    %dma_wait3A_2562 = tpu.memref_slice %arg6[%dma_wait3A_2554, %dma_wait3A_2560, %dma_wait3A_2561] : memref<64x8x128xf32, #tpu.memory_space<vmem>> -> memref<1x8x128xf32, #tpu.memory_space<vmem>>
    %dma_wait3A_2563 = tpu.memref_squeeze %dma_wait3A_2562 : memref<1x8x128xf32, #tpu.memory_space<vmem>> -> memref<8x128xf32, #tpu.memory_space<vmem>>
    %dma_wait3A_2564 = tpu.memref_slice %arg2[%multiple_of3A_2157, %multiple_of3A_2150] : memref<1024x100000xf32, #tpu.memory_space<hbm>> -> memref<8x128xf32, #tpu.memory_space<hbm>>
    tpu.wait_dma2 semaphore(%arg8 : memref<!tpu.dma_semaphore, #tpu.memory_space<semaphore_mem>>) src(%dma_wait3A_2564 : memref<8x128xf32, #tpu.memory_space<hbm>>) dst(%dma_wait3A_2563 : memref<8x128xf32, #tpu.memory_space<vmem>>)
    %dma_wait3A_2565 = arith.constant 53 : i32
    %dma_wait3A_2566 = arith.constant 0 : i32
    %dma_wait3A_2567 = arith.constant 0 : i32
    %dma_wait3A_2568 = tpu.memref_slice %arg6[%dma_wait3A_2565, %dma_wait3A_2566, %dma_wait3A_2567] : memref<64x8x128xf32, #tpu.memory_space<vmem>> -> memref<1x8x128xf32, #tpu.memory_space<vmem>>
    %dma_wait3A_2569 = tpu.memref_squeeze %dma_wait3A_2568 : memref<1x8x128xf32, #tpu.memory_space<vmem>> -> memref<8x128xf32, #tpu.memory_space<vmem>>
    %dma_wait3A_2570 = tpu.memref_slice %arg2[%multiple_of3A_2188, %multiple_of3A_2181] : memref<1024x100000xf32, #tpu.memory_space<hbm>> -> memref<8x128xf32, #tpu.memory_space<hbm>>
    %dma_wait3A_2571 = arith.constant 0 : i32
    %dma_wait3A_2572 = arith.constant 0 : i32
    %dma_wait3A_2573 = tpu.memref_slice %arg6[%dma_wait3A_2565, %dma_wait3A_2571, %dma_wait3A_2572] : memref<64x8x128xf32, #tpu.memory_space<vmem>> -> memref<1x8x128xf32, #tpu.memory_space<vmem>>
    %dma_wait3A_2574 = tpu.memref_squeeze %dma_wait3A_2573 : memref<1x8x128xf32, #tpu.memory_space<vmem>> -> memref<8x128xf32, #tpu.memory_space<vmem>>
    %dma_wait3A_2575 = tpu.memref_slice %arg2[%multiple_of3A_2188, %multiple_of3A_2181] : memref<1024x100000xf32, #tpu.memory_space<hbm>> -> memref<8x128xf32, #tpu.memory_space<hbm>>
    tpu.wait_dma2 semaphore(%arg8 : memref<!tpu.dma_semaphore, #tpu.memory_space<semaphore_mem>>) src(%dma_wait3A_2575 : memref<8x128xf32, #tpu.memory_space<hbm>>) dst(%dma_wait3A_2574 : memref<8x128xf32, #tpu.memory_space<vmem>>)
    %dma_wait3A_2576 = arith.constant 54 : i32
    %dma_wait3A_2577 = arith.constant 0 : i32
    %dma_wait3A_2578 = arith.constant 0 : i32
    %dma_wait3A_2579 = tpu.memref_slice %arg6[%dma_wait3A_2576, %dma_wait3A_2577, %dma_wait3A_2578] : memref<64x8x128xf32, #tpu.memory_space<vmem>> -> memref<1x8x128xf32, #tpu.memory_space<vmem>>
    %dma_wait3A_2580 = tpu.memref_squeeze %dma_wait3A_2579 : memref<1x8x128xf32, #tpu.memory_space<vmem>> -> memref<8x128xf32, #tpu.memory_space<vmem>>
    %dma_wait3A_2581 = tpu.memref_slice %arg2[%multiple_of3A_2219, %multiple_of3A_2212] : memref<1024x100000xf32, #tpu.memory_space<hbm>> -> memref<8x128xf32, #tpu.memory_space<hbm>>
    %dma_wait3A_2582 = arith.constant 0 : i32
    %dma_wait3A_2583 = arith.constant 0 : i32
    %dma_wait3A_2584 = tpu.memref_slice %arg6[%dma_wait3A_2576, %dma_wait3A_2582, %dma_wait3A_2583] : memref<64x8x128xf32, #tpu.memory_space<vmem>> -> memref<1x8x128xf32, #tpu.memory_space<vmem>>
    %dma_wait3A_2585 = tpu.memref_squeeze %dma_wait3A_2584 : memref<1x8x128xf32, #tpu.memory_space<vmem>> -> memref<8x128xf32, #tpu.memory_space<vmem>>
    %dma_wait3A_2586 = tpu.memref_slice %arg2[%multiple_of3A_2219, %multiple_of3A_2212] : memref<1024x100000xf32, #tpu.memory_space<hbm>> -> memref<8x128xf32, #tpu.memory_space<hbm>>
    tpu.wait_dma2 semaphore(%arg8 : memref<!tpu.dma_semaphore, #tpu.memory_space<semaphore_mem>>) src(%dma_wait3A_2586 : memref<8x128xf32, #tpu.memory_space<hbm>>) dst(%dma_wait3A_2585 : memref<8x128xf32, #tpu.memory_space<vmem>>)
    %dma_wait3A_2587 = arith.constant 55 : i32
    %dma_wait3A_2588 = arith.constant 0 : i32
    %dma_wait3A_2589 = arith.constant 0 : i32
    %dma_wait3A_2590 = tpu.memref_slice %arg6[%dma_wait3A_2587, %dma_wait3A_2588, %dma_wait3A_2589] : memref<64x8x128xf32, #tpu.memory_space<vmem>> -> memref<1x8x128xf32, #tpu.memory_space<vmem>>
    %dma_wait3A_2591 = tpu.memref_squeeze %dma_wait3A_2590 : memref<1x8x128xf32, #tpu.memory_space<vmem>> -> memref<8x128xf32, #tpu.memory_space<vmem>>
    %dma_wait3A_2592 = tpu.memref_slice %arg2[%multiple_of3A_2250, %multiple_of3A_2243] : memref<1024x100000xf32, #tpu.memory_space<hbm>> -> memref<8x128xf32, #tpu.memory_space<hbm>>
    %dma_wait3A_2593 = arith.constant 0 : i32
    %dma_wait3A_2594 = arith.constant 0 : i32
    %dma_wait3A_2595 = tpu.memref_slice %arg6[%dma_wait3A_2587, %dma_wait3A_2593, %dma_wait3A_2594] : memref<64x8x128xf32, #tpu.memory_space<vmem>> -> memref<1x8x128xf32, #tpu.memory_space<vmem>>
    %dma_wait3A_2596 = tpu.memref_squeeze %dma_wait3A_2595 : memref<1x8x128xf32, #tpu.memory_space<vmem>> -> memref<8x128xf32, #tpu.memory_space<vmem>>
    %dma_wait3A_2597 = tpu.memref_slice %arg2[%multiple_of3A_2250, %multiple_of3A_2243] : memref<1024x100000xf32, #tpu.memory_space<hbm>> -> memref<8x128xf32, #tpu.memory_space<hbm>>
    tpu.wait_dma2 semaphore(%arg8 : memref<!tpu.dma_semaphore, #tpu.memory_space<semaphore_mem>>) src(%dma_wait3A_2597 : memref<8x128xf32, #tpu.memory_space<hbm>>) dst(%dma_wait3A_2596 : memref<8x128xf32, #tpu.memory_space<vmem>>)
    %dma_wait3A_2598 = arith.constant 56 : i32
    %dma_wait3A_2599 = arith.constant 0 : i32
    %dma_wait3A_2600 = arith.constant 0 : i32
    %dma_wait3A_2601 = tpu.memref_slice %arg6[%dma_wait3A_2598, %dma_wait3A_2599, %dma_wait3A_2600] : memref<64x8x128xf32, #tpu.memory_space<vmem>> -> memref<1x8x128xf32, #tpu.memory_space<vmem>>
    %dma_wait3A_2602 = tpu.memref_squeeze %dma_wait3A_2601 : memref<1x8x128xf32, #tpu.memory_space<vmem>> -> memref<8x128xf32, #tpu.memory_space<vmem>>
    %dma_wait3A_2603 = tpu.memref_slice %arg2[%multiple_of3A_2281, %multiple_of3A_2274] : memref<1024x100000xf32, #tpu.memory_space<hbm>> -> memref<8x128xf32, #tpu.memory_space<hbm>>
    %dma_wait3A_2604 = arith.constant 0 : i32
    %dma_wait3A_2605 = arith.constant 0 : i32
    %dma_wait3A_2606 = tpu.memref_slice %arg6[%dma_wait3A_2598, %dma_wait3A_2604, %dma_wait3A_2605] : memref<64x8x128xf32, #tpu.memory_space<vmem>> -> memref<1x8x128xf32, #tpu.memory_space<vmem>>
    %dma_wait3A_2607 = tpu.memref_squeeze %dma_wait3A_2606 : memref<1x8x128xf32, #tpu.memory_space<vmem>> -> memref<8x128xf32, #tpu.memory_space<vmem>>
    %dma_wait3A_2608 = tpu.memref_slice %arg2[%multiple_of3A_2281, %multiple_of3A_2274] : memref<1024x100000xf32, #tpu.memory_space<hbm>> -> memref<8x128xf32, #tpu.memory_space<hbm>>
    tpu.wait_dma2 semaphore(%arg8 : memref<!tpu.dma_semaphore, #tpu.memory_space<semaphore_mem>>) src(%dma_wait3A_2608 : memref<8x128xf32, #tpu.memory_space<hbm>>) dst(%dma_wait3A_2607 : memref<8x128xf32, #tpu.memory_space<vmem>>)
    %dma_wait3A_2609 = arith.constant 57 : i32
    %dma_wait3A_2610 = arith.constant 0 : i32
    %dma_wait3A_2611 = arith.constant 0 : i32
    %dma_wait3A_2612 = tpu.memref_slice %arg6[%dma_wait3A_2609, %dma_wait3A_2610, %dma_wait3A_2611] : memref<64x8x128xf32, #tpu.memory_space<vmem>> -> memref<1x8x128xf32, #tpu.memory_space<vmem>>
    %dma_wait3A_2613 = tpu.memref_squeeze %dma_wait3A_2612 : memref<1x8x128xf32, #tpu.memory_space<vmem>> -> memref<8x128xf32, #tpu.memory_space<vmem>>
    %dma_wait3A_2614 = tpu.memref_slice %arg2[%multiple_of3A_2312, %multiple_of3A_2305] : memref<1024x100000xf32, #tpu.memory_space<hbm>> -> memref<8x128xf32, #tpu.memory_space<hbm>>
    %dma_wait3A_2615 = arith.constant 0 : i32
    %dma_wait3A_2616 = arith.constant 0 : i32
    %dma_wait3A_2617 = tpu.memref_slice %arg6[%dma_wait3A_2609, %dma_wait3A_2615, %dma_wait3A_2616] : memref<64x8x128xf32, #tpu.memory_space<vmem>> -> memref<1x8x128xf32, #tpu.memory_space<vmem>>
    %dma_wait3A_2618 = tpu.memref_squeeze %dma_wait3A_2617 : memref<1x8x128xf32, #tpu.memory_space<vmem>> -> memref<8x128xf32, #tpu.memory_space<vmem>>
    %dma_wait3A_2619 = tpu.memref_slice %arg2[%multiple_of3A_2312, %multiple_of3A_2305] : memref<1024x100000xf32, #tpu.memory_space<hbm>> -> memref<8x128xf32, #tpu.memory_space<hbm>>
    tpu.wait_dma2 semaphore(%arg8 : memref<!tpu.dma_semaphore, #tpu.memory_space<semaphore_mem>>) src(%dma_wait3A_2619 : memref<8x128xf32, #tpu.memory_space<hbm>>) dst(%dma_wait3A_2618 : memref<8x128xf32, #tpu.memory_space<vmem>>)
    %dma_wait3A_2620 = arith.constant 58 : i32
    %dma_wait3A_2621 = arith.constant 0 : i32
    %dma_wait3A_2622 = arith.constant 0 : i32
    %dma_wait3A_2623 = tpu.memref_slice %arg6[%dma_wait3A_2620, %dma_wait3A_2621, %dma_wait3A_2622] : memref<64x8x128xf32, #tpu.memory_space<vmem>> -> memref<1x8x128xf32, #tpu.memory_space<vmem>>
    %dma_wait3A_2624 = tpu.memref_squeeze %dma_wait3A_2623 : memref<1x8x128xf32, #tpu.memory_space<vmem>> -> memref<8x128xf32, #tpu.memory_space<vmem>>
    %dma_wait3A_2625 = tpu.memref_slice %arg2[%multiple_of3A_2343, %multiple_of3A_2336] : memref<1024x100000xf32, #tpu.memory_space<hbm>> -> memref<8x128xf32, #tpu.memory_space<hbm>>
    %dma_wait3A_2626 = arith.constant 0 : i32
    %dma_wait3A_2627 = arith.constant 0 : i32
    %dma_wait3A_2628 = tpu.memref_slice %arg6[%dma_wait3A_2620, %dma_wait3A_2626, %dma_wait3A_2627] : memref<64x8x128xf32, #tpu.memory_space<vmem>> -> memref<1x8x128xf32, #tpu.memory_space<vmem>>
    %dma_wait3A_2629 = tpu.memref_squeeze %dma_wait3A_2628 : memref<1x8x128xf32, #tpu.memory_space<vmem>> -> memref<8x128xf32, #tpu.memory_space<vmem>>
    %dma_wait3A_2630 = tpu.memref_slice %arg2[%multiple_of3A_2343, %multiple_of3A_2336] : memref<1024x100000xf32, #tpu.memory_space<hbm>> -> memref<8x128xf32, #tpu.memory_space<hbm>>
    tpu.wait_dma2 semaphore(%arg8 : memref<!tpu.dma_semaphore, #tpu.memory_space<semaphore_mem>>) src(%dma_wait3A_2630 : memref<8x128xf32, #tpu.memory_space<hbm>>) dst(%dma_wait3A_2629 : memref<8x128xf32, #tpu.memory_space<vmem>>)
    %dma_wait3A_2631 = arith.constant 59 : i32
    %dma_wait3A_2632 = arith.constant 0 : i32
    %dma_wait3A_2633 = arith.constant 0 : i32
    %dma_wait3A_2634 = tpu.memref_slice %arg6[%dma_wait3A_2631, %dma_wait3A_2632, %dma_wait3A_2633] : memref<64x8x128xf32, #tpu.memory_space<vmem>> -> memref<1x8x128xf32, #tpu.memory_space<vmem>>
    %dma_wait3A_2635 = tpu.memref_squeeze %dma_wait3A_2634 : memref<1x8x128xf32, #tpu.memory_space<vmem>> -> memref<8x128xf32, #tpu.memory_space<vmem>>
    %dma_wait3A_2636 = tpu.memref_slice %arg2[%multiple_of3A_2374, %multiple_of3A_2367] : memref<1024x100000xf32, #tpu.memory_space<hbm>> -> memref<8x128xf32, #tpu.memory_space<hbm>>
    %dma_wait3A_2637 = arith.constant 0 : i32
    %dma_wait3A_2638 = arith.constant 0 : i32
    %dma_wait3A_2639 = tpu.memref_slice %arg6[%dma_wait3A_2631, %dma_wait3A_2637, %dma_wait3A_2638] : memref<64x8x128xf32, #tpu.memory_space<vmem>> -> memref<1x8x128xf32, #tpu.memory_space<vmem>>
    %dma_wait3A_2640 = tpu.memref_squeeze %dma_wait3A_2639 : memref<1x8x128xf32, #tpu.memory_space<vmem>> -> memref<8x128xf32, #tpu.memory_space<vmem>>
    %dma_wait3A_2641 = tpu.memref_slice %arg2[%multiple_of3A_2374, %multiple_of3A_2367] : memref<1024x100000xf32, #tpu.memory_space<hbm>> -> memref<8x128xf32, #tpu.memory_space<hbm>>
    tpu.wait_dma2 semaphore(%arg8 : memref<!tpu.dma_semaphore, #tpu.memory_space<semaphore_mem>>) src(%dma_wait3A_2641 : memref<8x128xf32, #tpu.memory_space<hbm>>) dst(%dma_wait3A_2640 : memref<8x128xf32, #tpu.memory_space<vmem>>)
    %dma_wait3A_2642 = arith.constant 60 : i32
    %dma_wait3A_2643 = arith.constant 0 : i32
    %dma_wait3A_2644 = arith.constant 0 : i32
    %dma_wait3A_2645 = tpu.memref_slice %arg6[%dma_wait3A_2642, %dma_wait3A_2643, %dma_wait3A_2644] : memref<64x8x128xf32, #tpu.memory_space<vmem>> -> memref<1x8x128xf32, #tpu.memory_space<vmem>>
    %dma_wait3A_2646 = tpu.memref_squeeze %dma_wait3A_2645 : memref<1x8x128xf32, #tpu.memory_space<vmem>> -> memref<8x128xf32, #tpu.memory_space<vmem>>
    %dma_wait3A_2647 = tpu.memref_slice %arg2[%multiple_of3A_2405, %multiple_of3A_2398] : memref<1024x100000xf32, #tpu.memory_space<hbm>> -> memref<8x128xf32, #tpu.memory_space<hbm>>
    %dma_wait3A_2648 = arith.constant 0 : i32
    %dma_wait3A_2649 = arith.constant 0 : i32
    %dma_wait3A_2650 = tpu.memref_slice %arg6[%dma_wait3A_2642, %dma_wait3A_2648, %dma_wait3A_2649] : memref<64x8x128xf32, #tpu.memory_space<vmem>> -> memref<1x8x128xf32, #tpu.memory_space<vmem>>
    %dma_wait3A_2651 = tpu.memref_squeeze %dma_wait3A_2650 : memref<1x8x128xf32, #tpu.memory_space<vmem>> -> memref<8x128xf32, #tpu.memory_space<vmem>>
    %dma_wait3A_2652 = tpu.memref_slice %arg2[%multiple_of3A_2405, %multiple_of3A_2398] : memref<1024x100000xf32, #tpu.memory_space<hbm>> -> memref<8x128xf32, #tpu.memory_space<hbm>>
    tpu.wait_dma2 semaphore(%arg8 : memref<!tpu.dma_semaphore, #tpu.memory_space<semaphore_mem>>) src(%dma_wait3A_2652 : memref<8x128xf32, #tpu.memory_space<hbm>>) dst(%dma_wait3A_2651 : memref<8x128xf32, #tpu.memory_space<vmem>>)
    %dma_wait3A_2653 = arith.constant 61 : i32
    %dma_wait3A_2654 = arith.constant 0 : i32
    %dma_wait3A_2655 = arith.constant 0 : i32
    %dma_wait3A_2656 = tpu.memref_slice %arg6[%dma_wait3A_2653, %dma_wait3A_2654, %dma_wait3A_2655] : memref<64x8x128xf32, #tpu.memory_space<vmem>> -> memref<1x8x128xf32, #tpu.memory_space<vmem>>
    %dma_wait3A_2657 = tpu.memref_squeeze %dma_wait3A_2656 : memref<1x8x128xf32, #tpu.memory_space<vmem>> -> memref<8x128xf32, #tpu.memory_space<vmem>>
    %dma_wait3A_2658 = tpu.memref_slice %arg2[%multiple_of3A_2436, %multiple_of3A_2429] : memref<1024x100000xf32, #tpu.memory_space<hbm>> -> memref<8x128xf32, #tpu.memory_space<hbm>>
    %dma_wait3A_2659 = arith.constant 0 : i32
    %dma_wait3A_2660 = arith.constant 0 : i32
    %dma_wait3A_2661 = tpu.memref_slice %arg6[%dma_wait3A_2653, %dma_wait3A_2659, %dma_wait3A_2660] : memref<64x8x128xf32, #tpu.memory_space<vmem>> -> memref<1x8x128xf32, #tpu.memory_space<vmem>>
    %dma_wait3A_2662 = tpu.memref_squeeze %dma_wait3A_2661 : memref<1x8x128xf32, #tpu.memory_space<vmem>> -> memref<8x128xf32, #tpu.memory_space<vmem>>
    %dma_wait3A_2663 = tpu.memref_slice %arg2[%multiple_of3A_2436, %multiple_of3A_2429] : memref<1024x100000xf32, #tpu.memory_space<hbm>> -> memref<8x128xf32, #tpu.memory_space<hbm>>
    tpu.wait_dma2 semaphore(%arg8 : memref<!tpu.dma_semaphore, #tpu.memory_space<semaphore_mem>>) src(%dma_wait3A_2663 : memref<8x128xf32, #tpu.memory_space<hbm>>) dst(%dma_wait3A_2662 : memref<8x128xf32, #tpu.memory_space<vmem>>)
    %dma_wait3A_2664 = arith.constant 62 : i32
    %dma_wait3A_2665 = arith.constant 0 : i32
    %dma_wait3A_2666 = arith.constant 0 : i32
    %dma_wait3A_2667 = tpu.memref_slice %arg6[%dma_wait3A_2664, %dma_wait3A_2665, %dma_wait3A_2666] : memref<64x8x128xf32, #tpu.memory_space<vmem>> -> memref<1x8x128xf32, #tpu.memory_space<vmem>>
    %dma_wait3A_2668 = tpu.memref_squeeze %dma_wait3A_2667 : memref<1x8x128xf32, #tpu.memory_space<vmem>> -> memref<8x128xf32, #tpu.memory_space<vmem>>
    %dma_wait3A_2669 = tpu.memref_slice %arg2[%multiple_of3A_2467, %multiple_of3A_2460] : memref<1024x100000xf32, #tpu.memory_space<hbm>> -> memref<8x128xf32, #tpu.memory_space<hbm>>
    %dma_wait3A_2670 = arith.constant 0 : i32
    %dma_wait3A_2671 = arith.constant 0 : i32
    %dma_wait3A_2672 = tpu.memref_slice %arg6[%dma_wait3A_2664, %dma_wait3A_2670, %dma_wait3A_2671] : memref<64x8x128xf32, #tpu.memory_space<vmem>> -> memref<1x8x128xf32, #tpu.memory_space<vmem>>
    %dma_wait3A_2673 = tpu.memref_squeeze %dma_wait3A_2672 : memref<1x8x128xf32, #tpu.memory_space<vmem>> -> memref<8x128xf32, #tpu.memory_space<vmem>>
    %dma_wait3A_2674 = tpu.memref_slice %arg2[%multiple_of3A_2467, %multiple_of3A_2460] : memref<1024x100000xf32, #tpu.memory_space<hbm>> -> memref<8x128xf32, #tpu.memory_space<hbm>>
    tpu.wait_dma2 semaphore(%arg8 : memref<!tpu.dma_semaphore, #tpu.memory_space<semaphore_mem>>) src(%dma_wait3A_2674 : memref<8x128xf32, #tpu.memory_space<hbm>>) dst(%dma_wait3A_2673 : memref<8x128xf32, #tpu.memory_space<vmem>>)
    %dma_wait3A_2675 = arith.constant 63 : i32
    %dma_wait3A_2676 = arith.constant 0 : i32
    %dma_wait3A_2677 = arith.constant 0 : i32
    %dma_wait3A_2678 = tpu.memref_slice %arg6[%dma_wait3A_2675, %dma_wait3A_2676, %dma_wait3A_2677] : memref<64x8x128xf32, #tpu.memory_space<vmem>> -> memref<1x8x128xf32, #tpu.memory_space<vmem>>
    %dma_wait3A_2679 = tpu.memref_squeeze %dma_wait3A_2678 : memref<1x8x128xf32, #tpu.memory_space<vmem>> -> memref<8x128xf32, #tpu.memory_space<vmem>>
    %dma_wait3A_2680 = tpu.memref_slice %arg2[%multiple_of3A_2498, %multiple_of3A_2491] : memref<1024x100000xf32, #tpu.memory_space<hbm>> -> memref<8x128xf32, #tpu.memory_space<hbm>>
    %dma_wait3A_2681 = arith.constant 0 : i32
    %dma_wait3A_2682 = arith.constant 0 : i32
    %dma_wait3A_2683 = tpu.memref_slice %arg6[%dma_wait3A_2675, %dma_wait3A_2681, %dma_wait3A_2682] : memref<64x8x128xf32, #tpu.memory_space<vmem>> -> memref<1x8x128xf32, #tpu.memory_space<vmem>>
    %dma_wait3A_2684 = tpu.memref_squeeze %dma_wait3A_2683 : memref<1x8x128xf32, #tpu.memory_space<vmem>> -> memref<8x128xf32, #tpu.memory_space<vmem>>
    %dma_wait3A_2685 = tpu.memref_slice %arg2[%multiple_of3A_2498, %multiple_of3A_2491] : memref<1024x100000xf32, #tpu.memory_space<hbm>> -> memref<8x128xf32, #tpu.memory_space<hbm>>
    tpu.wait_dma2 semaphore(%arg8 : memref<!tpu.dma_semaphore, #tpu.memory_space<semaphore_mem>>) src(%dma_wait3A_2685 : memref<8x128xf32, #tpu.memory_space<hbm>>) dst(%dma_wait3A_2684 : memref<8x128xf32, #tpu.memory_space<vmem>>)
    %and3A_2686 = arith.constant 7 : i32
    %and3A_2687 = vector.broadcast %and3A_2686 : i32 to vector<16xi32>
    %and3A_2688 = arith.andi %iota3A, %and3A_2687 : vector<16xi32>
    %broadcast_in_dim3A_2689 = arith.constant 0.000000e+00 : f32
    %broadcast_in_dim3A_2690 = vector.broadcast %broadcast_in_dim3A_2689 : f32 to vector<16xf32>
    %add3A_2691 = arith.constant 0 : i32
    %add3A_2692 = vector.broadcast %add3A_2691 : i32 to vector<16xi32>
    %add3A_2693 = arith.addi %iota3A, %add3A_2692 : vector<16xi32>
    %and3A_2694 = arith.constant 127 : i32
    %and3A_2695 = vector.broadcast %and3A_2694 : i32 to vector<16xi32>
    %and3A_2696 = arith.andi %get3A_1, %and3A_2695 : vector<16xi32>
    %gather3A = tpu.vector_load_idx %arg6[%add3A_2693, %and3A_2688, %and3A_2696] : memref<64x8x128xf32, #tpu.memory_space<vmem>>[vector<16xi32>, vector<16xi32>, vector<16xi32>], vector<16xf32>,
    %gt3A = arith.constant 0 : i32
    %gt3A_2697 = vector.broadcast %gt3A : i32 to vector<16xi32>
    %gt3A_2698 = arith.cmpi sgt, %get3A_1, %gt3A_2697 : vector<16xi32>
    %broadcast_in_dim3A_2699 = arith.constant 0.000000e+00 : f32
    %broadcast_in_dim3A_2700 = vector.broadcast %broadcast_in_dim3A_2699 : f32 to vector<16xf32>
    %select_n3A_2701 = arith.select %gt3A_2698, %gather3A, %broadcast_in_dim3A_2700 : vector<16xi1>, vector<16xf32>
    %add3A_2702 = arith.addf %broadcast_in_dim3A_2690, %select_n3A_2701 : vector<16xf32>
    %add3A_2703 = arith.constant 16 : i32
    %add3A_2704 = vector.broadcast %add3A_2703 : i32 to vector<16xi32>
    %add3A_2705 = arith.addi %iota3A, %add3A_2704 : vector<16xi32>
    %and3A_2706 = arith.constant 127 : i32
    %and3A_2707 = vector.broadcast %and3A_2706 : i32 to vector<16xi32>
    %and3A_2708 = arith.andi %get3A_3, %and3A_2707 : vector<16xi32>
    %gather3A_2709 = tpu.vector_load_idx %arg6[%add3A_2705, %and3A_2688, %and3A_2708] : memref<64x8x128xf32, #tpu.memory_space<vmem>>[vector<16xi32>, vector<16xi32>, vector<16xi32>], vector<16xf32>,
    %gt3A_2710 = arith.constant 0 : i32
    %gt3A_2711 = vector.broadcast %gt3A_2710 : i32 to vector<16xi32>
    %gt3A_2712 = arith.cmpi sgt, %get3A_3, %gt3A_2711 : vector<16xi32>
    %broadcast_in_dim3A_2713 = arith.constant 0.000000e+00 : f32
    %broadcast_in_dim3A_2714 = vector.broadcast %broadcast_in_dim3A_2713 : f32 to vector<16xf32>
    %select_n3A_2715 = arith.select %gt3A_2712, %gather3A_2709, %broadcast_in_dim3A_2714 : vector<16xi1>, vector<16xf32>
    %add3A_2716 = arith.addf %add3A_2702, %select_n3A_2715 : vector<16xf32>
    %add3A_2717 = arith.constant 32 : i32
    %add3A_2718 = vector.broadcast %add3A_2717 : i32 to vector<16xi32>
    %add3A_2719 = arith.addi %iota3A, %add3A_2718 : vector<16xi32>
    %and3A_2720 = arith.constant 127 : i32
    %and3A_2721 = vector.broadcast %and3A_2720 : i32 to vector<16xi32>
    %and3A_2722 = arith.andi %get3A_5, %and3A_2721 : vector<16xi32>
    %gather3A_2723 = tpu.vector_load_idx %arg6[%add3A_2719, %and3A_2688, %and3A_2722] : memref<64x8x128xf32, #tpu.memory_space<vmem>>[vector<16xi32>, vector<16xi32>, vector<16xi32>], vector<16xf32>,
    %gt3A_2724 = arith.constant 0 : i32
    %gt3A_2725 = vector.broadcast %gt3A_2724 : i32 to vector<16xi32>
    %gt3A_2726 = arith.cmpi sgt, %get3A_5, %gt3A_2725 : vector<16xi32>
    %broadcast_in_dim3A_2727 = arith.constant 0.000000e+00 : f32
    %broadcast_in_dim3A_2728 = vector.broadcast %broadcast_in_dim3A_2727 : f32 to vector<16xf32>
    %select_n3A_2729 = arith.select %gt3A_2726, %gather3A_2723, %broadcast_in_dim3A_2728 : vector<16xi1>, vector<16xf32>
    %add3A_2730 = arith.addf %add3A_2716, %select_n3A_2729 : vector<16xf32>
    %add3A_2731 = arith.constant 48 : i32
    %add3A_2732 = vector.broadcast %add3A_2731 : i32 to vector<16xi32>
    %add3A_2733 = arith.addi %iota3A, %add3A_2732 : vector<16xi32>
    %and3A_2734 = arith.constant 127 : i32
    %and3A_2735 = vector.broadcast %and3A_2734 : i32 to vector<16xi32>
    %and3A_2736 = arith.andi %get3A_7, %and3A_2735 : vector<16xi32>
    %gather3A_2737 = tpu.vector_load_idx %arg6[%add3A_2733, %and3A_2688, %and3A_2736] : memref<64x8x128xf32, #tpu.memory_space<vmem>>[vector<16xi32>, vector<16xi32>, vector<16xi32>], vector<16xf32>,
    %gt3A_2738 = arith.constant 0 : i32
    %gt3A_2739 = vector.broadcast %gt3A_2738 : i32 to vector<16xi32>
    %gt3A_2740 = arith.cmpi sgt, %get3A_7, %gt3A_2739 : vector<16xi32>
    %broadcast_in_dim3A_2741 = arith.constant 0.000000e+00 : f32
    %broadcast_in_dim3A_2742 = vector.broadcast %broadcast_in_dim3A_2741 : f32 to vector<16xf32>
    %select_n3A_2743 = arith.select %gt3A_2740, %gather3A_2737, %broadcast_in_dim3A_2742 : vector<16xi1>, vector<16xf32>
    %add3A_2744 = arith.addf %add3A_2730, %select_n3A_2743 : vector<16xf32>
    %swap3A = arith.constant 0 : index
    %swap3A_2745 = tpu.vector_load %arg7[%swap3A] {strides = array<i32>} : memref<16xf32, #tpu.memory_space<vmem>>, vector<16xf32>,
    tpu.vector_store %arg7[%swap3A], %add3A_2744 {strides = array<i32>} : memref<16xf32, #tpu.memory_space<vmem>>, vector<16xf32>,
    "tpu.region"() ({
      %run_scoped3A = tpu.sem_alloc : memref<!tpu.dma_semaphore, #tpu.memory_space<semaphore_mem>>
      %dma_start3A_2746 = arith.constant 0 : i32
      %dma_start3A_2747 = tpu.memref_slice %arg4[%arg1, %dma_start3A_2746] : memref<16x16xf32, #tpu.memory_space<hbm>> -> memref<1x16xf32, #tpu.memory_space<hbm>>
      %dma_start3A_2748 = tpu.memref_squeeze %dma_start3A_2747 : memref<1x16xf32, #tpu.memory_space<hbm>> -> memref<16xf32, #tpu.memory_space<hbm>>
      %dma_start3A_2749 = arith.constant 0 : i32
      %dma_start3A_2750 = tpu.memref_slice %arg4[%arg1, %dma_start3A_2749] : memref<16x16xf32, #tpu.memory_space<hbm>> -> memref<1x16xf32, #tpu.memory_space<hbm>>
      %dma_start3A_2751 = tpu.memref_squeeze %dma_start3A_2750 : memref<1x16xf32, #tpu.memory_space<hbm>> -> memref<16xf32, #tpu.memory_space<hbm>>
      tpu.enqueue_dma source(%arg7 : memref<16xf32, #tpu.memory_space<vmem>>) target(%dma_start3A_2751 : memref<16xf32, #tpu.memory_space<hbm>>) target_semaphore(%run_scoped3A : memref<!tpu.dma_semaphore, #tpu.memory_space<semaphore_mem>>)
      %dma_wait3A_2752 = arith.constant 0 : i32
      %dma_wait3A_2753 = tpu.memref_slice %arg4[%arg1, %dma_wait3A_2752] : memref<16x16xf32, #tpu.memory_space<hbm>> -> memref<1x16xf32, #tpu.memory_space<hbm>>
      %dma_wait3A_2754 = tpu.memref_squeeze %dma_wait3A_2753 : memref<1x16xf32, #tpu.memory_space<hbm>> -> memref<16xf32, #tpu.memory_space<hbm>>
      %dma_wait3A_2755 = arith.constant 0 : i32
      %dma_wait3A_2756 = tpu.memref_slice %arg4[%arg1, %dma_wait3A_2755] : memref<16x16xf32, #tpu.memory_space<hbm>> -> memref<1x16xf32, #tpu.memory_space<hbm>>
      %dma_wait3A_2757 = tpu.memref_squeeze %dma_wait3A_2756 : memref<1x16xf32, #tpu.memory_space<hbm>> -> memref<16xf32, #tpu.memory_space<hbm>>
      tpu.wait_dma2 semaphore(%run_scoped3A : memref<!tpu.dma_semaphore, #tpu.memory_space<semaphore_mem>>) src(%arg7 : memref<16xf32, #tpu.memory_space<vmem>>) dst(%dma_wait3A_2757 : memref<16xf32, #tpu.memory_space<hbm>>)
      tpu.yield
    }) : () -> ()
    return
  }
}

module attributes {stable_mosaic.version = 14 : i64} {
  func.func @_reduce_body(%arg0: memref<16x16xf32, #tpu.memory_space<vmem>>, %arg1: memref<1x1xf32, #tpu.memory_space<vmem>>) attributes {dimension_semantics = [], scalar_prefetch = 0 : i64, scratch_operands = 0 : i64, tpu.core_type = #tpu.core_type<tc>} {
    %get3A = arith.constant 0 : index
    %get3A_0 = arith.constant 0 : index
    %get3A_1 = vector.load %arg0[%get3A, %get3A_0] : memref<16x16xf32, #tpu.memory_space<vmem>>, vector<16x16xf32>
    %reduce_sum3A = vector.shape_cast %get3A_1 : vector<16x16xf32> to vector<1x16x16xf32>
    %reduce_sum3A_2 = arith.constant dense<0.000000e+00> : vector<1xf32>
    %reduce_sum3A_3 = vector.multi_reduction <add>, %reduce_sum3A, %reduce_sum3A_2 [1, 2] : vector<1x16x16xf32> to vector<1xf32>
    %reduce_sum3A_4 = vector.shape_cast %reduce_sum3A_3 : vector<1xf32> to vector<1x1x1xf32>
    %reduce_sum3A_5 = vector.extract %reduce_sum3A_4[0, 0, 0] : f32 from vector<1x1x1xf32>
    %neg3A = arith.constant 0.000000e+00 : f32
    %neg3A_6 = arith.subf %neg3A, %reduce_sum3A_5 : f32
    %broadcast_in_dim3A = vector.broadcast %neg3A_6 : f32 to vector<1x1xf32>
    %swap3A = arith.constant 0 : index
    %swap3A_7 = arith.constant 0 : index
    %swap3A_8 = vector.load %arg1[%swap3A, %swap3A_7] : memref<1x1xf32, #tpu.memory_space<vmem>>, vector<1x1xf32>
    tpu.vector_store %arg1[%swap3A, %swap3A_7], %broadcast_in_dim3A {strides = array<i32>} : memref<1x1xf32, #tpu.memory_space<vmem>>, vector<1x1xf32>,
    return
  }
}

</mosaic_0001>

<sc_bundles>
// kernel: kernel.4.cloned.1.call-start
scs
__scs_entry_jumppad:
0x0: {  	(pc) =	sbr.rel $0x88, $3  }
0x1: {  	(tag) =	ssettag $0x0;
	lr =	simm.s32 $0x1  }
0x2: {  	[smem:$0x3F9F] =	sst lr;
	_ =	strace $0xD0000000  }
0x3: {  	_ = 	snop  }
0x4: {  	_ = 	snop  }
0x5: {  	_ = 	snop  }
0x6: {  	_ = 	snop  }
0x7: {  	_ = 	snop  }
__scs_overlays_trampoline_lowered:
0x8: {  	[smem:$0x3FAE] =	sst s0  }
0x9: {  	[smem:$0x3FAF] =	sst s1  }
0xa: {  	[smem:$0x3FB0] =	sst s2  }
0xb: {  	[smem:$0x3FB1] =	sst s3  }
0xc: {  	[smem:$0x3FB2] =	sst s4  }
0xd: {  	[smem:$0x3FB3] =	sst s5  }
0xe: {  	[smem:$0x3FB4] =	sst s6  }
0xf: {  	[smem:$0x3FB5] =	sst s7  }
0x10: {  	[smem:$0x3FB6] =	sst s8  }
0x11: {  	[smem:$0x3FB7] =	sst s9;
	s0 =	simm.s32 @!p0 $0x0  }
0x12: {  	s1 =	sld [smem:$0x3F9D];
	s0 =	simm.s32 @p0 $0x1  }
0x13: {  	[smem:$0x3FB8] =	sst s0;
	s0 =	simm.s32 @!p1 $0x0  }
0x14: {  	s2 =	sld [smem:$0x3F9C];
	s0 =	simm.s32 @p1 $0x1  }
0x15: {  	[smem:$0x3FB9] =	sst s0;
	s0 =	simm.s32 @!p2 $0x0  }
0x16: {  	s3 =	sld [smem:$0x3FDB];
	s0 =	simm.s32 @p2 $0x1  }
0x17: {  	s4 =	simm.s32 $0x1BF5;
	[smem:$0x3FBB] =	sst s0  }
0x18: {  	s0 =	sld [smem:$0x3F9E];
	_ =	swait.ge [sflag:s4], $0x0  }
0x19: {  	s7 =	sld [smem:$0x3F9F]  }
0x1a: {  	s8 =	sadd.s32 $0xFFFFE003, lr  }
0x1b: {  	s9 =	sadd.s32 $0xFFFFFEF7, lr;
	s5 =	simm.s32 $0xFFFFFFFF;
	p2 =	slt.u32 s8, $0xFFFFF086  }
0x1c: {  	p1 =	slt.u32 s9, $0xF7A;
	s5 =	simm.s32 @!p2 $0x0  }
0x1d: {  	s5 =	simm.s32 @p1 $0x1;
	p0 =	seq.s32 s7, s2  }
0x1e: {  	s7 =	smul.u32 @!p0 $0xF7A, s2;
	p2 =	seq.s32 @!p0 s5, $0x0  }
0x1f: {  	s9 =	smul.u32 $0xF7A, s1;
	s8 =	simm.s32 @!p0 $0x1BF5;
	p2 =	por !p2, p0  }
0x20: {  	[sflag:s8] =	ssyncset.s32 @!p0 $0xFFFFF086;
	s6 =	sadd.s32 @!p0 s3, s7;
	s7 =	simm.s32 @!p0 $0x108  }
0x21: {  	s3 =	sadd.s32 s3, s9;
	s6 =	sadd.s32 @!p0 $0x88, s6;
	s7 =	simm.s32 @p2 $0x1082  }
0x22: {  	[simem:s7], [sflag:s8] =	dma.local @!p0 [hbm:s6], $0xF7A  }
0x23: {  	s9 =	sor.u32 $0xD0000000, s2;
	s6 =	simm.s32 $0x108;
	_ =	swait.ge @!p0 [sflag:s8], $0x0  }
0x24: {  	s3 =	sadd.s32 $0x88, s3;
	s6 =	simm.s32 @!p1 $0x1082;
	[sflag:s4] =	ssyncset.s32 $0xFFFFF086  }
0x25: {  	[simem:s6], [sflag:s4] =	dma.local [hbm:s3], $0xF7A  }
0x26: {  	[smem:$0x3F9F] =	sst s1;
	(tag) =	ssettag s2;
	_ =	strace s9  }
0x27: {  	s1 =	sld [smem:$0x3FAF]  }
0x28: {  	s2 =	sld [smem:$0x3FB0]  }
0x29: {  	s4 =	sld [smem:$0x3FB2]  }
0x2a: {  	p0 =	seq.s32 s5, $0x0;
	s5 =	sld [smem:$0x3FB3]  }
0x2b: {  	s6 =	sld [smem:$0x3FB4]  }
0x2c: {  	s7 =	sld [smem:$0x3FB5]  }
0x2d: {  	s3 =	simm.s32 $0x108;
	s8 =	sld [smem:$0x3FB6]  }
0x2e: {  	s3 =	simm.s32 @!p0 $0x1082;
	s9 =	sld [smem:$0x3FB7]  }
0x2f: {  	lr =	sadd.s32 s0, s3;
	s0 =	sld [smem:$0x3FAE]  }
0x30: {  	s3 =	sld [smem:$0x3FB1]  }
0x31: {  	[smem:$0x3FBA] =	sst s10  }
0x32: {  	s10 =	sld [smem:$0x3FB8];
	_ =	sdelay $0x3  }
0x33: {  	p0 =	seq.s32 s10, $0x1;
	s10 =	sld [smem:$0x3FBA];
	_ =	sdelay $0x3  }
0x34: {  	[smem:$0x3FBA] =	sst s10  }
0x35: {  	s10 =	sld [smem:$0x3FB9];
	_ =	sdelay $0x3  }
0x36: {  	p1 =	seq.s32 s10, $0x1;
	s10 =	sld [smem:$0x3FBA];
	_ =	sdelay $0x3  }
0x37: {  	[smem:$0x3FBA] =	sst s10  }
0x38: {  	s10 =	sld [smem:$0x3FBB]  }
0x39: {  	_ = 	snop;
	(pc) =	sbr.ind lr, $3  }
0x3a: {  	_ = 	snop  }
0x3b: {  	_ = 	snop  }
0x3c: {  	p2 =	seq.s32 s10, $0x1;
	s10 =	sld [smem:$0x3FBA]  }
0x3d: {  	_ =	shalt  }
0x3e: {  	_ =	shalt  }
0x3f: {  	_ =	shalt  }
0x40: {  	_ =	shalt  }
0x41: {  	_ =	shalt  }
0x42: {  	_ =	shalt  }
0x43: {  	_ =	shalt  }
0x44: {  	_ =	shalt  }
0x45: {  	_ =	shalt  }
0x46: {  	_ =	shalt  }
0x47: {  	_ =	shalt  }
0x48: {  	_ =	shalt  }
0x49: {  	_ =	shalt  }
0x4a: {  	_ =	shalt  }
0x4b: {  	_ =	shalt  }
0x4c: {  	_ =	shalt  }
0x4d: {  	_ =	shalt  }
0x4e: {  	_ =	shalt  }
0x4f: {  	_ =	shalt  }
0x50: {  	_ =	shalt  }
0x51: {  	_ =	shalt  }
0x52: {  	_ =	shalt  }
0x53: {  	_ =	shalt  }
0x54: {  	_ =	shalt  }
0x55: {  	_ =	shalt  }
0x56: {  	_ =	shalt  }
0x57: {  	_ =	shalt  }
0x58: {  	_ =	shalt  }
0x59: {  	_ =	shalt  }
0x5a: {  	_ =	shalt  }
0x5b: {  	_ =	shalt  }
0x5c: {  	_ =	shalt  }
0x5d: {  	_ =	shalt  }
0x5e: {  	_ =	shalt  }
0x5f: {  	_ =	shalt  }
0x60: {  	_ =	shalt  }
0x61: {  	_ =	shalt  }
0x62: {  	_ =	shalt  }
0x63: {  	_ =	shalt  }
0x64: {  	_ =	shalt  }
0x65: {  	_ =	shalt  }
0x66: {  	_ =	shalt  }
0x67: {  	_ =	shalt  }
0x68: {  	_ =	shalt  }
0x69: {  	_ =	shalt  }
0x6a: {  	_ =	shalt  }
0x6b: {  	_ =	shalt  }
0x6c: {  	_ =	shalt  }
0x6d: {  	_ =	shalt  }
0x6e: {  	_ =	shalt  }
0x6f: {  	_ =	shalt  }
0x70: {  	_ =	shalt  }
0x71: {  	_ =	shalt  }
0x72: {  	_ =	shalt  }
0x73: {  	_ =	shalt  }
0x74: {  	_ =	shalt  }
0x75: {  	_ =	shalt  }
0x76: {  	_ =	shalt  }
0x77: {  	_ =	shalt  }
0x78: {  	_ =	shalt  }
0x79: {  	_ =	shalt  }
0x7a: {  	_ =	shalt  }
0x7b: {  	_ =	shalt  }
0x7c: {  	_ =	shalt  }
0x7d: {  	_ =	shalt  }
0x7e: {  	_ =	shalt  }
0x7f: {  	_ =	shalt  }
0x80: {  	_ =	shalt  }
0x81: {  	_ =	shalt  }
0x82: {  	_ =	shalt  }
0x83: {  	_ =	shalt  }
0x84: {  	_ =	shalt  }
0x85: {  	_ =	shalt  }
0x86: {  	_ =	shalt  }
0x87: {  	_ =	shalt  }
.Lfunc_end0:
.L_simem_size_0:
called_computation_lowered:
.L_overlay_start_0:
0x88: {  	s0 =	sld [smem:$0x3FD9]  }
0x89: {  	s1 =	sld [smem:$0x3FFE];
	_ =	sdelay $0x3  }
0x8a: {  	s0 =	sadd.s32 s1, s0  }
0x8b: {  	[smem:$0x3FC6] =	sst s0  }
0x8c: {  	_ = 	snop  }
0x8d: {  	s0 =	sld [smem:$0x3FC8];
	(tm) =	ssettm $0x1  }
0x8e: {  	s16 =	sld [smem:$0x3FFB];
	_ =	sdelay $0x3  }
0x8f: {  	_ =	strace s16  }
0x90: {  	s1 =	sld [smem:$0x3FFC];
	_ =	sdelay $0x3  }
0x91: {  	_ =	strace s1  }
0x92: {  	s1 =	sld [smem:$0x3FFD];
	_ =	sdelay $0x3  }
0x93: {  	_ =	strace s1  }
0x94: {  	_ =	strace $0x8FFFFFFF  }
0x95: {  	s17 =	sld [smem:$0x3FDB];
	_ =	sdelay $0x1  }
0x96: {  	s2 =	simm.s32 $_scs_section_size  }
0x97: {  	s3 =	simm.s32 $_size__tile_overlayer_lowered;
	s4 =	simm.s32 $_tile_overlayer_lowered  }
0x98: {  	s20 =	simm.s32 $0x1BFF;
	s19 =	sshll.u32 s4, $0x1;
	s1 =	sadd.s32 s2, s17  }
0x99: {  	s5 =	simm.s32 $0x0;
	s18 =	sshll.u32 s3, $0x1;
	s3 =	sadd.s32 s19, s1  }
0x9a: {  	[timem:s5], [sflag:s20] =	dma.local [hbm:s3], s18  }
0x9b: {  	_ =	swait.ge [sflag:s20], s18  }
0x9c: {  	s2 =	ssub.s32 $0x0, s18;
	[sflag:s20] =	ssyncset.done $0x0  }
0x9d: {  	[sflag:s20] =	ssyncadd.s32 s2;
	_ =	sdelay $0x1  }
0x9e: {  	s21 =	simm.s32 $0x1B8B  }
0x9f: {  	_ =	swait.ge [sflag:s21], $0x1  }
0xa0: {  	[sflag:s21] =	ssyncset.done $0x0  }
0xa1: {  	s23 =	simm.s32 $0x1B8E;
	s22 =	sld [smem:$0x3FFE];
	[sflag:s21] =	ssyncadd.s32 $0xFFFFFFFF  }
0xa2: {  	s24 =	simm.s32 $execute0_lowered;
	[smem:$0x3FD2] =	sst s23  }
0xa3: {  	s3 =	sshll.u32 s24, $0x1;
	_ =	strace $0x80000046;
	[dreg:$0x1] =	wrdreg $0xFFFFFFFF  }
0xa4: {  	s25 =	simm.s32 $_size_execute0_lowered;
	s1 =	sadd.s32 s1, s3;
	[dreg:$0x0] =	wrdreg $0x0  }
0xa5: {  	s3 =	sshll.u32 s25, $0x1;
	[dreg:$0x2] =	wrdreg s1  }
0xa6: {  	[dreg:$0x3] =	wrdreg s3  }
0xa7: {  	[dreg:$0x4] =	wrdreg $0xC0  }
0xa8: {  	_ =	task [dreg:s5], $0x5FFFF  }
0xa9: {  	[dreg:$0x1] =	wrdreg $0xFFFFFFFF  }
0xaa: {  	[dreg:$0x0] =	wrdreg $0x60  }
0xab: {  	[dreg:$0x2] =	wrdreg s22  }
0xac: {  	[dreg:$0x3] =	wrdreg s0  }
0xad: {  	[dreg:$0x4] =	wrdreg $0x9  }
0xae: {  	_ =	task.clear_ibuf [dreg:s5], $0x5FFFF;
	_ =	strace $0x90000046  }
0xaf: {  	s26 =	simm.s32 $0x9;
	_ =	strace $0x80000048  }
0xb0: {  	_ =	swait.ge [sflag:s26], $0x1  }
0xb1: {  	[sflag:s26] =	ssyncadd.s32 $0xFFFFFFFF  }
0xb2: {  	_ =	strace $0x90000048  }
0xb3: {  	_ =	sfence  }
0xb4: {  	s28 =	sld [smem:$0x0];
	_ =	sdelay $0x1  }
0xb5: {  	s29 =	srdreg.scid  }
0xb6: {  	s30 =	sshll.u32 s29, $0xD;
	s31 =	sshrl.u32 s29, $0x2  }
0xb7: {  	s2 =	sand.u32 $0x4000, s30;
	s1 =	sand.u32 $0x1, s29;
	s0 =	sadd.s32 s31, s28  }
0xb8: {  	s1 =	sor.u32 s2, s1;
	s0 =	sshll.u32 s0, $0x11  }
0xb9: {  	s0 =	sor.u32 s0, s1  }
0xba: {  	s0 =	sadd.s32 $0x8F2B, s0  }
0xbb: {  	[sflag:s0] =	ssyncadd.remote.s32 $0x1  }
0xbc: {  	_ =	sfence.sel $0xFFFF  }
0xbd: {  	[dreg:$0x0] =	wrdreg $0xFFFFFFFF;
	(pc) =	sbr.abs _section_cstart, $3  }
0xbe: {  	[dreg:$0x1] =	wrdreg $0xFFFFFFFF  }
0xbf: {  	_ =	task.clear_ibuf [dreg:s5], $0x2FFFF;
	_ =	strace $0x9FFFFFFF  }
0xc0: {  	(tm) =	ssettm $0x7FFFFFFF  }
0xc1: {  	_ =	shalt  }
tec
execute0_lowered:
.L_overlay_start_1:
0x0: {  	(tag) =	ssettag $0x1  }
0x1: {  	s3 =	rddreg [dreg:$0x0]  }
0x2: {  	s4 =	rddreg [dreg:$0x1];
	s2 =	simm.s32 $0x0;
	s1 =	stileid.u32  }
0x3: {  	[smem:$0x7FF] =	sst s2;
	s5 =	sshll.u32 s1, $0x3  }
0x4: {  	s0 =	rddreg [dreg:$0x2];
	_ =	strace $0x80000047;
	s4 =	sadd.s32 s4, s5  }
0x5: {  	[tilespmem:s2], [sflag:$0x2] =	stream.linear.gather [hbm4b:s4+s2], $0x40, $0x38;
	[tilespmem:$0x10100] =	vst v63  }
0x6: {  	s4 =	simm.s32 $0x2  }
0x7: {  	_ =	swait.ge [sflag:s4], $0x40  }
0x8: {  	[sflag:s4] =	ssyncset.done $0x0  }
0x9: {  	[sflag:s4] =	ssyncadd.s32 $0xFFFFFFC0  }
0xa: {  	v0 =	vld [tilespmem:$0x0];
	_ =	sdelay $0x3  }
0xb: {  	vm1 =	vmmov $0x1  }
0xc: {  	v1 =	vnsel vm1, $0x0, v0  }
0xd: {  	(xrf0) =	vadd.scan.msk.s32 $0xffff, v1;
	_ =	sdelay $0x1  }
0xe: {  	vm0 =	vcmask $0x308  }
0xf: {  	v2 =	vsel vm0, $0x0, v0  }
0x10: {  	(xrf0) =	vadd.scan.msk.s32 $0xffff, v2;
	_ =	sdelay $0x1  }
0x11: {  	v1, _, _ =	vpop (xrf0)  }
0x12: {  	(v2sf) =	vpush v1, $0xF  }
0x13: {  	vm2 =	vcmask $0x70C  }
0x14: {  	v7 =	vsel vm2, $0x0, v0  }
0x15: {  	v6, _, _ =	vpop (xrf0);
	(xrf0) =	vadd.scan.msk.s32 $0xffff, v7;
	_ =	sdelay $0x1  }
0x16: {  	(v2sf) =	vpush v6, $0xF;
	_ =	sdelay $0x1  }
0x17: {  	vm3 =	vcmask $0xB10  }
0x18: {  	v9 =	vsel vm3, $0x0, v0  }
0x19: {  	v8, _, _ =	vpop (xrf0);
	(xrf0) =	vadd.scan.msk.s32 $0xffff, v9;
	_ =	sdelay $0x1  }
0x1a: {  	(v2sf) =	vpush v8, $0xF;
	_ =	sdelay $0x2  }
0x1b: {  	vm5 =	vcmask $0xF14  }
0x1c: {  	v10 =	vsel vm5, $0x0, v0;
	v4, _, _ =	vpop (xrf0);
	s12 =	spop (v2sf)  }
0x1d: {  	s8 =	smul.u32 $0x61C000, s1;
	(xrf0) =	vadd.scan.msk.s32 $0xffff, v10;
	(v2sf) =	vpush v4, $0xF;
	s5 =	sshll.u32 s12, $0x3  }
0x1e: {  	s5 =	sand.u32 $0x7FFFFC00, s5  }
0x1f: {  	s5 =	sadd.s32 s8, s5  }
0x20: {  	s6 =	sadd.s32 $0x600, s3;
	v3 =	vld [tilespmem:$0x10];
	s5 =	sshrl.u32 s5, $0x3  }
0x21: {  	vm4 =	vcmask $0x1318;
	v2 =	vld [tilespmem:$0x20];
	s13 =	spop (v2sf);
	s7 =	sadd.s32 s6, s5;
	s5 =	simm.s32 $0x80  }
0x22: {  	v5 =	vsel vm4, $0x0, v0;
	v1 =	vld [tilespmem:$0x30];
	[tilespmem:s5], [sflag:$0x1] =	stream.linear.gather [hbm4b:s7+s2], $0x400, $0x38  }
0x23: {  	v4, _, _ =	vpop (xrf0);
	(xrf0) =	vadd.scan.msk.s32 $0xffff, v5;
	s7 =	sshll.u32 s13, $0x3  }
0x24: {  	(v2sf) =	vpush v4, $0xF;
	s7 =	sand.u32 $0x7FFFFC00, s7  }
0x25: {  	s7 =	sadd.s32 s8, s7  }
0x26: {  	s7 =	sshrl.u32 s7, $0x3  }
0x27: {  	s9 =	simm.s32 $0x480;
	vm6 =	vcmask $0x171C;
	s14 =	spop (v2sf);
	s7 =	sadd.s32 s6, s7  }
0x28: {  	v12 =	vsel vm6, $0x0, v0;
	[tilespmem:s9], [sflag:$0x1] =	stream.linear.gather [hbm4b:s7+s2], $0x400, $0x38;
	[tilespmem:$0x10100] =	vst v63  }
0x29: {  	v11, _, _ =	vpop (xrf0);
	(xrf0) =	vadd.scan.msk.s32 $0xffff, v12;
	s7 =	sshll.u32 s14, $0x3  }
0x2a: {  	s7 =	sand.u32 $0x7FFFFC00, s7  }
0x2b: {  	s7 =	sadd.s32 s8, s7  }
0x2c: {  	s7 =	sshrl.u32 s7, $0x3;
	s16 =	spop (v2sf);
	(v2sf) =	vpush v11, $0xF  }
0x2d: {  	s15 =	simm.s32 $0x880;
	vm7 =	vcmask $0x1B20;
	s7 =	sadd.s32 s6, s7  }
0x2e: {  	v14 =	vsel vm7, $0x0, v0;
	[tilespmem:s15], [sflag:$0x1] =	stream.linear.gather [hbm4b:s7+s2], $0x400, $0x38;
	[tilespmem:$0x10100] =	vst v63  }
0x2f: {  	v13, _, _ =	vpop (xrf0);
	(xrf0) =	vadd.scan.msk.s32 $0xffff, v14;
	s7 =	sshll.u32 s16, $0x3  }
0x30: {  	s7 =	sand.u32 $0x7FFFFC00, s7  }
0x31: {  	(v2sf) =	vpush v13, $0xF;
	s7 =	sadd.s32 s8, s7  }
0x32: {  	s7 =	sshrl.u32 s7, $0x3  }
0x33: {  	s17 =	simm.s32 $0xC80;
	s18 =	spop (v2sf);
	s7 =	sadd.s32 s6, s7  }
0x34: {  	vm9 =	vcmask $0x1F24;
	[tilespmem:s17], [sflag:$0x1] =	stream.linear.gather [hbm4b:s7+s2], $0x400, $0x38;
	[tilespmem:$0x10100] =	vst v63  }
0x35: {  	v16 =	vsel vm9, $0x0, v0;
	s7 =	sshll.u32 s18, $0x3;
	v15, _, _ =	vpop (xrf0)  }
0x36: {  	(xrf0) =	vadd.scan.msk.s32 $0xffff, v16;
	s7 =	sand.u32 $0x7FFFFC00, s7;
	(v2sf) =	vpush v15, $0xF  }
0x37: {  	s7 =	sadd.s32 s8, s7  }
0x38: {  	s7 =	sshrl.u32 s7, $0x3  }
0x39: {  	s19 =	simm.s32 $0x1080;
	s7 =	sadd.s32 s6, s7  }
0x3a: {  	vm8 =	vcmask $0x2328;
	[tilespmem:s19], [sflag:$0x1] =	stream.linear.gather [hbm4b:s7+s2], $0x400, $0x38;
	[tilespmem:$0x10100] =	vst v63  }
0x3b: {  	v17 =	vsel vm8, $0x0, v0;
	s20 =	spop (v2sf)  }
0x3c: {  	v4, _, _ =	vpop (xrf0);
	(xrf0) =	vadd.scan.msk.s32 $0xffff, v17;
	s7 =	sshll.u32 s20, $0x3  }
0x3d: {  	(v2sf) =	vpush v4, $0xF;
	s7 =	sand.u32 $0x7FFFFC00, s7  }
0x3e: {  	s7 =	sadd.s32 s8, s7  }
0x3f: {  	s7 =	sshrl.u32 s7, $0x3  }
0x40: {  	s21 =	simm.s32 $0x1480;
	vm10 =	vcmask $0x272C;
	s22 =	spop (v2sf);
	s7 =	sadd.s32 s6, s7  }
0x41: {  	v19 =	vsel vm10, $0x0, v0;
	[tilespmem:s21], [sflag:$0x1] =	stream.linear.gather [hbm4b:s7+s2], $0x400, $0x38;
	[tilespmem:$0x10100] =	vst v63  }
0x42: {  	v18, _, _ =	vpop (xrf0);
	(xrf0) =	vadd.scan.msk.s32 $0xffff, v19;
	s7 =	sshll.u32 s22, $0x3  }
0x43: {  	s7 =	sand.u32 $0x7FFFFC00, s7  }
0x44: {  	s7 =	sadd.s32 s8, s7  }
0x45: {  	s24 =	spop (v2sf);
	(v2sf) =	vpush v18, $0xF;
	s7 =	sshrl.u32 s7, $0x3  }
0x46: {  	s23 =	simm.s32 $0x1880;
	vm11 =	vcmask $0x2B30;
	s7 =	sadd.s32 s6, s7  }
0x47: {  	v21 =	vsel vm11, $0x0, v0;
	[tilespmem:s23], [sflag:$0x1] =	stream.linear.gather [hbm4b:s7+s2], $0x400, $0x38;
	[tilespmem:$0x10100] =	vst v63  }
0x48: {  	v20, _, _ =	vpop (xrf0);
	(xrf0) =	vadd.scan.msk.s32 $0xffff, v21;
	s7 =	sshll.u32 s24, $0x3  }
0x49: {  	s7 =	sand.u32 $0x7FFFFC00, s7  }
0x4a: {  	(v2sf) =	vpush v20, $0xF;
	s7 =	sadd.s32 s8, s7  }
0x4b: {  	s7 =	sshrl.u32 s7, $0x3  }
0x4c: {  	s25 =	simm.s32 $0x1C80;
	s7 =	sadd.s32 s6, s7;
	s26 =	spop (v2sf)  }
0x4d: {  	vm12 =	vcmask $0x2F34;
	[tilespmem:s25], [sflag:$0x1] =	stream.linear.gather [hbm4b:s7+s2], $0x400, $0x38;
	[tilespmem:$0x10100] =	vst v63  }
0x4e: {  	v23 =	vsel vm12, $0x0, v0;
	v22, _, _ =	vpop (xrf0);
	s28 =	sshll.u32 s26, $0x3  }
0x4f: {  	s29 =	sadd.s32 $0xC3800, s8;
	(xrf0) =	vadd.scan.msk.s32 $0xffff, v23;
	(v2sf) =	vpush v22, $0xF;
	s9 =	sand.u32 $0x7FFFFC00, s28  }
0x50: {  	s9 =	sadd.s32 s29, s9  }
0x51: {  	s9 =	sshrl.u32 s9, $0x3  }
0x52: {  	s10 =	simm.s32 $0x2080;
	s9 =	sadd.s32 s6, s9  }
0x53: {  	[tilespmem:s10], [sflag:$0x1] =	stream.linear.gather [hbm4b:s9+s2], $0x400, $0x38;
	[tilespmem:$0x10100] =	vst v63  }
0x54: {  	vm13 =	vcmask $0x3338;
	s30 =	spop (v2sf)  }
0x55: {  	v24 =	vsel vm13, $0x0, v0;
	v4, _, _ =	vpop (xrf0);
	s9 =	sshll.u32 s30, $0x3  }
0x56: {  	(xrf0) =	vadd.scan.msk.s32 $0xffff, v24;
	(v2sf) =	vpush v4, $0xF;
	s9 =	sand.u32 $0x7FFFFC00, s9  }
0x57: {  	s9 =	sadd.s32 s29, s9  }
0x58: {  	s9 =	sshrl.u32 s9, $0x3  }
0x59: {  	s31 =	simm.s32 $0x2480;
	s10 =	spop (v2sf);
	s9 =	sadd.s32 s6, s9  }
0x5a: {  	vm15 =	vcmask $0x373C;
	[tilespmem:s31], [sflag:$0x1] =	stream.linear.gather [hbm4b:s9+s2], $0x400, $0x38;
	[tilespmem:$0x10100] =	vst v63  }
0x5b: {  	v26 =	vsel vm15, $0x0, v0;
	s9 =	sshll.u32 s10, $0x3  }
0x5c: {  	v25, _, _ =	vpop (xrf0);
	(xrf0) =	vadd.scan.msk.s32 $0xffff, v26;
	s9 =	sand.u32 $0x7FFFFC00, s9  }
0x5d: {  	s9 =	sadd.s32 s29, s9  }
0x5e: {  	s9 =	sshrl.u32 s9, $0x3;
	s12 =	spop (v2sf);
	(v2sf) =	vpush v25, $0xF  }
0x5f: {  	s11 =	simm.s32 $0x2880;
	s9 =	sadd.s32 s6, s9  }
0x60: {  	vm14 =	vmmov $0x7fff;
	[tilespmem:s11], [sflag:$0x1] =	stream.linear.gather [hbm4b:s9+s2], $0x400, $0x38;
	[tilespmem:$0x10100] =	vst v63  }
0x61: {  	v28 =	vsel vm14, $0x0, v0;
	s9 =	sshll.u32 s12, $0x3  }
0x62: {  	v27, _, _ =	vpop (xrf0);
	(xrf0) =	vadd.scan.msk.s32 $0xffff, v28;
	s9 =	sand.u32 $0x7FFFFC00, s9  }
0x63: {  	(v2sf) =	vpush v27, $0xF;
	s9 =	sadd.s32 s29, s9  }
0x64: {  	s9 =	sshrl.u32 s9, $0x3  }
0x65: {  	s13 =	simm.s32 $0x2C80;
	s9 =	sadd.s32 s6, s9;
	s14 =	spop (v2sf)  }
0x66: {  	[tilespmem:s13], [sflag:$0x1] =	stream.linear.gather [hbm4b:s9+s2], $0x400, $0x38;
	[tilespmem:$0x10100] =	vst v63  }
0x67: {  	s9 =	sshll.u32 s14, $0x3  }
0x68: {  	s9 =	sand.u32 $0x7FFFFC00, s9;
	v29, _, _ =	vpop (xrf0)  }
0x69: {  	s9 =	sadd.s32 s29, s9;
	(v2sf) =	vpush v29, $0xF  }
0x6a: {  	s9 =	sshrl.u32 s9, $0x3  }
0x6b: {  	s15 =	simm.s32 $0x3080;
	s9 =	sadd.s32 s6, s9  }
0x6c: {  	[tilespmem:s15], [sflag:$0x1] =	stream.linear.gather [hbm4b:s9+s2], $0x400, $0x38;
	[tilespmem:$0x10100] =	vst v63  }
0x6d: {  	s16 =	spop (v2sf)  }
0x6e: {  	s9 =	sshll.u32 s16, $0x3  }
0x6f: {  	s9 =	sand.u32 $0x7FFFFC00, s9  }
0x70: {  	s9 =	sadd.s32 s29, s9  }
0x71: {  	s9 =	sshrl.u32 s9, $0x3  }
0x72: {  	s17 =	simm.s32 $0x3480;
	s18 =	spop (v2sf);
	s9 =	sadd.s32 s6, s9  }
0x73: {  	[tilespmem:s17], [sflag:$0x1] =	stream.linear.gather [hbm4b:s9+s2], $0x400, $0x38;
	[tilespmem:$0x10100] =	vst v63  }
0x74: {  	s9 =	sshll.u32 s18, $0x3  }
0x75: {  	s9 =	sand.u32 $0x7FFFFC00, s9  }
0x76: {  	s9 =	sadd.s32 s29, s9  }
0x77: {  	s9 =	sshrl.u32 s9, $0x3  }
0x78: {  	s19 =	simm.s32 $0x3880;
	s20 =	spop (v2sf);
	s9 =	sadd.s32 s6, s9  }
0x79: {  	[tilespmem:s19], [sflag:$0x1] =	stream.linear.gather [hbm4b:s9+s2], $0x400, $0x38;
	[tilespmem:$0x10100] =	vst v63  }
0x7a: {  	s9 =	sshll.u32 s20, $0x3  }
0x7b: {  	s9 =	sand.u32 $0x7FFFFC00, s9  }
0x7c: {  	s7 =	sadd.s32 s29, s9  }
0x7d: {  	s7 =	sshrl.u32 s7, $0x3  }
0x7e: {  	s21 =	simm.s32 $0x3C80;
	s7 =	sadd.s32 s6, s7  }
0x7f: {  	[tilespmem:s21], [sflag:$0x1] =	stream.linear.gather [hbm4b:s7+s2], $0x400, $0x38;
	[tilespmem:$0x10100] =	vst v63  }
0x80: {  	s7 =	simm.s32 $0x1  }
0x81: {  	_ =	swait.ge [sflag:s7], $0x400  }
0x82: {  	[sflag:s7] =	ssyncset.done $0x0  }
0x83: {  	[sflag:s7] =	ssyncadd.s32 $0xFFFFFC00  }
0x84: {  	_ =	swait.ge [sflag:s7], $0x400  }
0x85: {  	[sflag:s7] =	ssyncset.done $0x0  }
0x86: {  	[sflag:s7] =	ssyncadd.s32 $0xFFFFFC00  }
0x87: {  	_ =	swait.ge [sflag:s7], $0x400  }
0x88: {  	[sflag:s7] =	ssyncset.done $0x0  }
0x89: {  	[sflag:s7] =	ssyncadd.s32 $0xFFFFFC00  }
0x8a: {  	_ =	swait.ge [sflag:s7], $0x400  }
0x8b: {  	[sflag:s7] =	ssyncset.done $0x0  }
0x8c: {  	[sflag:s7] =	ssyncadd.s32 $0xFFFFFC00  }
0x8d: {  	_ =	swait.ge [sflag:s7], $0x400  }
0x8e: {  	[sflag:s7] =	ssyncset.done $0x0  }
0x8f: {  	[sflag:s7] =	ssyncadd.s32 $0xFFFFFC00  }
0x90: {  	_ =	swait.ge [sflag:s7], $0x400  }
0x91: {  	[sflag:s7] =	ssyncset.done $0x0  }
0x92: {  	[sflag:s7] =	ssyncadd.s32 $0xFFFFFC00  }
0x93: {  	_ =	swait.ge [sflag:s7], $0x400  }
0x94: {  	[sflag:s7] =	ssyncset.done $0x0  }
0x95: {  	[sflag:s7] =	ssyncadd.s32 $0xFFFFFC00  }
0x96: {  	_ =	swait.ge [sflag:s7], $0x400  }
0x97: {  	[sflag:s7] =	ssyncset.done $0x0  }
0x98: {  	[sflag:s7] =	ssyncadd.s32 $0xFFFFFC00  }
0x99: {  	_ =	swait.ge [sflag:s7], $0x400  }
0x9a: {  	[sflag:s7] =	ssyncset.done $0x0  }
0x9b: {  	[sflag:s7] =	ssyncadd.s32 $0xFFFFFC00  }
0x9c: {  	_ =	swait.ge [sflag:s7], $0x400  }
0x9d: {  	[sflag:s7] =	ssyncset.done $0x0  }
0x9e: {  	[sflag:s7] =	ssyncadd.s32 $0xFFFFFC00  }
0x9f: {  	_ =	swait.ge [sflag:s7], $0x400  }
0xa0: {  	[sflag:s7] =	ssyncset.done $0x0  }
0xa1: {  	[sflag:s7] =	ssyncadd.s32 $0xFFFFFC00  }
0xa2: {  	_ =	swait.ge [sflag:s7], $0x400  }
0xa3: {  	[sflag:s7] =	ssyncset.done $0x0  }
0xa4: {  	[sflag:s7] =	ssyncadd.s32 $0xFFFFFC00  }
0xa5: {  	_ =	swait.ge [sflag:s7], $0x400  }
0xa6: {  	[sflag:s7] =	ssyncset.done $0x0  }
0xa7: {  	[sflag:s7] =	ssyncadd.s32 $0xFFFFFC00  }
0xa8: {  	_ =	swait.ge [sflag:s7], $0x400  }
0xa9: {  	[sflag:s7] =	ssyncset.done $0x0  }
0xaa: {  	[sflag:s7] =	ssyncadd.s32 $0xFFFFFC00  }
0xab: {  	_ =	swait.ge [sflag:s7], $0x400  }
0xac: {  	[sflag:s7] =	ssyncset.done $0x0  }
0xad: {  	[sflag:s7] =	ssyncadd.s32 $0xFFFFFC00  }
0xae: {  	v30 =	vnsel vm1, $0x0, v3;
	_ =	swait.ge [sflag:s7], $0x400  }
0xaf: {  	(xrf0) =	vadd.scan.msk.s32 $0xffff, v30;
	_ =	sdelay $0x5  }
0xb0: {  	v31 =	vsel vm0, $0x0, v3;
	v4, _, _ =	vpop (xrf0)  }
0xb1: {  	(xrf0) =	vadd.scan.msk.s32 $0xffff, v31;
	(v2sf) =	vpush v4, $0xF;
	_ =	sdelay $0x4  }
0xb2: {  	v33 =	vsel vm2, $0x0, v3  }
0xb3: {  	v32, _, _ =	vpop (xrf0);
	(xrf0) =	vadd.scan.msk.s32 $0xffff, v33  }
0xb4: {  	(v2sf) =	vpush v32, $0xF;
	_ =	sdelay $0x3  }
0xb5: {  	v35 =	vsel vm3, $0x0, v3  }
0xb6: {  	v34, _, _ =	vpop (xrf0);
	(xrf0) =	vadd.scan.msk.s32 $0xffff, v35;
	_ =	sdelay $0x1  }
0xb7: {  	(v2sf) =	vpush v34, $0xF  }
0xb8: {  	s22 =	spop (v2sf)  }
0xb9: {  	s23 =	sshll.u32 s22, $0x3  }
0xba: {  	s24 =	sadd.s32 $0x187000, s8;
	s10 =	sand.u32 $0x7FFFFC00, s23  }
0xbb: {  	v37 =	vsel vm5, $0x0, v3;
	v36, _, _ =	vpop (xrf0);
	s10 =	sadd.s32 s24, s10  }
0xbc: {  	[sflag:s7] =	ssyncset.done $0x0;
	(xrf0) =	vadd.scan.msk.s32 $0xffff, v37;
	(v2sf) =	vpush v36, $0xF;
	s10 =	sshrl.u32 s10, $0x3  }
0xbd: {  	s11 =	simm.s32 $0x4080;
	[sflag:s7] =	ssyncadd.s32 $0xFFFFFC00;
	s10 =	sadd.s32 s6, s10  }
0xbe: {  	[tilespmem:s11], [sflag:$0x1] =	stream.linear.gather [hbm4b:s10+s2], $0x400, $0x38;
	[tilespmem:$0x10100] =	vst v63  }
0xbf: {  	s25 =	spop (v2sf)  }
0xc0: {  	s10 =	sshll.u32 s25, $0x3  }
0xc1: {  	v38 =	vsel vm4, $0x0, v3;
	s10 =	sand.u32 $0x7FFFFC00, s10  }
0xc2: {  	v4, _, _ =	vpop (xrf0);
	(xrf0) =	vadd.scan.msk.s32 $0xffff, v38;
	s10 =	sadd.s32 s24, s10  }
0xc3: {  	s10 =	sshrl.u32 s10, $0x3  }
0xc4: {  	s26 =	simm.s32 $0x4480;
	(v2sf) =	vpush v4, $0xF;
	s10 =	sadd.s32 s6, s10  }
0xc5: {  	[tilespmem:s26], [sflag:$0x1] =	stream.linear.gather [hbm4b:s10+s2], $0x400, $0x38;
	[tilespmem:$0x10100] =	vst v63  }
0xc6: {  	s28 =	spop (v2sf)  }
0xc7: {  	v40 =	vsel vm6, $0x0, v3;
	s10 =	sshll.u32 s28, $0x3  }
0xc8: {  	s10 =	sand.u32 $0x7FFFFC00, s10;
	v39, _, _ =	vpop (xrf0);
	(xrf0) =	vadd.scan.msk.s32 $0xffff, v40  }
0xc9: {  	s10 =	sadd.s32 s24, s10  }
0xca: {  	s10 =	sshrl.u32 s10, $0x3  }
0xcb: {  	s29 =	simm.s32 $0x4880;
	s10 =	sadd.s32 s6, s10;
	s30 =	spop (v2sf);
	(v2sf) =	vpush v39, $0xF  }
0xcc: {  	[tilespmem:s29], [sflag:$0x1] =	stream.linear.gather [hbm4b:s10+s2], $0x400, $0x38;
	[tilespmem:$0x10100] =	vst v63  }
0xcd: {  	v42 =	vsel vm7, $0x0, v3;
	s10 =	sshll.u32 s30, $0x3  }
0xce: {  	s10 =	sand.u32 $0x7FFFFC00, s10;
	v41, _, _ =	vpop (xrf0);
	(xrf0) =	vadd.scan.msk.s32 $0xffff, v42  }
0xcf: {  	s10 =	sadd.s32 s24, s10  }
0xd0: {  	(v2sf) =	vpush v41, $0xF;
	s10 =	sshrl.u32 s10, $0x3  }
0xd1: {  	s31 =	simm.s32 $0x4C80;
	s10 =	sadd.s32 s6, s10  }
0xd2: {  	[tilespmem:s31], [sflag:$0x1] =	stream.linear.gather [hbm4b:s10+s2], $0x400, $0x38;
	[tilespmem:$0x10100] =	vst v63  }
0xd3: {  	s11 =	spop (v2sf)  }
0xd4: {  	v44 =	vsel vm9, $0x0, v3;
	s10 =	sshll.u32 s11, $0x3;
	v43, _, _ =	vpop (xrf0)  }
0xd5: {  	s10 =	sand.u32 $0x7FFFFC00, s10;
	(xrf0) =	vadd.scan.msk.s32 $0xffff, v44;
	(v2sf) =	vpush v43, $0xF  }
0xd6: {  	s10 =	sadd.s32 s24, s10  }
0xd7: {  	s10 =	sshrl.u32 s10, $0x3  }
0xd8: {  	s12 =	simm.s32 $0x5080;
	s10 =	sadd.s32 s6, s10  }
0xd9: {  	[tilespmem:s12], [sflag:$0x1] =	stream.linear.gather [hbm4b:s10+s2], $0x400, $0x38;
	[tilespmem:$0x10100] =	vst v63  }
0xda: {  	v45 =	vsel vm8, $0x0, v3;
	s13 =	spop (v2sf)  }
0xdb: {  	v4, _, _ =	vpop (xrf0);
	(xrf0) =	vadd.scan.msk.s32 $0xffff, v45;
	s10 =	sshll.u32 s13, $0x3  }
0xdc: {  	(v2sf) =	vpush v4, $0xF;
	s10 =	sand.u32 $0x7FFFFC00, s10  }
0xdd: {  	s10 =	sadd.s32 s24, s10  }
0xde: {  	s10 =	sshrl.u32 s10, $0x3  }
0xdf: {  	s14 =	simm.s32 $0x5480;
	s15 =	spop (v2sf);
	s10 =	sadd.s32 s6, s10  }
0xe0: {  	v47 =	vsel vm10, $0x0, v3;
	[tilespmem:s14], [sflag:$0x1] =	stream.linear.gather [hbm4b:s10+s2], $0x400, $0x38;
	[tilespmem:$0x10100] =	vst v63  }
0xe1: {  	v46, _, _ =	vpop (xrf0);
	(xrf0) =	vadd.scan.msk.s32 $0xffff, v47;
	s10 =	sshll.u32 s15, $0x3  }
0xe2: {  	s10 =	sand.u32 $0x7FFFFC00, s10  }
0xe3: {  	s10 =	sadd.s32 s24, s10  }
0xe4: {  	s10 =	sshrl.u32 s10, $0x3;
	s17 =	spop (v2sf);
	(v2sf) =	vpush v46, $0xF  }
0xe5: {  	s16 =	simm.s32 $0x5880;
	s10 =	sadd.s32 s6, s10  }
0xe6: {  	v49 =	vsel vm11, $0x0, v3;
	[tilespmem:s16], [sflag:$0x1] =	stream.linear.gather [hbm4b:s10+s2], $0x400, $0x38;
	[tilespmem:$0x10100] =	vst v63  }
0xe7: {  	s10 =	sshll.u32 s17, $0x3;
	v48, _, _ =	vpop (xrf0);
	(xrf0) =	vadd.scan.msk.s32 $0xffff, v49  }
0xe8: {  	s10 =	sand.u32 $0x7FFFFC00, s10  }
0xe9: {  	(v2sf) =	vpush v48, $0xF;
	s9 =	sadd.s32 s24, s10  }
0xea: {  	s9 =	sshrl.u32 s9, $0x3  }
0xeb: {  	s18 =	simm.s32 $0x5C80;
	s9 =	sadd.s32 s6, s9;
	s19 =	spop (v2sf)  }
0xec: {  	[tilespmem:s18], [sflag:$0x1] =	stream.linear.gather [hbm4b:s9+s2], $0x400, $0x38;
	[tilespmem:$0x10100] =	vst v63  }
0xed: {  	v51 =	vsel vm12, $0x0, v3;
	s20 =	sshll.u32 s19, $0x3;
	v50, _, _ =	vpop (xrf0)  }
0xee: {  	s21 =	sadd.s32 $0x24A800, s8;
	s10 =	sand.u32 $0x7FFFFC00, s20;
	(xrf0) =	vadd.scan.msk.s32 $0xffff, v51;
	(v2sf) =	vpush v50, $0xF  }
0xef: {  	s10 =	sadd.s32 s21, s10  }
0xf0: {  	s10 =	sshrl.u32 s10, $0x3  }
0xf1: {  	s22 =	simm.s32 $0x6080;
	s10 =	sadd.s32 s6, s10  }
0xf2: {  	[tilespmem:s22], [sflag:$0x1] =	stream.linear.gather [hbm4b:s10+s2], $0x400, $0x38;
	[tilespmem:$0x10100] =	vst v63  }
0xf3: {  	s23 =	spop (v2sf)  }
0xf4: {  	v52 =	vsel vm13, $0x0, v3;
	v4, _, _ =	vpop (xrf0);
	s10 =	sshll.u32 s23, $0x3  }
0xf5: {  	(xrf0) =	vadd.scan.msk.s32 $0xffff, v52;
	(v2sf) =	vpush v4, $0xF;
	s10 =	sand.u32 $0x7FFFFC00, s10  }
0xf6: {  	s10 =	sadd.s32 s21, s10  }
0xf7: {  	s10 =	sshrl.u32 s10, $0x3  }
0xf8: {  	s24 =	simm.s32 $0x6480;
	s25 =	spop (v2sf);
	s10 =	sadd.s32 s6, s10  }
0xf9: {  	[tilespmem:s24], [sflag:$0x1] =	stream.linear.gather [hbm4b:s10+s2], $0x400, $0x38;
	[tilespmem:$0x10100] =	vst v63  }
0xfa: {  	v54 =	vsel vm15, $0x0, v3;
	s10 =	sshll.u32 s25, $0x3  }
0xfb: {  	v53, _, _ =	vpop (xrf0);
	(xrf0) =	vadd.scan.msk.s32 $0xffff, v54;
	s10 =	sand.u32 $0x7FFFFC00, s10  }
0xfc: {  	s10 =	sadd.s32 s21, s10  }
0xfd: {  	s10 =	sshrl.u32 s10, $0x3;
	s28 =	spop (v2sf);
	(v2sf) =	vpush v53, $0xF  }
0xfe: {  	s26 =	simm.s32 $0x6880;
	s10 =	sadd.s32 s6, s10  }
0xff: {  	[tilespmem:s26], [sflag:$0x1] =	stream.linear.gather [hbm4b:s10+s2], $0x400, $0x38;
	[tilespmem:$0x10100] =	vst v63  }
0x100: {  	v56 =	vsel vm14, $0x0, v3;
	s10 =	sshll.u32 s28, $0x3  }
0x101: {  	v55, _, _ =	vpop (xrf0);
	(xrf0) =	vadd.scan.msk.s32 $0xffff, v56;
	s10 =	sand.u32 $0x7FFFFC00, s10  }
0x102: {  	(v2sf) =	vpush v55, $0xF;
	s10 =	sadd.s32 s21, s10  }
0x103: {  	s10 =	sshrl.u32 s10, $0x3  }
0x104: {  	s29 =	simm.s32 $0x6C80;
	s10 =	sadd.s32 s6, s10;
	s30 =	spop (v2sf)  }
0x105: {  	[tilespmem:s29], [sflag:$0x1] =	stream.linear.gather [hbm4b:s10+s2], $0x400, $0x38;
	[tilespmem:$0x10100] =	vst v63  }
0x106: {  	s10 =	sshll.u32 s30, $0x3  }
0x107: {  	s10 =	sand.u32 $0x7FFFFC00, s10;
	v57, _, _ =	vpop (xrf0)  }
0x108: {  	s10 =	sadd.s32 s21, s10;
	(v2sf) =	vpush v57, $0xF  }
0x109: {  	s10 =	sshrl.u32 s10, $0x3  }
0x10a: {  	s31 =	simm.s32 $0x7080;
	s10 =	sadd.s32 s6, s10  }
0x10b: {  	[tilespmem:s31], [sflag:$0x1] =	stream.linear.gather [hbm4b:s10+s2], $0x400, $0x38;
	[tilespmem:$0x10100] =	vst v63  }
0x10c: {  	s11 =	spop (v2sf)  }
0x10d: {  	s10 =	sshll.u32 s11, $0x3  }
0x10e: {  	s10 =	sand.u32 $0x7FFFFC00, s10  }
0x10f: {  	s10 =	sadd.s32 s21, s10  }
0x110: {  	s10 =	sshrl.u32 s10, $0x3  }
0x111: {  	s12 =	simm.s32 $0x7480;
	s13 =	spop (v2sf);
	s10 =	sadd.s32 s6, s10  }
0x112: {  	[tilespmem:s12], [sflag:$0x1] =	stream.linear.gather [hbm4b:s10+s2], $0x400, $0x38;
	[tilespmem:$0x10100] =	vst v63  }
0x113: {  	s10 =	sshll.u32 s13, $0x3  }
0x114: {  	s10 =	sand.u32 $0x7FFFFC00, s10  }
0x115: {  	s10 =	sadd.s32 s21, s10  }
0x116: {  	s10 =	sshrl.u32 s10, $0x3  }
0x117: {  	s14 =	simm.s32 $0x7880;
	s15 =	spop (v2sf);
	s10 =	sadd.s32 s6, s10  }
0x118: {  	[tilespmem:s14], [sflag:$0x1] =	stream.linear.gather [hbm4b:s10+s2], $0x400, $0x38;
	[tilespmem:$0x10100] =	vst v63  }
0x119: {  	s10 =	sshll.u32 s15, $0x3  }
0x11a: {  	s10 =	sand.u32 $0x7FFFFC00, s10  }
0x11b: {  	s9 =	sadd.s32 s21, s10  }
0x11c: {  	s9 =	sshrl.u32 s9, $0x3  }
0x11d: {  	s16 =	simm.s32 $0x7C80;
	s9 =	sadd.s32 s6, s9  }
0x11e: {  	[tilespmem:s16], [sflag:$0x1] =	stream.linear.gather [hbm4b:s9+s2], $0x400, $0x38;
	[tilespmem:$0x10100] =	vst v63  }
0x11f: {  	_ =	swait.ge [sflag:s7], $0x400  }
0x120: {  	[sflag:s7] =	ssyncset.done $0x0  }
0x121: {  	[sflag:s7] =	ssyncadd.s32 $0xFFFFFC00  }
0x122: {  	_ =	swait.ge [sflag:s7], $0x400  }
0x123: {  	[sflag:s7] =	ssyncset.done $0x0  }
0x124: {  	[sflag:s7] =	ssyncadd.s32 $0xFFFFFC00  }
0x125: {  	_ =	swait.ge [sflag:s7], $0x400  }
0x126: {  	[sflag:s7] =	ssyncset.done $0x0  }
0x127: {  	[sflag:s7] =	ssyncadd.s32 $0xFFFFFC00  }
0x128: {  	_ =	swait.ge [sflag:s7], $0x400  }
0x129: {  	[sflag:s7] =	ssyncset.done $0x0  }
0x12a: {  	[sflag:s7] =	ssyncadd.s32 $0xFFFFFC00  }
0x12b: {  	_ =	swait.ge [sflag:s7], $0x400  }
0x12c: {  	[sflag:s7] =	ssyncset.done $0x0  }
0x12d: {  	[sflag:s7] =	ssyncadd.s32 $0xFFFFFC00  }
0x12e: {  	_ =	swait.ge [sflag:s7], $0x400  }
0x12f: {  	[sflag:s7] =	ssyncset.done $0x0  }
0x130: {  	[sflag:s7] =	ssyncadd.s32 $0xFFFFFC00  }
0x131: {  	_ =	swait.ge [sflag:s7], $0x400  }
0x132: {  	[sflag:s7] =	ssyncset.done $0x0  }
0x133: {  	[sflag:s7] =	ssyncadd.s32 $0xFFFFFC00  }
0x134: {  	_ =	swait.ge [sflag:s7], $0x400  }
0x135: {  	[sflag:s7] =	ssyncset.done $0x0  }
0x136: {  	[sflag:s7] =	ssyncadd.s32 $0xFFFFFC00  }
0x137: {  	_ =	swait.ge [sflag:s7], $0x400  }
0x138: {  	[sflag:s7] =	ssyncset.done $0x0  }
0x139: {  	[sflag:s7] =	ssyncadd.s32 $0xFFFFFC00  }
0x13a: {  	_ =	swait.ge [sflag:s7], $0x400  }
0x13b: {  	[sflag:s7] =	ssyncset.done $0x0  }
0x13c: {  	[sflag:s7] =	ssyncadd.s32 $0xFFFFFC00  }
0x13d: {  	_ =	swait.ge [sflag:s7], $0x400  }
0x13e: {  	[sflag:s7] =	ssyncset.done $0x0  }
0x13f: {  	[sflag:s7] =	ssyncadd.s32 $0xFFFFFC00  }
0x140: {  	_ =	swait.ge [sflag:s7], $0x400  }
0x141: {  	[sflag:s7] =	ssyncset.done $0x0  }
0x142: {  	[sflag:s7] =	ssyncadd.s32 $0xFFFFFC00  }
0x143: {  	_ =	swait.ge [sflag:s7], $0x400  }
0x144: {  	[sflag:s7] =	ssyncset.done $0x0  }
0x145: {  	[sflag:s7] =	ssyncadd.s32 $0xFFFFFC00  }
0x146: {  	_ =	swait.ge [sflag:s7], $0x400  }
0x147: {  	[sflag:s7] =	ssyncset.done $0x0  }
0x148: {  	[sflag:s7] =	ssyncadd.s32 $0xFFFFFC00  }
0x149: {  	_ =	swait.ge [sflag:s7], $0x400  }
0x14a: {  	[sflag:s7] =	ssyncset.done $0x0  }
0x14b: {  	[sflag:s7] =	ssyncadd.s32 $0xFFFFFC00  }
0x14c: {  	v58 =	vnsel vm1, $0x0, v2;
	_ =	swait.ge [sflag:s7], $0x400  }
0x14d: {  	(xrf0) =	vadd.scan.msk.s32 $0xffff, v58;
	_ =	sdelay $0x5  }
0x14e: {  	v59 =	vsel vm0, $0x0, v2;
	v4, _, _ =	vpop (xrf0)  }
0x14f: {  	(xrf0) =	vadd.scan.msk.s32 $0xffff, v59;
	(v2sf) =	vpush v4, $0xF;
	_ =	sdelay $0x4  }
0x150: {  	v61 =	vsel vm2, $0x0, v2  }
0x151: {  	v60, _, _ =	vpop (xrf0);
	(xrf0) =	vadd.scan.msk.s32 $0xffff, v61  }
0x152: {  	(v2sf) =	vpush v60, $0xF;
	_ =	sdelay $0x3  }
0x153: {  	v63 =	vsel vm3, $0x0, v2  }
0x154: {  	v62, _, _ =	vpop (xrf0);
	(xrf0) =	vadd.scan.msk.s32 $0xffff, v63;
	_ =	sdelay $0x1  }
0x155: {  	(v2sf) =	vpush v62, $0xF  }
0x156: {  	s17 =	spop (v2sf)  }
0x157: {  	s18 =	sshll.u32 s17, $0x3  }
0x158: {  	s19 =	sadd.s32 $0x30E000, s8;
	s10 =	sand.u32 $0x7FFFFC00, s18  }
0x159: {  	v9 =	vsel vm5, $0x0, v2;
	v8, _, _ =	vpop (xrf0);
	s10 =	sadd.s32 s19, s10  }
0x15a: {  	[sflag:s7] =	ssyncset.done $0x0;
	(xrf0) =	vadd.scan.msk.s32 $0xffff, v9;
	(v2sf) =	vpush v8, $0xF;
	s10 =	sshrl.u32 s10, $0x3  }
0x15b: {  	s20 =	simm.s32 $0x8080;
	[sflag:s7] =	ssyncadd.s32 $0xFFFFFC00;
	s10 =	sadd.s32 s6, s10  }
0x15c: {  	[tilespmem:s20], [sflag:$0x1] =	stream.linear.gather [hbm4b:s10+s2], $0x400, $0x38;
	[tilespmem:$0x10100] =	vst v63  }
0x15d: {  	s21 =	spop (v2sf)  }
0x15e: {  	s10 =	sshll.u32 s21, $0x3  }
0x15f: {  	v10 =	vsel vm4, $0x0, v2;
	s10 =	sand.u32 $0x7FFFFC00, s10  }
0x160: {  	v4, _, _ =	vpop (xrf0);
	(xrf0) =	vadd.scan.msk.s32 $0xffff, v10;
	s10 =	sadd.s32 s19, s10  }
0x161: {  	s10 =	sshrl.u32 s10, $0x3  }
0x162: {  	s22 =	simm.s32 $0x8480;
	(v2sf) =	vpush v4, $0xF;
	s10 =	sadd.s32 s6, s10  }
0x163: {  	[tilespmem:s22], [sflag:$0x1] =	stream.linear.gather [hbm4b:s10+s2], $0x400, $0x38;
	[tilespmem:$0x10100] =	vst v63  }
0x164: {  	s23 =	spop (v2sf)  }
0x165: {  	v12 =	vsel vm6, $0x0, v2;
	s10 =	sshll.u32 s23, $0x3  }
0x166: {  	s10 =	sand.u32 $0x7FFFFC00, s10;
	v11, _, _ =	vpop (xrf0);
	(xrf0) =	vadd.scan.msk.s32 $0xffff, v12  }
0x167: {  	s10 =	sadd.s32 s19, s10  }
0x168: {  	s10 =	sshrl.u32 s10, $0x3  }
0x169: {  	s24 =	simm.s32 $0x8880;
	s10 =	sadd.s32 s6, s10;
	s25 =	spop (v2sf);
	(v2sf) =	vpush v11, $0xF  }
0x16a: {  	[tilespmem:s24], [sflag:$0x1] =	stream.linear.gather [hbm4b:s10+s2], $0x400, $0x38;
	[tilespmem:$0x10100] =	vst v63  }
0x16b: {  	v14 =	vsel vm7, $0x0, v2;
	s10 =	sshll.u32 s25, $0x3  }
0x16c: {  	s10 =	sand.u32 $0x7FFFFC00, s10;
	v13, _, _ =	vpop (xrf0);
	(xrf0) =	vadd.scan.msk.s32 $0xffff, v14  }
0x16d: {  	s10 =	sadd.s32 s19, s10  }
0x16e: {  	(v2sf) =	vpush v13, $0xF;
	s10 =	sshrl.u32 s10, $0x3  }
0x16f: {  	s26 =	simm.s32 $0x8C80;
	s10 =	sadd.s32 s6, s10  }
0x170: {  	[tilespmem:s26], [sflag:$0x1] =	stream.linear.gather [hbm4b:s10+s2], $0x400, $0x38;
	[tilespmem:$0x10100] =	vst v63  }
0x171: {  	s28 =	spop (v2sf)  }
0x172: {  	v16 =	vsel vm9, $0x0, v2;
	s10 =	sshll.u32 s28, $0x3;
	v15, _, _ =	vpop (xrf0)  }
0x173: {  	s10 =	sand.u32 $0x7FFFFC00, s10;
	(xrf0) =	vadd.scan.msk.s32 $0xffff, v16;
	(v2sf) =	vpush v15, $0xF  }
0x174: {  	s10 =	sadd.s32 s19, s10  }
0x175: {  	s10 =	sshrl.u32 s10, $0x3  }
0x176: {  	s29 =	simm.s32 $0x9080;
	s10 =	sadd.s32 s6, s10  }
0x177: {  	[tilespmem:s29], [sflag:$0x1] =	stream.linear.gather [hbm4b:s10+s2], $0x400, $0x38;
	[tilespmem:$0x10100] =	vst v63  }
0x178: {  	v17 =	vsel vm8, $0x0, v2;
	s30 =	spop (v2sf)  }
0x179: {  	v4, _, _ =	vpop (xrf0);
	(xrf0) =	vadd.scan.msk.s32 $0xffff, v17;
	s10 =	sshll.u32 s30, $0x3  }
0x17a: {  	(v2sf) =	vpush v4, $0xF;
	s10 =	sand.u32 $0x7FFFFC00, s10  }
0x17b: {  	s10 =	sadd.s32 s19, s10  }
0x17c: {  	s10 =	sshrl.u32 s10, $0x3  }
0x17d: {  	s31 =	simm.s32 $0x9480;
	s11 =	spop (v2sf);
	s10 =	sadd.s32 s6, s10  }
0x17e: {  	v19 =	vsel vm10, $0x0, v2;
	[tilespmem:s31], [sflag:$0x1] =	stream.linear.gather [hbm4b:s10+s2], $0x400, $0x38;
	[tilespmem:$0x10100] =	vst v63  }
0x17f: {  	v18, _, _ =	vpop (xrf0);
	(xrf0) =	vadd.scan.msk.s32 $0xffff, v19;
	s10 =	sshll.u32 s11, $0x3  }
0x180: {  	s10 =	sand.u32 $0x7FFFFC00, s10  }
0x181: {  	s10 =	sadd.s32 s19, s10  }
0x182: {  	s10 =	sshrl.u32 s10, $0x3;
	s13 =	spop (v2sf);
	(v2sf) =	vpush v18, $0xF  }
0x183: {  	s12 =	simm.s32 $0x9880;
	s10 =	sadd.s32 s6, s10  }
0x184: {  	v21 =	vsel vm11, $0x0, v2;
	[tilespmem:s12], [sflag:$0x1] =	stream.linear.gather [hbm4b:s10+s2], $0x400, $0x38;
	[tilespmem:$0x10100] =	vst v63  }
0x185: {  	s10 =	sshll.u32 s13, $0x3;
	v20, _, _ =	vpop (xrf0);
	(xrf0) =	vadd.scan.msk.s32 $0xffff, v21  }
0x186: {  	s10 =	sand.u32 $0x7FFFFC00, s10  }
0x187: {  	(v2sf) =	vpush v20, $0xF;
	s9 =	sadd.s32 s19, s10  }
0x188: {  	s9 =	sshrl.u32 s9, $0x3  }
0x189: {  	s14 =	simm.s32 $0x9C80;
	s9 =	sadd.s32 s6, s9;
	s15 =	spop (v2sf)  }
0x18a: {  	[tilespmem:s14], [sflag:$0x1] =	stream.linear.gather [hbm4b:s9+s2], $0x400, $0x38;
	[tilespmem:$0x10100] =	vst v63  }
0x18b: {  	v23 =	vsel vm12, $0x0, v2;
	s16 =	sshll.u32 s15, $0x3;
	v22, _, _ =	vpop (xrf0)  }
0x18c: {  	s17 =	sadd.s32 $0x3D1800, s8;
	s10 =	sand.u32 $0x7FFFFC00, s16;
	(xrf0) =	vadd.scan.msk.s32 $0xffff, v23;
	(v2sf) =	vpush v22, $0xF  }
0x18d: {  	s10 =	sadd.s32 s17, s10  }
0x18e: {  	s10 =	sshrl.u32 s10, $0x3  }
0x18f: {  	s18 =	simm.s32 $0xA080;
	s10 =	sadd.s32 s6, s10  }
0x190: {  	[tilespmem:s18], [sflag:$0x1] =	stream.linear.gather [hbm4b:s10+s2], $0x400, $0x38;
	[tilespmem:$0x10100] =	vst v63  }
0x191: {  	s19 =	spop (v2sf)  }
0x192: {  	v24 =	vsel vm13, $0x0, v2;
	v4, _, _ =	vpop (xrf0);
	s10 =	sshll.u32 s19, $0x3  }
0x193: {  	(xrf0) =	vadd.scan.msk.s32 $0xffff, v24;
	(v2sf) =	vpush v4, $0xF;
	s10 =	sand.u32 $0x7FFFFC00, s10  }
0x194: {  	s10 =	sadd.s32 s17, s10  }
0x195: {  	s10 =	sshrl.u32 s10, $0x3  }
0x196: {  	s20 =	simm.s32 $0xA480;
	s21 =	spop (v2sf);
	s10 =	sadd.s32 s6, s10  }
0x197: {  	[tilespmem:s20], [sflag:$0x1] =	stream.linear.gather [hbm4b:s10+s2], $0x400, $0x38;
	[tilespmem:$0x10100] =	vst v63  }
0x198: {  	v26 =	vsel vm15, $0x0, v2;
	s10 =	sshll.u32 s21, $0x3  }
0x199: {  	v25, _, _ =	vpop (xrf0);
	(xrf0) =	vadd.scan.msk.s32 $0xffff, v26;
	s10 =	sand.u32 $0x7FFFFC00, s10  }
0x19a: {  	s10 =	sadd.s32 s17, s10  }
0x19b: {  	s10 =	sshrl.u32 s10, $0x3;
	s23 =	spop (v2sf);
	(v2sf) =	vpush v25, $0xF  }
0x19c: {  	s22 =	simm.s32 $0xA880;
	s10 =	sadd.s32 s6, s10  }
0x19d: {  	[tilespmem:s22], [sflag:$0x1] =	stream.linear.gather [hbm4b:s10+s2], $0x400, $0x38;
	[tilespmem:$0x10100] =	vst v63  }
0x19e: {  	v28 =	vsel vm14, $0x0, v2;
	s10 =	sshll.u32 s23, $0x3  }
0x19f: {  	v27, _, _ =	vpop (xrf0);
	(xrf0) =	vadd.scan.msk.s32 $0xffff, v28;
	s10 =	sand.u32 $0x7FFFFC00, s10  }
0x1a0: {  	(v2sf) =	vpush v27, $0xF;
	s10 =	sadd.s32 s17, s10  }
0x1a1: {  	s10 =	sshrl.u32 s10, $0x3  }
0x1a2: {  	s24 =	simm.s32 $0xAC80;
	s10 =	sadd.s32 s6, s10;
	s25 =	spop (v2sf)  }
0x1a3: {  	[tilespmem:s24], [sflag:$0x1] =	stream.linear.gather [hbm4b:s10+s2], $0x400, $0x38;
	[tilespmem:$0x10100] =	vst v63  }
0x1a4: {  	s10 =	sshll.u32 s25, $0x3  }
0x1a5: {  	s10 =	sand.u32 $0x7FFFFC00, s10;
	v29, _, _ =	vpop (xrf0)  }
0x1a6: {  	s10 =	sadd.s32 s17, s10;
	(v2sf) =	vpush v29, $0xF  }
0x1a7: {  	s10 =	sshrl.u32 s10, $0x3  }
0x1a8: {  	s26 =	simm.s32 $0xB080;
	s10 =	sadd.s32 s6, s10  }
0x1a9: {  	[tilespmem:s26], [sflag:$0x1] =	stream.linear.gather [hbm4b:s10+s2], $0x400, $0x38;
	[tilespmem:$0x10100] =	vst v63  }
0x1aa: {  	s28 =	spop (v2sf)  }
0x1ab: {  	s10 =	sshll.u32 s28, $0x3  }
0x1ac: {  	s10 =	sand.u32 $0x7FFFFC00, s10  }
0x1ad: {  	s10 =	sadd.s32 s17, s10  }
0x1ae: {  	s10 =	sshrl.u32 s10, $0x3  }
0x1af: {  	s29 =	simm.s32 $0xB480;
	s30 =	spop (v2sf);
	s10 =	sadd.s32 s6, s10  }
0x1b0: {  	[tilespmem:s29], [sflag:$0x1] =	stream.linear.gather [hbm4b:s10+s2], $0x400, $0x38;
	[tilespmem:$0x10100] =	vst v63  }
0x1b1: {  	s10 =	sshll.u32 s30, $0x3  }
0x1b2: {  	s10 =	sand.u32 $0x7FFFFC00, s10  }
0x1b3: {  	s10 =	sadd.s32 s17, s10  }
0x1b4: {  	s10 =	sshrl.u32 s10, $0x3  }
0x1b5: {  	s31 =	simm.s32 $0xB880;
	s11 =	spop (v2sf);
	s10 =	sadd.s32 s6, s10  }
0x1b6: {  	[tilespmem:s31], [sflag:$0x1] =	stream.linear.gather [hbm4b:s10+s2], $0x400, $0x38;
	[tilespmem:$0x10100] =	vst v63  }
0x1b7: {  	s10 =	sshll.u32 s11, $0x3  }
0x1b8: {  	s10 =	sand.u32 $0x7FFFFC00, s10  }
0x1b9: {  	s9 =	sadd.s32 s17, s10  }
0x1ba: {  	s9 =	sshrl.u32 s9, $0x3  }
0x1bb: {  	s12 =	simm.s32 $0xBC80;
	s9 =	sadd.s32 s6, s9  }
0x1bc: {  	[tilespmem:s12], [sflag:$0x1] =	stream.linear.gather [hbm4b:s9+s2], $0x400, $0x38;
	[tilespmem:$0x10100] =	vst v63  }
0x1bd: {  	_ =	swait.ge [sflag:s7], $0x400  }
0x1be: {  	[sflag:s7] =	ssyncset.done $0x0  }
0x1bf: {  	[sflag:s7] =	ssyncadd.s32 $0xFFFFFC00  }
0x1c0: {  	_ =	swait.ge [sflag:s7], $0x400  }
0x1c1: {  	[sflag:s7] =	ssyncset.done $0x0  }
0x1c2: {  	[sflag:s7] =	ssyncadd.s32 $0xFFFFFC00  }
0x1c3: {  	_ =	swait.ge [sflag:s7], $0x400  }
0x1c4: {  	[sflag:s7] =	ssyncset.done $0x0  }
0x1c5: {  	[sflag:s7] =	ssyncadd.s32 $0xFFFFFC00  }
0x1c6: {  	_ =	swait.ge [sflag:s7], $0x400  }
0x1c7: {  	[sflag:s7] =	ssyncset.done $0x0  }
0x1c8: {  	[sflag:s7] =	ssyncadd.s32 $0xFFFFFC00  }
0x1c9: {  	_ =	swait.ge [sflag:s7], $0x400  }
0x1ca: {  	[sflag:s7] =	ssyncset.done $0x0  }
0x1cb: {  	[sflag:s7] =	ssyncadd.s32 $0xFFFFFC00  }
0x1cc: {  	_ =	swait.ge [sflag:s7], $0x400  }
0x1cd: {  	[sflag:s7] =	ssyncset.done $0x0  }
0x1ce: {  	[sflag:s7] =	ssyncadd.s32 $0xFFFFFC00  }
0x1cf: {  	_ =	swait.ge [sflag:s7], $0x400  }
0x1d0: {  	[sflag:s7] =	ssyncset.done $0x0  }
0x1d1: {  	[sflag:s7] =	ssyncadd.s32 $0xFFFFFC00  }
0x1d2: {  	_ =	swait.ge [sflag:s7], $0x400  }
0x1d3: {  	[sflag:s7] =	ssyncset.done $0x0  }
0x1d4: {  	[sflag:s7] =	ssyncadd.s32 $0xFFFFFC00  }
0x1d5: {  	_ =	swait.ge [sflag:s7], $0x400  }
0x1d6: {  	[sflag:s7] =	ssyncset.done $0x0  }
0x1d7: {  	[sflag:s7] =	ssyncadd.s32 $0xFFFFFC00  }
0x1d8: {  	_ =	swait.ge [sflag:s7], $0x400  }
0x1d9: {  	[sflag:s7] =	ssyncset.done $0x0  }
0x1da: {  	[sflag:s7] =	ssyncadd.s32 $0xFFFFFC00  }
0x1db: {  	_ =	swait.ge [sflag:s7], $0x400  }
0x1dc: {  	[sflag:s7] =	ssyncset.done $0x0  }
0x1dd: {  	[sflag:s7] =	ssyncadd.s32 $0xFFFFFC00  }
0x1de: {  	_ =	swait.ge [sflag:s7], $0x400  }
0x1df: {  	[sflag:s7] =	ssyncset.done $0x0  }
0x1e0: {  	[sflag:s7] =	ssyncadd.s32 $0xFFFFFC00  }
0x1e1: {  	_ =	swait.ge [sflag:s7], $0x400  }
0x1e2: {  	[sflag:s7] =	ssyncset.done $0x0  }
0x1e3: {  	[sflag:s7] =	ssyncadd.s32 $0xFFFFFC00  }
0x1e4: {  	_ =	swait.ge [sflag:s7], $0x400  }
0x1e5: {  	[sflag:s7] =	ssyncset.done $0x0  }
0x1e6: {  	[sflag:s7] =	ssyncadd.s32 $0xFFFFFC00  }
0x1e7: {  	_ =	swait.ge [sflag:s7], $0x400  }
0x1e8: {  	[sflag:s7] =	ssyncset.done $0x0  }
0x1e9: {  	[sflag:s7] =	ssyncadd.s32 $0xFFFFFC00  }
0x1ea: {  	v30 =	vnsel vm1, $0x0, v1;
	_ =	swait.ge [sflag:s7], $0x400  }
0x1eb: {  	(xrf0) =	vadd.scan.msk.s32 $0xffff, v30;
	_ =	sdelay $0x5  }
0x1ec: {  	v31 =	vsel vm0, $0x0, v1;
	v4, _, _ =	vpop (xrf0)  }
0x1ed: {  	(xrf0) =	vadd.scan.msk.s32 $0xffff, v31;
	(v2sf) =	vpush v4, $0xF;
	_ =	sdelay $0x5  }
0x1ee: {  	v32 =	vsel vm2, $0x0, v1;
	v4, _, _ =	vpop (xrf0)  }
0x1ef: {  	(xrf0) =	vadd.scan.msk.s32 $0xffff, v32;
	(v2sf) =	vpush v4, $0xF;
	_ =	sdelay $0x4  }
0x1f0: {  	v34 =	vsel vm3, $0x0, v1  }
0x1f1: {  	v33, _, _ =	vpop (xrf0);
	(xrf0) =	vadd.scan.msk.s32 $0xffff, v34  }
0x1f2: {  	(v2sf) =	vpush v33, $0xF  }
0x1f3: {  	s13 =	spop (v2sf)  }
0x1f4: {  	s14 =	sshll.u32 s13, $0x3  }
0x1f5: {  	s15 =	sadd.s32 $0x495000, s8;
	s10 =	sand.u32 $0x7FFFFC00, s14  }
0x1f6: {  	v36 =	vsel vm5, $0x0, v1;
	s10 =	sadd.s32 s15, s10  }
0x1f7: {  	[sflag:s7] =	ssyncset.done $0x0;
	v35, _, _ =	vpop (xrf0);
	(xrf0) =	vadd.scan.msk.s32 $0xffff, v36;
	s10 =	sshrl.u32 s10, $0x3  }
0x1f8: {  	s16 =	simm.s32 $0xC080;
	[sflag:s7] =	ssyncadd.s32 $0xFFFFFC00;
	s10 =	sadd.s32 s6, s10  }
0x1f9: {  	(v2sf) =	vpush v35, $0xF;
	[tilespmem:s16], [sflag:$0x1] =	stream.linear.gather [hbm4b:s10+s2], $0x400, $0x38;
	[tilespmem:$0x10100] =	vst v63  }
0x1fa: {  	s17 =	spop (v2sf)  }
0x1fb: {  	s10 =	sshll.u32 s17, $0x3  }
0x1fc: {  	s10 =	sand.u32 $0x7FFFFC00, s10  }
0x1fd: {  	v38 =	vsel vm4, $0x0, v1;
	v37, _, _ =	vpop (xrf0);
	s10 =	sadd.s32 s15, s10  }
0x1fe: {  	(xrf0) =	vadd.scan.msk.s32 $0xffff, v38;
	(v2sf) =	vpush v37, $0xF;
	s10 =	sshrl.u32 s10, $0x3  }
0x1ff: {  	s18 =	simm.s32 $0xC480;
	s10 =	sadd.s32 s6, s10  }
0x200: {  	[tilespmem:s18], [sflag:$0x1] =	stream.linear.gather [hbm4b:s10+s2], $0x400, $0x38;
	[tilespmem:$0x10100] =	vst v63  }
0x201: {  	s19 =	spop (v2sf)  }
0x202: {  	s10 =	sshll.u32 s19, $0x3  }
0x203: {  	v39 =	vsel vm6, $0x0, v1;
	s10 =	sand.u32 $0x7FFFFC00, s10  }
0x204: {  	v4, _, _ =	vpop (xrf0);
	(xrf0) =	vadd.scan.msk.s32 $0xffff, v39;
	s10 =	sadd.s32 s15, s10  }
0x205: {  	s10 =	sshrl.u32 s10, $0x3  }
0x206: {  	s20 =	simm.s32 $0xC880;
	(v2sf) =	vpush v4, $0xF;
	s10 =	sadd.s32 s6, s10  }
0x207: {  	[tilespmem:s20], [sflag:$0x1] =	stream.linear.gather [hbm4b:s10+s2], $0x400, $0x38;
	[tilespmem:$0x10100] =	vst v63  }
0x208: {  	s21 =	spop (v2sf)  }
0x209: {  	v41 =	vsel vm7, $0x0, v1;
	s10 =	sshll.u32 s21, $0x3  }
0x20a: {  	s10 =	sand.u32 $0x7FFFFC00, s10;
	v40, _, _ =	vpop (xrf0);
	(xrf0) =	vadd.scan.msk.s32 $0xffff, v41  }
0x20b: {  	s10 =	sadd.s32 s15, s10  }
0x20c: {  	s10 =	sshrl.u32 s10, $0x3  }
0x20d: {  	s22 =	simm.s32 $0xCC80;
	s10 =	sadd.s32 s6, s10;
	s23 =	spop (v2sf);
	(v2sf) =	vpush v40, $0xF  }
0x20e: {  	[tilespmem:s22], [sflag:$0x1] =	stream.linear.gather [hbm4b:s10+s2], $0x400, $0x38;
	[tilespmem:$0x10100] =	vst v63  }
0x20f: {  	v43 =	vsel vm9, $0x0, v1;
	s10 =	sshll.u32 s23, $0x3  }
0x210: {  	s10 =	sand.u32 $0x7FFFFC00, s10;
	v42, _, _ =	vpop (xrf0);
	(xrf0) =	vadd.scan.msk.s32 $0xffff, v43  }
0x211: {  	s10 =	sadd.s32 s15, s10  }
0x212: {  	(v2sf) =	vpush v42, $0xF;
	s10 =	sshrl.u32 s10, $0x3  }
0x213: {  	s24 =	simm.s32 $0xD080;
	s10 =	sadd.s32 s6, s10  }
0x214: {  	[tilespmem:s24], [sflag:$0x1] =	stream.linear.gather [hbm4b:s10+s2], $0x400, $0x38;
	[tilespmem:$0x10100] =	vst v63  }
0x215: {  	s25 =	spop (v2sf)  }
0x216: {  	v45 =	vsel vm8, $0x0, v1;
	s10 =	sshll.u32 s25, $0x3;
	v44, _, _ =	vpop (xrf0)  }
0x217: {  	s10 =	sand.u32 $0x7FFFFC00, s10;
	(xrf0) =	vadd.scan.msk.s32 $0xffff, v45;
	(v2sf) =	vpush v44, $0xF  }
0x218: {  	s10 =	sadd.s32 s15, s10  }
0x219: {  	s10 =	sshrl.u32 s10, $0x3  }
0x21a: {  	s26 =	simm.s32 $0xD480;
	s10 =	sadd.s32 s6, s10  }
0x21b: {  	[tilespmem:s26], [sflag:$0x1] =	stream.linear.gather [hbm4b:s10+s2], $0x400, $0x38;
	[tilespmem:$0x10100] =	vst v63  }
0x21c: {  	s28 =	spop (v2sf)  }
0x21d: {  	v46 =	vsel vm10, $0x0, v1;
	v4, _, _ =	vpop (xrf0);
	s10 =	sshll.u32 s28, $0x3  }
0x21e: {  	(xrf0) =	vadd.scan.msk.s32 $0xffff, v46;
	(v2sf) =	vpush v4, $0xF;
	s10 =	sand.u32 $0x7FFFFC00, s10  }
0x21f: {  	s10 =	sadd.s32 s15, s10  }
0x220: {  	s10 =	sshrl.u32 s10, $0x3  }
0x221: {  	s29 =	simm.s32 $0xD880;
	s30 =	spop (v2sf);
	s10 =	sadd.s32 s6, s10  }
0x222: {  	[tilespmem:s29], [sflag:$0x1] =	stream.linear.gather [hbm4b:s10+s2], $0x400, $0x38;
	[tilespmem:$0x10100] =	vst v63  }
0x223: {  	v48 =	vsel vm11, $0x0, v1;
	s10 =	sshll.u32 s30, $0x3  }
0x224: {  	v47, _, _ =	vpop (xrf0);
	(xrf0) =	vadd.scan.msk.s32 $0xffff, v48;
	s10 =	sand.u32 $0x7FFFFC00, s10  }
0x225: {  	s9 =	sadd.s32 s15, s10  }
0x226: {  	s9 =	sshrl.u32 s9, $0x3;
	s11 =	spop (v2sf);
	(v2sf) =	vpush v47, $0xF  }
0x227: {  	s31 =	simm.s32 $0xDC80;
	s9 =	sadd.s32 s6, s9  }
0x228: {  	[tilespmem:s31], [sflag:$0x1] =	stream.linear.gather [hbm4b:s9+s2], $0x400, $0x38;
	[tilespmem:$0x10100] =	vst v63  }
0x229: {  	v50 =	vsel vm12, $0x0, v1;
	s9 =	sshll.u32 s11, $0x3  }
0x22a: {  	s8 =	sadd.s32 $0x558800, s8;
	(xrf0) =	vadd.scan.msk.s32 $0xffff, v50;
	v49, _, _ =	vpop (xrf0);
	s9 =	sand.u32 $0x7FFFFC00, s9  }
0x22b: {  	(v2sf) =	vpush v49, $0xF;
	s9 =	sadd.s32 s8, s9  }
0x22c: {  	s9 =	sshrl.u32 s9, $0x3  }
0x22d: {  	s12 =	simm.s32 $0xE080;
	s9 =	sadd.s32 s6, s9;
	s13 =	spop (v2sf)  }
0x22e: {  	[tilespmem:s12], [sflag:$0x1] =	stream.linear.gather [hbm4b:s9+s2], $0x400, $0x38;
	[tilespmem:$0x10100] =	vst v63  }
0x22f: {  	v51 =	vsel vm13, $0x0, v1;
	s9 =	sshll.u32 s13, $0x3  }
0x230: {  	(xrf0) =	vadd.scan.msk.s32 $0xffff, v51;
	v52, _, _ =	vpop (xrf0);
	s9 =	sand.u32 $0x7FFFFC00, s9  }
0x231: {  	(v2sf) =	vpush v52, $0xF;
	s9 =	sadd.s32 s8, s9  }
0x232: {  	v53 =	vsel vm15, $0x0, v1;
	s9 =	sshrl.u32 s9, $0x3  }
0x233: {  	s14 =	simm.s32 $0xE480;
	(xrf0) =	vadd.scan.msk.s32 $0xffff, v53;
	s9 =	sadd.s32 s6, s9  }
0x234: {  	[tilespmem:s14], [sflag:$0x1] =	stream.linear.gather [hbm4b:s9+s2], $0x400, $0x38;
	[tilespmem:$0x10100] =	vst v63  }
0x235: {  	s15 =	spop (v2sf)  }
0x236: {  	v54, _, _ =	vpop (xrf0);
	s9 =	sshll.u32 s15, $0x3  }
0x237: {  	(v2sf) =	vpush v54, $0xF;
	s9 =	sand.u32 $0x7FFFFC00, s9  }
0x238: {  	s9 =	sadd.s32 s8, s9  }
0x239: {  	v55 =	vsel vm14, $0x0, v1;
	s9 =	sshrl.u32 s9, $0x3  }
0x23a: {  	s16 =	simm.s32 $0xE880;
	v4, _, _ =	vpop (xrf0);
	(xrf0) =	vadd.scan.msk.s32 $0xffff, v55;
	s17 =	spop (v2sf);
	s9 =	sadd.s32 s6, s9  }
0x23b: {  	[tilespmem:s16], [sflag:$0x1] =	stream.linear.gather [hbm4b:s9+s2], $0x400, $0x38;
	[tilespmem:$0x10100] =	vst v63  }
0x23c: {  	(v2sf) =	vpush v4, $0xF;
	s9 =	sshll.u32 s17, $0x3  }
0x23d: {  	s9 =	sand.u32 $0x7FFFFC00, s9  }
0x23e: {  	s9 =	sadd.s32 s8, s9  }
0x23f: {  	s9 =	sshrl.u32 s9, $0x3  }
0x240: {  	s18 =	simm.s32 $0xEC80;
	s19 =	spop (v2sf);
	s9 =	sadd.s32 s6, s9  }
0x241: {  	v4, _, _ =	vpop (xrf0);
	[tilespmem:s18], [sflag:$0x1] =	stream.linear.gather [hbm4b:s9+s2], $0x400, $0x38;
	[tilespmem:$0x10100] =	vst v63  }
0x242: {  	(v2sf) =	vpush v4, $0xF;
	s9 =	sshll.u32 s19, $0x3  }
0x243: {  	s9 =	sand.u32 $0x7FFFFC00, s9  }
0x244: {  	s9 =	sadd.s32 s8, s9  }
0x245: {  	s9 =	sshrl.u32 s9, $0x3  }
0x246: {  	s21 =	simm.s32 $0xF080;
	s20 =	spop (v2sf);
	s9 =	sadd.s32 s6, s9  }
0x247: {  	[tilespmem:s21], [sflag:$0x1] =	stream.linear.gather [hbm4b:s9+s2], $0x400, $0x38;
	[tilespmem:$0x10100] =	vst v63  }
0x248: {  	s22 =	sshll.u32 s20, $0x3  }
0x249: {  	s9 =	sand.u32 $0x7FFFFC00, s22  }
0x24a: {  	s9 =	sadd.s32 s8, s9  }
0x24b: {  	s23 =	spop (v2sf);
	s9 =	sshrl.u32 s9, $0x3  }
0x24c: {  	s24 =	simm.s32 $0xF480;
	s25 =	sshll.u32 s23, $0x3;
	s9 =	sadd.s32 s6, s9  }
0x24d: {  	[tilespmem:s24], [sflag:$0x1] =	stream.linear.gather [hbm4b:s9+s2], $0x400, $0x38;
	[tilespmem:$0x10100] =	vst v63  }
0x24e: {  	s9 =	sand.u32 $0x7FFFFC00, s25  }
0x24f: {  	s9 =	sadd.s32 s8, s9  }
0x250: {  	s9 =	sshrl.u32 s9, $0x3  }
0x251: {  	s26 =	simm.s32 $0xF880;
	s28 =	spop (v2sf);
	s9 =	sadd.s32 s6, s9  }
0x252: {  	[tilespmem:s26], [sflag:$0x1] =	stream.linear.gather [hbm4b:s9+s2], $0x400, $0x38;
	[tilespmem:$0x10100] =	vst v63  }
0x253: {  	s9 =	sshll.u32 s28, $0x3  }
0x254: {  	s9 =	sand.u32 $0x7FFFFC00, s9  }
0x255: {  	s8 =	sadd.s32 s8, s9  }
0x256: {  	s8 =	sshrl.u32 s8, $0x3  }
0x257: {  	s29 =	simm.s32 $0xFC80;
	s6 =	sadd.s32 s6, s8  }
0x258: {  	[tilespmem:s29], [sflag:$0x1] =	stream.linear.gather [hbm4b:s6+s2], $0x400, $0x38;
	[tilespmem:$0x10100] =	vst v63  }
0x259: {  	_ =	swait.ge [sflag:s7], $0x400  }
0x25a: {  	[sflag:s7] =	ssyncset.done $0x0  }
0x25b: {  	[sflag:s7] =	ssyncadd.s32 $0xFFFFFC00  }
0x25c: {  	_ =	swait.ge [sflag:s7], $0x400  }
0x25d: {  	[sflag:s7] =	ssyncset.done $0x0  }
0x25e: {  	[sflag:s7] =	ssyncadd.s32 $0xFFFFFC00  }
0x25f: {  	_ =	swait.ge [sflag:s7], $0x400  }
0x260: {  	[sflag:s7] =	ssyncset.done $0x0  }
0x261: {  	[sflag:s7] =	ssyncadd.s32 $0xFFFFFC00  }
0x262: {  	_ =	swait.ge [sflag:s7], $0x400  }
0x263: {  	[sflag:s7] =	ssyncset.done $0x0  }
0x264: {  	[sflag:s7] =	ssyncadd.s32 $0xFFFFFC00  }
0x265: {  	_ =	swait.ge [sflag:s7], $0x400  }
0x266: {  	[sflag:s7] =	ssyncset.done $0x0  }
0x267: {  	[sflag:s7] =	ssyncadd.s32 $0xFFFFFC00  }
0x268: {  	_ =	swait.ge [sflag:s7], $0x400  }
0x269: {  	v56 =	vimm.s32 $0x3F80;
	vm14 =	vcmask $0x300;
	[sflag:s7] =	ssyncset.done $0x0  }
0x26a: {  	vm13 =	vcmask $0x704;
	v4 =	vsel vm14, $0x0, v56;
	[sflag:s7] =	ssyncadd.s32 $0xFFFFFC00  }
0x26b: {  	vm12 =	vcmask $0xB08;
	v4 =	vsel vm13, $0x480, v4;
	_ =	swait.ge [sflag:s7], $0x400  }
0x26c: {  	vm11 =	vcmask $0xF0C;
	v4 =	vsel vm12, $0x900, v4;
	[sflag:s7] =	ssyncset.done $0x0  }
0x26d: {  	vm10 =	vcmask $0x1310;
	v4 =	vsel vm11, $0xD80, v4;
	[sflag:s7] =	ssyncadd.s32 $0xFFFFFC00  }
0x26e: {  	vm9 =	vcmask $0x1714;
	v4 =	vsel vm10, $0x1200, v4;
	_ =	swait.ge [sflag:s7], $0x400  }
0x26f: {  	vm8 =	vcmask $0x1B18;
	v4 =	vsel vm9, $0x1680, v4;
	[sflag:s7] =	ssyncset.done $0x0  }
0x270: {  	vm7 =	vcmask $0x1F1C;
	v4 =	vsel vm8, $0x1B00, v4;
	[sflag:s7] =	ssyncadd.s32 $0xFFFFFC00  }
0x271: {  	vm6 =	vcmask $0x2320;
	v4 =	vsel vm7, $0x1F80, v4;
	_ =	swait.ge [sflag:s7], $0x400  }
0x272: {  	vm5 =	vcmask $0x2724;
	v4 =	vsel vm6, $0x2000, v4;
	[sflag:s7] =	ssyncset.done $0x0  }
0x273: {  	vm4 =	vcmask $0x2B28;
	v4 =	vsel vm5, $0x2480, v4;
	[sflag:s7] =	ssyncadd.s32 $0xFFFFFC00  }
0x274: {  	v7 =	vimm.s32 $0xFF80;
	vm3 =	vcmask $0x2F2C;
	v4 =	vsel vm4, $0x2900, v4;
	_ =	swait.ge [sflag:s7], $0x400  }
0x275: {  	v6 =	vand.u32 $0x7F, v0;
	vm0 =	vcmask $0x3330;
	v4 =	vsel vm3, $0x2D80, v4;
	[sflag:s7] =	ssyncset.done $0x0  }
0x276: {  	vm1 =	vcmask $0x3734;
	v57 =	vimm.s32 $0x7F80;
	v4 =	vsel vm0, $0x3200, v4;
	[sflag:s7] =	ssyncadd.s32 $0xFFFFFC00  }
0x277: {  	vm15 =	vcmask $0x3B38;
	v5 =	vsel vm14, $0x4000, v57;
	v4 =	vsel vm1, $0x3680, v4;
	_ =	swait.ge [sflag:s7], $0x400  }
0x278: {  	v5 =	vsel vm13, $0x4480, v5;
	v58 =	vimm.s32 $0xBF80;
	v4 =	vsel vm15, $0x3B00, v4;
	[sflag:s7] =	ssyncset.done $0x0  }
0x279: {  	v5 =	vsel vm12, $0x4900, v5;
	v4 =	vor.u32 v4, v6;
	v6 =	vsel vm14, $0x8000, v58;
	[sflag:s7] =	ssyncadd.s32 $0xFFFFFC00  }
0x27a: {  	v7 =	vsel vm14, $0xC000, v7;
	v5 =	vsel vm11, $0x4D80, v5;
	v6 =	vsel vm13, $0x8480, v6;
	_ =	swait.ge [sflag:s7], $0x400  }
0x27b: {  	v7 =	vsel vm13, $0xC480, v7;
	v5 =	vsel vm10, $0x5200, v5;
	v6 =	vsel vm12, $0x8900, v6;
	[sflag:s7] =	ssyncset.done $0x0  }
0x27c: {  	v7 =	vsel vm12, $0xC900, v7;
	v5 =	vsel vm9, $0x5680, v5;
	v6 =	vsel vm11, $0x8D80, v6;
	[sflag:s7] =	ssyncadd.s32 $0xFFFFFC00  }
0x27d: {  	v7 =	vsel vm11, $0xCD80, v7;
	v5 =	vsel vm8, $0x5B00, v5;
	v6 =	vsel vm10, $0x9200, v6;
	_ =	swait.ge [sflag:s7], $0x400  }
0x27e: {  	v7 =	vsel vm10, $0xD200, v7;
	v5 =	vsel vm7, $0x5F80, v5;
	v6 =	vsel vm9, $0x9680, v6;
	[sflag:s7] =	ssyncset.done $0x0  }
0x27f: {  	v7 =	vsel vm9, $0xD680, v7;
	v5 =	vsel vm6, $0x6000, v5;
	v6 =	vsel vm8, $0x9B00, v6;
	[sflag:s7] =	ssyncadd.s32 $0xFFFFFC00  }
0x280: {  	v7 =	vsel vm8, $0xDB00, v7;
	v5 =	vsel vm5, $0x6480, v5;
	v6 =	vsel vm7, $0x9F80, v6;
	_ =	swait.ge [sflag:s7], $0x400  }
0x281: {  	v7 =	vsel vm7, $0xDF80, v7;
	v5 =	vsel vm4, $0x6900, v5;
	v6 =	vsel vm6, $0xA000, v6;
	[sflag:s7] =	ssyncset.done $0x0  }
0x282: {  	v7 =	vsel vm6, $0xE000, v7;
	v5 =	vsel vm3, $0x6D80, v5;
	v6 =	vsel vm5, $0xA480, v6;
	[sflag:s7] =	ssyncadd.s32 $0xFFFFFC00  }
0x283: {  	v7 =	vsel vm5, $0xE480, v7;
	v5 =	vsel vm0, $0x7200, v5;
	v6 =	vsel vm4, $0xA900, v6;
	_ =	swait.ge [sflag:s7], $0x400  }
0x284: {  	v7 =	vsel vm4, $0xE900, v7;
	v5 =	vsel vm1, $0x7680, v5;
	v6 =	vsel vm3, $0xAD80, v6;
	[sflag:s7] =	ssyncset.done $0x0  }
0x285: {  	v5 =	vsel vm15, $0x7B00, v5;
	v8 =	vand.u32 $0x7F, v3;
	v6 =	vsel vm0, $0xB200, v6;
	[sflag:s7] =	ssyncadd.s32 $0xFFFFFC00  }
0x286: {  	v7 =	vsel vm3, $0xED80, v7;
	v5 =	vor.u32 v5, v8;
	v6 =	vsel vm1, $0xB680, v6;
	_ =	swait.ge [sflag:s7], $0x400  }
0x287: {  	v7 =	vsel vm0, $0xF200, v7;
	v59 =	vand.u32 $0x7F, v2;
	v6 =	vsel vm15, $0xBB00, v6;
	[sflag:s7] =	ssyncset.done $0x0  }
0x288: {  	v7 =	vsel vm1, $0xF680, v7;
	v6 =	vor.u32 v6, v59;
	[sflag:s7] =	ssyncadd.s32 $0xFFFFFC00  }
0x289: {  	v7 =	vsel vm15, $0xFB00, v7;
	v60 =	vand.u32 $0x7F, v1;
	v4 =	vld.idx.msk [tilespmem:v4+s5+$0x0], $0xffff  }
0x28a: {  	v7 =	vor.u32 v7, v60  }
0x28b: {  	v5 =	vld.idx.msk [tilespmem:v5+s5+$0x0], $0xffff;
	_ =	sdelay $0x1  }
0x28c: {  	v6 =	vld.idx.msk [tilespmem:v6+s5+$0x0], $0xffff  }
0x28d: {  	v4 =	vadd.f32 $0.0e+00, v4  }
0x28e: {  	vm13 =	vgt.s32 v3, $0x0;
	vm12 =	vgt.s32 v0, $0x0;
	v61 =	vld.idx.msk [tilespmem:v7+s5+$0x0], $0xffff  }
0x28f: {  	v63 =	vnsel vm13, $0x0, v5;
	v62 =	vnsel vm12, $0x0, v4  }
0x290: {  	vm14 =	vgt.s32 v2, $0x0;
	v3 =	vadd.f32 v63, v62  }
0x291: {  	v2 =	vnsel vm14, $0x0, v6  }
0x292: {  	vm15 =	vgt.s32 v1, $0x0;
	v2 =	vadd.f32 v2, v3  }
0x293: {  	v0 =	vnsel vm15, $0x0, v61  }
0x294: {  	s30 =	sshll.u32 s1, $0x4;
	v0 =	vadd.f32 v0, v2  }
0x295: {  	s3 =	sadd.s32 s30, s3  }
0x296: {  	s3 =	sadd.s32 $0xC38600, s3;
	s31 =	simm.s32 $0x10080;
	[tilespmem:$0x10080] =	vst v0  }
0x297: {  	[hbm4b:s3+s2] =	stream.linear.scatter [tilespmem:s31], [sflag:$0x2], $0x80, $0x38;
	[tilespmem:$0x10100] =	vst v63  }
0x298: {  	_ =	swait.ge [sflag:s4], $0x80  }
0x299: {  	[sflag:s4] =	ssyncset.done $0x0  }
0x29a: {  	[sflag:s4] =	ssyncadd.s32 $0xFFFFFF80  }
0x29b: {  	_ =	sfence.sel $0x180000  }
0x29c: {  	[bflag:$0x0] =	sbarrier.arrive $0xFFFF  }
0x29d: {  	p0 =	sne.s32 s1, $0x0;
	_ =	strace $0x90000047  }
0x29e: {  	s0 =	sadd.s32 @!p0 $0x100000, s0;
	[bflag:$0x2] =	sbarrier.arrive $0xFFFF  }
0x29f: {  	[sflag:s0] =	ssyncadd.tile.s32 @!p0 $0x1;
	_ =	shalt  }
.Lfunc_end2:
_tile_overlayer_lowered:
.L_overlay_start_2:
0x2a0: {  	(tag) =	ssettag $0x2  }
0x2a1: {  	s0 =	rddreg [dreg:$0x0];
	s2 =	stileid.u32  }
0x2a2: {  	s1 =	rddreg [dreg:$0x1];
	p0 =	sne.s32 s2, $0x0  }
0x2a3: {  	s3 =	rddreg [dreg:$0x2];
	[bflag:$0x3] =	sbarrier.arrive $0xFFFF;
	s2 =	simm.s32 @!p0 $0x1C02  }
0x2a4: {  	[timem:s3], [sflag:s2] =	dma.local @!p0 [hbm:s0], s1  }
0x2a5: {  	s0 =	simm.s32 @!p0 $0x2  }
0x2a6: {  	_ =	swait.ge @!p0 [sflag:s0], s1  }
0x2a7: {  	s1 =	ssub.s32 @!p0 $0x0, s1;
	[sflag:s0] =	ssyncset.done @!p0 $0x0  }
0x2a8: {  	[sflag:s0] =	ssyncadd.s32 @!p0 s1  }
0x2a9: {  	[bflag:$0x3] =	sbarrier.arrive $0xFFFF  }
0x2aa: {  	_ =	shalt  }

</sc_bundles>
